<compile_context>
chip_gen: v7x
topology: tpu7x:2x2x1
jax: 0.10.2.dev20260603
libtpu: 0.0.44.dev20260713+nightly
codegen_flags: <defaults>
</compile_context>

<pallas_src>
import functools

import jax
import jax.numpy as jnp
from jax import lax
from jax.experimental import pallas as pl
from jax.experimental.pallas import tpu as pltpu
from jax.experimental.pallas import tpu_sc as plsc

WINDOW = 5
TID = 2
NS = 8
NDIM = 128
BATCH = 4096
NSC = 36
NWORKERS = 32
B_PER_W = BATCH // NWORKERS
CHUNK_B = 8
NCHUNKS = BATCH // CHUNK_B
CHUNKS_PER_W = NCHUNKS // NWORKERS
ROWS_PER_CHUNK = CHUNK_B * NSC
GATHER_SPLIT = 3
ROWS_PER_GATHER = ROWS_PER_CHUNK // GATHER_SPLIT
SCORES_PER_W = B_PER_W * NSC
SC_BUF_PAD = SCORES_PER_W + NDIM
NLANE = 16
NBUF = 2


def _sc_scores_kernel(w2v_hbm, idx3_hbm, cidx_hbm, out_hbm,
                      idx_v, cidx_v, vi_v, rows0_v, rows1_v,
                      sc_v, sem_vi, sem0, sem1):
    wid = lax.axis_index("s") * 2 + lax.axis_index("c")
    rows_bufs = (rows0_v, rows1_v)
    sems = (sem0, sem1)

    pltpu.sync_copy(idx3_hbm.at[pl.ds(wid * CHUNKS_PER_W, CHUNKS_PER_W)], idx_v)
    pltpu.sync_copy(cidx_hbm.at[wid], cidx_v)
    pltpu.async_copy(w2v_hbm.at[cidx_v], vi_v, sem_vi).wait()

    def issue(c, buf, sem):
        for k in range(GATHER_SPLIT):
            pltpu.async_copy(
                w2v_hbm.at[idx_v.at[c].at[k]],
                rows_bufs[buf].at[pl.ds(k * ROWS_PER_GATHER, ROWS_PER_GATHER)],
                sem,
            )

    def drain(buf, sem):
        pltpu.make_async_copy(
            w2v_hbm.at[pl.ds(0, ROWS_PER_CHUNK)], rows_bufs[buf], sem
        ).wait()

    lane0 = lax.iota(jnp.int32, NLANE) == 0

    def _tree_sum(vs):
        while len(vs) > 1:
            vs = [vs[i] + vs[i + 1] for i in range(0, len(vs) - 1, 2)] + (
                [vs[-1]] if len(vs) % 2 else [])
        return vs[0]

    def compute(c, buf):
        rows_v = rows_bufs[buf]

        def store_score(pos, s):
            plsc.store_compressed(
                sc_v.at[pl.ds(pos, NLANE)],
                jnp.full((NLANE,), s, jnp.float32), mask=lane0)

        def b_body(b, carry2):
            row = c * CHUNK_B + b
            vi_regs = [vi_v[row, pl.ds(k * NLANE, NLANE)]
                       for k in range(NDIM // NLANE)]
            base = row * NSC

            def load_rows(j):
                r = b * NSC + j
                return [rows_v[r, pl.ds(k * NLANE, NLANE)]
                        for k in range(NDIM // NLANE)]

            regs = load_rows(0)
            prev_s = None
            for j in range(NSC):
                prods = [regs[k] * vi_regs[k] for k in range(NDIM // NLANE)]
                if j + 1 < NSC:
                    regs = load_rows(j + 1)
                s = jnp.sum(_tree_sum(prods))
                if prev_s is not None:
                    store_score(base + j - 1, prev_s)
                prev_s = s
            store_score(base + NSC - 1, prev_s)
            return carry2

        lax.fori_loop(0, CHUNK_B, b_body, 0, unroll=False)

    for buf in range(NBUF):
        issue(buf, buf, sems[buf])

    def ring_body(it, carry):
        c0 = it * NBUF
        for off in range(NBUF):
            c = c0 + off
            drain(off, sems[off])
            compute(c, off)

            @pl.when(c + NBUF < CHUNKS_PER_W)
            def _():
                issue(c + NBUF, off, sems[off])
        return carry

    lax.fori_loop(0, CHUNKS_PER_W // NBUF, ring_body, 0, unroll=False)
    pltpu.sync_copy(sc_v, out_hbm.at[wid])


def _sc_scores(w2v, idx3, cidx):
    mesh = plsc.VectorSubcoreMesh(core_axis_name="c", subcore_axis_name="s")
    kern = functools.partial(
        pl.kernel,
        mesh=mesh,
        out_type=jax.ShapeDtypeStruct((NWORKERS, SC_BUF_PAD), jnp.float32),
        scratch_types=[
            pltpu.VMEM((CHUNKS_PER_W, GATHER_SPLIT, ROWS_PER_GATHER), jnp.int32),
            pltpu.VMEM((B_PER_W,), jnp.int32),
            pltpu.VMEM((B_PER_W, NDIM), jnp.float32),
            pltpu.VMEM((ROWS_PER_CHUNK, NDIM), jnp.float32),
            pltpu.VMEM((ROWS_PER_CHUNK, NDIM), jnp.float32),
            pltpu.VMEM((SC_BUF_PAD,), jnp.float32),
            pltpu.SemaphoreType.DMA,
            pltpu.SemaphoreType.DMA,
            pltpu.SemaphoreType.DMA,
        ],
        compiler_params=pltpu.CompilerParams(needs_layout_passes=False),
    )(_sc_scores_kernel)
    return kern(w2v, idx3, cidx)


def _tc_loss_kernel(s_ref, o_ref):
    s = s_ref[...]
    col = lax.broadcasted_iota(jnp.int32, s.shape, 1)
    valid = col < SCORES_PER_W
    j = lax.rem(col, NSC)
    ispos = jnp.logical_and(valid, j < (WINDOW - 1))
    isneg = jnp.logical_and(valid, j >= (WINDOW - 1))
    x = jnp.where(ispos, s, -s)
    sg = jax.nn.sigmoid(x)
    sg = jnp.where(ispos, sg, sg + 1e-09 * (sg == 0).astype(jnp.float32))
    l = jnp.log(jnp.where(valid, sg, 1.0))
    pos_sum = jnp.sum(jnp.where(ispos, l, 0.0))
    neg_sum = jnp.sum(jnp.where(isneg, l, 0.0))
    o_ref[0, 0] = -(pos_sum / (BATCH * (WINDOW - 1))
                    + neg_sum / (BATCH * (WINDOW - 1) * NS))


def _tc_loss(scores):
    out = pl.pallas_call(
        _tc_loss_kernel,
        out_shape=jax.ShapeDtypeStruct((1, 1), jnp.float32),
        out_specs=pl.BlockSpec(memory_space=pltpu.SMEM),
    )(scores)
    return out[0, 0]


def kernel(input, w2v, nsi):
    ctx = jnp.concatenate([input[:TID], input[TID + 1:]], axis=0).T
    neg = jnp.transpose(nsi, (1, 0, 2)).reshape(BATCH, (WINDOW - 1) * NS)
    idx_all = jnp.concatenate([ctx, neg], axis=1).astype(jnp.int32)
    idx3 = idx_all.reshape(NCHUNKS, GATHER_SPLIT, ROWS_PER_GATHER)
    cidx = input[TID].astype(jnp.int32).reshape(NWORKERS, B_PER_W)
    scores = _sc_scores(w2v, idx3, cidx)
    return _tc_loss(scores)

# --- scband reference (transcript-rebuilt; emitter-appended) ---
"""Pipeline reference for scband-w2-v-skip-gram-45088566673655 (READ-ONLY COPY).

The authoritative reference and input builder live on the scoring server;
editing this copy changes nothing except your own understanding.
"""

import jax, jax.numpy as jnp
import numpy as np

WINDOW = 5
TID = 2  # int((window_size - 1) / 2)
NS = 8
NVOCAB = 100000
NDIM = 128
BATCH = 4096


def setup_inputs(seed: int = 0) -> dict:
    key = jax.random.key(seed)
    k1, k2, k3 = jax.random.split(key, 3)
    # forward arg: [window_size, batch] token ids
    inp = jax.random.randint(k1, (WINDOW, BATCH), 0, NVOCAB)
    # negative-sample ids: drawn internally by the torch module via sample_id(adjprior, ...).
    # With a uniform prior the unigram^0.75 distribution is uniform, so uniform randint is faithful.
    nsi = jax.random.randint(k2, (WINDOW - 1, BATCH, NS), 0, NVOCAB)
    # learned parameter: nn.Embedding(Nvocab, Ndim) default init ~ N(0, 1)
    w2v = jax.random.normal(k3, (NVOCAB, NDIM), dtype=jnp.float32)
    return {"input": inp, "w2v": w2v, "nsi": nsi}


def reference(input, w2v, nsi):
    batch = input.shape[1]
    tidi = input[TID, :]
    vi = jnp.take(w2v, tidi, axis=0)                      # [B, D]
    tido = jnp.concatenate((input[:TID, :], input[TID + 1:, :]), axis=0)  # [W-1, B]
    vo = jnp.take(w2v, tido, axis=0)                      # [W-1, B, D]
    vns = jnp.take(w2v, nsi, axis=0)                      # [W-1, B, NS, D]
    # positive term: log(sigmoid(vo . vi))
    loss_l = jnp.log(jax.nn.sigmoid(jnp.matmul(jnp.transpose(vo, (1, 0, 2)), vi[:, :, None])))  # [B, W-1, 1]
    # negative term
    vnsmatl = jnp.transpose(vns, (1, 0, 2, 3)).reshape(batch, (WINDOW - 1) * NS, NDIM)  # [B, (W-1)*NS, D]
    vnsmatr = vi[:, :, None]                              # [B, D, 1]
    vnsmat = -jnp.matmul(vnsmatl, vnsmatr)                # [B, (W-1)*NS, 1]
    sgvnsmat = jax.nn.sigmoid(vnsmat)
    sgvnsmat = sgvnsmat + 1e-09 * (sgvnsmat == 0).astype(jnp.float32)
    loss_r = jnp.log(sgvnsmat)
    output = jnp.mean(loss_l) + jnp.mean(loss_r)
    return -output

if __name__ == "__main__":
    import jax
    _d = setup_inputs()
    print(jax.jit(kernel)(*tuple(_d.values())))

</pallas_src>

<mosaic_0001>
#map = affine_map<(d0, d1) -> (0, 0)>
#map1 = affine_map<(d0, d1) -> (0, 0, 0)>
module attributes {stable_mosaic.version = 14 : i64} {
  func.func @_sc_scores_kernel(%arg0: i32, %arg1: i32, %arg2: memref<100000x128xf32, #tpu.memory_space<hbm>>, %arg3: memref<512x3x96xi32, #tpu.memory_space<hbm>>, %arg4: memref<32x128xi32, #tpu.memory_space<hbm>>, %arg5: memref<32x4736xf32, #tpu.memory_space<hbm>>, %arg6: memref<16x3x96xi32, #tpu.memory_space<vmem>>, %arg7: memref<128xi32, #tpu.memory_space<vmem>>, %arg8: memref<128x128xf32, #tpu.memory_space<vmem>>, %arg9: memref<288x128xf32, #tpu.memory_space<vmem>>, %arg10: memref<288x128xf32, #tpu.memory_space<vmem>>, %arg11: memref<4736xf32, #tpu.memory_space<vmem>>, %arg12: memref<!tpu.dma_semaphore, #tpu.memory_space<semaphore_mem>>, %arg13: memref<!tpu.dma_semaphore, #tpu.memory_space<semaphore_mem>>, %arg14: memref<!tpu.dma_semaphore, #tpu.memory_space<semaphore_mem>>) attributes {dimension_semantics = [#tpu.dimension_semantics<core_parallel>, #tpu.dimension_semantics<subcore_parallel>], iteration_bounds = array<i64: 2, 16>, scalar_prefetch = 0 : i64, scratch_operands = 9 : i64, tpu.core_type = #tpu.core_type<sc_vector_subcore>, window_params = [{transform_indices = #map}, {transform_indices = #map1}, {transform_indices = #map}, {transform_indices = #map}]} {
    %mul3A = arith.constant 2 : i32
    %mul3A_0 = arith.muli %arg1, %mul3A : i32
    %add3A = arith.addi %mul3A_0, %arg0 : i32
    %mul3A_1 = arith.constant 16 : i32
    %mul3A_2 = arith.muli %add3A, %mul3A_1 : i32
    "tpu.region"() ({
      %run_scoped3A = tpu.sem_alloc : memref<!tpu.dma_semaphore, #tpu.memory_space<semaphore_mem>>
      %dma_start3A_104 = arith.constant 0 : i32
      %dma_start3A_105 = arith.constant 0 : i32
      %dma_start3A_106 = tpu.memref_slice %arg3[%mul3A_2, %dma_start3A_104, %dma_start3A_105] : memref<512x3x96xi32, #tpu.memory_space<hbm>> -> memref<16x3x96xi32, #tpu.memory_space<hbm>>
      %dma_start3A_107 = arith.constant 0 : i32
      %dma_start3A_108 = arith.constant 0 : i32
      %dma_start3A_109 = tpu.memref_slice %arg3[%mul3A_2, %dma_start3A_107, %dma_start3A_108] : memref<512x3x96xi32, #tpu.memory_space<hbm>> -> memref<16x3x96xi32, #tpu.memory_space<hbm>>
      tpu.enqueue_dma source(%dma_start3A_109 : memref<16x3x96xi32, #tpu.memory_space<hbm>>) target(%arg6 : memref<16x3x96xi32, #tpu.memory_space<vmem>>) target_semaphore(%run_scoped3A : memref<!tpu.dma_semaphore, #tpu.memory_space<semaphore_mem>>)
      %dma_wait3A_110 = arith.constant 0 : i32
      %dma_wait3A_111 = arith.constant 0 : i32
      %dma_wait3A_112 = tpu.memref_slice %arg3[%mul3A_2, %dma_wait3A_110, %dma_wait3A_111] : memref<512x3x96xi32, #tpu.memory_space<hbm>> -> memref<16x3x96xi32, #tpu.memory_space<hbm>>
      %dma_wait3A_113 = arith.constant 0 : i32
      %dma_wait3A_114 = arith.constant 0 : i32
      %dma_wait3A_115 = tpu.memref_slice %arg3[%mul3A_2, %dma_wait3A_113, %dma_wait3A_114] : memref<512x3x96xi32, #tpu.memory_space<hbm>> -> memref<16x3x96xi32, #tpu.memory_space<hbm>>
      tpu.wait_dma2 semaphore(%run_scoped3A : memref<!tpu.dma_semaphore, #tpu.memory_space<semaphore_mem>>) src(%dma_wait3A_115 : memref<16x3x96xi32, #tpu.memory_space<hbm>>) dst(%arg6 : memref<16x3x96xi32, #tpu.memory_space<vmem>>)
      tpu.yield
    }) : () -> ()
    "tpu.region"() ({
      %run_scoped3A = tpu.sem_alloc : memref<!tpu.dma_semaphore, #tpu.memory_space<semaphore_mem>>
      %dma_start3A_104 = arith.constant 0 : i32
      %dma_start3A_105 = tpu.memref_slice %arg4[%add3A, %dma_start3A_104] : memref<32x128xi32, #tpu.memory_space<hbm>> -> memref<1x128xi32, #tpu.memory_space<hbm>>
      %dma_start3A_106 = tpu.memref_squeeze %dma_start3A_105 : memref<1x128xi32, #tpu.memory_space<hbm>> -> memref<128xi32, #tpu.memory_space<hbm>>
      %dma_start3A_107 = arith.constant 0 : i32
      %dma_start3A_108 = tpu.memref_slice %arg4[%add3A, %dma_start3A_107] : memref<32x128xi32, #tpu.memory_space<hbm>> -> memref<1x128xi32, #tpu.memory_space<hbm>>
      %dma_start3A_109 = tpu.memref_squeeze %dma_start3A_108 : memref<1x128xi32, #tpu.memory_space<hbm>> -> memref<128xi32, #tpu.memory_space<hbm>>
      tpu.enqueue_dma source(%dma_start3A_109 : memref<128xi32, #tpu.memory_space<hbm>>) target(%arg7 : memref<128xi32, #tpu.memory_space<vmem>>) target_semaphore(%run_scoped3A : memref<!tpu.dma_semaphore, #tpu.memory_space<semaphore_mem>>)
      %dma_wait3A_110 = arith.constant 0 : i32
      %dma_wait3A_111 = tpu.memref_slice %arg4[%add3A, %dma_wait3A_110] : memref<32x128xi32, #tpu.memory_space<hbm>> -> memref<1x128xi32, #tpu.memory_space<hbm>>
      %dma_wait3A_112 = tpu.memref_squeeze %dma_wait3A_111 : memref<1x128xi32, #tpu.memory_space<hbm>> -> memref<128xi32, #tpu.memory_space<hbm>>
      %dma_wait3A_113 = arith.constant 0 : i32
      %dma_wait3A_114 = tpu.memref_slice %arg4[%add3A, %dma_wait3A_113] : memref<32x128xi32, #tpu.memory_space<hbm>> -> memref<1x128xi32, #tpu.memory_space<hbm>>
      %dma_wait3A_115 = tpu.memref_squeeze %dma_wait3A_114 : memref<1x128xi32, #tpu.memory_space<hbm>> -> memref<128xi32, #tpu.memory_space<hbm>>
      tpu.wait_dma2 semaphore(%run_scoped3A : memref<!tpu.dma_semaphore, #tpu.memory_space<semaphore_mem>>) src(%dma_wait3A_115 : memref<128xi32, #tpu.memory_space<hbm>>) dst(%arg7 : memref<128xi32, #tpu.memory_space<vmem>>)
      tpu.yield
    }) : () -> ()
    %dma_start3A = arith.constant 0 : i32
    %dma_start3A_3 = arith.constant 0 : i32
    %dma_start3A_4 = tpu.memref_slice %arg2[%dma_start3A, %dma_start3A_3] : memref<100000x128xf32, #tpu.memory_space<hbm>> -> memref<100000x128xf32, #tpu.memory_space<hbm>>
    tpu.enqueue_indirect_dma source(%dma_start3A_4 : memref<100000x128xf32, #tpu.memory_space<hbm>>) target(%arg8 : memref<128x128xf32, #tpu.memory_space<vmem>>) offsets(%arg7 : memref<128xi32, #tpu.memory_space<vmem>>) semaphore(%arg12 : memref<!tpu.dma_semaphore, #tpu.memory_space<semaphore_mem>>)
    %dma_wait3A = arith.constant 0 : i32
    %dma_wait3A_5 = arith.constant 0 : i32
    %dma_wait3A_6 = tpu.memref_slice %arg2[%dma_wait3A, %dma_wait3A_5] : memref<100000x128xf32, #tpu.memory_space<hbm>> -> memref<100000x128xf32, #tpu.memory_space<hbm>>
    tpu.wait_indirect_dma semaphore(%arg12 : memref<!tpu.dma_semaphore, #tpu.memory_space<semaphore_mem>>) src(%dma_wait3A_6 : memref<100000x128xf32, #tpu.memory_space<hbm>>) dst(%arg8 : memref<128x128xf32, #tpu.memory_space<vmem>>)
    %iota3A = tpu.iota {dimensions = array<i32: 0>} : vector<16xi32>
    %eq3A = arith.constant 0 : i32
    %eq3A_7 = vector.broadcast %eq3A : i32 to vector<16xi32>
    %eq3A_8 = arith.cmpi eq, %iota3A, %eq3A_7 : vector<16xi32>
    %dma_start3A_9 = arith.constant 0 : i32
    %dma_start3A_10 = arith.constant 0 : i32
    %dma_start3A_11 = arith.constant 0 : i32
    %dma_start3A_12 = arith.constant 0 : i32
    %dma_start3A_13 = tpu.memref_slice %arg9[%dma_start3A_11, %dma_start3A_12] : memref<288x128xf32, #tpu.memory_space<vmem>> -> memref<96x128xf32, #tpu.memory_space<vmem>>
    %dma_start3A_14 = arith.constant 0 : i32
    %dma_start3A_15 = arith.constant 0 : i32
    %dma_start3A_16 = tpu.memref_slice %arg6[%dma_start3A_9, %dma_start3A_14, %dma_start3A_15] : memref<16x3x96xi32, #tpu.memory_space<vmem>> -> memref<1x3x96xi32, #tpu.memory_space<vmem>>
    %dma_start3A_17 = tpu.memref_squeeze %dma_start3A_16 : memref<1x3x96xi32, #tpu.memory_space<vmem>> -> memref<3x96xi32, #tpu.memory_space<vmem>>
    %dma_start3A_18 = arith.constant 0 : i32
    %dma_start3A_19 = tpu.memref_slice %dma_start3A_17[%dma_start3A_10, %dma_start3A_18] : memref<3x96xi32, #tpu.memory_space<vmem>> -> memref<1x96xi32, #tpu.memory_space<vmem>>
    %dma_start3A_20 = tpu.memref_squeeze %dma_start3A_19 : memref<1x96xi32, #tpu.memory_space<vmem>> -> memref<96xi32, #tpu.memory_space<vmem>>
    %dma_start3A_21 = arith.constant 0 : i32
    %dma_start3A_22 = arith.constant 0 : i32
    %dma_start3A_23 = tpu.memref_slice %arg2[%dma_start3A_21, %dma_start3A_22] : memref<100000x128xf32, #tpu.memory_space<hbm>> -> memref<100000x128xf32, #tpu.memory_space<hbm>>
    tpu.enqueue_indirect_dma source(%dma_start3A_23 : memref<100000x128xf32, #tpu.memory_space<hbm>>) target(%dma_start3A_13 : memref<96x128xf32, #tpu.memory_space<vmem>>) offsets(%dma_start3A_20 : memref<96xi32, #tpu.memory_space<vmem>>) semaphore(%arg13 : memref<!tpu.dma_semaphore, #tpu.memory_space<semaphore_mem>>)
    %dma_start3A_24 = arith.constant 0 : i32
    %dma_start3A_25 = arith.constant 1 : i32
    %dma_start3A_26 = arith.constant 96 : i32
    %dma_start3A_27 = arith.constant 0 : i32
    %dma_start3A_28 = tpu.memref_slice %arg9[%dma_start3A_26, %dma_start3A_27] : memref<288x128xf32, #tpu.memory_space<vmem>> -> memref<96x128xf32, #tpu.memory_space<vmem>>
    %dma_start3A_29 = arith.constant 0 : i32
    %dma_start3A_30 = arith.constant 0 : i32
    %dma_start3A_31 = tpu.memref_slice %arg6[%dma_start3A_24, %dma_start3A_29, %dma_start3A_30] : memref<16x3x96xi32, #tpu.memory_space<vmem>> -> memref<1x3x96xi32, #tpu.memory_space<vmem>>
    %dma_start3A_32 = tpu.memref_squeeze %dma_start3A_31 : memref<1x3x96xi32, #tpu.memory_space<vmem>> -> memref<3x96xi32, #tpu.memory_space<vmem>>
    %dma_start3A_33 = arith.constant 0 : i32
    %dma_start3A_34 = tpu.memref_slice %dma_start3A_32[%dma_start3A_25, %dma_start3A_33] : memref<3x96xi32, #tpu.memory_space<vmem>> -> memref<1x96xi32, #tpu.memory_space<vmem>>
    %dma_start3A_35 = tpu.memref_squeeze %dma_start3A_34 : memref<1x96xi32, #tpu.memory_space<vmem>> -> memref<96xi32, #tpu.memory_space<vmem>>
    %dma_start3A_36 = arith.constant 0 : i32
    %dma_start3A_37 = arith.constant 0 : i32
    %dma_start3A_38 = tpu.memref_slice %arg2[%dma_start3A_36, %dma_start3A_37] : memref<100000x128xf32, #tpu.memory_space<hbm>> -> memref<100000x128xf32, #tpu.memory_space<hbm>>
    tpu.enqueue_indirect_dma source(%dma_start3A_38 : memref<100000x128xf32, #tpu.memory_space<hbm>>) target(%dma_start3A_28 : memref<96x128xf32, #tpu.memory_space<vmem>>) offsets(%dma_start3A_35 : memref<96xi32, #tpu.memory_space<vmem>>) semaphore(%arg13 : memref<!tpu.dma_semaphore, #tpu.memory_space<semaphore_mem>>)
    %dma_start3A_39 = arith.constant 0 : i32
    %dma_start3A_40 = arith.constant 2 : i32
    %dma_start3A_41 = arith.constant 192 : i32
    %dma_start3A_42 = arith.constant 0 : i32
    %dma_start3A_43 = tpu.memref_slice %arg9[%dma_start3A_41, %dma_start3A_42] : memref<288x128xf32, #tpu.memory_space<vmem>> -> memref<96x128xf32, #tpu.memory_space<vmem>>
    %dma_start3A_44 = arith.constant 0 : i32
    %dma_start3A_45 = arith.constant 0 : i32
    %dma_start3A_46 = tpu.memref_slice %arg6[%dma_start3A_39, %dma_start3A_44, %dma_start3A_45] : memref<16x3x96xi32, #tpu.memory_space<vmem>> -> memref<1x3x96xi32, #tpu.memory_space<vmem>>
    %dma_start3A_47 = tpu.memref_squeeze %dma_start3A_46 : memref<1x3x96xi32, #tpu.memory_space<vmem>> -> memref<3x96xi32, #tpu.memory_space<vmem>>
    %dma_start3A_48 = arith.constant 0 : i32
    %dma_start3A_49 = tpu.memref_slice %dma_start3A_47[%dma_start3A_40, %dma_start3A_48] : memref<3x96xi32, #tpu.memory_space<vmem>> -> memref<1x96xi32, #tpu.memory_space<vmem>>
    %dma_start3A_50 = tpu.memref_squeeze %dma_start3A_49 : memref<1x96xi32, #tpu.memory_space<vmem>> -> memref<96xi32, #tpu.memory_space<vmem>>
    %dma_start3A_51 = arith.constant 0 : i32
    %dma_start3A_52 = arith.constant 0 : i32
    %dma_start3A_53 = tpu.memref_slice %arg2[%dma_start3A_51, %dma_start3A_52] : memref<100000x128xf32, #tpu.memory_space<hbm>> -> memref<100000x128xf32, #tpu.memory_space<hbm>>
    tpu.enqueue_indirect_dma source(%dma_start3A_53 : memref<100000x128xf32, #tpu.memory_space<hbm>>) target(%dma_start3A_43 : memref<96x128xf32, #tpu.memory_space<vmem>>) offsets(%dma_start3A_50 : memref<96xi32, #tpu.memory_space<vmem>>) semaphore(%arg13 : memref<!tpu.dma_semaphore, #tpu.memory_space<semaphore_mem>>)
    %dma_start3A_54 = arith.constant 1 : i32
    %dma_start3A_55 = arith.constant 0 : i32
    %dma_start3A_56 = arith.constant 0 : i32
    %dma_start3A_57 = arith.constant 0 : i32
    %dma_start3A_58 = tpu.memref_slice %arg10[%dma_start3A_56, %dma_start3A_57] : memref<288x128xf32, #tpu.memory_space<vmem>> -> memref<96x128xf32, #tpu.memory_space<vmem>>
    %dma_start3A_59 = arith.constant 0 : i32
    %dma_start3A_60 = arith.constant 0 : i32
    %dma_start3A_61 = tpu.memref_slice %arg6[%dma_start3A_54, %dma_start3A_59, %dma_start3A_60] : memref<16x3x96xi32, #tpu.memory_space<vmem>> -> memref<1x3x96xi32, #tpu.memory_space<vmem>>
    %dma_start3A_62 = tpu.memref_squeeze %dma_start3A_61 : memref<1x3x96xi32, #tpu.memory_space<vmem>> -> memref<3x96xi32, #tpu.memory_space<vmem>>
    %dma_start3A_63 = arith.constant 0 : i32
    %dma_start3A_64 = tpu.memref_slice %dma_start3A_62[%dma_start3A_55, %dma_start3A_63] : memref<3x96xi32, #tpu.memory_space<vmem>> -> memref<1x96xi32, #tpu.memory_space<vmem>>
    %dma_start3A_65 = tpu.memref_squeeze %dma_start3A_64 : memref<1x96xi32, #tpu.memory_space<vmem>> -> memref<96xi32, #tpu.memory_space<vmem>>
    %dma_start3A_66 = arith.constant 0 : i32
    %dma_start3A_67 = arith.constant 0 : i32
    %dma_start3A_68 = tpu.memref_slice %arg2[%dma_start3A_66, %dma_start3A_67] : memref<100000x128xf32, #tpu.memory_space<hbm>> -> memref<100000x128xf32, #tpu.memory_space<hbm>>
    tpu.enqueue_indirect_dma source(%dma_start3A_68 : memref<100000x128xf32, #tpu.memory_space<hbm>>) target(%dma_start3A_58 : memref<96x128xf32, #tpu.memory_space<vmem>>) offsets(%dma_start3A_65 : memref<96xi32, #tpu.memory_space<vmem>>) semaphore(%arg14 : memref<!tpu.dma_semaphore, #tpu.memory_space<semaphore_mem>>)
    %dma_start3A_69 = arith.constant 1 : i32
    %dma_start3A_70 = arith.constant 1 : i32
    %dma_start3A_71 = arith.constant 96 : i32
    %dma_start3A_72 = arith.constant 0 : i32
    %dma_start3A_73 = tpu.memref_slice %arg10[%dma_start3A_71, %dma_start3A_72] : memref<288x128xf32, #tpu.memory_space<vmem>> -> memref<96x128xf32, #tpu.memory_space<vmem>>
    %dma_start3A_74 = arith.constant 0 : i32
    %dma_start3A_75 = arith.constant 0 : i32
    %dma_start3A_76 = tpu.memref_slice %arg6[%dma_start3A_69, %dma_start3A_74, %dma_start3A_75] : memref<16x3x96xi32, #tpu.memory_space<vmem>> -> memref<1x3x96xi32, #tpu.memory_space<vmem>>
    %dma_start3A_77 = tpu.memref_squeeze %dma_start3A_76 : memref<1x3x96xi32, #tpu.memory_space<vmem>> -> memref<3x96xi32, #tpu.memory_space<vmem>>
    %dma_start3A_78 = arith.constant 0 : i32
    %dma_start3A_79 = tpu.memref_slice %dma_start3A_77[%dma_start3A_70, %dma_start3A_78] : memref<3x96xi32, #tpu.memory_space<vmem>> -> memref<1x96xi32, #tpu.memory_space<vmem>>
    %dma_start3A_80 = tpu.memref_squeeze %dma_start3A_79 : memref<1x96xi32, #tpu.memory_space<vmem>> -> memref<96xi32, #tpu.memory_space<vmem>>
    %dma_start3A_81 = arith.constant 0 : i32
    %dma_start3A_82 = arith.constant 0 : i32
    %dma_start3A_83 = tpu.memref_slice %arg2[%dma_start3A_81, %dma_start3A_82] : memref<100000x128xf32, #tpu.memory_space<hbm>> -> memref<100000x128xf32, #tpu.memory_space<hbm>>
    tpu.enqueue_indirect_dma source(%dma_start3A_83 : memref<100000x128xf32, #tpu.memory_space<hbm>>) target(%dma_start3A_73 : memref<96x128xf32, #tpu.memory_space<vmem>>) offsets(%dma_start3A_80 : memref<96xi32, #tpu.memory_space<vmem>>) semaphore(%arg14 : memref<!tpu.dma_semaphore, #tpu.memory_space<semaphore_mem>>)
    %dma_start3A_84 = arith.constant 1 : i32
    %dma_start3A_85 = arith.constant 2 : i32
    %dma_start3A_86 = arith.constant 192 : i32
    %dma_start3A_87 = arith.constant 0 : i32
    %dma_start3A_88 = tpu.memref_slice %arg10[%dma_start3A_86, %dma_start3A_87] : memref<288x128xf32, #tpu.memory_space<vmem>> -> memref<96x128xf32, #tpu.memory_space<vmem>>
    %dma_start3A_89 = arith.constant 0 : i32
    %dma_start3A_90 = arith.constant 0 : i32
    %dma_start3A_91 = tpu.memref_slice %arg6[%dma_start3A_84, %dma_start3A_89, %dma_start3A_90] : memref<16x3x96xi32, #tpu.memory_space<vmem>> -> memref<1x3x96xi32, #tpu.memory_space<vmem>>
    %dma_start3A_92 = tpu.memref_squeeze %dma_start3A_91 : memref<1x3x96xi32, #tpu.memory_space<vmem>> -> memref<3x96xi32, #tpu.memory_space<vmem>>
    %dma_start3A_93 = arith.constant 0 : i32
    %dma_start3A_94 = tpu.memref_slice %dma_start3A_92[%dma_start3A_85, %dma_start3A_93] : memref<3x96xi32, #tpu.memory_space<vmem>> -> memref<1x96xi32, #tpu.memory_space<vmem>>
    %dma_start3A_95 = tpu.memref_squeeze %dma_start3A_94 : memref<1x96xi32, #tpu.memory_space<vmem>> -> memref<96xi32, #tpu.memory_space<vmem>>
    %dma_start3A_96 = arith.constant 0 : i32
    %dma_start3A_97 = arith.constant 0 : i32
    %dma_start3A_98 = tpu.memref_slice %arg2[%dma_start3A_96, %dma_start3A_97] : memref<100000x128xf32, #tpu.memory_space<hbm>> -> memref<100000x128xf32, #tpu.memory_space<hbm>>
    tpu.enqueue_indirect_dma source(%dma_start3A_98 : memref<100000x128xf32, #tpu.memory_space<hbm>>) target(%dma_start3A_88 : memref<96x128xf32, #tpu.memory_space<vmem>>) offsets(%dma_start3A_95 : memref<96xi32, #tpu.memory_space<vmem>>) semaphore(%arg14 : memref<!tpu.dma_semaphore, #tpu.memory_space<semaphore_mem>>)
    %scan3A = arith.constant 0 : i32
    %scan3A_99 = arith.constant 0 : i32
    %scan3A_100 = arith.constant 8 : i32
    %scan3A_101 = arith.addi %scan3A_99, %scan3A_100 : i32
    %scan3A_102 = arith.constant 1 : i32
    scf.for %scan3A_104 = %scan3A_99 to %scan3A_101 step %scan3A_102  : i32 {
      %mul3A_105 = arith.constant 2 : i32
      %mul3A_106 = arith.muli %scan3A_104, %mul3A_105 : i32
      %add3A_107 = arith.constant 0 : i32
      %add3A_108 = arith.addi %mul3A_106, %add3A_107 : i32
      %dma_wait3A_109 = arith.constant 0 : i32
      %dma_wait3A_110 = arith.constant 0 : i32
      %dma_wait3A_111 = tpu.memref_slice %arg2[%dma_wait3A_109, %dma_wait3A_110] : memref<100000x128xf32, #tpu.memory_space<hbm>> -> memref<288x128xf32, #tpu.memory_space<hbm>>
      %dma_wait3A_112 = arith.constant 0 : i32
      %dma_wait3A_113 = arith.constant 0 : i32
      %dma_wait3A_114 = tpu.memref_slice %arg2[%dma_wait3A_112, %dma_wait3A_113] : memref<100000x128xf32, #tpu.memory_space<hbm>> -> memref<288x128xf32, #tpu.memory_space<hbm>>
      tpu.wait_dma2 semaphore(%arg13 : memref<!tpu.dma_semaphore, #tpu.memory_space<semaphore_mem>>) src(%dma_wait3A_114 : memref<288x128xf32, #tpu.memory_space<hbm>>) dst(%arg9 : memref<288x128xf32, #tpu.memory_space<vmem>>)
      %scan3A_115 = arith.constant 0 : i32
      %scan3A_116 = arith.constant 0 : i32
      %scan3A_117 = arith.constant 8 : i32
      %scan3A_118 = arith.addi %scan3A_116, %scan3A_117 : i32
      %scan3A_119 = arith.constant 1 : i32
      scf.for %scan3A_146 = %scan3A_116 to %scan3A_118 step %scan3A_119  : i32 {
        %mul3A_147 = arith.constant 8 : i32
        %mul3A_148 = arith.muli %add3A_108, %mul3A_147 : i32
        %add3A_149 = arith.addi %mul3A_148, %scan3A_146 : i32
        %get3A = arith.index_cast %add3A_149 : i32 to index
        %get3A_150 = arith.constant 0 : index
        %get3A_151 = tpu.vector_load %arg8[%get3A, %get3A_150] {strides = array<i32>} : memref<128x128xf32, #tpu.memory_space<vmem>>, vector<16xf32>,
        %get3A_152 = arith.index_cast %add3A_149 : i32 to index
        %get3A_153 = arith.constant 16 : index
        %get3A_154 = tpu.vector_load %arg8[%get3A_152, %get3A_153] {strides = array<i32>} : memref<128x128xf32, #tpu.memory_space<vmem>>, vector<16xf32>,
        %get3A_155 = arith.index_cast %add3A_149 : i32 to index
        %get3A_156 = arith.constant 32 : index
        %get3A_157 = tpu.vector_load %arg8[%get3A_155, %get3A_156] {strides = array<i32>} : memref<128x128xf32, #tpu.memory_space<vmem>>, vector<16xf32>,
        %get3A_158 = arith.index_cast %add3A_149 : i32 to index
        %get3A_159 = arith.constant 48 : index
        %get3A_160 = tpu.vector_load %arg8[%get3A_158, %get3A_159] {strides = array<i32>} : memref<128x128xf32, #tpu.memory_space<vmem>>, vector<16xf32>,
        %get3A_161 = arith.index_cast %add3A_149 : i32 to index
        %get3A_162 = arith.constant 64 : index
        %get3A_163 = tpu.vector_load %arg8[%get3A_161, %get3A_162] {strides = array<i32>} : memref<128x128xf32, #tpu.memory_space<vmem>>, vector<16xf32>,
        %get3A_164 = arith.index_cast %add3A_149 : i32 to index
        %get3A_165 = arith.constant 80 : index
        %get3A_166 = tpu.vector_load %arg8[%get3A_164, %get3A_165] {strides = array<i32>} : memref<128x128xf32, #tpu.memory_space<vmem>>, vector<16xf32>,
        %get3A_167 = arith.index_cast %add3A_149 : i32 to index
        %get3A_168 = arith.constant 96 : index
        %get3A_169 = tpu.vector_load %arg8[%get3A_167, %get3A_168] {strides = array<i32>} : memref<128x128xf32, #tpu.memory_space<vmem>>, vector<16xf32>,
        %get3A_170 = arith.index_cast %add3A_149 : i32 to index
        %get3A_171 = arith.constant 112 : index
        %get3A_172 = tpu.vector_load %arg8[%get3A_170, %get3A_171] {strides = array<i32>} : memref<128x128xf32, #tpu.memory_space<vmem>>, vector<16xf32>,
        %mul3A_173 = arith.constant 36 : i32
        %mul3A_174 = arith.muli %add3A_149, %mul3A_173 : i32
        %mul3A_175 = arith.constant 36 : i32
        %mul3A_176 = arith.muli %scan3A_146, %mul3A_175 : i32
        %add3A_177 = arith.constant 0 : i32
        %add3A_178 = arith.addi %mul3A_176, %add3A_177 : i32
        %get3A_179 = arith.index_cast %add3A_178 : i32 to index
        %get3A_180 = arith.constant 0 : index
        %get3A_181 = tpu.vector_load %arg9[%get3A_179, %get3A_180] {strides = array<i32>} : memref<288x128xf32, #tpu.memory_space<vmem>>, vector<16xf32>,
        %get3A_182 = arith.index_cast %add3A_178 : i32 to index
        %get3A_183 = arith.constant 16 : index
        %get3A_184 = tpu.vector_load %arg9[%get3A_182, %get3A_183] {strides = array<i32>} : memref<288x128xf32, #tpu.memory_space<vmem>>, vector<16xf32>,
        %get3A_185 = arith.index_cast %add3A_178 : i32 to index
        %get3A_186 = arith.constant 32 : index
        %get3A_187 = tpu.vector_load %arg9[%get3A_185, %get3A_186] {strides = array<i32>} : memref<288x128xf32, #tpu.memory_space<vmem>>, vector<16xf32>,
        %get3A_188 = arith.index_cast %add3A_178 : i32 to index
        %get3A_189 = arith.constant 48 : index
        %get3A_190 = tpu.vector_load %arg9[%get3A_188, %get3A_189] {strides = array<i32>} : memref<288x128xf32, #tpu.memory_space<vmem>>, vector<16xf32>,
        %get3A_191 = arith.index_cast %add3A_178 : i32 to index
        %get3A_192 = arith.constant 64 : index
        %get3A_193 = tpu.vector_load %arg9[%get3A_191, %get3A_192] {strides = array<i32>} : memref<288x128xf32, #tpu.memory_space<vmem>>, vector<16xf32>,
        %get3A_194 = arith.index_cast %add3A_178 : i32 to index
        %get3A_195 = arith.constant 80 : index
        %get3A_196 = tpu.vector_load %arg9[%get3A_194, %get3A_195] {strides = array<i32>} : memref<288x128xf32, #tpu.memory_space<vmem>>, vector<16xf32>,
        %get3A_197 = arith.index_cast %add3A_178 : i32 to index
        %get3A_198 = arith.constant 96 : index
        %get3A_199 = tpu.vector_load %arg9[%get3A_197, %get3A_198] {strides = array<i32>} : memref<288x128xf32, #tpu.memory_space<vmem>>, vector<16xf32>,
        %get3A_200 = arith.index_cast %add3A_178 : i32 to index
        %get3A_201 = arith.constant 112 : index
        %get3A_202 = tpu.vector_load %arg9[%get3A_200, %get3A_201] {strides = array<i32>} : memref<288x128xf32, #tpu.memory_space<vmem>>, vector<16xf32>,
        %mul3A_203 = arith.mulf %get3A_181, %get3A_151 : vector<16xf32>
        %mul3A_204 = arith.mulf %get3A_184, %get3A_154 : vector<16xf32>
        %mul3A_205 = arith.mulf %get3A_187, %get3A_157 : vector<16xf32>
        %mul3A_206 = arith.mulf %get3A_190, %get3A_160 : vector<16xf32>
        %mul3A_207 = arith.mulf %get3A_193, %get3A_163 : vector<16xf32>
        %mul3A_208 = arith.mulf %get3A_196, %get3A_166 : vector<16xf32>
        %mul3A_209 = arith.mulf %get3A_199, %get3A_169 : vector<16xf32>
        %mul3A_210 = arith.mulf %get3A_202, %get3A_172 : vector<16xf32>
        %mul3A_211 = arith.constant 36 : i32
        %mul3A_212 = arith.muli %scan3A_146, %mul3A_211 : i32
        %add3A_213 = arith.constant 1 : i32
        %add3A_214 = arith.addi %mul3A_212, %add3A_213 : i32
        %get3A_215 = arith.index_cast %add3A_214 : i32 to index
        %get3A_216 = arith.constant 0 : index
        %get3A_217 = tpu.vector_load %arg9[%get3A_215, %get3A_216] {strides = array<i32>} : memref<288x128xf32, #tpu.memory_space<vmem>>, vector<16xf32>,
        %get3A_218 = arith.index_cast %add3A_214 : i32 to index
        %get3A_219 = arith.constant 16 : index
        %get3A_220 = tpu.vector_load %arg9[%get3A_218, %get3A_219] {strides = array<i32>} : memref<288x128xf32, #tpu.memory_space<vmem>>, vector<16xf32>,
        %get3A_221 = arith.index_cast %add3A_214 : i32 to index
        %get3A_222 = arith.constant 32 : index
        %get3A_223 = tpu.vector_load %arg9[%get3A_221, %get3A_222] {strides = array<i32>} : memref<288x128xf32, #tpu.memory_space<vmem>>, vector<16xf32>,
        %get3A_224 = arith.index_cast %add3A_214 : i32 to index
        %get3A_225 = arith.constant 48 : index
        %get3A_226 = tpu.vector_load %arg9[%get3A_224, %get3A_225] {strides = array<i32>} : memref<288x128xf32, #tpu.memory_space<vmem>>, vector<16xf32>,
        %get3A_227 = arith.index_cast %add3A_214 : i32 to index
        %get3A_228 = arith.constant 64 : index
        %get3A_229 = tpu.vector_load %arg9[%get3A_227, %get3A_228] {strides = array<i32>} : memref<288x128xf32, #tpu.memory_space<vmem>>, vector<16xf32>,
        %get3A_230 = arith.index_cast %add3A_214 : i32 to index
        %get3A_231 = arith.constant 80 : index
        %get3A_232 = tpu.vector_load %arg9[%get3A_230, %get3A_231] {strides = array<i32>} : memref<288x128xf32, #tpu.memory_space<vmem>>, vector<16xf32>,
        %get3A_233 = arith.index_cast %add3A_214 : i32 to index
        %get3A_234 = arith.constant 96 : index
        %get3A_235 = tpu.vector_load %arg9[%get3A_233, %get3A_234] {strides = array<i32>} : memref<288x128xf32, #tpu.memory_space<vmem>>, vector<16xf32>,
        %get3A_236 = arith.index_cast %add3A_214 : i32 to index
        %get3A_237 = arith.constant 112 : index
        %get3A_238 = tpu.vector_load %arg9[%get3A_236, %get3A_237] {strides = array<i32>} : memref<288x128xf32, #tpu.memory_space<vmem>>, vector<16xf32>,
        %add3A_239 = arith.addf %mul3A_203, %mul3A_204 : vector<16xf32>
        %add3A_240 = arith.addf %mul3A_205, %mul3A_206 : vector<16xf32>
        %add3A_241 = arith.addf %mul3A_207, %mul3A_208 : vector<16xf32>
        %add3A_242 = arith.addf %mul3A_209, %mul3A_210 : vector<16xf32>
        %add3A_243 = arith.addf %add3A_239, %add3A_240 : vector<16xf32>
        %add3A_244 = arith.addf %add3A_241, %add3A_242 : vector<16xf32>
        %add3A_245 = arith.addf %add3A_243, %add3A_244 : vector<16xf32>
        %reduce_sum3A = arith.constant true
        %reduce_sum3A_246 = vector.broadcast %reduce_sum3A : i1 to vector<16xi1>
        %reduce_sum3A_247 = tpu.scan <sum>, %add3A_245 masked %reduce_sum3A_246 : vector<16xf32>, vector<16xi1> -> vector<16xf32>
        %reduce_sum3A_248 = vector.extract %reduce_sum3A_247[15] : f32 from vector<16xf32>
        %mul3A_249 = arith.mulf %get3A_217, %get3A_151 : vector<16xf32>
        %mul3A_250 = arith.mulf %get3A_220, %get3A_154 : vector<16xf32>
        %mul3A_251 = arith.mulf %get3A_223, %get3A_157 : vector<16xf32>
        %mul3A_252 = arith.mulf %get3A_226, %get3A_160 : vector<16xf32>
        %mul3A_253 = arith.mulf %get3A_229, %get3A_163 : vector<16xf32>
        %mul3A_254 = arith.mulf %get3A_232, %get3A_166 : vector<16xf32>
        %mul3A_255 = arith.mulf %get3A_235, %get3A_169 : vector<16xf32>
        %mul3A_256 = arith.mulf %get3A_238, %get3A_172 : vector<16xf32>
        %mul3A_257 = arith.constant 36 : i32
        %mul3A_258 = arith.muli %scan3A_146, %mul3A_257 : i32
        %add3A_259 = arith.constant 2 : i32
        %add3A_260 = arith.addi %mul3A_258, %add3A_259 : i32
        %get3A_261 = arith.index_cast %add3A_260 : i32 to index
        %get3A_262 = arith.constant 0 : index
        %get3A_263 = tpu.vector_load %arg9[%get3A_261, %get3A_262] {strides = array<i32>} : memref<288x128xf32, #tpu.memory_space<vmem>>, vector<16xf32>,
        %get3A_264 = arith.index_cast %add3A_260 : i32 to index
        %get3A_265 = arith.constant 16 : index
        %get3A_266 = tpu.vector_load %arg9[%get3A_264, %get3A_265] {strides = array<i32>} : memref<288x128xf32, #tpu.memory_space<vmem>>, vector<16xf32>,
        %get3A_267 = arith.index_cast %add3A_260 : i32 to index
        %get3A_268 = arith.constant 32 : index
        %get3A_269 = tpu.vector_load %arg9[%get3A_267, %get3A_268] {strides = array<i32>} : memref<288x128xf32, #tpu.memory_space<vmem>>, vector<16xf32>,
        %get3A_270 = arith.index_cast %add3A_260 : i32 to index
        %get3A_271 = arith.constant 48 : index
        %get3A_272 = tpu.vector_load %arg9[%get3A_270, %get3A_271] {strides = array<i32>} : memref<288x128xf32, #tpu.memory_space<vmem>>, vector<16xf32>,
        %get3A_273 = arith.index_cast %add3A_260 : i32 to index
        %get3A_274 = arith.constant 64 : index
        %get3A_275 = tpu.vector_load %arg9[%get3A_273, %get3A_274] {strides = array<i32>} : memref<288x128xf32, #tpu.memory_space<vmem>>, vector<16xf32>,
        %get3A_276 = arith.index_cast %add3A_260 : i32 to index
        %get3A_277 = arith.constant 80 : index
        %get3A_278 = tpu.vector_load %arg9[%get3A_276, %get3A_277] {strides = array<i32>} : memref<288x128xf32, #tpu.memory_space<vmem>>, vector<16xf32>,
        %get3A_279 = arith.index_cast %add3A_260 : i32 to index
        %get3A_280 = arith.constant 96 : index
        %get3A_281 = tpu.vector_load %arg9[%get3A_279, %get3A_280] {strides = array<i32>} : memref<288x128xf32, #tpu.memory_space<vmem>>, vector<16xf32>,
        %get3A_282 = arith.index_cast %add3A_260 : i32 to index
        %get3A_283 = arith.constant 112 : index
        %get3A_284 = tpu.vector_load %arg9[%get3A_282, %get3A_283] {strides = array<i32>} : memref<288x128xf32, #tpu.memory_space<vmem>>, vector<16xf32>,
        %add3A_285 = arith.addf %mul3A_249, %mul3A_250 : vector<16xf32>
        %add3A_286 = arith.addf %mul3A_251, %mul3A_252 : vector<16xf32>
        %add3A_287 = arith.addf %mul3A_253, %mul3A_254 : vector<16xf32>
        %add3A_288 = arith.addf %mul3A_255, %mul3A_256 : vector<16xf32>
        %add3A_289 = arith.addf %add3A_285, %add3A_286 : vector<16xf32>
        %add3A_290 = arith.addf %add3A_287, %add3A_288 : vector<16xf32>
        %add3A_291 = arith.addf %add3A_289, %add3A_290 : vector<16xf32>
        %reduce_sum3A_292 = arith.constant true
        %reduce_sum3A_293 = vector.broadcast %reduce_sum3A_292 : i1 to vector<16xi1>
        %reduce_sum3A_294 = tpu.scan <sum>, %add3A_291 masked %reduce_sum3A_293 : vector<16xf32>, vector<16xi1> -> vector<16xf32>
        %reduce_sum3A_295 = vector.extract %reduce_sum3A_294[15] : f32 from vector<16xf32>
        %add3A_296 = arith.constant 1 : i32
        %add3A_297 = arith.addi %mul3A_174, %add3A_296 : i32
        %sub3A = arith.constant 1 : i32
        %sub3A_298 = arith.subi %add3A_297, %sub3A : i32
        %broadcast_in_dim3A = vector.broadcast %reduce_sum3A_248 : f32 to vector<16xf32>
        %swap3A = arith.index_cast %sub3A_298 : i32 to index
        %swap3A_299 = tpu.vector_load %arg11[%swap3A] masked %eq3A_8 {strides = array<i32>} : memref<4736xf32, #tpu.memory_space<vmem>>, vector<16xf32>, vector<16xi1>
        tpu.vector_store %arg11[%swap3A], %broadcast_in_dim3A masked %eq3A_8 {strides = array<i32>} : memref<4736xf32, #tpu.memory_space<vmem>>, vector<16xf32>, vector<16xi1>
        %mul3A_300 = arith.mulf %get3A_263, %get3A_151 : vector<16xf32>
        %mul3A_301 = arith.mulf %get3A_266, %get3A_154 : vector<16xf32>
        %mul3A_302 = arith.mulf %get3A_269, %get3A_157 : vector<16xf32>
        %mul3A_303 = arith.mulf %get3A_272, %get3A_160 : vector<16xf32>
        %mul3A_304 = arith.mulf %get3A_275, %get3A_163 : vector<16xf32>
        %mul3A_305 = arith.mulf %get3A_278, %get3A_166 : vector<16xf32>
        %mul3A_306 = arith.mulf %get3A_281, %get3A_169 : vector<16xf32>
        %mul3A_307 = arith.mulf %get3A_284, %get3A_172 : vector<16xf32>
        %mul3A_308 = arith.constant 36 : i32
        %mul3A_309 = arith.muli %scan3A_146, %mul3A_308 : i32
        %add3A_310 = arith.constant 3 : i32
        %add3A_311 = arith.addi %mul3A_309, %add3A_310 : i32
        %get3A_312 = arith.index_cast %add3A_311 : i32 to index
        %get3A_313 = arith.constant 0 : index
        %get3A_314 = tpu.vector_load %arg9[%get3A_312, %get3A_313] {strides = array<i32>} : memref<288x128xf32, #tpu.memory_space<vmem>>, vector<16xf32>,
        %get3A_315 = arith.index_cast %add3A_311 : i32 to index
        %get3A_316 = arith.constant 16 : index
        %get3A_317 = tpu.vector_load %arg9[%get3A_315, %get3A_316] {strides = array<i32>} : memref<288x128xf32, #tpu.memory_space<vmem>>, vector<16xf32>,
        %get3A_318 = arith.index_cast %add3A_311 : i32 to index
        %get3A_319 = arith.constant 32 : index
        %get3A_320 = tpu.vector_load %arg9[%get3A_318, %get3A_319] {strides = array<i32>} : memref<288x128xf32, #tpu.memory_space<vmem>>, vector<16xf32>,
        %get3A_321 = arith.index_cast %add3A_311 : i32 to index
        %get3A_322 = arith.constant 48 : index
        %get3A_323 = tpu.vector_load %arg9[%get3A_321, %get3A_322] {strides = array<i32>} : memref<288x128xf32, #tpu.memory_space<vmem>>, vector<16xf32>,
        %get3A_324 = arith.index_cast %add3A_311 : i32 to index
        %get3A_325 = arith.constant 64 : index
        %get3A_326 = tpu.vector_load %arg9[%get3A_324, %get3A_325] {strides = array<i32>} : memref<288x128xf32, #tpu.memory_space<vmem>>, vector<16xf32>,
        %get3A_327 = arith.index_cast %add3A_311 : i32 to index
        %get3A_328 = arith.constant 80 : index
        %get3A_329 = tpu.vector_load %arg9[%get3A_327, %get3A_328] {strides = array<i32>} : memref<288x128xf32, #tpu.memory_space<vmem>>, vector<16xf32>,
        %get3A_330 = arith.index_cast %add3A_311 : i32 to index
        %get3A_331 = arith.constant 96 : index
        %get3A_332 = tpu.vector_load %arg9[%get3A_330, %get3A_331] {strides = array<i32>} : memref<288x128xf32, #tpu.memory_space<vmem>>, vector<16xf32>,
        %get3A_333 = arith.index_cast %add3A_311 : i32 to index
        %get3A_334 = arith.constant 112 : index
        %get3A_335 = tpu.vector_load %arg9[%get3A_333, %get3A_334] {strides = array<i32>} : memref<288x128xf32, #tpu.memory_space<vmem>>, vector<16xf32>,
        %add3A_336 = arith.addf %mul3A_300, %mul3A_301 : vector<16xf32>
        %add3A_337 = arith.addf %mul3A_302, %mul3A_303 : vector<16xf32>
        %add3A_338 = arith.addf %mul3A_304, %mul3A_305 : vector<16xf32>
        %add3A_339 = arith.addf %mul3A_306, %mul3A_307 : vector<16xf32>
        %add3A_340 = arith.addf %add3A_336, %add3A_337 : vector<16xf32>
        %add3A_341 = arith.addf %add3A_338, %add3A_339 : vector<16xf32>
        %add3A_342 = arith.addf %add3A_340, %add3A_341 : vector<16xf32>
        %reduce_sum3A_343 = arith.constant true
        %reduce_sum3A_344 = vector.broadcast %reduce_sum3A_343 : i1 to vector<16xi1>
        %reduce_sum3A_345 = tpu.scan <sum>, %add3A_342 masked %reduce_sum3A_344 : vector<16xf32>, vector<16xi1> -> vector<16xf32>
        %reduce_sum3A_346 = vector.extract %reduce_sum3A_345[15] : f32 from vector<16xf32>
        %add3A_347 = arith.constant 2 : i32
        %add3A_348 = arith.addi %mul3A_174, %add3A_347 : i32
        %sub3A_349 = arith.constant 1 : i32
        %sub3A_350 = arith.subi %add3A_348, %sub3A_349 : i32
        %broadcast_in_dim3A_351 = vector.broadcast %reduce_sum3A_295 : f32 to vector<16xf32>
        %swap3A_352 = arith.index_cast %sub3A_350 : i32 to index
        %swap3A_353 = tpu.vector_load %arg11[%swap3A_352] masked %eq3A_8 {strides = array<i32>} : memref<4736xf32, #tpu.memory_space<vmem>>, vector<16xf32>, vector<16xi1>
        tpu.vector_store %arg11[%swap3A_352], %broadcast_in_dim3A_351 masked %eq3A_8 {strides = array<i32>} : memref<4736xf32, #tpu.memory_space<vmem>>, vector<16xf32>, vector<16xi1>
        %mul3A_354 = arith.mulf %get3A_314, %get3A_151 : vector<16xf32>
        %mul3A_355 = arith.mulf %get3A_317, %get3A_154 : vector<16xf32>
        %mul3A_356 = arith.mulf %get3A_320, %get3A_157 : vector<16xf32>
        %mul3A_357 = arith.mulf %get3A_323, %get3A_160 : vector<16xf32>
        %mul3A_358 = arith.mulf %get3A_326, %get3A_163 : vector<16xf32>
        %mul3A_359 = arith.mulf %get3A_329, %get3A_166 : vector<16xf32>
        %mul3A_360 = arith.mulf %get3A_332, %get3A_169 : vector<16xf32>
        %mul3A_361 = arith.mulf %get3A_335, %get3A_172 : vector<16xf32>
        %mul3A_362 = arith.constant 36 : i32
        %mul3A_363 = arith.muli %scan3A_146, %mul3A_362 : i32
        %add3A_364 = arith.constant 4 : i32
        %add3A_365 = arith.addi %mul3A_363, %add3A_364 : i32
        %get3A_366 = arith.index_cast %add3A_365 : i32 to index
        %get3A_367 = arith.constant 0 : index
        %get3A_368 = tpu.vector_load %arg9[%get3A_366, %get3A_367] {strides = array<i32>} : memref<288x128xf32, #tpu.memory_space<vmem>>, vector<16xf32>,
        %get3A_369 = arith.index_cast %add3A_365 : i32 to index
        %get3A_370 = arith.constant 16 : index
        %get3A_371 = tpu.vector_load %arg9[%get3A_369, %get3A_370] {strides = array<i32>} : memref<288x128xf32, #tpu.memory_space<vmem>>, vector<16xf32>,
        %get3A_372 = arith.index_cast %add3A_365 : i32 to index
        %get3A_373 = arith.constant 32 : index
        %get3A_374 = tpu.vector_load %arg9[%get3A_372, %get3A_373] {strides = array<i32>} : memref<288x128xf32, #tpu.memory_space<vmem>>, vector<16xf32>,
        %get3A_375 = arith.index_cast %add3A_365 : i32 to index
        %get3A_376 = arith.constant 48 : index
        %get3A_377 = tpu.vector_load %arg9[%get3A_375, %get3A_376] {strides = array<i32>} : memref<288x128xf32, #tpu.memory_space<vmem>>, vector<16xf32>,
        %get3A_378 = arith.index_cast %add3A_365 : i32 to index
        %get3A_379 = arith.constant 64 : index
        %get3A_380 = tpu.vector_load %arg9[%get3A_378, %get3A_379] {strides = array<i32>} : memref<288x128xf32, #tpu.memory_space<vmem>>, vector<16xf32>,
        %get3A_381 = arith.index_cast %add3A_365 : i32 to index
        %get3A_382 = arith.constant 80 : index
        %get3A_383 = tpu.vector_load %arg9[%get3A_381, %get3A_382] {strides = array<i32>} : memref<288x128xf32, #tpu.memory_space<vmem>>, vector<16xf32>,
        %get3A_384 = arith.index_cast %add3A_365 : i32 to index
        %get3A_385 = arith.constant 96 : index
        %get3A_386 = tpu.vector_load %arg9[%get3A_384, %get3A_385] {strides = array<i32>} : memref<288x128xf32, #tpu.memory_space<vmem>>, vector<16xf32>,
        %get3A_387 = arith.index_cast %add3A_365 : i32 to index
        %get3A_388 = arith.constant 112 : index
        %get3A_389 = tpu.vector_load %arg9[%get3A_387, %get3A_388] {strides = array<i32>} : memref<288x128xf32, #tpu.memory_space<vmem>>, vector<16xf32>,
        %add3A_390 = arith.addf %mul3A_354, %mul3A_355 : vector<16xf32>
        %add3A_391 = arith.addf %mul3A_356, %mul3A_357 : vector<16xf32>
        %add3A_392 = arith.addf %mul3A_358, %mul3A_359 : vector<16xf32>
        %add3A_393 = arith.addf %mul3A_360, %mul3A_361 : vector<16xf32>
        %add3A_394 = arith.addf %add3A_390, %add3A_391 : vector<16xf32>
        %add3A_395 = arith.addf %add3A_392, %add3A_393 : vector<16xf32>
        %add3A_396 = arith.addf %add3A_394, %add3A_395 : vector<16xf32>
        %reduce_sum3A_397 = arith.constant true
        %reduce_sum3A_398 = vector.broadcast %reduce_sum3A_397 : i1 to vector<16xi1>
        %reduce_sum3A_399 = tpu.scan <sum>, %add3A_396 masked %reduce_sum3A_398 : vector<16xf32>, vector<16xi1> -> vector<16xf32>
        %reduce_sum3A_400 = vector.extract %reduce_sum3A_399[15] : f32 from vector<16xf32>
        %add3A_401 = arith.constant 3 : i32
        %add3A_402 = arith.addi %mul3A_174, %add3A_401 : i32
        %sub3A_403 = arith.constant 1 : i32
        %sub3A_404 = arith.subi %add3A_402, %sub3A_403 : i32
        %broadcast_in_dim3A_405 = vector.broadcast %reduce_sum3A_346 : f32 to vector<16xf32>
        %swap3A_406 = arith.index_cast %sub3A_404 : i32 to index
        %swap3A_407 = tpu.vector_load %arg11[%swap3A_406] masked %eq3A_8 {strides = array<i32>} : memref<4736xf32, #tpu.memory_space<vmem>>, vector<16xf32>, vector<16xi1>
        tpu.vector_store %arg11[%swap3A_406], %broadcast_in_dim3A_405 masked %eq3A_8 {strides = array<i32>} : memref<4736xf32, #tpu.memory_space<vmem>>, vector<16xf32>, vector<16xi1>
        %mul3A_408 = arith.mulf %get3A_368, %get3A_151 : vector<16xf32>
        %mul3A_409 = arith.mulf %get3A_371, %get3A_154 : vector<16xf32>
        %mul3A_410 = arith.mulf %get3A_374, %get3A_157 : vector<16xf32>
        %mul3A_411 = arith.mulf %get3A_377, %get3A_160 : vector<16xf32>
        %mul3A_412 = arith.mulf %get3A_380, %get3A_163 : vector<16xf32>
        %mul3A_413 = arith.mulf %get3A_383, %get3A_166 : vector<16xf32>
        %mul3A_414 = arith.mulf %get3A_386, %get3A_169 : vector<16xf32>
        %mul3A_415 = arith.mulf %get3A_389, %get3A_172 : vector<16xf32>
        %mul3A_416 = arith.constant 36 : i32
        %mul3A_417 = arith.muli %scan3A_146, %mul3A_416 : i32
        %add3A_418 = arith.constant 5 : i32
        %add3A_419 = arith.addi %mul3A_417, %add3A_418 : i32
        %get3A_420 = arith.index_cast %add3A_419 : i32 to index
        %get3A_421 = arith.constant 0 : index
        %get3A_422 = tpu.vector_load %arg9[%get3A_420, %get3A_421] {strides = array<i32>} : memref<288x128xf32, #tpu.memory_space<vmem>>, vector<16xf32>,
        %get3A_423 = arith.index_cast %add3A_419 : i32 to index
        %get3A_424 = arith.constant 16 : index
        %get3A_425 = tpu.vector_load %arg9[%get3A_423, %get3A_424] {strides = array<i32>} : memref<288x128xf32, #tpu.memory_space<vmem>>, vector<16xf32>,
        %get3A_426 = arith.index_cast %add3A_419 : i32 to index
        %get3A_427 = arith.constant 32 : index
        %get3A_428 = tpu.vector_load %arg9[%get3A_426, %get3A_427] {strides = array<i32>} : memref<288x128xf32, #tpu.memory_space<vmem>>, vector<16xf32>,
        %get3A_429 = arith.index_cast %add3A_419 : i32 to index
        %get3A_430 = arith.constant 48 : index
        %get3A_431 = tpu.vector_load %arg9[%get3A_429, %get3A_430] {strides = array<i32>} : memref<288x128xf32, #tpu.memory_space<vmem>>, vector<16xf32>,
        %get3A_432 = arith.index_cast %add3A_419 : i32 to index
        %get3A_433 = arith.constant 64 : index
        %get3A_434 = tpu.vector_load %arg9[%get3A_432, %get3A_433] {strides = array<i32>} : memref<288x128xf32, #tpu.memory_space<vmem>>, vector<16xf32>,
        %get3A_435 = arith.index_cast %add3A_419 : i32 to index
        %get3A_436 = arith.constant 80 : index
        %get3A_437 = tpu.vector_load %arg9[%get3A_435, %get3A_436] {strides = array<i32>} : memref<288x128xf32, #tpu.memory_space<vmem>>, vector<16xf32>,
        %get3A_438 = arith.index_cast %add3A_419 : i32 to index
        %get3A_439 = arith.constant 96 : index
        %get3A_440 = tpu.vector_load %arg9[%get3A_438, %get3A_439] {strides = array<i32>} : memref<288x128xf32, #tpu.memory_space<vmem>>, vector<16xf32>,
        %get3A_441 = arith.index_cast %add3A_419 : i32 to index
        %get3A_442 = arith.constant 112 : index
        %get3A_443 = tpu.vector_load %arg9[%get3A_441, %get3A_442] {strides = array<i32>} : memref<288x128xf32, #tpu.memory_space<vmem>>, vector<16xf32>,
        %add3A_444 = arith.addf %mul3A_408, %mul3A_409 : vector<16xf32>
        %add3A_445 = arith.addf %mul3A_410, %mul3A_411 : vector<16xf32>
        %add3A_446 = arith.addf %mul3A_412, %mul3A_413 : vector<16xf32>
        %add3A_447 = arith.addf %mul3A_414, %mul3A_415 : vector<16xf32>
        %add3A_448 = arith.addf %add3A_444, %add3A_445 : vector<16xf32>
        %add3A_449 = arith.addf %add3A_446, %add3A_447 : vector<16xf32>
        %add3A_450 = arith.addf %add3A_448, %add3A_449 : vector<16xf32>
        %reduce_sum3A_451 = arith.constant true
        %reduce_sum3A_452 = vector.broadcast %reduce_sum3A_451 : i1 to vector<16xi1>
        %reduce_sum3A_453 = tpu.scan <sum>, %add3A_450 masked %reduce_sum3A_452 : vector<16xf32>, vector<16xi1> -> vector<16xf32>
        %reduce_sum3A_454 = vector.extract %reduce_sum3A_453[15] : f32 from vector<16xf32>
        %add3A_455 = arith.constant 4 : i32
        %add3A_456 = arith.addi %mul3A_174, %add3A_455 : i32
        %sub3A_457 = arith.constant 1 : i32
        %sub3A_458 = arith.subi %add3A_456, %sub3A_457 : i32
        %broadcast_in_dim3A_459 = vector.broadcast %reduce_sum3A_400 : f32 to vector<16xf32>
        %swap3A_460 = arith.index_cast %sub3A_458 : i32 to index
        %swap3A_461 = tpu.vector_load %arg11[%swap3A_460] masked %eq3A_8 {strides = array<i32>} : memref<4736xf32, #tpu.memory_space<vmem>>, vector<16xf32>, vector<16xi1>
        tpu.vector_store %arg11[%swap3A_460], %broadcast_in_dim3A_459 masked %eq3A_8 {strides = array<i32>} : memref<4736xf32, #tpu.memory_space<vmem>>, vector<16xf32>, vector<16xi1>
        %mul3A_462 = arith.mulf %get3A_422, %get3A_151 : vector<16xf32>
        %mul3A_463 = arith.mulf %get3A_425, %get3A_154 : vector<16xf32>
        %mul3A_464 = arith.mulf %get3A_428, %get3A_157 : vector<16xf32>
        %mul3A_465 = arith.mulf %get3A_431, %get3A_160 : vector<16xf32>
        %mul3A_466 = arith.mulf %get3A_434, %get3A_163 : vector<16xf32>
        %mul3A_467 = arith.mulf %get3A_437, %get3A_166 : vector<16xf32>
        %mul3A_468 = arith.mulf %get3A_440, %get3A_169 : vector<16xf32>
        %mul3A_469 = arith.mulf %get3A_443, %get3A_172 : vector<16xf32>
        %mul3A_470 = arith.constant 36 : i32
        %mul3A_471 = arith.muli %scan3A_146, %mul3A_470 : i32
        %add3A_472 = arith.constant 6 : i32
        %add3A_473 = arith.addi %mul3A_471, %add3A_472 : i32
        %get3A_474 = arith.index_cast %add3A_473 : i32 to index
        %get3A_475 = arith.constant 0 : index
        %get3A_476 = tpu.vector_load %arg9[%get3A_474, %get3A_475] {strides = array<i32>} : memref<288x128xf32, #tpu.memory_space<vmem>>, vector<16xf32>,
        %get3A_477 = arith.index_cast %add3A_473 : i32 to index
        %get3A_478 = arith.constant 16 : index
        %get3A_479 = tpu.vector_load %arg9[%get3A_477, %get3A_478] {strides = array<i32>} : memref<288x128xf32, #tpu.memory_space<vmem>>, vector<16xf32>,
        %get3A_480 = arith.index_cast %add3A_473 : i32 to index
        %get3A_481 = arith.constant 32 : index
        %get3A_482 = tpu.vector_load %arg9[%get3A_480, %get3A_481] {strides = array<i32>} : memref<288x128xf32, #tpu.memory_space<vmem>>, vector<16xf32>,
        %get3A_483 = arith.index_cast %add3A_473 : i32 to index
        %get3A_484 = arith.constant 48 : index
        %get3A_485 = tpu.vector_load %arg9[%get3A_483, %get3A_484] {strides = array<i32>} : memref<288x128xf32, #tpu.memory_space<vmem>>, vector<16xf32>,
        %get3A_486 = arith.index_cast %add3A_473 : i32 to index
        %get3A_487 = arith.constant 64 : index
        %get3A_488 = tpu.vector_load %arg9[%get3A_486, %get3A_487] {strides = array<i32>} : memref<288x128xf32, #tpu.memory_space<vmem>>, vector<16xf32>,
        %get3A_489 = arith.index_cast %add3A_473 : i32 to index
        %get3A_490 = arith.constant 80 : index
        %get3A_491 = tpu.vector_load %arg9[%get3A_489, %get3A_490] {strides = array<i32>} : memref<288x128xf32, #tpu.memory_space<vmem>>, vector<16xf32>,
        %get3A_492 = arith.index_cast %add3A_473 : i32 to index
        %get3A_493 = arith.constant 96 : index
        %get3A_494 = tpu.vector_load %arg9[%get3A_492, %get3A_493] {strides = array<i32>} : memref<288x128xf32, #tpu.memory_space<vmem>>, vector<16xf32>,
        %get3A_495 = arith.index_cast %add3A_473 : i32 to index
        %get3A_496 = arith.constant 112 : index
        %get3A_497 = tpu.vector_load %arg9[%get3A_495, %get3A_496] {strides = array<i32>} : memref<288x128xf32, #tpu.memory_space<vmem>>, vector<16xf32>,
        %add3A_498 = arith.addf %mul3A_462, %mul3A_463 : vector<16xf32>
        %add3A_499 = arith.addf %mul3A_464, %mul3A_465 : vector<16xf32>
        %add3A_500 = arith.addf %mul3A_466, %mul3A_467 : vector<16xf32>
        %add3A_501 = arith.addf %mul3A_468, %mul3A_469 : vector<16xf32>
        %add3A_502 = arith.addf %add3A_498, %add3A_499 : vector<16xf32>
        %add3A_503 = arith.addf %add3A_500, %add3A_501 : vector<16xf32>
        %add3A_504 = arith.addf %add3A_502, %add3A_503 : vector<16xf32>
        %reduce_sum3A_505 = arith.constant true
        %reduce_sum3A_506 = vector.broadcast %reduce_sum3A_505 : i1 to vector<16xi1>
        %reduce_sum3A_507 = tpu.scan <sum>, %add3A_504 masked %reduce_sum3A_506 : vector<16xf32>, vector<16xi1> -> vector<16xf32>
        %reduce_sum3A_508 = vector.extract %reduce_sum3A_507[15] : f32 from vector<16xf32>
        %add3A_509 = arith.constant 5 : i32
        %add3A_510 = arith.addi %mul3A_174, %add3A_509 : i32
        %sub3A_511 = arith.constant 1 : i32
        %sub3A_512 = arith.subi %add3A_510, %sub3A_511 : i32
        %broadcast_in_dim3A_513 = vector.broadcast %reduce_sum3A_454 : f32 to vector<16xf32>
        %swap3A_514 = arith.index_cast %sub3A_512 : i32 to index
        %swap3A_515 = tpu.vector_load %arg11[%swap3A_514] masked %eq3A_8 {strides = array<i32>} : memref<4736xf32, #tpu.memory_space<vmem>>, vector<16xf32>, vector<16xi1>
        tpu.vector_store %arg11[%swap3A_514], %broadcast_in_dim3A_513 masked %eq3A_8 {strides = array<i32>} : memref<4736xf32, #tpu.memory_space<vmem>>, vector<16xf32>, vector<16xi1>
        %mul3A_516 = arith.mulf %get3A_476, %get3A_151 : vector<16xf32>
        %mul3A_517 = arith.mulf %get3A_479, %get3A_154 : vector<16xf32>
        %mul3A_518 = arith.mulf %get3A_482, %get3A_157 : vector<16xf32>
        %mul3A_519 = arith.mulf %get3A_485, %get3A_160 : vector<16xf32>
        %mul3A_520 = arith.mulf %get3A_488, %get3A_163 : vector<16xf32>
        %mul3A_521 = arith.mulf %get3A_491, %get3A_166 : vector<16xf32>
        %mul3A_522 = arith.mulf %get3A_494, %get3A_169 : vector<16xf32>
        %mul3A_523 = arith.mulf %get3A_497, %get3A_172 : vector<16xf32>
        %mul3A_524 = arith.constant 36 : i32
        %mul3A_525 = arith.muli %scan3A_146, %mul3A_524 : i32
        %add3A_526 = arith.constant 7 : i32
        %add3A_527 = arith.addi %mul3A_525, %add3A_526 : i32
        %get3A_528 = arith.index_cast %add3A_527 : i32 to index
        %get3A_529 = arith.constant 0 : index
        %get3A_530 = tpu.vector_load %arg9[%get3A_528, %get3A_529] {strides = array<i32>} : memref<288x128xf32, #tpu.memory_space<vmem>>, vector<16xf32>,
        %get3A_531 = arith.index_cast %add3A_527 : i32 to index
        %get3A_532 = arith.constant 16 : index
        %get3A_533 = tpu.vector_load %arg9[%get3A_531, %get3A_532] {strides = array<i32>} : memref<288x128xf32, #tpu.memory_space<vmem>>, vector<16xf32>,
        %get3A_534 = arith.index_cast %add3A_527 : i32 to index
        %get3A_535 = arith.constant 32 : index
        %get3A_536 = tpu.vector_load %arg9[%get3A_534, %get3A_535] {strides = array<i32>} : memref<288x128xf32, #tpu.memory_space<vmem>>, vector<16xf32>,
        %get3A_537 = arith.index_cast %add3A_527 : i32 to index
        %get3A_538 = arith.constant 48 : index
        %get3A_539 = tpu.vector_load %arg9[%get3A_537, %get3A_538] {strides = array<i32>} : memref<288x128xf32, #tpu.memory_space<vmem>>, vector<16xf32>,
        %get3A_540 = arith.index_cast %add3A_527 : i32 to index
        %get3A_541 = arith.constant 64 : index
        %get3A_542 = tpu.vector_load %arg9[%get3A_540, %get3A_541] {strides = array<i32>} : memref<288x128xf32, #tpu.memory_space<vmem>>, vector<16xf32>,
        %get3A_543 = arith.index_cast %add3A_527 : i32 to index
        %get3A_544 = arith.constant 80 : index
        %get3A_545 = tpu.vector_load %arg9[%get3A_543, %get3A_544] {strides = array<i32>} : memref<288x128xf32, #tpu.memory_space<vmem>>, vector<16xf32>,
        %get3A_546 = arith.index_cast %add3A_527 : i32 to index
        %get3A_547 = arith.constant 96 : index
        %get3A_548 = tpu.vector_load %arg9[%get3A_546, %get3A_547] {strides = array<i32>} : memref<288x128xf32, #tpu.memory_space<vmem>>, vector<16xf32>,
        %get3A_549 = arith.index_cast %add3A_527 : i32 to index
        %get3A_550 = arith.constant 112 : index
        %get3A_551 = tpu.vector_load %arg9[%get3A_549, %get3A_550] {strides = array<i32>} : memref<288x128xf32, #tpu.memory_space<vmem>>, vector<16xf32>,
        %add3A_552 = arith.addf %mul3A_516, %mul3A_517 : vector<16xf32>
        %add3A_553 = arith.addf %mul3A_518, %mul3A_519 : vector<16xf32>
        %add3A_554 = arith.addf %mul3A_520, %mul3A_521 : vector<16xf32>
        %add3A_555 = arith.addf %mul3A_522, %mul3A_523 : vector<16xf32>
        %add3A_556 = arith.addf %add3A_552, %add3A_553 : vector<16xf32>
        %add3A_557 = arith.addf %add3A_554, %add3A_555 : vector<16xf32>
        %add3A_558 = arith.addf %add3A_556, %add3A_557 : vector<16xf32>
        %reduce_sum3A_559 = arith.constant true
        %reduce_sum3A_560 = vector.broadcast %reduce_sum3A_559 : i1 to vector<16xi1>
        %reduce_sum3A_561 = tpu.scan <sum>, %add3A_558 masked %reduce_sum3A_560 : vector<16xf32>, vector<16xi1> -> vector<16xf32>
        %reduce_sum3A_562 = vector.extract %reduce_sum3A_561[15] : f32 from vector<16xf32>
        %add3A_563 = arith.constant 6 : i32
        %add3A_564 = arith.addi %mul3A_174, %add3A_563 : i32
        %sub3A_565 = arith.constant 1 : i32
        %sub3A_566 = arith.subi %add3A_564, %sub3A_565 : i32
        %broadcast_in_dim3A_567 = vector.broadcast %reduce_sum3A_508 : f32 to vector<16xf32>
        %swap3A_568 = arith.index_cast %sub3A_566 : i32 to index
        %swap3A_569 = tpu.vector_load %arg11[%swap3A_568] masked %eq3A_8 {strides = array<i32>} : memref<4736xf32, #tpu.memory_space<vmem>>, vector<16xf32>, vector<16xi1>
        tpu.vector_store %arg11[%swap3A_568], %broadcast_in_dim3A_567 masked %eq3A_8 {strides = array<i32>} : memref<4736xf32, #tpu.memory_space<vmem>>, vector<16xf32>, vector<16xi1>
        %mul3A_570 = arith.mulf %get3A_530, %get3A_151 : vector<16xf32>
        %mul3A_571 = arith.mulf %get3A_533, %get3A_154 : vector<16xf32>
        %mul3A_572 = arith.mulf %get3A_536, %get3A_157 : vector<16xf32>
        %mul3A_573 = arith.mulf %get3A_539, %get3A_160 : vector<16xf32>
        %mul3A_574 = arith.mulf %get3A_542, %get3A_163 : vector<16xf32>
        %mul3A_575 = arith.mulf %get3A_545, %get3A_166 : vector<16xf32>
        %mul3A_576 = arith.mulf %get3A_548, %get3A_169 : vector<16xf32>
        %mul3A_577 = arith.mulf %get3A_551, %get3A_172 : vector<16xf32>
        %mul3A_578 = arith.constant 36 : i32
        %mul3A_579 = arith.muli %scan3A_146, %mul3A_578 : i32
        %add3A_580 = arith.constant 8 : i32
        %add3A_581 = arith.addi %mul3A_579, %add3A_580 : i32
        %get3A_582 = arith.index_cast %add3A_581 : i32 to index
        %get3A_583 = arith.constant 0 : index
        %get3A_584 = tpu.vector_load %arg9[%get3A_582, %get3A_583] {strides = array<i32>} : memref<288x128xf32, #tpu.memory_space<vmem>>, vector<16xf32>,
        %get3A_585 = arith.index_cast %add3A_581 : i32 to index
        %get3A_586 = arith.constant 16 : index
        %get3A_587 = tpu.vector_load %arg9[%get3A_585, %get3A_586] {strides = array<i32>} : memref<288x128xf32, #tpu.memory_space<vmem>>, vector<16xf32>,
        %get3A_588 = arith.index_cast %add3A_581 : i32 to index
        %get3A_589 = arith.constant 32 : index
        %get3A_590 = tpu.vector_load %arg9[%get3A_588, %get3A_589] {strides = array<i32>} : memref<288x128xf32, #tpu.memory_space<vmem>>, vector<16xf32>,
        %get3A_591 = arith.index_cast %add3A_581 : i32 to index
        %get3A_592 = arith.constant 48 : index
        %get3A_593 = tpu.vector_load %arg9[%get3A_591, %get3A_592] {strides = array<i32>} : memref<288x128xf32, #tpu.memory_space<vmem>>, vector<16xf32>,
        %get3A_594 = arith.index_cast %add3A_581 : i32 to index
        %get3A_595 = arith.constant 64 : index
        %get3A_596 = tpu.vector_load %arg9[%get3A_594, %get3A_595] {strides = array<i32>} : memref<288x128xf32, #tpu.memory_space<vmem>>, vector<16xf32>,
        %get3A_597 = arith.index_cast %add3A_581 : i32 to index
        %get3A_598 = arith.constant 80 : index
        %get3A_599 = tpu.vector_load %arg9[%get3A_597, %get3A_598] {strides = array<i32>} : memref<288x128xf32, #tpu.memory_space<vmem>>, vector<16xf32>,
        %get3A_600 = arith.index_cast %add3A_581 : i32 to index
        %get3A_601 = arith.constant 96 : index
        %get3A_602 = tpu.vector_load %arg9[%get3A_600, %get3A_601] {strides = array<i32>} : memref<288x128xf32, #tpu.memory_space<vmem>>, vector<16xf32>,
        %get3A_603 = arith.index_cast %add3A_581 : i32 to index
        %get3A_604 = arith.constant 112 : index
        %get3A_605 = tpu.vector_load %arg9[%get3A_603, %get3A_604] {strides = array<i32>} : memref<288x128xf32, #tpu.memory_space<vmem>>, vector<16xf32>,
        %add3A_606 = arith.addf %mul3A_570, %mul3A_571 : vector<16xf32>
        %add3A_607 = arith.addf %mul3A_572, %mul3A_573 : vector<16xf32>
        %add3A_608 = arith.addf %mul3A_574, %mul3A_575 : vector<16xf32>
        %add3A_609 = arith.addf %mul3A_576, %mul3A_577 : vector<16xf32>
        %add3A_610 = arith.addf %add3A_606, %add3A_607 : vector<16xf32>
        %add3A_611 = arith.addf %add3A_608, %add3A_609 : vector<16xf32>
        %add3A_612 = arith.addf %add3A_610, %add3A_611 : vector<16xf32>
        %reduce_sum3A_613 = arith.constant true
        %reduce_sum3A_614 = vector.broadcast %reduce_sum3A_613 : i1 to vector<16xi1>
        %reduce_sum3A_615 = tpu.scan <sum>, %add3A_612 masked %reduce_sum3A_614 : vector<16xf32>, vector<16xi1> -> vector<16xf32>
        %reduce_sum3A_616 = vector.extract %reduce_sum3A_615[15] : f32 from vector<16xf32>
        %add3A_617 = arith.constant 7 : i32
        %add3A_618 = arith.addi %mul3A_174, %add3A_617 : i32
        %sub3A_619 = arith.constant 1 : i32
        %sub3A_620 = arith.subi %add3A_618, %sub3A_619 : i32
        %broadcast_in_dim3A_621 = vector.broadcast %reduce_sum3A_562 : f32 to vector<16xf32>
        %swap3A_622 = arith.index_cast %sub3A_620 : i32 to index
        %swap3A_623 = tpu.vector_load %arg11[%swap3A_622] masked %eq3A_8 {strides = array<i32>} : memref<4736xf32, #tpu.memory_space<vmem>>, vector<16xf32>, vector<16xi1>
        tpu.vector_store %arg11[%swap3A_622], %broadcast_in_dim3A_621 masked %eq3A_8 {strides = array<i32>} : memref<4736xf32, #tpu.memory_space<vmem>>, vector<16xf32>, vector<16xi1>
        %mul3A_624 = arith.mulf %get3A_584, %get3A_151 : vector<16xf32>
        %mul3A_625 = arith.mulf %get3A_587, %get3A_154 : vector<16xf32>
        %mul3A_626 = arith.mulf %get3A_590, %get3A_157 : vector<16xf32>
        %mul3A_627 = arith.mulf %get3A_593, %get3A_160 : vector<16xf32>
        %mul3A_628 = arith.mulf %get3A_596, %get3A_163 : vector<16xf32>
        %mul3A_629 = arith.mulf %get3A_599, %get3A_166 : vector<16xf32>
        %mul3A_630 = arith.mulf %get3A_602, %get3A_169 : vector<16xf32>
        %mul3A_631 = arith.mulf %get3A_605, %get3A_172 : vector<16xf32>
        %mul3A_632 = arith.constant 36 : i32
        %mul3A_633 = arith.muli %scan3A_146, %mul3A_632 : i32
        %add3A_634 = arith.constant 9 : i32
        %add3A_635 = arith.addi %mul3A_633, %add3A_634 : i32
        %get3A_636 = arith.index_cast %add3A_635 : i32 to index
        %get3A_637 = arith.constant 0 : index
        %get3A_638 = tpu.vector_load %arg9[%get3A_636, %get3A_637] {strides = array<i32>} : memref<288x128xf32, #tpu.memory_space<vmem>>, vector<16xf32>,
        %get3A_639 = arith.index_cast %add3A_635 : i32 to index
        %get3A_640 = arith.constant 16 : index
        %get3A_641 = tpu.vector_load %arg9[%get3A_639, %get3A_640] {strides = array<i32>} : memref<288x128xf32, #tpu.memory_space<vmem>>, vector<16xf32>,
        %get3A_642 = arith.index_cast %add3A_635 : i32 to index
        %get3A_643 = arith.constant 32 : index
        %get3A_644 = tpu.vector_load %arg9[%get3A_642, %get3A_643] {strides = array<i32>} : memref<288x128xf32, #tpu.memory_space<vmem>>, vector<16xf32>,
        %get3A_645 = arith.index_cast %add3A_635 : i32 to index
        %get3A_646 = arith.constant 48 : index
        %get3A_647 = tpu.vector_load %arg9[%get3A_645, %get3A_646] {strides = array<i32>} : memref<288x128xf32, #tpu.memory_space<vmem>>, vector<16xf32>,
        %get3A_648 = arith.index_cast %add3A_635 : i32 to index
        %get3A_649 = arith.constant 64 : index
        %get3A_650 = tpu.vector_load %arg9[%get3A_648, %get3A_649] {strides = array<i32>} : memref<288x128xf32, #tpu.memory_space<vmem>>, vector<16xf32>,
        %get3A_651 = arith.index_cast %add3A_635 : i32 to index
        %get3A_652 = arith.constant 80 : index
        %get3A_653 = tpu.vector_load %arg9[%get3A_651, %get3A_652] {strides = array<i32>} : memref<288x128xf32, #tpu.memory_space<vmem>>, vector<16xf32>,
        %get3A_654 = arith.index_cast %add3A_635 : i32 to index
        %get3A_655 = arith.constant 96 : index
        %get3A_656 = tpu.vector_load %arg9[%get3A_654, %get3A_655] {strides = array<i32>} : memref<288x128xf32, #tpu.memory_space<vmem>>, vector<16xf32>,
        %get3A_657 = arith.index_cast %add3A_635 : i32 to index
        %get3A_658 = arith.constant 112 : index
        %get3A_659 = tpu.vector_load %arg9[%get3A_657, %get3A_658] {strides = array<i32>} : memref<288x128xf32, #tpu.memory_space<vmem>>, vector<16xf32>,
        %add3A_660 = arith.addf %mul3A_624, %mul3A_625 : vector<16xf32>
        %add3A_661 = arith.addf %mul3A_626, %mul3A_627 : vector<16xf32>
        %add3A_662 = arith.addf %mul3A_628, %mul3A_629 : vector<16xf32>
        %add3A_663 = arith.addf %mul3A_630, %mul3A_631 : vector<16xf32>
        %add3A_664 = arith.addf %add3A_660, %add3A_661 : vector<16xf32>
        %add3A_665 = arith.addf %add3A_662, %add3A_663 : vector<16xf32>
        %add3A_666 = arith.addf %add3A_664, %add3A_665 : vector<16xf32>
        %reduce_sum3A_667 = arith.constant true
        %reduce_sum3A_668 = vector.broadcast %reduce_sum3A_667 : i1 to vector<16xi1>
        %reduce_sum3A_669 = tpu.scan <sum>, %add3A_666 masked %reduce_sum3A_668 : vector<16xf32>, vector<16xi1> -> vector<16xf32>
        %reduce_sum3A_670 = vector.extract %reduce_sum3A_669[15] : f32 from vector<16xf32>
        %add3A_671 = arith.constant 8 : i32
        %add3A_672 = arith.addi %mul3A_174, %add3A_671 : i32
        %sub3A_673 = arith.constant 1 : i32
        %sub3A_674 = arith.subi %add3A_672, %sub3A_673 : i32
        %broadcast_in_dim3A_675 = vector.broadcast %reduce_sum3A_616 : f32 to vector<16xf32>
        %swap3A_676 = arith.index_cast %sub3A_674 : i32 to index
        %swap3A_677 = tpu.vector_load %arg11[%swap3A_676] masked %eq3A_8 {strides = array<i32>} : memref<4736xf32, #tpu.memory_space<vmem>>, vector<16xf32>, vector<16xi1>
        tpu.vector_store %arg11[%swap3A_676], %broadcast_in_dim3A_675 masked %eq3A_8 {strides = array<i32>} : memref<4736xf32, #tpu.memory_space<vmem>>, vector<16xf32>, vector<16xi1>
        %mul3A_678 = arith.mulf %get3A_638, %get3A_151 : vector<16xf32>
        %mul3A_679 = arith.mulf %get3A_641, %get3A_154 : vector<16xf32>
        %mul3A_680 = arith.mulf %get3A_644, %get3A_157 : vector<16xf32>
        %mul3A_681 = arith.mulf %get3A_647, %get3A_160 : vector<16xf32>
        %mul3A_682 = arith.mulf %get3A_650, %get3A_163 : vector<16xf32>
        %mul3A_683 = arith.mulf %get3A_653, %get3A_166 : vector<16xf32>
        %mul3A_684 = arith.mulf %get3A_656, %get3A_169 : vector<16xf32>
        %mul3A_685 = arith.mulf %get3A_659, %get3A_172 : vector<16xf32>
        %mul3A_686 = arith.constant 36 : i32
        %mul3A_687 = arith.muli %scan3A_146, %mul3A_686 : i32
        %add3A_688 = arith.constant 10 : i32
        %add3A_689 = arith.addi %mul3A_687, %add3A_688 : i32
        %get3A_690 = arith.index_cast %add3A_689 : i32 to index
        %get3A_691 = arith.constant 0 : index
        %get3A_692 = tpu.vector_load %arg9[%get3A_690, %get3A_691] {strides = array<i32>} : memref<288x128xf32, #tpu.memory_space<vmem>>, vector<16xf32>,
        %get3A_693 = arith.index_cast %add3A_689 : i32 to index
        %get3A_694 = arith.constant 16 : index
        %get3A_695 = tpu.vector_load %arg9[%get3A_693, %get3A_694] {strides = array<i32>} : memref<288x128xf32, #tpu.memory_space<vmem>>, vector<16xf32>,
        %get3A_696 = arith.index_cast %add3A_689 : i32 to index
        %get3A_697 = arith.constant 32 : index
        %get3A_698 = tpu.vector_load %arg9[%get3A_696, %get3A_697] {strides = array<i32>} : memref<288x128xf32, #tpu.memory_space<vmem>>, vector<16xf32>,
        %get3A_699 = arith.index_cast %add3A_689 : i32 to index
        %get3A_700 = arith.constant 48 : index
        %get3A_701 = tpu.vector_load %arg9[%get3A_699, %get3A_700] {strides = array<i32>} : memref<288x128xf32, #tpu.memory_space<vmem>>, vector<16xf32>,
        %get3A_702 = arith.index_cast %add3A_689 : i32 to index
        %get3A_703 = arith.constant 64 : index
        %get3A_704 = tpu.vector_load %arg9[%get3A_702, %get3A_703] {strides = array<i32>} : memref<288x128xf32, #tpu.memory_space<vmem>>, vector<16xf32>,
        %get3A_705 = arith.index_cast %add3A_689 : i32 to index
        %get3A_706 = arith.constant 80 : index
        %get3A_707 = tpu.vector_load %arg9[%get3A_705, %get3A_706] {strides = array<i32>} : memref<288x128xf32, #tpu.memory_space<vmem>>, vector<16xf32>,
        %get3A_708 = arith.index_cast %add3A_689 : i32 to index
        %get3A_709 = arith.constant 96 : index
        %get3A_710 = tpu.vector_load %arg9[%get3A_708, %get3A_709] {strides = array<i32>} : memref<288x128xf32, #tpu.memory_space<vmem>>, vector<16xf32>,
        %get3A_711 = arith.index_cast %add3A_689 : i32 to index
        %get3A_712 = arith.constant 112 : index
        %get3A_713 = tpu.vector_load %arg9[%get3A_711, %get3A_712] {strides = array<i32>} : memref<288x128xf32, #tpu.memory_space<vmem>>, vector<16xf32>,
        %add3A_714 = arith.addf %mul3A_678, %mul3A_679 : vector<16xf32>
        %add3A_715 = arith.addf %mul3A_680, %mul3A_681 : vector<16xf32>
        %add3A_716 = arith.addf %mul3A_682, %mul3A_683 : vector<16xf32>
        %add3A_717 = arith.addf %mul3A_684, %mul3A_685 : vector<16xf32>
        %add3A_718 = arith.addf %add3A_714, %add3A_715 : vector<16xf32>
        %add3A_719 = arith.addf %add3A_716, %add3A_717 : vector<16xf32>
        %add3A_720 = arith.addf %add3A_718, %add3A_719 : vector<16xf32>
        %reduce_sum3A_721 = arith.constant true
        %reduce_sum3A_722 = vector.broadcast %reduce_sum3A_721 : i1 to vector<16xi1>
        %reduce_sum3A_723 = tpu.scan <sum>, %add3A_720 masked %reduce_sum3A_722 : vector<16xf32>, vector<16xi1> -> vector<16xf32>
        %reduce_sum3A_724 = vector.extract %reduce_sum3A_723[15] : f32 from vector<16xf32>
        %add3A_725 = arith.constant 9 : i32
        %add3A_726 = arith.addi %mul3A_174, %add3A_725 : i32
        %sub3A_727 = arith.constant 1 : i32
        %sub3A_728 = arith.subi %add3A_726, %sub3A_727 : i32
        %broadcast_in_dim3A_729 = vector.broadcast %reduce_sum3A_670 : f32 to vector<16xf32>
        %swap3A_730 = arith.index_cast %sub3A_728 : i32 to index
        %swap3A_731 = tpu.vector_load %arg11[%swap3A_730] masked %eq3A_8 {strides = array<i32>} : memref<4736xf32, #tpu.memory_space<vmem>>, vector<16xf32>, vector<16xi1>
        tpu.vector_store %arg11[%swap3A_730], %broadcast_in_dim3A_729 masked %eq3A_8 {strides = array<i32>} : memref<4736xf32, #tpu.memory_space<vmem>>, vector<16xf32>, vector<16xi1>
        %mul3A_732 = arith.mulf %get3A_692, %get3A_151 : vector<16xf32>
        %mul3A_733 = arith.mulf %get3A_695, %get3A_154 : vector<16xf32>
        %mul3A_734 = arith.mulf %get3A_698, %get3A_157 : vector<16xf32>
        %mul3A_735 = arith.mulf %get3A_701, %get3A_160 : vector<16xf32>
        %mul3A_736 = arith.mulf %get3A_704, %get3A_163 : vector<16xf32>
        %mul3A_737 = arith.mulf %get3A_707, %get3A_166 : vector<16xf32>
        %mul3A_738 = arith.mulf %get3A_710, %get3A_169 : vector<16xf32>
        %mul3A_739 = arith.mulf %get3A_713, %get3A_172 : vector<16xf32>
        %mul3A_740 = arith.constant 36 : i32
        %mul3A_741 = arith.muli %scan3A_146, %mul3A_740 : i32
        %add3A_742 = arith.constant 11 : i32
        %add3A_743 = arith.addi %mul3A_741, %add3A_742 : i32
        %get3A_744 = arith.index_cast %add3A_743 : i32 to index
        %get3A_745 = arith.constant 0 : index
        %get3A_746 = tpu.vector_load %arg9[%get3A_744, %get3A_745] {strides = array<i32>} : memref<288x128xf32, #tpu.memory_space<vmem>>, vector<16xf32>,
        %get3A_747 = arith.index_cast %add3A_743 : i32 to index
        %get3A_748 = arith.constant 16 : index
        %get3A_749 = tpu.vector_load %arg9[%get3A_747, %get3A_748] {strides = array<i32>} : memref<288x128xf32, #tpu.memory_space<vmem>>, vector<16xf32>,
        %get3A_750 = arith.index_cast %add3A_743 : i32 to index
        %get3A_751 = arith.constant 32 : index
        %get3A_752 = tpu.vector_load %arg9[%get3A_750, %get3A_751] {strides = array<i32>} : memref<288x128xf32, #tpu.memory_space<vmem>>, vector<16xf32>,
        %get3A_753 = arith.index_cast %add3A_743 : i32 to index
        %get3A_754 = arith.constant 48 : index
        %get3A_755 = tpu.vector_load %arg9[%get3A_753, %get3A_754] {strides = array<i32>} : memref<288x128xf32, #tpu.memory_space<vmem>>, vector<16xf32>,
        %get3A_756 = arith.index_cast %add3A_743 : i32 to index
        %get3A_757 = arith.constant 64 : index
        %get3A_758 = tpu.vector_load %arg9[%get3A_756, %get3A_757] {strides = array<i32>} : memref<288x128xf32, #tpu.memory_space<vmem>>, vector<16xf32>,
        %get3A_759 = arith.index_cast %add3A_743 : i32 to index
        %get3A_760 = arith.constant 80 : index
        %get3A_761 = tpu.vector_load %arg9[%get3A_759, %get3A_760] {strides = array<i32>} : memref<288x128xf32, #tpu.memory_space<vmem>>, vector<16xf32>,
        %get3A_762 = arith.index_cast %add3A_743 : i32 to index
        %get3A_763 = arith.constant 96 : index
        %get3A_764 = tpu.vector_load %arg9[%get3A_762, %get3A_763] {strides = array<i32>} : memref<288x128xf32, #tpu.memory_space<vmem>>, vector<16xf32>,
        %get3A_765 = arith.index_cast %add3A_743 : i32 to index
        %get3A_766 = arith.constant 112 : index
        %get3A_767 = tpu.vector_load %arg9[%get3A_765, %get3A_766] {strides = array<i32>} : memref<288x128xf32, #tpu.memory_space<vmem>>, vector<16xf32>,
        %add3A_768 = arith.addf %mul3A_732, %mul3A_733 : vector<16xf32>
        %add3A_769 = arith.addf %mul3A_734, %mul3A_735 : vector<16xf32>
        %add3A_770 = arith.addf %mul3A_736, %mul3A_737 : vector<16xf32>
        %add3A_771 = arith.addf %mul3A_738, %mul3A_739 : vector<16xf32>
        %add3A_772 = arith.addf %add3A_768, %add3A_769 : vector<16xf32>
        %add3A_773 = arith.addf %add3A_770, %add3A_771 : vector<16xf32>
        %add3A_774 = arith.addf %add3A_772, %add3A_773 : vector<16xf32>
        %reduce_sum3A_775 = arith.constant true
        %reduce_sum3A_776 = vector.broadcast %reduce_sum3A_775 : i1 to vector<16xi1>
        %reduce_sum3A_777 = tpu.scan <sum>, %add3A_774 masked %reduce_sum3A_776 : vector<16xf32>, vector<16xi1> -> vector<16xf32>
        %reduce_sum3A_778 = vector.extract %reduce_sum3A_777[15] : f32 from vector<16xf32>
        %add3A_779 = arith.constant 10 : i32
        %add3A_780 = arith.addi %mul3A_174, %add3A_779 : i32
        %sub3A_781 = arith.constant 1 : i32
        %sub3A_782 = arith.subi %add3A_780, %sub3A_781 : i32
        %broadcast_in_dim3A_783 = vector.broadcast %reduce_sum3A_724 : f32 to vector<16xf32>
        %swap3A_784 = arith.index_cast %sub3A_782 : i32 to index
        %swap3A_785 = tpu.vector_load %arg11[%swap3A_784] masked %eq3A_8 {strides = array<i32>} : memref<4736xf32, #tpu.memory_space<vmem>>, vector<16xf32>, vector<16xi1>
        tpu.vector_store %arg11[%swap3A_784], %broadcast_in_dim3A_783 masked %eq3A_8 {strides = array<i32>} : memref<4736xf32, #tpu.memory_space<vmem>>, vector<16xf32>, vector<16xi1>
        %mul3A_786 = arith.mulf %get3A_746, %get3A_151 : vector<16xf32>
        %mul3A_787 = arith.mulf %get3A_749, %get3A_154 : vector<16xf32>
        %mul3A_788 = arith.mulf %get3A_752, %get3A_157 : vector<16xf32>
        %mul3A_789 = arith.mulf %get3A_755, %get3A_160 : vector<16xf32>
        %mul3A_790 = arith.mulf %get3A_758, %get3A_163 : vector<16xf32>
        %mul3A_791 = arith.mulf %get3A_761, %get3A_166 : vector<16xf32>
        %mul3A_792 = arith.mulf %get3A_764, %get3A_169 : vector<16xf32>
        %mul3A_793 = arith.mulf %get3A_767, %get3A_172 : vector<16xf32>
        %mul3A_794 = arith.constant 36 : i32
        %mul3A_795 = arith.muli %scan3A_146, %mul3A_794 : i32
        %add3A_796 = arith.constant 12 : i32
        %add3A_797 = arith.addi %mul3A_795, %add3A_796 : i32
        %get3A_798 = arith.index_cast %add3A_797 : i32 to index
        %get3A_799 = arith.constant 0 : index
        %get3A_800 = tpu.vector_load %arg9[%get3A_798, %get3A_799] {strides = array<i32>} : memref<288x128xf32, #tpu.memory_space<vmem>>, vector<16xf32>,
        %get3A_801 = arith.index_cast %add3A_797 : i32 to index
        %get3A_802 = arith.constant 16 : index
        %get3A_803 = tpu.vector_load %arg9[%get3A_801, %get3A_802] {strides = array<i32>} : memref<288x128xf32, #tpu.memory_space<vmem>>, vector<16xf32>,
        %get3A_804 = arith.index_cast %add3A_797 : i32 to index
        %get3A_805 = arith.constant 32 : index
        %get3A_806 = tpu.vector_load %arg9[%get3A_804, %get3A_805] {strides = array<i32>} : memref<288x128xf32, #tpu.memory_space<vmem>>, vector<16xf32>,
        %get3A_807 = arith.index_cast %add3A_797 : i32 to index
        %get3A_808 = arith.constant 48 : index
        %get3A_809 = tpu.vector_load %arg9[%get3A_807, %get3A_808] {strides = array<i32>} : memref<288x128xf32, #tpu.memory_space<vmem>>, vector<16xf32>,
        %get3A_810 = arith.index_cast %add3A_797 : i32 to index
        %get3A_811 = arith.constant 64 : index
        %get3A_812 = tpu.vector_load %arg9[%get3A_810, %get3A_811] {strides = array<i32>} : memref<288x128xf32, #tpu.memory_space<vmem>>, vector<16xf32>,
        %get3A_813 = arith.index_cast %add3A_797 : i32 to index
        %get3A_814 = arith.constant 80 : index
        %get3A_815 = tpu.vector_load %arg9[%get3A_813, %get3A_814] {strides = array<i32>} : memref<288x128xf32, #tpu.memory_space<vmem>>, vector<16xf32>,
        %get3A_816 = arith.index_cast %add3A_797 : i32 to index
        %get3A_817 = arith.constant 96 : index
        %get3A_818 = tpu.vector_load %arg9[%get3A_816, %get3A_817] {strides = array<i32>} : memref<288x128xf32, #tpu.memory_space<vmem>>, vector<16xf32>,
        %get3A_819 = arith.index_cast %add3A_797 : i32 to index
        %get3A_820 = arith.constant 112 : index
        %get3A_821 = tpu.vector_load %arg9[%get3A_819, %get3A_820] {strides = array<i32>} : memref<288x128xf32, #tpu.memory_space<vmem>>, vector<16xf32>,
        %add3A_822 = arith.addf %mul3A_786, %mul3A_787 : vector<16xf32>
        %add3A_823 = arith.addf %mul3A_788, %mul3A_789 : vector<16xf32>
        %add3A_824 = arith.addf %mul3A_790, %mul3A_791 : vector<16xf32>
        %add3A_825 = arith.addf %mul3A_792, %mul3A_793 : vector<16xf32>
        %add3A_826 = arith.addf %add3A_822, %add3A_823 : vector<16xf32>
        %add3A_827 = arith.addf %add3A_824, %add3A_825 : vector<16xf32>
        %add3A_828 = arith.addf %add3A_826, %add3A_827 : vector<16xf32>
        %reduce_sum3A_829 = arith.constant true
        %reduce_sum3A_830 = vector.broadcast %reduce_sum3A_829 : i1 to vector<16xi1>
        %reduce_sum3A_831 = tpu.scan <sum>, %add3A_828 masked %reduce_sum3A_830 : vector<16xf32>, vector<16xi1> -> vector<16xf32>
        %reduce_sum3A_832 = vector.extract %reduce_sum3A_831[15] : f32 from vector<16xf32>
        %add3A_833 = arith.constant 11 : i32
        %add3A_834 = arith.addi %mul3A_174, %add3A_833 : i32
        %sub3A_835 = arith.constant 1 : i32
        %sub3A_836 = arith.subi %add3A_834, %sub3A_835 : i32
        %broadcast_in_dim3A_837 = vector.broadcast %reduce_sum3A_778 : f32 to vector<16xf32>
        %swap3A_838 = arith.index_cast %sub3A_836 : i32 to index
        %swap3A_839 = tpu.vector_load %arg11[%swap3A_838] masked %eq3A_8 {strides = array<i32>} : memref<4736xf32, #tpu.memory_space<vmem>>, vector<16xf32>, vector<16xi1>
        tpu.vector_store %arg11[%swap3A_838], %broadcast_in_dim3A_837 masked %eq3A_8 {strides = array<i32>} : memref<4736xf32, #tpu.memory_space<vmem>>, vector<16xf32>, vector<16xi1>
        %mul3A_840 = arith.mulf %get3A_800, %get3A_151 : vector<16xf32>
        %mul3A_841 = arith.mulf %get3A_803, %get3A_154 : vector<16xf32>
        %mul3A_842 = arith.mulf %get3A_806, %get3A_157 : vector<16xf32>
        %mul3A_843 = arith.mulf %get3A_809, %get3A_160 : vector<16xf32>
        %mul3A_844 = arith.mulf %get3A_812, %get3A_163 : vector<16xf32>
        %mul3A_845 = arith.mulf %get3A_815, %get3A_166 : vector<16xf32>
        %mul3A_846 = arith.mulf %get3A_818, %get3A_169 : vector<16xf32>
        %mul3A_847 = arith.mulf %get3A_821, %get3A_172 : vector<16xf32>
        %mul3A_848 = arith.constant 36 : i32
        %mul3A_849 = arith.muli %scan3A_146, %mul3A_848 : i32
        %add3A_850 = arith.constant 13 : i32
        %add3A_851 = arith.addi %mul3A_849, %add3A_850 : i32
        %get3A_852 = arith.index_cast %add3A_851 : i32 to index
        %get3A_853 = arith.constant 0 : index
        %get3A_854 = tpu.vector_load %arg9[%get3A_852, %get3A_853] {strides = array<i32>} : memref<288x128xf32, #tpu.memory_space<vmem>>, vector<16xf32>,
        %get3A_855 = arith.index_cast %add3A_851 : i32 to index
        %get3A_856 = arith.constant 16 : index
        %get3A_857 = tpu.vector_load %arg9[%get3A_855, %get3A_856] {strides = array<i32>} : memref<288x128xf32, #tpu.memory_space<vmem>>, vector<16xf32>,
        %get3A_858 = arith.index_cast %add3A_851 : i32 to index
        %get3A_859 = arith.constant 32 : index
        %get3A_860 = tpu.vector_load %arg9[%get3A_858, %get3A_859] {strides = array<i32>} : memref<288x128xf32, #tpu.memory_space<vmem>>, vector<16xf32>,
        %get3A_861 = arith.index_cast %add3A_851 : i32 to index
        %get3A_862 = arith.constant 48 : index
        %get3A_863 = tpu.vector_load %arg9[%get3A_861, %get3A_862] {strides = array<i32>} : memref<288x128xf32, #tpu.memory_space<vmem>>, vector<16xf32>,
        %get3A_864 = arith.index_cast %add3A_851 : i32 to index
        %get3A_865 = arith.constant 64 : index
        %get3A_866 = tpu.vector_load %arg9[%get3A_864, %get3A_865] {strides = array<i32>} : memref<288x128xf32, #tpu.memory_space<vmem>>, vector<16xf32>,
        %get3A_867 = arith.index_cast %add3A_851 : i32 to index
        %get3A_868 = arith.constant 80 : index
        %get3A_869 = tpu.vector_load %arg9[%get3A_867, %get3A_868] {strides = array<i32>} : memref<288x128xf32, #tpu.memory_space<vmem>>, vector<16xf32>,
        %get3A_870 = arith.index_cast %add3A_851 : i32 to index
        %get3A_871 = arith.constant 96 : index
        %get3A_872 = tpu.vector_load %arg9[%get3A_870, %get3A_871] {strides = array<i32>} : memref<288x128xf32, #tpu.memory_space<vmem>>, vector<16xf32>,
        %get3A_873 = arith.index_cast %add3A_851 : i32 to index
        %get3A_874 = arith.constant 112 : index
        %get3A_875 = tpu.vector_load %arg9[%get3A_873, %get3A_874] {strides = array<i32>} : memref<288x128xf32, #tpu.memory_space<vmem>>, vector<16xf32>,
        %add3A_876 = arith.addf %mul3A_840, %mul3A_841 : vector<16xf32>
        %add3A_877 = arith.addf %mul3A_842, %mul3A_843 : vector<16xf32>
        %add3A_878 = arith.addf %mul3A_844, %mul3A_845 : vector<16xf32>
        %add3A_879 = arith.addf %mul3A_846, %mul3A_847 : vector<16xf32>
        %add3A_880 = arith.addf %add3A_876, %add3A_877 : vector<16xf32>
        %add3A_881 = arith.addf %add3A_878, %add3A_879 : vector<16xf32>
        %add3A_882 = arith.addf %add3A_880, %add3A_881 : vector<16xf32>
        %reduce_sum3A_883 = arith.constant true
        %reduce_sum3A_884 = vector.broadcast %reduce_sum3A_883 : i1 to vector<16xi1>
        %reduce_sum3A_885 = tpu.scan <sum>, %add3A_882 masked %reduce_sum3A_884 : vector<16xf32>, vector<16xi1> -> vector<16xf32>
        %reduce_sum3A_886 = vector.extract %reduce_sum3A_885[15] : f32 from vector<16xf32>
        %add3A_887 = arith.constant 12 : i32
        %add3A_888 = arith.addi %mul3A_174, %add3A_887 : i32
        %sub3A_889 = arith.constant 1 : i32
        %sub3A_890 = arith.subi %add3A_888, %sub3A_889 : i32
        %broadcast_in_dim3A_891 = vector.broadcast %reduce_sum3A_832 : f32 to vector<16xf32>
        %swap3A_892 = arith.index_cast %sub3A_890 : i32 to index
        %swap3A_893 = tpu.vector_load %arg11[%swap3A_892] masked %eq3A_8 {strides = array<i32>} : memref<4736xf32, #tpu.memory_space<vmem>>, vector<16xf32>, vector<16xi1>
        tpu.vector_store %arg11[%swap3A_892], %broadcast_in_dim3A_891 masked %eq3A_8 {strides = array<i32>} : memref<4736xf32, #tpu.memory_space<vmem>>, vector<16xf32>, vector<16xi1>
        %mul3A_894 = arith.mulf %get3A_854, %get3A_151 : vector<16xf32>
        %mul3A_895 = arith.mulf %get3A_857, %get3A_154 : vector<16xf32>
        %mul3A_896 = arith.mulf %get3A_860, %get3A_157 : vector<16xf32>
        %mul3A_897 = arith.mulf %get3A_863, %get3A_160 : vector<16xf32>
        %mul3A_898 = arith.mulf %get3A_866, %get3A_163 : vector<16xf32>
        %mul3A_899 = arith.mulf %get3A_869, %get3A_166 : vector<16xf32>
        %mul3A_900 = arith.mulf %get3A_872, %get3A_169 : vector<16xf32>
        %mul3A_901 = arith.mulf %get3A_875, %get3A_172 : vector<16xf32>
        %mul3A_902 = arith.constant 36 : i32
        %mul3A_903 = arith.muli %scan3A_146, %mul3A_902 : i32
        %add3A_904 = arith.constant 14 : i32
        %add3A_905 = arith.addi %mul3A_903, %add3A_904 : i32
        %get3A_906 = arith.index_cast %add3A_905 : i32 to index
        %get3A_907 = arith.constant 0 : index
        %get3A_908 = tpu.vector_load %arg9[%get3A_906, %get3A_907] {strides = array<i32>} : memref<288x128xf32, #tpu.memory_space<vmem>>, vector<16xf32>,
        %get3A_909 = arith.index_cast %add3A_905 : i32 to index
        %get3A_910 = arith.constant 16 : index
        %get3A_911 = tpu.vector_load %arg9[%get3A_909, %get3A_910] {strides = array<i32>} : memref<288x128xf32, #tpu.memory_space<vmem>>, vector<16xf32>,
        %get3A_912 = arith.index_cast %add3A_905 : i32 to index
        %get3A_913 = arith.constant 32 : index
        %get3A_914 = tpu.vector_load %arg9[%get3A_912, %get3A_913] {strides = array<i32>} : memref<288x128xf32, #tpu.memory_space<vmem>>, vector<16xf32>,
        %get3A_915 = arith.index_cast %add3A_905 : i32 to index
        %get3A_916 = arith.constant 48 : index
        %get3A_917 = tpu.vector_load %arg9[%get3A_915, %get3A_916] {strides = array<i32>} : memref<288x128xf32, #tpu.memory_space<vmem>>, vector<16xf32>,
        %get3A_918 = arith.index_cast %add3A_905 : i32 to index
        %get3A_919 = arith.constant 64 : index
        %get3A_920 = tpu.vector_load %arg9[%get3A_918, %get3A_919] {strides = array<i32>} : memref<288x128xf32, #tpu.memory_space<vmem>>, vector<16xf32>,
        %get3A_921 = arith.index_cast %add3A_905 : i32 to index
        %get3A_922 = arith.constant 80 : index
        %get3A_923 = tpu.vector_load %arg9[%get3A_921, %get3A_922] {strides = array<i32>} : memref<288x128xf32, #tpu.memory_space<vmem>>, vector<16xf32>,
        %get3A_924 = arith.index_cast %add3A_905 : i32 to index
        %get3A_925 = arith.constant 96 : index
        %get3A_926 = tpu.vector_load %arg9[%get3A_924, %get3A_925] {strides = array<i32>} : memref<288x128xf32, #tpu.memory_space<vmem>>, vector<16xf32>,
        %get3A_927 = arith.index_cast %add3A_905 : i32 to index
        %get3A_928 = arith.constant 112 : index
        %get3A_929 = tpu.vector_load %arg9[%get3A_927, %get3A_928] {strides = array<i32>} : memref<288x128xf32, #tpu.memory_space<vmem>>, vector<16xf32>,
        %add3A_930 = arith.addf %mul3A_894, %mul3A_895 : vector<16xf32>
        %add3A_931 = arith.addf %mul3A_896, %mul3A_897 : vector<16xf32>
        %add3A_932 = arith.addf %mul3A_898, %mul3A_899 : vector<16xf32>
        %add3A_933 = arith.addf %mul3A_900, %mul3A_901 : vector<16xf32>
        %add3A_934 = arith.addf %add3A_930, %add3A_931 : vector<16xf32>
        %add3A_935 = arith.addf %add3A_932, %add3A_933 : vector<16xf32>
        %add3A_936 = arith.addf %add3A_934, %add3A_935 : vector<16xf32>
        %reduce_sum3A_937 = arith.constant true
        %reduce_sum3A_938 = vector.broadcast %reduce_sum3A_937 : i1 to vector<16xi1>
        %reduce_sum3A_939 = tpu.scan <sum>, %add3A_936 masked %reduce_sum3A_938 : vector<16xf32>, vector<16xi1> -> vector<16xf32>
        %reduce_sum3A_940 = vector.extract %reduce_sum3A_939[15] : f32 from vector<16xf32>
        %add3A_941 = arith.constant 13 : i32
        %add3A_942 = arith.addi %mul3A_174, %add3A_941 : i32
        %sub3A_943 = arith.constant 1 : i32
        %sub3A_944 = arith.subi %add3A_942, %sub3A_943 : i32
        %broadcast_in_dim3A_945 = vector.broadcast %reduce_sum3A_886 : f32 to vector<16xf32>
        %swap3A_946 = arith.index_cast %sub3A_944 : i32 to index
        %swap3A_947 = tpu.vector_load %arg11[%swap3A_946] masked %eq3A_8 {strides = array<i32>} : memref<4736xf32, #tpu.memory_space<vmem>>, vector<16xf32>, vector<16xi1>
        tpu.vector_store %arg11[%swap3A_946], %broadcast_in_dim3A_945 masked %eq3A_8 {strides = array<i32>} : memref<4736xf32, #tpu.memory_space<vmem>>, vector<16xf32>, vector<16xi1>
        %mul3A_948 = arith.mulf %get3A_908, %get3A_151 : vector<16xf32>
        %mul3A_949 = arith.mulf %get3A_911, %get3A_154 : vector<16xf32>
        %mul3A_950 = arith.mulf %get3A_914, %get3A_157 : vector<16xf32>
        %mul3A_951 = arith.mulf %get3A_917, %get3A_160 : vector<16xf32>
        %mul3A_952 = arith.mulf %get3A_920, %get3A_163 : vector<16xf32>
        %mul3A_953 = arith.mulf %get3A_923, %get3A_166 : vector<16xf32>
        %mul3A_954 = arith.mulf %get3A_926, %get3A_169 : vector<16xf32>
        %mul3A_955 = arith.mulf %get3A_929, %get3A_172 : vector<16xf32>
        %mul3A_956 = arith.constant 36 : i32
        %mul3A_957 = arith.muli %scan3A_146, %mul3A_956 : i32
        %add3A_958 = arith.constant 15 : i32
        %add3A_959 = arith.addi %mul3A_957, %add3A_958 : i32
        %get3A_960 = arith.index_cast %add3A_959 : i32 to index
        %get3A_961 = arith.constant 0 : index
        %get3A_962 = tpu.vector_load %arg9[%get3A_960, %get3A_961] {strides = array<i32>} : memref<288x128xf32, #tpu.memory_space<vmem>>, vector<16xf32>,
        %get3A_963 = arith.index_cast %add3A_959 : i32 to index
        %get3A_964 = arith.constant 16 : index
        %get3A_965 = tpu.vector_load %arg9[%get3A_963, %get3A_964] {strides = array<i32>} : memref<288x128xf32, #tpu.memory_space<vmem>>, vector<16xf32>,
        %get3A_966 = arith.index_cast %add3A_959 : i32 to index
        %get3A_967 = arith.constant 32 : index
        %get3A_968 = tpu.vector_load %arg9[%get3A_966, %get3A_967] {strides = array<i32>} : memref<288x128xf32, #tpu.memory_space<vmem>>, vector<16xf32>,
        %get3A_969 = arith.index_cast %add3A_959 : i32 to index
        %get3A_970 = arith.constant 48 : index
        %get3A_971 = tpu.vector_load %arg9[%get3A_969, %get3A_970] {strides = array<i32>} : memref<288x128xf32, #tpu.memory_space<vmem>>, vector<16xf32>,
        %get3A_972 = arith.index_cast %add3A_959 : i32 to index
        %get3A_973 = arith.constant 64 : index
        %get3A_974 = tpu.vector_load %arg9[%get3A_972, %get3A_973] {strides = array<i32>} : memref<288x128xf32, #tpu.memory_space<vmem>>, vector<16xf32>,
        %get3A_975 = arith.index_cast %add3A_959 : i32 to index
        %get3A_976 = arith.constant 80 : index
        %get3A_977 = tpu.vector_load %arg9[%get3A_975, %get3A_976] {strides = array<i32>} : memref<288x128xf32, #tpu.memory_space<vmem>>, vector<16xf32>,
        %get3A_978 = arith.index_cast %add3A_959 : i32 to index
        %get3A_979 = arith.constant 96 : index
        %get3A_980 = tpu.vector_load %arg9[%get3A_978, %get3A_979] {strides = array<i32>} : memref<288x128xf32, #tpu.memory_space<vmem>>, vector<16xf32>,
        %get3A_981 = arith.index_cast %add3A_959 : i32 to index
        %get3A_982 = arith.constant 112 : index
        %get3A_983 = tpu.vector_load %arg9[%get3A_981, %get3A_982] {strides = array<i32>} : memref<288x128xf32, #tpu.memory_space<vmem>>, vector<16xf32>,
        %add3A_984 = arith.addf %mul3A_948, %mul3A_949 : vector<16xf32>
        %add3A_985 = arith.addf %mul3A_950, %mul3A_951 : vector<16xf32>
        %add3A_986 = arith.addf %mul3A_952, %mul3A_953 : vector<16xf32>
        %add3A_987 = arith.addf %mul3A_954, %mul3A_955 : vector<16xf32>
        %add3A_988 = arith.addf %add3A_984, %add3A_985 : vector<16xf32>
        %add3A_989 = arith.addf %add3A_986, %add3A_987 : vector<16xf32>
        %add3A_990 = arith.addf %add3A_988, %add3A_989 : vector<16xf32>
        %reduce_sum3A_991 = arith.constant true
        %reduce_sum3A_992 = vector.broadcast %reduce_sum3A_991 : i1 to vector<16xi1>
        %reduce_sum3A_993 = tpu.scan <sum>, %add3A_990 masked %reduce_sum3A_992 : vector<16xf32>, vector<16xi1> -> vector<16xf32>
        %reduce_sum3A_994 = vector.extract %reduce_sum3A_993[15] : f32 from vector<16xf32>
        %add3A_995 = arith.constant 14 : i32
        %add3A_996 = arith.addi %mul3A_174, %add3A_995 : i32
        %sub3A_997 = arith.constant 1 : i32
        %sub3A_998 = arith.subi %add3A_996, %sub3A_997 : i32
        %broadcast_in_dim3A_999 = vector.broadcast %reduce_sum3A_940 : f32 to vector<16xf32>
        %swap3A_1000 = arith.index_cast %sub3A_998 : i32 to index
        %swap3A_1001 = tpu.vector_load %arg11[%swap3A_1000] masked %eq3A_8 {strides = array<i32>} : memref<4736xf32, #tpu.memory_space<vmem>>, vector<16xf32>, vector<16xi1>
        tpu.vector_store %arg11[%swap3A_1000], %broadcast_in_dim3A_999 masked %eq3A_8 {strides = array<i32>} : memref<4736xf32, #tpu.memory_space<vmem>>, vector<16xf32>, vector<16xi1>
        %mul3A_1002 = arith.mulf %get3A_962, %get3A_151 : vector<16xf32>
        %mul3A_1003 = arith.mulf %get3A_965, %get3A_154 : vector<16xf32>
        %mul3A_1004 = arith.mulf %get3A_968, %get3A_157 : vector<16xf32>
        %mul3A_1005 = arith.mulf %get3A_971, %get3A_160 : vector<16xf32>
        %mul3A_1006 = arith.mulf %get3A_974, %get3A_163 : vector<16xf32>
        %mul3A_1007 = arith.mulf %get3A_977, %get3A_166 : vector<16xf32>
        %mul3A_1008 = arith.mulf %get3A_980, %get3A_169 : vector<16xf32>
        %mul3A_1009 = arith.mulf %get3A_983, %get3A_172 : vector<16xf32>
        %mul3A_1010 = arith.constant 36 : i32
        %mul3A_1011 = arith.muli %scan3A_146, %mul3A_1010 : i32
        %add3A_1012 = arith.constant 16 : i32
        %add3A_1013 = arith.addi %mul3A_1011, %add3A_1012 : i32
        %get3A_1014 = arith.index_cast %add3A_1013 : i32 to index
        %get3A_1015 = arith.constant 0 : index
        %get3A_1016 = tpu.vector_load %arg9[%get3A_1014, %get3A_1015] {strides = array<i32>} : memref<288x128xf32, #tpu.memory_space<vmem>>, vector<16xf32>,
        %get3A_1017 = arith.index_cast %add3A_1013 : i32 to index
        %get3A_1018 = arith.constant 16 : index
        %get3A_1019 = tpu.vector_load %arg9[%get3A_1017, %get3A_1018] {strides = array<i32>} : memref<288x128xf32, #tpu.memory_space<vmem>>, vector<16xf32>,
        %get3A_1020 = arith.index_cast %add3A_1013 : i32 to index
        %get3A_1021 = arith.constant 32 : index
        %get3A_1022 = tpu.vector_load %arg9[%get3A_1020, %get3A_1021] {strides = array<i32>} : memref<288x128xf32, #tpu.memory_space<vmem>>, vector<16xf32>,
        %get3A_1023 = arith.index_cast %add3A_1013 : i32 to index
        %get3A_1024 = arith.constant 48 : index
        %get3A_1025 = tpu.vector_load %arg9[%get3A_1023, %get3A_1024] {strides = array<i32>} : memref<288x128xf32, #tpu.memory_space<vmem>>, vector<16xf32>,
        %get3A_1026 = arith.index_cast %add3A_1013 : i32 to index
        %get3A_1027 = arith.constant 64 : index
        %get3A_1028 = tpu.vector_load %arg9[%get3A_1026, %get3A_1027] {strides = array<i32>} : memref<288x128xf32, #tpu.memory_space<vmem>>, vector<16xf32>,
        %get3A_1029 = arith.index_cast %add3A_1013 : i32 to index
        %get3A_1030 = arith.constant 80 : index
        %get3A_1031 = tpu.vector_load %arg9[%get3A_1029, %get3A_1030] {strides = array<i32>} : memref<288x128xf32, #tpu.memory_space<vmem>>, vector<16xf32>,
        %get3A_1032 = arith.index_cast %add3A_1013 : i32 to index
        %get3A_1033 = arith.constant 96 : index
        %get3A_1034 = tpu.vector_load %arg9[%get3A_1032, %get3A_1033] {strides = array<i32>} : memref<288x128xf32, #tpu.memory_space<vmem>>, vector<16xf32>,
        %get3A_1035 = arith.index_cast %add3A_1013 : i32 to index
        %get3A_1036 = arith.constant 112 : index
        %get3A_1037 = tpu.vector_load %arg9[%get3A_1035, %get3A_1036] {strides = array<i32>} : memref<288x128xf32, #tpu.memory_space<vmem>>, vector<16xf32>,
        %add3A_1038 = arith.addf %mul3A_1002, %mul3A_1003 : vector<16xf32>
        %add3A_1039 = arith.addf %mul3A_1004, %mul3A_1005 : vector<16xf32>
        %add3A_1040 = arith.addf %mul3A_1006, %mul3A_1007 : vector<16xf32>
        %add3A_1041 = arith.addf %mul3A_1008, %mul3A_1009 : vector<16xf32>
        %add3A_1042 = arith.addf %add3A_1038, %add3A_1039 : vector<16xf32>
        %add3A_1043 = arith.addf %add3A_1040, %add3A_1041 : vector<16xf32>
        %add3A_1044 = arith.addf %add3A_1042, %add3A_1043 : vector<16xf32>
        %reduce_sum3A_1045 = arith.constant true
        %reduce_sum3A_1046 = vector.broadcast %reduce_sum3A_1045 : i1 to vector<16xi1>
        %reduce_sum3A_1047 = tpu.scan <sum>, %add3A_1044 masked %reduce_sum3A_1046 : vector<16xf32>, vector<16xi1> -> vector<16xf32>
        %reduce_sum3A_1048 = vector.extract %reduce_sum3A_1047[15] : f32 from vector<16xf32>
        %add3A_1049 = arith.constant 15 : i32
        %add3A_1050 = arith.addi %mul3A_174, %add3A_1049 : i32
        %sub3A_1051 = arith.constant 1 : i32
        %sub3A_1052 = arith.subi %add3A_1050, %sub3A_1051 : i32
        %broadcast_in_dim3A_1053 = vector.broadcast %reduce_sum3A_994 : f32 to vector<16xf32>
        %swap3A_1054 = arith.index_cast %sub3A_1052 : i32 to index
        %swap3A_1055 = tpu.vector_load %arg11[%swap3A_1054] masked %eq3A_8 {strides = array<i32>} : memref<4736xf32, #tpu.memory_space<vmem>>, vector<16xf32>, vector<16xi1>
        tpu.vector_store %arg11[%swap3A_1054], %broadcast_in_dim3A_1053 masked %eq3A_8 {strides = array<i32>} : memref<4736xf32, #tpu.memory_space<vmem>>, vector<16xf32>, vector<16xi1>
        %mul3A_1056 = arith.mulf %get3A_1016, %get3A_151 : vector<16xf32>
        %mul3A_1057 = arith.mulf %get3A_1019, %get3A_154 : vector<16xf32>
        %mul3A_1058 = arith.mulf %get3A_1022, %get3A_157 : vector<16xf32>
        %mul3A_1059 = arith.mulf %get3A_1025, %get3A_160 : vector<16xf32>
        %mul3A_1060 = arith.mulf %get3A_1028, %get3A_163 : vector<16xf32>
        %mul3A_1061 = arith.mulf %get3A_1031, %get3A_166 : vector<16xf32>
        %mul3A_1062 = arith.mulf %get3A_1034, %get3A_169 : vector<16xf32>
        %mul3A_1063 = arith.mulf %get3A_1037, %get3A_172 : vector<16xf32>
        %mul3A_1064 = arith.constant 36 : i32
        %mul3A_1065 = arith.muli %scan3A_146, %mul3A_1064 : i32
        %add3A_1066 = arith.constant 17 : i32
        %add3A_1067 = arith.addi %mul3A_1065, %add3A_1066 : i32
        %get3A_1068 = arith.index_cast %add3A_1067 : i32 to index
        %get3A_1069 = arith.constant 0 : index
        %get3A_1070 = tpu.vector_load %arg9[%get3A_1068, %get3A_1069] {strides = array<i32>} : memref<288x128xf32, #tpu.memory_space<vmem>>, vector<16xf32>,
        %get3A_1071 = arith.index_cast %add3A_1067 : i32 to index
        %get3A_1072 = arith.constant 16 : index
        %get3A_1073 = tpu.vector_load %arg9[%get3A_1071, %get3A_1072] {strides = array<i32>} : memref<288x128xf32, #tpu.memory_space<vmem>>, vector<16xf32>,
        %get3A_1074 = arith.index_cast %add3A_1067 : i32 to index
        %get3A_1075 = arith.constant 32 : index
        %get3A_1076 = tpu.vector_load %arg9[%get3A_1074, %get3A_1075] {strides = array<i32>} : memref<288x128xf32, #tpu.memory_space<vmem>>, vector<16xf32>,
        %get3A_1077 = arith.index_cast %add3A_1067 : i32 to index
        %get3A_1078 = arith.constant 48 : index
        %get3A_1079 = tpu.vector_load %arg9[%get3A_1077, %get3A_1078] {strides = array<i32>} : memref<288x128xf32, #tpu.memory_space<vmem>>, vector<16xf32>,
        %get3A_1080 = arith.index_cast %add3A_1067 : i32 to index
        %get3A_1081 = arith.constant 64 : index
        %get3A_1082 = tpu.vector_load %arg9[%get3A_1080, %get3A_1081] {strides = array<i32>} : memref<288x128xf32, #tpu.memory_space<vmem>>, vector<16xf32>,
        %get3A_1083 = arith.index_cast %add3A_1067 : i32 to index
        %get3A_1084 = arith.constant 80 : index
        %get3A_1085 = tpu.vector_load %arg9[%get3A_1083, %get3A_1084] {strides = array<i32>} : memref<288x128xf32, #tpu.memory_space<vmem>>, vector<16xf32>,
        %get3A_1086 = arith.index_cast %add3A_1067 : i32 to index
        %get3A_1087 = arith.constant 96 : index
        %get3A_1088 = tpu.vector_load %arg9[%get3A_1086, %get3A_1087] {strides = array<i32>} : memref<288x128xf32, #tpu.memory_space<vmem>>, vector<16xf32>,
        %get3A_1089 = arith.index_cast %add3A_1067 : i32 to index
        %get3A_1090 = arith.constant 112 : index
        %get3A_1091 = tpu.vector_load %arg9[%get3A_1089, %get3A_1090] {strides = array<i32>} : memref<288x128xf32, #tpu.memory_space<vmem>>, vector<16xf32>,
        %add3A_1092 = arith.addf %mul3A_1056, %mul3A_1057 : vector<16xf32>
        %add3A_1093 = arith.addf %mul3A_1058, %mul3A_1059 : vector<16xf32>
        %add3A_1094 = arith.addf %mul3A_1060, %mul3A_1061 : vector<16xf32>
        %add3A_1095 = arith.addf %mul3A_1062, %mul3A_1063 : vector<16xf32>
        %add3A_1096 = arith.addf %add3A_1092, %add3A_1093 : vector<16xf32>
        %add3A_1097 = arith.addf %add3A_1094, %add3A_1095 : vector<16xf32>
        %add3A_1098 = arith.addf %add3A_1096, %add3A_1097 : vector<16xf32>
        %reduce_sum3A_1099 = arith.constant true
        %reduce_sum3A_1100 = vector.broadcast %reduce_sum3A_1099 : i1 to vector<16xi1>
        %reduce_sum3A_1101 = tpu.scan <sum>, %add3A_1098 masked %reduce_sum3A_1100 : vector<16xf32>, vector<16xi1> -> vector<16xf32>
        %reduce_sum3A_1102 = vector.extract %reduce_sum3A_1101[15] : f32 from vector<16xf32>
        %add3A_1103 = arith.constant 16 : i32
        %add3A_1104 = arith.addi %mul3A_174, %add3A_1103 : i32
        %sub3A_1105 = arith.constant 1 : i32
        %sub3A_1106 = arith.subi %add3A_1104, %sub3A_1105 : i32
        %broadcast_in_dim3A_1107 = vector.broadcast %reduce_sum3A_1048 : f32 to vector<16xf32>
        %swap3A_1108 = arith.index_cast %sub3A_1106 : i32 to index
        %swap3A_1109 = tpu.vector_load %arg11[%swap3A_1108] masked %eq3A_8 {strides = array<i32>} : memref<4736xf32, #tpu.memory_space<vmem>>, vector<16xf32>, vector<16xi1>
        tpu.vector_store %arg11[%swap3A_1108], %broadcast_in_dim3A_1107 masked %eq3A_8 {strides = array<i32>} : memref<4736xf32, #tpu.memory_space<vmem>>, vector<16xf32>, vector<16xi1>
        %mul3A_1110 = arith.mulf %get3A_1070, %get3A_151 : vector<16xf32>
        %mul3A_1111 = arith.mulf %get3A_1073, %get3A_154 : vector<16xf32>
        %mul3A_1112 = arith.mulf %get3A_1076, %get3A_157 : vector<16xf32>
        %mul3A_1113 = arith.mulf %get3A_1079, %get3A_160 : vector<16xf32>
        %mul3A_1114 = arith.mulf %get3A_1082, %get3A_163 : vector<16xf32>
        %mul3A_1115 = arith.mulf %get3A_1085, %get3A_166 : vector<16xf32>
        %mul3A_1116 = arith.mulf %get3A_1088, %get3A_169 : vector<16xf32>
        %mul3A_1117 = arith.mulf %get3A_1091, %get3A_172 : vector<16xf32>
        %mul3A_1118 = arith.constant 36 : i32
        %mul3A_1119 = arith.muli %scan3A_146, %mul3A_1118 : i32
        %add3A_1120 = arith.constant 18 : i32
        %add3A_1121 = arith.addi %mul3A_1119, %add3A_1120 : i32
        %get3A_1122 = arith.index_cast %add3A_1121 : i32 to index
        %get3A_1123 = arith.constant 0 : index
        %get3A_1124 = tpu.vector_load %arg9[%get3A_1122, %get3A_1123] {strides = array<i32>} : memref<288x128xf32, #tpu.memory_space<vmem>>, vector<16xf32>,
        %get3A_1125 = arith.index_cast %add3A_1121 : i32 to index
        %get3A_1126 = arith.constant 16 : index
        %get3A_1127 = tpu.vector_load %arg9[%get3A_1125, %get3A_1126] {strides = array<i32>} : memref<288x128xf32, #tpu.memory_space<vmem>>, vector<16xf32>,
        %get3A_1128 = arith.index_cast %add3A_1121 : i32 to index
        %get3A_1129 = arith.constant 32 : index
        %get3A_1130 = tpu.vector_load %arg9[%get3A_1128, %get3A_1129] {strides = array<i32>} : memref<288x128xf32, #tpu.memory_space<vmem>>, vector<16xf32>,
        %get3A_1131 = arith.index_cast %add3A_1121 : i32 to index
        %get3A_1132 = arith.constant 48 : index
        %get3A_1133 = tpu.vector_load %arg9[%get3A_1131, %get3A_1132] {strides = array<i32>} : memref<288x128xf32, #tpu.memory_space<vmem>>, vector<16xf32>,
        %get3A_1134 = arith.index_cast %add3A_1121 : i32 to index
        %get3A_1135 = arith.constant 64 : index
        %get3A_1136 = tpu.vector_load %arg9[%get3A_1134, %get3A_1135] {strides = array<i32>} : memref<288x128xf32, #tpu.memory_space<vmem>>, vector<16xf32>,
        %get3A_1137 = arith.index_cast %add3A_1121 : i32 to index
        %get3A_1138 = arith.constant 80 : index
        %get3A_1139 = tpu.vector_load %arg9[%get3A_1137, %get3A_1138] {strides = array<i32>} : memref<288x128xf32, #tpu.memory_space<vmem>>, vector<16xf32>,
        %get3A_1140 = arith.index_cast %add3A_1121 : i32 to index
        %get3A_1141 = arith.constant 96 : index
        %get3A_1142 = tpu.vector_load %arg9[%get3A_1140, %get3A_1141] {strides = array<i32>} : memref<288x128xf32, #tpu.memory_space<vmem>>, vector<16xf32>,
        %get3A_1143 = arith.index_cast %add3A_1121 : i32 to index
        %get3A_1144 = arith.constant 112 : index
        %get3A_1145 = tpu.vector_load %arg9[%get3A_1143, %get3A_1144] {strides = array<i32>} : memref<288x128xf32, #tpu.memory_space<vmem>>, vector<16xf32>,
        %add3A_1146 = arith.addf %mul3A_1110, %mul3A_1111 : vector<16xf32>
        %add3A_1147 = arith.addf %mul3A_1112, %mul3A_1113 : vector<16xf32>
        %add3A_1148 = arith.addf %mul3A_1114, %mul3A_1115 : vector<16xf32>
        %add3A_1149 = arith.addf %mul3A_1116, %mul3A_1117 : vector<16xf32>
        %add3A_1150 = arith.addf %add3A_1146, %add3A_1147 : vector<16xf32>
        %add3A_1151 = arith.addf %add3A_1148, %add3A_1149 : vector<16xf32>
        %add3A_1152 = arith.addf %add3A_1150, %add3A_1151 : vector<16xf32>
        %reduce_sum3A_1153 = arith.constant true
        %reduce_sum3A_1154 = vector.broadcast %reduce_sum3A_1153 : i1 to vector<16xi1>
        %reduce_sum3A_1155 = tpu.scan <sum>, %add3A_1152 masked %reduce_sum3A_1154 : vector<16xf32>, vector<16xi1> -> vector<16xf32>
        %reduce_sum3A_1156 = vector.extract %reduce_sum3A_1155[15] : f32 from vector<16xf32>
        %add3A_1157 = arith.constant 17 : i32
        %add3A_1158 = arith.addi %mul3A_174, %add3A_1157 : i32
        %sub3A_1159 = arith.constant 1 : i32
        %sub3A_1160 = arith.subi %add3A_1158, %sub3A_1159 : i32
        %broadcast_in_dim3A_1161 = vector.broadcast %reduce_sum3A_1102 : f32 to vector<16xf32>
        %swap3A_1162 = arith.index_cast %sub3A_1160 : i32 to index
        %swap3A_1163 = tpu.vector_load %arg11[%swap3A_1162] masked %eq3A_8 {strides = array<i32>} : memref<4736xf32, #tpu.memory_space<vmem>>, vector<16xf32>, vector<16xi1>
        tpu.vector_store %arg11[%swap3A_1162], %broadcast_in_dim3A_1161 masked %eq3A_8 {strides = array<i32>} : memref<4736xf32, #tpu.memory_space<vmem>>, vector<16xf32>, vector<16xi1>
        %mul3A_1164 = arith.mulf %get3A_1124, %get3A_151 : vector<16xf32>
        %mul3A_1165 = arith.mulf %get3A_1127, %get3A_154 : vector<16xf32>
        %mul3A_1166 = arith.mulf %get3A_1130, %get3A_157 : vector<16xf32>
        %mul3A_1167 = arith.mulf %get3A_1133, %get3A_160 : vector<16xf32>
        %mul3A_1168 = arith.mulf %get3A_1136, %get3A_163 : vector<16xf32>
        %mul3A_1169 = arith.mulf %get3A_1139, %get3A_166 : vector<16xf32>
        %mul3A_1170 = arith.mulf %get3A_1142, %get3A_169 : vector<16xf32>
        %mul3A_1171 = arith.mulf %get3A_1145, %get3A_172 : vector<16xf32>
        %mul3A_1172 = arith.constant 36 : i32
        %mul3A_1173 = arith.muli %scan3A_146, %mul3A_1172 : i32
        %add3A_1174 = arith.constant 19 : i32
        %add3A_1175 = arith.addi %mul3A_1173, %add3A_1174 : i32
        %get3A_1176 = arith.index_cast %add3A_1175 : i32 to index
        %get3A_1177 = arith.constant 0 : index
        %get3A_1178 = tpu.vector_load %arg9[%get3A_1176, %get3A_1177] {strides = array<i32>} : memref<288x128xf32, #tpu.memory_space<vmem>>, vector<16xf32>,
        %get3A_1179 = arith.index_cast %add3A_1175 : i32 to index
        %get3A_1180 = arith.constant 16 : index
        %get3A_1181 = tpu.vector_load %arg9[%get3A_1179, %get3A_1180] {strides = array<i32>} : memref<288x128xf32, #tpu.memory_space<vmem>>, vector<16xf32>,
        %get3A_1182 = arith.index_cast %add3A_1175 : i32 to index
        %get3A_1183 = arith.constant 32 : index
        %get3A_1184 = tpu.vector_load %arg9[%get3A_1182, %get3A_1183] {strides = array<i32>} : memref<288x128xf32, #tpu.memory_space<vmem>>, vector<16xf32>,
        %get3A_1185 = arith.index_cast %add3A_1175 : i32 to index
        %get3A_1186 = arith.constant 48 : index
        %get3A_1187 = tpu.vector_load %arg9[%get3A_1185, %get3A_1186] {strides = array<i32>} : memref<288x128xf32, #tpu.memory_space<vmem>>, vector<16xf32>,
        %get3A_1188 = arith.index_cast %add3A_1175 : i32 to index
        %get3A_1189 = arith.constant 64 : index
        %get3A_1190 = tpu.vector_load %arg9[%get3A_1188, %get3A_1189] {strides = array<i32>} : memref<288x128xf32, #tpu.memory_space<vmem>>, vector<16xf32>,
        %get3A_1191 = arith.index_cast %add3A_1175 : i32 to index
        %get3A_1192 = arith.constant 80 : index
        %get3A_1193 = tpu.vector_load %arg9[%get3A_1191, %get3A_1192] {strides = array<i32>} : memref<288x128xf32, #tpu.memory_space<vmem>>, vector<16xf32>,
        %get3A_1194 = arith.index_cast %add3A_1175 : i32 to index
        %get3A_1195 = arith.constant 96 : index
        %get3A_1196 = tpu.vector_load %arg9[%get3A_1194, %get3A_1195] {strides = array<i32>} : memref<288x128xf32, #tpu.memory_space<vmem>>, vector<16xf32>,
        %get3A_1197 = arith.index_cast %add3A_1175 : i32 to index
        %get3A_1198 = arith.constant 112 : index
        %get3A_1199 = tpu.vector_load %arg9[%get3A_1197, %get3A_1198] {strides = array<i32>} : memref<288x128xf32, #tpu.memory_space<vmem>>, vector<16xf32>,
        %add3A_1200 = arith.addf %mul3A_1164, %mul3A_1165 : vector<16xf32>
        %add3A_1201 = arith.addf %mul3A_1166, %mul3A_1167 : vector<16xf32>
        %add3A_1202 = arith.addf %mul3A_1168, %mul3A_1169 : vector<16xf32>
        %add3A_1203 = arith.addf %mul3A_1170, %mul3A_1171 : vector<16xf32>
        %add3A_1204 = arith.addf %add3A_1200, %add3A_1201 : vector<16xf32>
        %add3A_1205 = arith.addf %add3A_1202, %add3A_1203 : vector<16xf32>
        %add3A_1206 = arith.addf %add3A_1204, %add3A_1205 : vector<16xf32>
        %reduce_sum3A_1207 = arith.constant true
        %reduce_sum3A_1208 = vector.broadcast %reduce_sum3A_1207 : i1 to vector<16xi1>
        %reduce_sum3A_1209 = tpu.scan <sum>, %add3A_1206 masked %reduce_sum3A_1208 : vector<16xf32>, vector<16xi1> -> vector<16xf32>
        %reduce_sum3A_1210 = vector.extract %reduce_sum3A_1209[15] : f32 from vector<16xf32>
        %add3A_1211 = arith.constant 18 : i32
        %add3A_1212 = arith.addi %mul3A_174, %add3A_1211 : i32
        %sub3A_1213 = arith.constant 1 : i32
        %sub3A_1214 = arith.subi %add3A_1212, %sub3A_1213 : i32
        %broadcast_in_dim3A_1215 = vector.broadcast %reduce_sum3A_1156 : f32 to vector<16xf32>
        %swap3A_1216 = arith.index_cast %sub3A_1214 : i32 to index
        %swap3A_1217 = tpu.vector_load %arg11[%swap3A_1216] masked %eq3A_8 {strides = array<i32>} : memref<4736xf32, #tpu.memory_space<vmem>>, vector<16xf32>, vector<16xi1>
        tpu.vector_store %arg11[%swap3A_1216], %broadcast_in_dim3A_1215 masked %eq3A_8 {strides = array<i32>} : memref<4736xf32, #tpu.memory_space<vmem>>, vector<16xf32>, vector<16xi1>
        %mul3A_1218 = arith.mulf %get3A_1178, %get3A_151 : vector<16xf32>
        %mul3A_1219 = arith.mulf %get3A_1181, %get3A_154 : vector<16xf32>
        %mul3A_1220 = arith.mulf %get3A_1184, %get3A_157 : vector<16xf32>
        %mul3A_1221 = arith.mulf %get3A_1187, %get3A_160 : vector<16xf32>
        %mul3A_1222 = arith.mulf %get3A_1190, %get3A_163 : vector<16xf32>
        %mul3A_1223 = arith.mulf %get3A_1193, %get3A_166 : vector<16xf32>
        %mul3A_1224 = arith.mulf %get3A_1196, %get3A_169 : vector<16xf32>
        %mul3A_1225 = arith.mulf %get3A_1199, %get3A_172 : vector<16xf32>
        %mul3A_1226 = arith.constant 36 : i32
        %mul3A_1227 = arith.muli %scan3A_146, %mul3A_1226 : i32
        %add3A_1228 = arith.constant 20 : i32
        %add3A_1229 = arith.addi %mul3A_1227, %add3A_1228 : i32
        %get3A_1230 = arith.index_cast %add3A_1229 : i32 to index
        %get3A_1231 = arith.constant 0 : index
        %get3A_1232 = tpu.vector_load %arg9[%get3A_1230, %get3A_1231] {strides = array<i32>} : memref<288x128xf32, #tpu.memory_space<vmem>>, vector<16xf32>,
        %get3A_1233 = arith.index_cast %add3A_1229 : i32 to index
        %get3A_1234 = arith.constant 16 : index
        %get3A_1235 = tpu.vector_load %arg9[%get3A_1233, %get3A_1234] {strides = array<i32>} : memref<288x128xf32, #tpu.memory_space<vmem>>, vector<16xf32>,
        %get3A_1236 = arith.index_cast %add3A_1229 : i32 to index
        %get3A_1237 = arith.constant 32 : index
        %get3A_1238 = tpu.vector_load %arg9[%get3A_1236, %get3A_1237] {strides = array<i32>} : memref<288x128xf32, #tpu.memory_space<vmem>>, vector<16xf32>,
        %get3A_1239 = arith.index_cast %add3A_1229 : i32 to index
        %get3A_1240 = arith.constant 48 : index
        %get3A_1241 = tpu.vector_load %arg9[%get3A_1239, %get3A_1240] {strides = array<i32>} : memref<288x128xf32, #tpu.memory_space<vmem>>, vector<16xf32>,
        %get3A_1242 = arith.index_cast %add3A_1229 : i32 to index
        %get3A_1243 = arith.constant 64 : index
        %get3A_1244 = tpu.vector_load %arg9[%get3A_1242, %get3A_1243] {strides = array<i32>} : memref<288x128xf32, #tpu.memory_space<vmem>>, vector<16xf32>,
        %get3A_1245 = arith.index_cast %add3A_1229 : i32 to index
        %get3A_1246 = arith.constant 80 : index
        %get3A_1247 = tpu.vector_load %arg9[%get3A_1245, %get3A_1246] {strides = array<i32>} : memref<288x128xf32, #tpu.memory_space<vmem>>, vector<16xf32>,
        %get3A_1248 = arith.index_cast %add3A_1229 : i32 to index
        %get3A_1249 = arith.constant 96 : index
        %get3A_1250 = tpu.vector_load %arg9[%get3A_1248, %get3A_1249] {strides = array<i32>} : memref<288x128xf32, #tpu.memory_space<vmem>>, vector<16xf32>,
        %get3A_1251 = arith.index_cast %add3A_1229 : i32 to index
        %get3A_1252 = arith.constant 112 : index
        %get3A_1253 = tpu.vector_load %arg9[%get3A_1251, %get3A_1252] {strides = array<i32>} : memref<288x128xf32, #tpu.memory_space<vmem>>, vector<16xf32>,
        %add3A_1254 = arith.addf %mul3A_1218, %mul3A_1219 : vector<16xf32>
        %add3A_1255 = arith.addf %mul3A_1220, %mul3A_1221 : vector<16xf32>
        %add3A_1256 = arith.addf %mul3A_1222, %mul3A_1223 : vector<16xf32>
        %add3A_1257 = arith.addf %mul3A_1224, %mul3A_1225 : vector<16xf32>
        %add3A_1258 = arith.addf %add3A_1254, %add3A_1255 : vector<16xf32>
        %add3A_1259 = arith.addf %add3A_1256, %add3A_1257 : vector<16xf32>
        %add3A_1260 = arith.addf %add3A_1258, %add3A_1259 : vector<16xf32>
        %reduce_sum3A_1261 = arith.constant true
        %reduce_sum3A_1262 = vector.broadcast %reduce_sum3A_1261 : i1 to vector<16xi1>
        %reduce_sum3A_1263 = tpu.scan <sum>, %add3A_1260 masked %reduce_sum3A_1262 : vector<16xf32>, vector<16xi1> -> vector<16xf32>
        %reduce_sum3A_1264 = vector.extract %reduce_sum3A_1263[15] : f32 from vector<16xf32>
        %add3A_1265 = arith.constant 19 : i32
        %add3A_1266 = arith.addi %mul3A_174, %add3A_1265 : i32
        %sub3A_1267 = arith.constant 1 : i32
        %sub3A_1268 = arith.subi %add3A_1266, %sub3A_1267 : i32
        %broadcast_in_dim3A_1269 = vector.broadcast %reduce_sum3A_1210 : f32 to vector<16xf32>
        %swap3A_1270 = arith.index_cast %sub3A_1268 : i32 to index
        %swap3A_1271 = tpu.vector_load %arg11[%swap3A_1270] masked %eq3A_8 {strides = array<i32>} : memref<4736xf32, #tpu.memory_space<vmem>>, vector<16xf32>, vector<16xi1>
        tpu.vector_store %arg11[%swap3A_1270], %broadcast_in_dim3A_1269 masked %eq3A_8 {strides = array<i32>} : memref<4736xf32, #tpu.memory_space<vmem>>, vector<16xf32>, vector<16xi1>
        %mul3A_1272 = arith.mulf %get3A_1232, %get3A_151 : vector<16xf32>
        %mul3A_1273 = arith.mulf %get3A_1235, %get3A_154 : vector<16xf32>
        %mul3A_1274 = arith.mulf %get3A_1238, %get3A_157 : vector<16xf32>
        %mul3A_1275 = arith.mulf %get3A_1241, %get3A_160 : vector<16xf32>
        %mul3A_1276 = arith.mulf %get3A_1244, %get3A_163 : vector<16xf32>
        %mul3A_1277 = arith.mulf %get3A_1247, %get3A_166 : vector<16xf32>
        %mul3A_1278 = arith.mulf %get3A_1250, %get3A_169 : vector<16xf32>
        %mul3A_1279 = arith.mulf %get3A_1253, %get3A_172 : vector<16xf32>
        %mul3A_1280 = arith.constant 36 : i32
        %mul3A_1281 = arith.muli %scan3A_146, %mul3A_1280 : i32
        %add3A_1282 = arith.constant 21 : i32
        %add3A_1283 = arith.addi %mul3A_1281, %add3A_1282 : i32
        %get3A_1284 = arith.index_cast %add3A_1283 : i32 to index
        %get3A_1285 = arith.constant 0 : index
        %get3A_1286 = tpu.vector_load %arg9[%get3A_1284, %get3A_1285] {strides = array<i32>} : memref<288x128xf32, #tpu.memory_space<vmem>>, vector<16xf32>,
        %get3A_1287 = arith.index_cast %add3A_1283 : i32 to index
        %get3A_1288 = arith.constant 16 : index
        %get3A_1289 = tpu.vector_load %arg9[%get3A_1287, %get3A_1288] {strides = array<i32>} : memref<288x128xf32, #tpu.memory_space<vmem>>, vector<16xf32>,
        %get3A_1290 = arith.index_cast %add3A_1283 : i32 to index
        %get3A_1291 = arith.constant 32 : index
        %get3A_1292 = tpu.vector_load %arg9[%get3A_1290, %get3A_1291] {strides = array<i32>} : memref<288x128xf32, #tpu.memory_space<vmem>>, vector<16xf32>,
        %get3A_1293 = arith.index_cast %add3A_1283 : i32 to index
        %get3A_1294 = arith.constant 48 : index
        %get3A_1295 = tpu.vector_load %arg9[%get3A_1293, %get3A_1294] {strides = array<i32>} : memref<288x128xf32, #tpu.memory_space<vmem>>, vector<16xf32>,
        %get3A_1296 = arith.index_cast %add3A_1283 : i32 to index
        %get3A_1297 = arith.constant 64 : index
        %get3A_1298 = tpu.vector_load %arg9[%get3A_1296, %get3A_1297] {strides = array<i32>} : memref<288x128xf32, #tpu.memory_space<vmem>>, vector<16xf32>,
        %get3A_1299 = arith.index_cast %add3A_1283 : i32 to index
        %get3A_1300 = arith.constant 80 : index
        %get3A_1301 = tpu.vector_load %arg9[%get3A_1299, %get3A_1300] {strides = array<i32>} : memref<288x128xf32, #tpu.memory_space<vmem>>, vector<16xf32>,
        %get3A_1302 = arith.index_cast %add3A_1283 : i32 to index
        %get3A_1303 = arith.constant 96 : index
        %get3A_1304 = tpu.vector_load %arg9[%get3A_1302, %get3A_1303] {strides = array<i32>} : memref<288x128xf32, #tpu.memory_space<vmem>>, vector<16xf32>,
        %get3A_1305 = arith.index_cast %add3A_1283 : i32 to index
        %get3A_1306 = arith.constant 112 : index
        %get3A_1307 = tpu.vector_load %arg9[%get3A_1305, %get3A_1306] {strides = array<i32>} : memref<288x128xf32, #tpu.memory_space<vmem>>, vector<16xf32>,
        %add3A_1308 = arith.addf %mul3A_1272, %mul3A_1273 : vector<16xf32>
        %add3A_1309 = arith.addf %mul3A_1274, %mul3A_1275 : vector<16xf32>
        %add3A_1310 = arith.addf %mul3A_1276, %mul3A_1277 : vector<16xf32>
        %add3A_1311 = arith.addf %mul3A_1278, %mul3A_1279 : vector<16xf32>
        %add3A_1312 = arith.addf %add3A_1308, %add3A_1309 : vector<16xf32>
        %add3A_1313 = arith.addf %add3A_1310, %add3A_1311 : vector<16xf32>
        %add3A_1314 = arith.addf %add3A_1312, %add3A_1313 : vector<16xf32>
        %reduce_sum3A_1315 = arith.constant true
        %reduce_sum3A_1316 = vector.broadcast %reduce_sum3A_1315 : i1 to vector<16xi1>
        %reduce_sum3A_1317 = tpu.scan <sum>, %add3A_1314 masked %reduce_sum3A_1316 : vector<16xf32>, vector<16xi1> -> vector<16xf32>
        %reduce_sum3A_1318 = vector.extract %reduce_sum3A_1317[15] : f32 from vector<16xf32>
        %add3A_1319 = arith.constant 20 : i32
        %add3A_1320 = arith.addi %mul3A_174, %add3A_1319 : i32
        %sub3A_1321 = arith.constant 1 : i32
        %sub3A_1322 = arith.subi %add3A_1320, %sub3A_1321 : i32
        %broadcast_in_dim3A_1323 = vector.broadcast %reduce_sum3A_1264 : f32 to vector<16xf32>
        %swap3A_1324 = arith.index_cast %sub3A_1322 : i32 to index
        %swap3A_1325 = tpu.vector_load %arg11[%swap3A_1324] masked %eq3A_8 {strides = array<i32>} : memref<4736xf32, #tpu.memory_space<vmem>>, vector<16xf32>, vector<16xi1>
        tpu.vector_store %arg11[%swap3A_1324], %broadcast_in_dim3A_1323 masked %eq3A_8 {strides = array<i32>} : memref<4736xf32, #tpu.memory_space<vmem>>, vector<16xf32>, vector<16xi1>
        %mul3A_1326 = arith.mulf %get3A_1286, %get3A_151 : vector<16xf32>
        %mul3A_1327 = arith.mulf %get3A_1289, %get3A_154 : vector<16xf32>
        %mul3A_1328 = arith.mulf %get3A_1292, %get3A_157 : vector<16xf32>
        %mul3A_1329 = arith.mulf %get3A_1295, %get3A_160 : vector<16xf32>
        %mul3A_1330 = arith.mulf %get3A_1298, %get3A_163 : vector<16xf32>
        %mul3A_1331 = arith.mulf %get3A_1301, %get3A_166 : vector<16xf32>
        %mul3A_1332 = arith.mulf %get3A_1304, %get3A_169 : vector<16xf32>
        %mul3A_1333 = arith.mulf %get3A_1307, %get3A_172 : vector<16xf32>
        %mul3A_1334 = arith.constant 36 : i32
        %mul3A_1335 = arith.muli %scan3A_146, %mul3A_1334 : i32
        %add3A_1336 = arith.constant 22 : i32
        %add3A_1337 = arith.addi %mul3A_1335, %add3A_1336 : i32
        %get3A_1338 = arith.index_cast %add3A_1337 : i32 to index
        %get3A_1339 = arith.constant 0 : index
        %get3A_1340 = tpu.vector_load %arg9[%get3A_1338, %get3A_1339] {strides = array<i32>} : memref<288x128xf32, #tpu.memory_space<vmem>>, vector<16xf32>,
        %get3A_1341 = arith.index_cast %add3A_1337 : i32 to index
        %get3A_1342 = arith.constant 16 : index
        %get3A_1343 = tpu.vector_load %arg9[%get3A_1341, %get3A_1342] {strides = array<i32>} : memref<288x128xf32, #tpu.memory_space<vmem>>, vector<16xf32>,
        %get3A_1344 = arith.index_cast %add3A_1337 : i32 to index
        %get3A_1345 = arith.constant 32 : index
        %get3A_1346 = tpu.vector_load %arg9[%get3A_1344, %get3A_1345] {strides = array<i32>} : memref<288x128xf32, #tpu.memory_space<vmem>>, vector<16xf32>,
        %get3A_1347 = arith.index_cast %add3A_1337 : i32 to index
        %get3A_1348 = arith.constant 48 : index
        %get3A_1349 = tpu.vector_load %arg9[%get3A_1347, %get3A_1348] {strides = array<i32>} : memref<288x128xf32, #tpu.memory_space<vmem>>, vector<16xf32>,
        %get3A_1350 = arith.index_cast %add3A_1337 : i32 to index
        %get3A_1351 = arith.constant 64 : index
        %get3A_1352 = tpu.vector_load %arg9[%get3A_1350, %get3A_1351] {strides = array<i32>} : memref<288x128xf32, #tpu.memory_space<vmem>>, vector<16xf32>,
        %get3A_1353 = arith.index_cast %add3A_1337 : i32 to index
        %get3A_1354 = arith.constant 80 : index
        %get3A_1355 = tpu.vector_load %arg9[%get3A_1353, %get3A_1354] {strides = array<i32>} : memref<288x128xf32, #tpu.memory_space<vmem>>, vector<16xf32>,
        %get3A_1356 = arith.index_cast %add3A_1337 : i32 to index
        %get3A_1357 = arith.constant 96 : index
        %get3A_1358 = tpu.vector_load %arg9[%get3A_1356, %get3A_1357] {strides = array<i32>} : memref<288x128xf32, #tpu.memory_space<vmem>>, vector<16xf32>,
        %get3A_1359 = arith.index_cast %add3A_1337 : i32 to index
        %get3A_1360 = arith.constant 112 : index
        %get3A_1361 = tpu.vector_load %arg9[%get3A_1359, %get3A_1360] {strides = array<i32>} : memref<288x128xf32, #tpu.memory_space<vmem>>, vector<16xf32>,
        %add3A_1362 = arith.addf %mul3A_1326, %mul3A_1327 : vector<16xf32>
        %add3A_1363 = arith.addf %mul3A_1328, %mul3A_1329 : vector<16xf32>
        %add3A_1364 = arith.addf %mul3A_1330, %mul3A_1331 : vector<16xf32>
        %add3A_1365 = arith.addf %mul3A_1332, %mul3A_1333 : vector<16xf32>
        %add3A_1366 = arith.addf %add3A_1362, %add3A_1363 : vector<16xf32>
        %add3A_1367 = arith.addf %add3A_1364, %add3A_1365 : vector<16xf32>
        %add3A_1368 = arith.addf %add3A_1366, %add3A_1367 : vector<16xf32>
        %reduce_sum3A_1369 = arith.constant true
        %reduce_sum3A_1370 = vector.broadcast %reduce_sum3A_1369 : i1 to vector<16xi1>
        %reduce_sum3A_1371 = tpu.scan <sum>, %add3A_1368 masked %reduce_sum3A_1370 : vector<16xf32>, vector<16xi1> -> vector<16xf32>
        %reduce_sum3A_1372 = vector.extract %reduce_sum3A_1371[15] : f32 from vector<16xf32>
        %add3A_1373 = arith.constant 21 : i32
        %add3A_1374 = arith.addi %mul3A_174, %add3A_1373 : i32
        %sub3A_1375 = arith.constant 1 : i32
        %sub3A_1376 = arith.subi %add3A_1374, %sub3A_1375 : i32
        %broadcast_in_dim3A_1377 = vector.broadcast %reduce_sum3A_1318 : f32 to vector<16xf32>
        %swap3A_1378 = arith.index_cast %sub3A_1376 : i32 to index
        %swap3A_1379 = tpu.vector_load %arg11[%swap3A_1378] masked %eq3A_8 {strides = array<i32>} : memref<4736xf32, #tpu.memory_space<vmem>>, vector<16xf32>, vector<16xi1>
        tpu.vector_store %arg11[%swap3A_1378], %broadcast_in_dim3A_1377 masked %eq3A_8 {strides = array<i32>} : memref<4736xf32, #tpu.memory_space<vmem>>, vector<16xf32>, vector<16xi1>
        %mul3A_1380 = arith.mulf %get3A_1340, %get3A_151 : vector<16xf32>
        %mul3A_1381 = arith.mulf %get3A_1343, %get3A_154 : vector<16xf32>
        %mul3A_1382 = arith.mulf %get3A_1346, %get3A_157 : vector<16xf32>
        %mul3A_1383 = arith.mulf %get3A_1349, %get3A_160 : vector<16xf32>
        %mul3A_1384 = arith.mulf %get3A_1352, %get3A_163 : vector<16xf32>
        %mul3A_1385 = arith.mulf %get3A_1355, %get3A_166 : vector<16xf32>
        %mul3A_1386 = arith.mulf %get3A_1358, %get3A_169 : vector<16xf32>
        %mul3A_1387 = arith.mulf %get3A_1361, %get3A_172 : vector<16xf32>
        %mul3A_1388 = arith.constant 36 : i32
        %mul3A_1389 = arith.muli %scan3A_146, %mul3A_1388 : i32
        %add3A_1390 = arith.constant 23 : i32
        %add3A_1391 = arith.addi %mul3A_1389, %add3A_1390 : i32
        %get3A_1392 = arith.index_cast %add3A_1391 : i32 to index
        %get3A_1393 = arith.constant 0 : index
        %get3A_1394 = tpu.vector_load %arg9[%get3A_1392, %get3A_1393] {strides = array<i32>} : memref<288x128xf32, #tpu.memory_space<vmem>>, vector<16xf32>,
        %get3A_1395 = arith.index_cast %add3A_1391 : i32 to index
        %get3A_1396 = arith.constant 16 : index
        %get3A_1397 = tpu.vector_load %arg9[%get3A_1395, %get3A_1396] {strides = array<i32>} : memref<288x128xf32, #tpu.memory_space<vmem>>, vector<16xf32>,
        %get3A_1398 = arith.index_cast %add3A_1391 : i32 to index
        %get3A_1399 = arith.constant 32 : index
        %get3A_1400 = tpu.vector_load %arg9[%get3A_1398, %get3A_1399] {strides = array<i32>} : memref<288x128xf32, #tpu.memory_space<vmem>>, vector<16xf32>,
        %get3A_1401 = arith.index_cast %add3A_1391 : i32 to index
        %get3A_1402 = arith.constant 48 : index
        %get3A_1403 = tpu.vector_load %arg9[%get3A_1401, %get3A_1402] {strides = array<i32>} : memref<288x128xf32, #tpu.memory_space<vmem>>, vector<16xf32>,
        %get3A_1404 = arith.index_cast %add3A_1391 : i32 to index
        %get3A_1405 = arith.constant 64 : index
        %get3A_1406 = tpu.vector_load %arg9[%get3A_1404, %get3A_1405] {strides = array<i32>} : memref<288x128xf32, #tpu.memory_space<vmem>>, vector<16xf32>,
        %get3A_1407 = arith.index_cast %add3A_1391 : i32 to index
        %get3A_1408 = arith.constant 80 : index
        %get3A_1409 = tpu.vector_load %arg9[%get3A_1407, %get3A_1408] {strides = array<i32>} : memref<288x128xf32, #tpu.memory_space<vmem>>, vector<16xf32>,
        %get3A_1410 = arith.index_cast %add3A_1391 : i32 to index
        %get3A_1411 = arith.constant 96 : index
        %get3A_1412 = tpu.vector_load %arg9[%get3A_1410, %get3A_1411] {strides = array<i32>} : memref<288x128xf32, #tpu.memory_space<vmem>>, vector<16xf32>,
        %get3A_1413 = arith.index_cast %add3A_1391 : i32 to index
        %get3A_1414 = arith.constant 112 : index
        %get3A_1415 = tpu.vector_load %arg9[%get3A_1413, %get3A_1414] {strides = array<i32>} : memref<288x128xf32, #tpu.memory_space<vmem>>, vector<16xf32>,
        %add3A_1416 = arith.addf %mul3A_1380, %mul3A_1381 : vector<16xf32>
        %add3A_1417 = arith.addf %mul3A_1382, %mul3A_1383 : vector<16xf32>
        %add3A_1418 = arith.addf %mul3A_1384, %mul3A_1385 : vector<16xf32>
        %add3A_1419 = arith.addf %mul3A_1386, %mul3A_1387 : vector<16xf32>
        %add3A_1420 = arith.addf %add3A_1416, %add3A_1417 : vector<16xf32>
        %add3A_1421 = arith.addf %add3A_1418, %add3A_1419 : vector<16xf32>
        %add3A_1422 = arith.addf %add3A_1420, %add3A_1421 : vector<16xf32>
        %reduce_sum3A_1423 = arith.constant true
        %reduce_sum3A_1424 = vector.broadcast %reduce_sum3A_1423 : i1 to vector<16xi1>
        %reduce_sum3A_1425 = tpu.scan <sum>, %add3A_1422 masked %reduce_sum3A_1424 : vector<16xf32>, vector<16xi1> -> vector<16xf32>
        %reduce_sum3A_1426 = vector.extract %reduce_sum3A_1425[15] : f32 from vector<16xf32>
        %add3A_1427 = arith.constant 22 : i32
        %add3A_1428 = arith.addi %mul3A_174, %add3A_1427 : i32
        %sub3A_1429 = arith.constant 1 : i32
        %sub3A_1430 = arith.subi %add3A_1428, %sub3A_1429 : i32
        %broadcast_in_dim3A_1431 = vector.broadcast %reduce_sum3A_1372 : f32 to vector<16xf32>
        %swap3A_1432 = arith.index_cast %sub3A_1430 : i32 to index
        %swap3A_1433 = tpu.vector_load %arg11[%swap3A_1432] masked %eq3A_8 {strides = array<i32>} : memref<4736xf32, #tpu.memory_space<vmem>>, vector<16xf32>, vector<16xi1>
        tpu.vector_store %arg11[%swap3A_1432], %broadcast_in_dim3A_1431 masked %eq3A_8 {strides = array<i32>} : memref<4736xf32, #tpu.memory_space<vmem>>, vector<16xf32>, vector<16xi1>
        %mul3A_1434 = arith.mulf %get3A_1394, %get3A_151 : vector<16xf32>
        %mul3A_1435 = arith.mulf %get3A_1397, %get3A_154 : vector<16xf32>
        %mul3A_1436 = arith.mulf %get3A_1400, %get3A_157 : vector<16xf32>
        %mul3A_1437 = arith.mulf %get3A_1403, %get3A_160 : vector<16xf32>
        %mul3A_1438 = arith.mulf %get3A_1406, %get3A_163 : vector<16xf32>
        %mul3A_1439 = arith.mulf %get3A_1409, %get3A_166 : vector<16xf32>
        %mul3A_1440 = arith.mulf %get3A_1412, %get3A_169 : vector<16xf32>
        %mul3A_1441 = arith.mulf %get3A_1415, %get3A_172 : vector<16xf32>
        %mul3A_1442 = arith.constant 36 : i32
        %mul3A_1443 = arith.muli %scan3A_146, %mul3A_1442 : i32
        %add3A_1444 = arith.constant 24 : i32
        %add3A_1445 = arith.addi %mul3A_1443, %add3A_1444 : i32
        %get3A_1446 = arith.index_cast %add3A_1445 : i32 to index
        %get3A_1447 = arith.constant 0 : index
        %get3A_1448 = tpu.vector_load %arg9[%get3A_1446, %get3A_1447] {strides = array<i32>} : memref<288x128xf32, #tpu.memory_space<vmem>>, vector<16xf32>,
        %get3A_1449 = arith.index_cast %add3A_1445 : i32 to index
        %get3A_1450 = arith.constant 16 : index
        %get3A_1451 = tpu.vector_load %arg9[%get3A_1449, %get3A_1450] {strides = array<i32>} : memref<288x128xf32, #tpu.memory_space<vmem>>, vector<16xf32>,
        %get3A_1452 = arith.index_cast %add3A_1445 : i32 to index
        %get3A_1453 = arith.constant 32 : index
        %get3A_1454 = tpu.vector_load %arg9[%get3A_1452, %get3A_1453] {strides = array<i32>} : memref<288x128xf32, #tpu.memory_space<vmem>>, vector<16xf32>,
        %get3A_1455 = arith.index_cast %add3A_1445 : i32 to index
        %get3A_1456 = arith.constant 48 : index
        %get3A_1457 = tpu.vector_load %arg9[%get3A_1455, %get3A_1456] {strides = array<i32>} : memref<288x128xf32, #tpu.memory_space<vmem>>, vector<16xf32>,
        %get3A_1458 = arith.index_cast %add3A_1445 : i32 to index
        %get3A_1459 = arith.constant 64 : index
        %get3A_1460 = tpu.vector_load %arg9[%get3A_1458, %get3A_1459] {strides = array<i32>} : memref<288x128xf32, #tpu.memory_space<vmem>>, vector<16xf32>,
        %get3A_1461 = arith.index_cast %add3A_1445 : i32 to index
        %get3A_1462 = arith.constant 80 : index
        %get3A_1463 = tpu.vector_load %arg9[%get3A_1461, %get3A_1462] {strides = array<i32>} : memref<288x128xf32, #tpu.memory_space<vmem>>, vector<16xf32>,
        %get3A_1464 = arith.index_cast %add3A_1445 : i32 to index
        %get3A_1465 = arith.constant 96 : index
        %get3A_1466 = tpu.vector_load %arg9[%get3A_1464, %get3A_1465] {strides = array<i32>} : memref<288x128xf32, #tpu.memory_space<vmem>>, vector<16xf32>,
        %get3A_1467 = arith.index_cast %add3A_1445 : i32 to index
        %get3A_1468 = arith.constant 112 : index
        %get3A_1469 = tpu.vector_load %arg9[%get3A_1467, %get3A_1468] {strides = array<i32>} : memref<288x128xf32, #tpu.memory_space<vmem>>, vector<16xf32>,
        %add3A_1470 = arith.addf %mul3A_1434, %mul3A_1435 : vector<16xf32>
        %add3A_1471 = arith.addf %mul3A_1436, %mul3A_1437 : vector<16xf32>
        %add3A_1472 = arith.addf %mul3A_1438, %mul3A_1439 : vector<16xf32>
        %add3A_1473 = arith.addf %mul3A_1440, %mul3A_1441 : vector<16xf32>
        %add3A_1474 = arith.addf %add3A_1470, %add3A_1471 : vector<16xf32>
        %add3A_1475 = arith.addf %add3A_1472, %add3A_1473 : vector<16xf32>
        %add3A_1476 = arith.addf %add3A_1474, %add3A_1475 : vector<16xf32>
        %reduce_sum3A_1477 = arith.constant true
        %reduce_sum3A_1478 = vector.broadcast %reduce_sum3A_1477 : i1 to vector<16xi1>
        %reduce_sum3A_1479 = tpu.scan <sum>, %add3A_1476 masked %reduce_sum3A_1478 : vector<16xf32>, vector<16xi1> -> vector<16xf32>
        %reduce_sum3A_1480 = vector.extract %reduce_sum3A_1479[15] : f32 from vector<16xf32>
        %add3A_1481 = arith.constant 23 : i32
        %add3A_1482 = arith.addi %mul3A_174, %add3A_1481 : i32
        %sub3A_1483 = arith.constant 1 : i32
        %sub3A_1484 = arith.subi %add3A_1482, %sub3A_1483 : i32
        %broadcast_in_dim3A_1485 = vector.broadcast %reduce_sum3A_1426 : f32 to vector<16xf32>
        %swap3A_1486 = arith.index_cast %sub3A_1484 : i32 to index
        %swap3A_1487 = tpu.vector_load %arg11[%swap3A_1486] masked %eq3A_8 {strides = array<i32>} : memref<4736xf32, #tpu.memory_space<vmem>>, vector<16xf32>, vector<16xi1>
        tpu.vector_store %arg11[%swap3A_1486], %broadcast_in_dim3A_1485 masked %eq3A_8 {strides = array<i32>} : memref<4736xf32, #tpu.memory_space<vmem>>, vector<16xf32>, vector<16xi1>
        %mul3A_1488 = arith.mulf %get3A_1448, %get3A_151 : vector<16xf32>
        %mul3A_1489 = arith.mulf %get3A_1451, %get3A_154 : vector<16xf32>
        %mul3A_1490 = arith.mulf %get3A_1454, %get3A_157 : vector<16xf32>
        %mul3A_1491 = arith.mulf %get3A_1457, %get3A_160 : vector<16xf32>
        %mul3A_1492 = arith.mulf %get3A_1460, %get3A_163 : vector<16xf32>
        %mul3A_1493 = arith.mulf %get3A_1463, %get3A_166 : vector<16xf32>
        %mul3A_1494 = arith.mulf %get3A_1466, %get3A_169 : vector<16xf32>
        %mul3A_1495 = arith.mulf %get3A_1469, %get3A_172 : vector<16xf32>
        %mul3A_1496 = arith.constant 36 : i32
        %mul3A_1497 = arith.muli %scan3A_146, %mul3A_1496 : i32
        %add3A_1498 = arith.constant 25 : i32
        %add3A_1499 = arith.addi %mul3A_1497, %add3A_1498 : i32
        %get3A_1500 = arith.index_cast %add3A_1499 : i32 to index
        %get3A_1501 = arith.constant 0 : index
        %get3A_1502 = tpu.vector_load %arg9[%get3A_1500, %get3A_1501] {strides = array<i32>} : memref<288x128xf32, #tpu.memory_space<vmem>>, vector<16xf32>,
        %get3A_1503 = arith.index_cast %add3A_1499 : i32 to index
        %get3A_1504 = arith.constant 16 : index
        %get3A_1505 = tpu.vector_load %arg9[%get3A_1503, %get3A_1504] {strides = array<i32>} : memref<288x128xf32, #tpu.memory_space<vmem>>, vector<16xf32>,
        %get3A_1506 = arith.index_cast %add3A_1499 : i32 to index
        %get3A_1507 = arith.constant 32 : index
        %get3A_1508 = tpu.vector_load %arg9[%get3A_1506, %get3A_1507] {strides = array<i32>} : memref<288x128xf32, #tpu.memory_space<vmem>>, vector<16xf32>,
        %get3A_1509 = arith.index_cast %add3A_1499 : i32 to index
        %get3A_1510 = arith.constant 48 : index
        %get3A_1511 = tpu.vector_load %arg9[%get3A_1509, %get3A_1510] {strides = array<i32>} : memref<288x128xf32, #tpu.memory_space<vmem>>, vector<16xf32>,
        %get3A_1512 = arith.index_cast %add3A_1499 : i32 to index
        %get3A_1513 = arith.constant 64 : index
        %get3A_1514 = tpu.vector_load %arg9[%get3A_1512, %get3A_1513] {strides = array<i32>} : memref<288x128xf32, #tpu.memory_space<vmem>>, vector<16xf32>,
        %get3A_1515 = arith.index_cast %add3A_1499 : i32 to index
        %get3A_1516 = arith.constant 80 : index
        %get3A_1517 = tpu.vector_load %arg9[%get3A_1515, %get3A_1516] {strides = array<i32>} : memref<288x128xf32, #tpu.memory_space<vmem>>, vector<16xf32>,
        %get3A_1518 = arith.index_cast %add3A_1499 : i32 to index
        %get3A_1519 = arith.constant 96 : index
        %get3A_1520 = tpu.vector_load %arg9[%get3A_1518, %get3A_1519] {strides = array<i32>} : memref<288x128xf32, #tpu.memory_space<vmem>>, vector<16xf32>,
        %get3A_1521 = arith.index_cast %add3A_1499 : i32 to index
        %get3A_1522 = arith.constant 112 : index
        %get3A_1523 = tpu.vector_load %arg9[%get3A_1521, %get3A_1522] {strides = array<i32>} : memref<288x128xf32, #tpu.memory_space<vmem>>, vector<16xf32>,
        %add3A_1524 = arith.addf %mul3A_1488, %mul3A_1489 : vector<16xf32>
        %add3A_1525 = arith.addf %mul3A_1490, %mul3A_1491 : vector<16xf32>
        %add3A_1526 = arith.addf %mul3A_1492, %mul3A_1493 : vector<16xf32>
        %add3A_1527 = arith.addf %mul3A_1494, %mul3A_1495 : vector<16xf32>
        %add3A_1528 = arith.addf %add3A_1524, %add3A_1525 : vector<16xf32>
        %add3A_1529 = arith.addf %add3A_1526, %add3A_1527 : vector<16xf32>
        %add3A_1530 = arith.addf %add3A_1528, %add3A_1529 : vector<16xf32>
        %reduce_sum3A_1531 = arith.constant true
        %reduce_sum3A_1532 = vector.broadcast %reduce_sum3A_1531 : i1 to vector<16xi1>
        %reduce_sum3A_1533 = tpu.scan <sum>, %add3A_1530 masked %reduce_sum3A_1532 : vector<16xf32>, vector<16xi1> -> vector<16xf32>
        %reduce_sum3A_1534 = vector.extract %reduce_sum3A_1533[15] : f32 from vector<16xf32>
        %add3A_1535 = arith.constant 24 : i32
        %add3A_1536 = arith.addi %mul3A_174, %add3A_1535 : i32
        %sub3A_1537 = arith.constant 1 : i32
        %sub3A_1538 = arith.subi %add3A_1536, %sub3A_1537 : i32
        %broadcast_in_dim3A_1539 = vector.broadcast %reduce_sum3A_1480 : f32 to vector<16xf32>
        %swap3A_1540 = arith.index_cast %sub3A_1538 : i32 to index
        %swap3A_1541 = tpu.vector_load %arg11[%swap3A_1540] masked %eq3A_8 {strides = array<i32>} : memref<4736xf32, #tpu.memory_space<vmem>>, vector<16xf32>, vector<16xi1>
        tpu.vector_store %arg11[%swap3A_1540], %broadcast_in_dim3A_1539 masked %eq3A_8 {strides = array<i32>} : memref<4736xf32, #tpu.memory_space<vmem>>, vector<16xf32>, vector<16xi1>
        %mul3A_1542 = arith.mulf %get3A_1502, %get3A_151 : vector<16xf32>
        %mul3A_1543 = arith.mulf %get3A_1505, %get3A_154 : vector<16xf32>
        %mul3A_1544 = arith.mulf %get3A_1508, %get3A_157 : vector<16xf32>
        %mul3A_1545 = arith.mulf %get3A_1511, %get3A_160 : vector<16xf32>
        %mul3A_1546 = arith.mulf %get3A_1514, %get3A_163 : vector<16xf32>
        %mul3A_1547 = arith.mulf %get3A_1517, %get3A_166 : vector<16xf32>
        %mul3A_1548 = arith.mulf %get3A_1520, %get3A_169 : vector<16xf32>
        %mul3A_1549 = arith.mulf %get3A_1523, %get3A_172 : vector<16xf32>
        %mul3A_1550 = arith.constant 36 : i32
        %mul3A_1551 = arith.muli %scan3A_146, %mul3A_1550 : i32
        %add3A_1552 = arith.constant 26 : i32
        %add3A_1553 = arith.addi %mul3A_1551, %add3A_1552 : i32
        %get3A_1554 = arith.index_cast %add3A_1553 : i32 to index
        %get3A_1555 = arith.constant 0 : index
        %get3A_1556 = tpu.vector_load %arg9[%get3A_1554, %get3A_1555] {strides = array<i32>} : memref<288x128xf32, #tpu.memory_space<vmem>>, vector<16xf32>,
        %get3A_1557 = arith.index_cast %add3A_1553 : i32 to index
        %get3A_1558 = arith.constant 16 : index
        %get3A_1559 = tpu.vector_load %arg9[%get3A_1557, %get3A_1558] {strides = array<i32>} : memref<288x128xf32, #tpu.memory_space<vmem>>, vector<16xf32>,
        %get3A_1560 = arith.index_cast %add3A_1553 : i32 to index
        %get3A_1561 = arith.constant 32 : index
        %get3A_1562 = tpu.vector_load %arg9[%get3A_1560, %get3A_1561] {strides = array<i32>} : memref<288x128xf32, #tpu.memory_space<vmem>>, vector<16xf32>,
        %get3A_1563 = arith.index_cast %add3A_1553 : i32 to index
        %get3A_1564 = arith.constant 48 : index
        %get3A_1565 = tpu.vector_load %arg9[%get3A_1563, %get3A_1564] {strides = array<i32>} : memref<288x128xf32, #tpu.memory_space<vmem>>, vector<16xf32>,
        %get3A_1566 = arith.index_cast %add3A_1553 : i32 to index
        %get3A_1567 = arith.constant 64 : index
        %get3A_1568 = tpu.vector_load %arg9[%get3A_1566, %get3A_1567] {strides = array<i32>} : memref<288x128xf32, #tpu.memory_space<vmem>>, vector<16xf32>,
        %get3A_1569 = arith.index_cast %add3A_1553 : i32 to index
        %get3A_1570 = arith.constant 80 : index
        %get3A_1571 = tpu.vector_load %arg9[%get3A_1569, %get3A_1570] {strides = array<i32>} : memref<288x128xf32, #tpu.memory_space<vmem>>, vector<16xf32>,
        %get3A_1572 = arith.index_cast %add3A_1553 : i32 to index
        %get3A_1573 = arith.constant 96 : index
        %get3A_1574 = tpu.vector_load %arg9[%get3A_1572, %get3A_1573] {strides = array<i32>} : memref<288x128xf32, #tpu.memory_space<vmem>>, vector<16xf32>,
        %get3A_1575 = arith.index_cast %add3A_1553 : i32 to index
        %get3A_1576 = arith.constant 112 : index
        %get3A_1577 = tpu.vector_load %arg9[%get3A_1575, %get3A_1576] {strides = array<i32>} : memref<288x128xf32, #tpu.memory_space<vmem>>, vector<16xf32>,
        %add3A_1578 = arith.addf %mul3A_1542, %mul3A_1543 : vector<16xf32>
        %add3A_1579 = arith.addf %mul3A_1544, %mul3A_1545 : vector<16xf32>
        %add3A_1580 = arith.addf %mul3A_1546, %mul3A_1547 : vector<16xf32>
        %add3A_1581 = arith.addf %mul3A_1548, %mul3A_1549 : vector<16xf32>
        %add3A_1582 = arith.addf %add3A_1578, %add3A_1579 : vector<16xf32>
        %add3A_1583 = arith.addf %add3A_1580, %add3A_1581 : vector<16xf32>
        %add3A_1584 = arith.addf %add3A_1582, %add3A_1583 : vector<16xf32>
        %reduce_sum3A_1585 = arith.constant true
        %reduce_sum3A_1586 = vector.broadcast %reduce_sum3A_1585 : i1 to vector<16xi1>
        %reduce_sum3A_1587 = tpu.scan <sum>, %add3A_1584 masked %reduce_sum3A_1586 : vector<16xf32>, vector<16xi1> -> vector<16xf32>
        %reduce_sum3A_1588 = vector.extract %reduce_sum3A_1587[15] : f32 from vector<16xf32>
        %add3A_1589 = arith.constant 25 : i32
        %add3A_1590 = arith.addi %mul3A_174, %add3A_1589 : i32
        %sub3A_1591 = arith.constant 1 : i32
        %sub3A_1592 = arith.subi %add3A_1590, %sub3A_1591 : i32
        %broadcast_in_dim3A_1593 = vector.broadcast %reduce_sum3A_1534 : f32 to vector<16xf32>
        %swap3A_1594 = arith.index_cast %sub3A_1592 : i32 to index
        %swap3A_1595 = tpu.vector_load %arg11[%swap3A_1594] masked %eq3A_8 {strides = array<i32>} : memref<4736xf32, #tpu.memory_space<vmem>>, vector<16xf32>, vector<16xi1>
        tpu.vector_store %arg11[%swap3A_1594], %broadcast_in_dim3A_1593 masked %eq3A_8 {strides = array<i32>} : memref<4736xf32, #tpu.memory_space<vmem>>, vector<16xf32>, vector<16xi1>
        %mul3A_1596 = arith.mulf %get3A_1556, %get3A_151 : vector<16xf32>
        %mul3A_1597 = arith.mulf %get3A_1559, %get3A_154 : vector<16xf32>
        %mul3A_1598 = arith.mulf %get3A_1562, %get3A_157 : vector<16xf32>
        %mul3A_1599 = arith.mulf %get3A_1565, %get3A_160 : vector<16xf32>
        %mul3A_1600 = arith.mulf %get3A_1568, %get3A_163 : vector<16xf32>
        %mul3A_1601 = arith.mulf %get3A_1571, %get3A_166 : vector<16xf32>
        %mul3A_1602 = arith.mulf %get3A_1574, %get3A_169 : vector<16xf32>
        %mul3A_1603 = arith.mulf %get3A_1577, %get3A_172 : vector<16xf32>
        %mul3A_1604 = arith.constant 36 : i32
        %mul3A_1605 = arith.muli %scan3A_146, %mul3A_1604 : i32
        %add3A_1606 = arith.constant 27 : i32
        %add3A_1607 = arith.addi %mul3A_1605, %add3A_1606 : i32
        %get3A_1608 = arith.index_cast %add3A_1607 : i32 to index
        %get3A_1609 = arith.constant 0 : index
        %get3A_1610 = tpu.vector_load %arg9[%get3A_1608, %get3A_1609] {strides = array<i32>} : memref<288x128xf32, #tpu.memory_space<vmem>>, vector<16xf32>,
        %get3A_1611 = arith.index_cast %add3A_1607 : i32 to index
        %get3A_1612 = arith.constant 16 : index
        %get3A_1613 = tpu.vector_load %arg9[%get3A_1611, %get3A_1612] {strides = array<i32>} : memref<288x128xf32, #tpu.memory_space<vmem>>, vector<16xf32>,
        %get3A_1614 = arith.index_cast %add3A_1607 : i32 to index
        %get3A_1615 = arith.constant 32 : index
        %get3A_1616 = tpu.vector_load %arg9[%get3A_1614, %get3A_1615] {strides = array<i32>} : memref<288x128xf32, #tpu.memory_space<vmem>>, vector<16xf32>,
        %get3A_1617 = arith.index_cast %add3A_1607 : i32 to index
        %get3A_1618 = arith.constant 48 : index
        %get3A_1619 = tpu.vector_load %arg9[%get3A_1617, %get3A_1618] {strides = array<i32>} : memref<288x128xf32, #tpu.memory_space<vmem>>, vector<16xf32>,
        %get3A_1620 = arith.index_cast %add3A_1607 : i32 to index
        %get3A_1621 = arith.constant 64 : index
        %get3A_1622 = tpu.vector_load %arg9[%get3A_1620, %get3A_1621] {strides = array<i32>} : memref<288x128xf32, #tpu.memory_space<vmem>>, vector<16xf32>,
        %get3A_1623 = arith.index_cast %add3A_1607 : i32 to index
        %get3A_1624 = arith.constant 80 : index
        %get3A_1625 = tpu.vector_load %arg9[%get3A_1623, %get3A_1624] {strides = array<i32>} : memref<288x128xf32, #tpu.memory_space<vmem>>, vector<16xf32>,
        %get3A_1626 = arith.index_cast %add3A_1607 : i32 to index
        %get3A_1627 = arith.constant 96 : index
        %get3A_1628 = tpu.vector_load %arg9[%get3A_1626, %get3A_1627] {strides = array<i32>} : memref<288x128xf32, #tpu.memory_space<vmem>>, vector<16xf32>,
        %get3A_1629 = arith.index_cast %add3A_1607 : i32 to index
        %get3A_1630 = arith.constant 112 : index
        %get3A_1631 = tpu.vector_load %arg9[%get3A_1629, %get3A_1630] {strides = array<i32>} : memref<288x128xf32, #tpu.memory_space<vmem>>, vector<16xf32>,
        %add3A_1632 = arith.addf %mul3A_1596, %mul3A_1597 : vector<16xf32>
        %add3A_1633 = arith.addf %mul3A_1598, %mul3A_1599 : vector<16xf32>
        %add3A_1634 = arith.addf %mul3A_1600, %mul3A_1601 : vector<16xf32>
        %add3A_1635 = arith.addf %mul3A_1602, %mul3A_1603 : vector<16xf32>
        %add3A_1636 = arith.addf %add3A_1632, %add3A_1633 : vector<16xf32>
        %add3A_1637 = arith.addf %add3A_1634, %add3A_1635 : vector<16xf32>
        %add3A_1638 = arith.addf %add3A_1636, %add3A_1637 : vector<16xf32>
        %reduce_sum3A_1639 = arith.constant true
        %reduce_sum3A_1640 = vector.broadcast %reduce_sum3A_1639 : i1 to vector<16xi1>
        %reduce_sum3A_1641 = tpu.scan <sum>, %add3A_1638 masked %reduce_sum3A_1640 : vector<16xf32>, vector<16xi1> -> vector<16xf32>
        %reduce_sum3A_1642 = vector.extract %reduce_sum3A_1641[15] : f32 from vector<16xf32>
        %add3A_1643 = arith.constant 26 : i32
        %add3A_1644 = arith.addi %mul3A_174, %add3A_1643 : i32
        %sub3A_1645 = arith.constant 1 : i32
        %sub3A_1646 = arith.subi %add3A_1644, %sub3A_1645 : i32
        %broadcast_in_dim3A_1647 = vector.broadcast %reduce_sum3A_1588 : f32 to vector<16xf32>
        %swap3A_1648 = arith.index_cast %sub3A_1646 : i32 to index
        %swap3A_1649 = tpu.vector_load %arg11[%swap3A_1648] masked %eq3A_8 {strides = array<i32>} : memref<4736xf32, #tpu.memory_space<vmem>>, vector<16xf32>, vector<16xi1>
        tpu.vector_store %arg11[%swap3A_1648], %broadcast_in_dim3A_1647 masked %eq3A_8 {strides = array<i32>} : memref<4736xf32, #tpu.memory_space<vmem>>, vector<16xf32>, vector<16xi1>
        %mul3A_1650 = arith.mulf %get3A_1610, %get3A_151 : vector<16xf32>
        %mul3A_1651 = arith.mulf %get3A_1613, %get3A_154 : vector<16xf32>
        %mul3A_1652 = arith.mulf %get3A_1616, %get3A_157 : vector<16xf32>
        %mul3A_1653 = arith.mulf %get3A_1619, %get3A_160 : vector<16xf32>
        %mul3A_1654 = arith.mulf %get3A_1622, %get3A_163 : vector<16xf32>
        %mul3A_1655 = arith.mulf %get3A_1625, %get3A_166 : vector<16xf32>
        %mul3A_1656 = arith.mulf %get3A_1628, %get3A_169 : vector<16xf32>
        %mul3A_1657 = arith.mulf %get3A_1631, %get3A_172 : vector<16xf32>
        %mul3A_1658 = arith.constant 36 : i32
        %mul3A_1659 = arith.muli %scan3A_146, %mul3A_1658 : i32
        %add3A_1660 = arith.constant 28 : i32
        %add3A_1661 = arith.addi %mul3A_1659, %add3A_1660 : i32
        %get3A_1662 = arith.index_cast %add3A_1661 : i32 to index
        %get3A_1663 = arith.constant 0 : index
        %get3A_1664 = tpu.vector_load %arg9[%get3A_1662, %get3A_1663] {strides = array<i32>} : memref<288x128xf32, #tpu.memory_space<vmem>>, vector<16xf32>,
        %get3A_1665 = arith.index_cast %add3A_1661 : i32 to index
        %get3A_1666 = arith.constant 16 : index
        %get3A_1667 = tpu.vector_load %arg9[%get3A_1665, %get3A_1666] {strides = array<i32>} : memref<288x128xf32, #tpu.memory_space<vmem>>, vector<16xf32>,
        %get3A_1668 = arith.index_cast %add3A_1661 : i32 to index
        %get3A_1669 = arith.constant 32 : index
        %get3A_1670 = tpu.vector_load %arg9[%get3A_1668, %get3A_1669] {strides = array<i32>} : memref<288x128xf32, #tpu.memory_space<vmem>>, vector<16xf32>,
        %get3A_1671 = arith.index_cast %add3A_1661 : i32 to index
        %get3A_1672 = arith.constant 48 : index
        %get3A_1673 = tpu.vector_load %arg9[%get3A_1671, %get3A_1672] {strides = array<i32>} : memref<288x128xf32, #tpu.memory_space<vmem>>, vector<16xf32>,
        %get3A_1674 = arith.index_cast %add3A_1661 : i32 to index
        %get3A_1675 = arith.constant 64 : index
        %get3A_1676 = tpu.vector_load %arg9[%get3A_1674, %get3A_1675] {strides = array<i32>} : memref<288x128xf32, #tpu.memory_space<vmem>>, vector<16xf32>,
        %get3A_1677 = arith.index_cast %add3A_1661 : i32 to index
        %get3A_1678 = arith.constant 80 : index
        %get3A_1679 = tpu.vector_load %arg9[%get3A_1677, %get3A_1678] {strides = array<i32>} : memref<288x128xf32, #tpu.memory_space<vmem>>, vector<16xf32>,
        %get3A_1680 = arith.index_cast %add3A_1661 : i32 to index
        %get3A_1681 = arith.constant 96 : index
        %get3A_1682 = tpu.vector_load %arg9[%get3A_1680, %get3A_1681] {strides = array<i32>} : memref<288x128xf32, #tpu.memory_space<vmem>>, vector<16xf32>,
        %get3A_1683 = arith.index_cast %add3A_1661 : i32 to index
        %get3A_1684 = arith.constant 112 : index
        %get3A_1685 = tpu.vector_load %arg9[%get3A_1683, %get3A_1684] {strides = array<i32>} : memref<288x128xf32, #tpu.memory_space<vmem>>, vector<16xf32>,
        %add3A_1686 = arith.addf %mul3A_1650, %mul3A_1651 : vector<16xf32>
        %add3A_1687 = arith.addf %mul3A_1652, %mul3A_1653 : vector<16xf32>
        %add3A_1688 = arith.addf %mul3A_1654, %mul3A_1655 : vector<16xf32>
        %add3A_1689 = arith.addf %mul3A_1656, %mul3A_1657 : vector<16xf32>
        %add3A_1690 = arith.addf %add3A_1686, %add3A_1687 : vector<16xf32>
        %add3A_1691 = arith.addf %add3A_1688, %add3A_1689 : vector<16xf32>
        %add3A_1692 = arith.addf %add3A_1690, %add3A_1691 : vector<16xf32>
        %reduce_sum3A_1693 = arith.constant true
        %reduce_sum3A_1694 = vector.broadcast %reduce_sum3A_1693 : i1 to vector<16xi1>
        %reduce_sum3A_1695 = tpu.scan <sum>, %add3A_1692 masked %reduce_sum3A_1694 : vector<16xf32>, vector<16xi1> -> vector<16xf32>
        %reduce_sum3A_1696 = vector.extract %reduce_sum3A_1695[15] : f32 from vector<16xf32>
        %add3A_1697 = arith.constant 27 : i32
        %add3A_1698 = arith.addi %mul3A_174, %add3A_1697 : i32
        %sub3A_1699 = arith.constant 1 : i32
        %sub3A_1700 = arith.subi %add3A_1698, %sub3A_1699 : i32
        %broadcast_in_dim3A_1701 = vector.broadcast %reduce_sum3A_1642 : f32 to vector<16xf32>
        %swap3A_1702 = arith.index_cast %sub3A_1700 : i32 to index
        %swap3A_1703 = tpu.vector_load %arg11[%swap3A_1702] masked %eq3A_8 {strides = array<i32>} : memref<4736xf32, #tpu.memory_space<vmem>>, vector<16xf32>, vector<16xi1>
        tpu.vector_store %arg11[%swap3A_1702], %broadcast_in_dim3A_1701 masked %eq3A_8 {strides = array<i32>} : memref<4736xf32, #tpu.memory_space<vmem>>, vector<16xf32>, vector<16xi1>
        %mul3A_1704 = arith.mulf %get3A_1664, %get3A_151 : vector<16xf32>
        %mul3A_1705 = arith.mulf %get3A_1667, %get3A_154 : vector<16xf32>
        %mul3A_1706 = arith.mulf %get3A_1670, %get3A_157 : vector<16xf32>
        %mul3A_1707 = arith.mulf %get3A_1673, %get3A_160 : vector<16xf32>
        %mul3A_1708 = arith.mulf %get3A_1676, %get3A_163 : vector<16xf32>
        %mul3A_1709 = arith.mulf %get3A_1679, %get3A_166 : vector<16xf32>
        %mul3A_1710 = arith.mulf %get3A_1682, %get3A_169 : vector<16xf32>
        %mul3A_1711 = arith.mulf %get3A_1685, %get3A_172 : vector<16xf32>
        %mul3A_1712 = arith.constant 36 : i32
        %mul3A_1713 = arith.muli %scan3A_146, %mul3A_1712 : i32
        %add3A_1714 = arith.constant 29 : i32
        %add3A_1715 = arith.addi %mul3A_1713, %add3A_1714 : i32
        %get3A_1716 = arith.index_cast %add3A_1715 : i32 to index
        %get3A_1717 = arith.constant 0 : index
        %get3A_1718 = tpu.vector_load %arg9[%get3A_1716, %get3A_1717] {strides = array<i32>} : memref<288x128xf32, #tpu.memory_space<vmem>>, vector<16xf32>,
        %get3A_1719 = arith.index_cast %add3A_1715 : i32 to index
        %get3A_1720 = arith.constant 16 : index
        %get3A_1721 = tpu.vector_load %arg9[%get3A_1719, %get3A_1720] {strides = array<i32>} : memref<288x128xf32, #tpu.memory_space<vmem>>, vector<16xf32>,
        %get3A_1722 = arith.index_cast %add3A_1715 : i32 to index
        %get3A_1723 = arith.constant 32 : index
        %get3A_1724 = tpu.vector_load %arg9[%get3A_1722, %get3A_1723] {strides = array<i32>} : memref<288x128xf32, #tpu.memory_space<vmem>>, vector<16xf32>,
        %get3A_1725 = arith.index_cast %add3A_1715 : i32 to index
        %get3A_1726 = arith.constant 48 : index
        %get3A_1727 = tpu.vector_load %arg9[%get3A_1725, %get3A_1726] {strides = array<i32>} : memref<288x128xf32, #tpu.memory_space<vmem>>, vector<16xf32>,
        %get3A_1728 = arith.index_cast %add3A_1715 : i32 to index
        %get3A_1729 = arith.constant 64 : index
        %get3A_1730 = tpu.vector_load %arg9[%get3A_1728, %get3A_1729] {strides = array<i32>} : memref<288x128xf32, #tpu.memory_space<vmem>>, vector<16xf32>,
        %get3A_1731 = arith.index_cast %add3A_1715 : i32 to index
        %get3A_1732 = arith.constant 80 : index
        %get3A_1733 = tpu.vector_load %arg9[%get3A_1731, %get3A_1732] {strides = array<i32>} : memref<288x128xf32, #tpu.memory_space<vmem>>, vector<16xf32>,
        %get3A_1734 = arith.index_cast %add3A_1715 : i32 to index
        %get3A_1735 = arith.constant 96 : index
        %get3A_1736 = tpu.vector_load %arg9[%get3A_1734, %get3A_1735] {strides = array<i32>} : memref<288x128xf32, #tpu.memory_space<vmem>>, vector<16xf32>,
        %get3A_1737 = arith.index_cast %add3A_1715 : i32 to index
        %get3A_1738 = arith.constant 112 : index
        %get3A_1739 = tpu.vector_load %arg9[%get3A_1737, %get3A_1738] {strides = array<i32>} : memref<288x128xf32, #tpu.memory_space<vmem>>, vector<16xf32>,
        %add3A_1740 = arith.addf %mul3A_1704, %mul3A_1705 : vector<16xf32>
        %add3A_1741 = arith.addf %mul3A_1706, %mul3A_1707 : vector<16xf32>
        %add3A_1742 = arith.addf %mul3A_1708, %mul3A_1709 : vector<16xf32>
        %add3A_1743 = arith.addf %mul3A_1710, %mul3A_1711 : vector<16xf32>
        %add3A_1744 = arith.addf %add3A_1740, %add3A_1741 : vector<16xf32>
        %add3A_1745 = arith.addf %add3A_1742, %add3A_1743 : vector<16xf32>
        %add3A_1746 = arith.addf %add3A_1744, %add3A_1745 : vector<16xf32>
        %reduce_sum3A_1747 = arith.constant true
        %reduce_sum3A_1748 = vector.broadcast %reduce_sum3A_1747 : i1 to vector<16xi1>
        %reduce_sum3A_1749 = tpu.scan <sum>, %add3A_1746 masked %reduce_sum3A_1748 : vector<16xf32>, vector<16xi1> -> vector<16xf32>
        %reduce_sum3A_1750 = vector.extract %reduce_sum3A_1749[15] : f32 from vector<16xf32>
        %add3A_1751 = arith.constant 28 : i32
        %add3A_1752 = arith.addi %mul3A_174, %add3A_1751 : i32
        %sub3A_1753 = arith.constant 1 : i32
        %sub3A_1754 = arith.subi %add3A_1752, %sub3A_1753 : i32
        %broadcast_in_dim3A_1755 = vector.broadcast %reduce_sum3A_1696 : f32 to vector<16xf32>
        %swap3A_1756 = arith.index_cast %sub3A_1754 : i32 to index
        %swap3A_1757 = tpu.vector_load %arg11[%swap3A_1756] masked %eq3A_8 {strides = array<i32>} : memref<4736xf32, #tpu.memory_space<vmem>>, vector<16xf32>, vector<16xi1>
        tpu.vector_store %arg11[%swap3A_1756], %broadcast_in_dim3A_1755 masked %eq3A_8 {strides = array<i32>} : memref<4736xf32, #tpu.memory_space<vmem>>, vector<16xf32>, vector<16xi1>
        %mul3A_1758 = arith.mulf %get3A_1718, %get3A_151 : vector<16xf32>
        %mul3A_1759 = arith.mulf %get3A_1721, %get3A_154 : vector<16xf32>
        %mul3A_1760 = arith.mulf %get3A_1724, %get3A_157 : vector<16xf32>
        %mul3A_1761 = arith.mulf %get3A_1727, %get3A_160 : vector<16xf32>
        %mul3A_1762 = arith.mulf %get3A_1730, %get3A_163 : vector<16xf32>
        %mul3A_1763 = arith.mulf %get3A_1733, %get3A_166 : vector<16xf32>
        %mul3A_1764 = arith.mulf %get3A_1736, %get3A_169 : vector<16xf32>
        %mul3A_1765 = arith.mulf %get3A_1739, %get3A_172 : vector<16xf32>
        %mul3A_1766 = arith.constant 36 : i32
        %mul3A_1767 = arith.muli %scan3A_146, %mul3A_1766 : i32
        %add3A_1768 = arith.constant 30 : i32
        %add3A_1769 = arith.addi %mul3A_1767, %add3A_1768 : i32
        %get3A_1770 = arith.index_cast %add3A_1769 : i32 to index
        %get3A_1771 = arith.constant 0 : index
        %get3A_1772 = tpu.vector_load %arg9[%get3A_1770, %get3A_1771] {strides = array<i32>} : memref<288x128xf32, #tpu.memory_space<vmem>>, vector<16xf32>,
        %get3A_1773 = arith.index_cast %add3A_1769 : i32 to index
        %get3A_1774 = arith.constant 16 : index
        %get3A_1775 = tpu.vector_load %arg9[%get3A_1773, %get3A_1774] {strides = array<i32>} : memref<288x128xf32, #tpu.memory_space<vmem>>, vector<16xf32>,
        %get3A_1776 = arith.index_cast %add3A_1769 : i32 to index
        %get3A_1777 = arith.constant 32 : index
        %get3A_1778 = tpu.vector_load %arg9[%get3A_1776, %get3A_1777] {strides = array<i32>} : memref<288x128xf32, #tpu.memory_space<vmem>>, vector<16xf32>,
        %get3A_1779 = arith.index_cast %add3A_1769 : i32 to index
        %get3A_1780 = arith.constant 48 : index
        %get3A_1781 = tpu.vector_load %arg9[%get3A_1779, %get3A_1780] {strides = array<i32>} : memref<288x128xf32, #tpu.memory_space<vmem>>, vector<16xf32>,
        %get3A_1782 = arith.index_cast %add3A_1769 : i32 to index
        %get3A_1783 = arith.constant 64 : index
        %get3A_1784 = tpu.vector_load %arg9[%get3A_1782, %get3A_1783] {strides = array<i32>} : memref<288x128xf32, #tpu.memory_space<vmem>>, vector<16xf32>,
        %get3A_1785 = arith.index_cast %add3A_1769 : i32 to index
        %get3A_1786 = arith.constant 80 : index
        %get3A_1787 = tpu.vector_load %arg9[%get3A_1785, %get3A_1786] {strides = array<i32>} : memref<288x128xf32, #tpu.memory_space<vmem>>, vector<16xf32>,
        %get3A_1788 = arith.index_cast %add3A_1769 : i32 to index
        %get3A_1789 = arith.constant 96 : index
        %get3A_1790 = tpu.vector_load %arg9[%get3A_1788, %get3A_1789] {strides = array<i32>} : memref<288x128xf32, #tpu.memory_space<vmem>>, vector<16xf32>,
        %get3A_1791 = arith.index_cast %add3A_1769 : i32 to index
        %get3A_1792 = arith.constant 112 : index
        %get3A_1793 = tpu.vector_load %arg9[%get3A_1791, %get3A_1792] {strides = array<i32>} : memref<288x128xf32, #tpu.memory_space<vmem>>, vector<16xf32>,
        %add3A_1794 = arith.addf %mul3A_1758, %mul3A_1759 : vector<16xf32>
        %add3A_1795 = arith.addf %mul3A_1760, %mul3A_1761 : vector<16xf32>
        %add3A_1796 = arith.addf %mul3A_1762, %mul3A_1763 : vector<16xf32>
        %add3A_1797 = arith.addf %mul3A_1764, %mul3A_1765 : vector<16xf32>
        %add3A_1798 = arith.addf %add3A_1794, %add3A_1795 : vector<16xf32>
        %add3A_1799 = arith.addf %add3A_1796, %add3A_1797 : vector<16xf32>
        %add3A_1800 = arith.addf %add3A_1798, %add3A_1799 : vector<16xf32>
        %reduce_sum3A_1801 = arith.constant true
        %reduce_sum3A_1802 = vector.broadcast %reduce_sum3A_1801 : i1 to vector<16xi1>
        %reduce_sum3A_1803 = tpu.scan <sum>, %add3A_1800 masked %reduce_sum3A_1802 : vector<16xf32>, vector<16xi1> -> vector<16xf32>
        %reduce_sum3A_1804 = vector.extract %reduce_sum3A_1803[15] : f32 from vector<16xf32>
        %add3A_1805 = arith.constant 29 : i32
        %add3A_1806 = arith.addi %mul3A_174, %add3A_1805 : i32
        %sub3A_1807 = arith.constant 1 : i32
        %sub3A_1808 = arith.subi %add3A_1806, %sub3A_1807 : i32
        %broadcast_in_dim3A_1809 = vector.broadcast %reduce_sum3A_1750 : f32 to vector<16xf32>
        %swap3A_1810 = arith.index_cast %sub3A_1808 : i32 to index
        %swap3A_1811 = tpu.vector_load %arg11[%swap3A_1810] masked %eq3A_8 {strides = array<i32>} : memref<4736xf32, #tpu.memory_space<vmem>>, vector<16xf32>, vector<16xi1>
        tpu.vector_store %arg11[%swap3A_1810], %broadcast_in_dim3A_1809 masked %eq3A_8 {strides = array<i32>} : memref<4736xf32, #tpu.memory_space<vmem>>, vector<16xf32>, vector<16xi1>
        %mul3A_1812 = arith.mulf %get3A_1772, %get3A_151 : vector<16xf32>
        %mul3A_1813 = arith.mulf %get3A_1775, %get3A_154 : vector<16xf32>
        %mul3A_1814 = arith.mulf %get3A_1778, %get3A_157 : vector<16xf32>
        %mul3A_1815 = arith.mulf %get3A_1781, %get3A_160 : vector<16xf32>
        %mul3A_1816 = arith.mulf %get3A_1784, %get3A_163 : vector<16xf32>
        %mul3A_1817 = arith.mulf %get3A_1787, %get3A_166 : vector<16xf32>
        %mul3A_1818 = arith.mulf %get3A_1790, %get3A_169 : vector<16xf32>
        %mul3A_1819 = arith.mulf %get3A_1793, %get3A_172 : vector<16xf32>
        %mul3A_1820 = arith.constant 36 : i32
        %mul3A_1821 = arith.muli %scan3A_146, %mul3A_1820 : i32
        %add3A_1822 = arith.constant 31 : i32
        %add3A_1823 = arith.addi %mul3A_1821, %add3A_1822 : i32
        %get3A_1824 = arith.index_cast %add3A_1823 : i32 to index
        %get3A_1825 = arith.constant 0 : index
        %get3A_1826 = tpu.vector_load %arg9[%get3A_1824, %get3A_1825] {strides = array<i32>} : memref<288x128xf32, #tpu.memory_space<vmem>>, vector<16xf32>,
        %get3A_1827 = arith.index_cast %add3A_1823 : i32 to index
        %get3A_1828 = arith.constant 16 : index
        %get3A_1829 = tpu.vector_load %arg9[%get3A_1827, %get3A_1828] {strides = array<i32>} : memref<288x128xf32, #tpu.memory_space<vmem>>, vector<16xf32>,
        %get3A_1830 = arith.index_cast %add3A_1823 : i32 to index
        %get3A_1831 = arith.constant 32 : index
        %get3A_1832 = tpu.vector_load %arg9[%get3A_1830, %get3A_1831] {strides = array<i32>} : memref<288x128xf32, #tpu.memory_space<vmem>>, vector<16xf32>,
        %get3A_1833 = arith.index_cast %add3A_1823 : i32 to index
        %get3A_1834 = arith.constant 48 : index
        %get3A_1835 = tpu.vector_load %arg9[%get3A_1833, %get3A_1834] {strides = array<i32>} : memref<288x128xf32, #tpu.memory_space<vmem>>, vector<16xf32>,
        %get3A_1836 = arith.index_cast %add3A_1823 : i32 to index
        %get3A_1837 = arith.constant 64 : index
        %get3A_1838 = tpu.vector_load %arg9[%get3A_1836, %get3A_1837] {strides = array<i32>} : memref<288x128xf32, #tpu.memory_space<vmem>>, vector<16xf32>,
        %get3A_1839 = arith.index_cast %add3A_1823 : i32 to index
        %get3A_1840 = arith.constant 80 : index
        %get3A_1841 = tpu.vector_load %arg9[%get3A_1839, %get3A_1840] {strides = array<i32>} : memref<288x128xf32, #tpu.memory_space<vmem>>, vector<16xf32>,
        %get3A_1842 = arith.index_cast %add3A_1823 : i32 to index
        %get3A_1843 = arith.constant 96 : index
        %get3A_1844 = tpu.vector_load %arg9[%get3A_1842, %get3A_1843] {strides = array<i32>} : memref<288x128xf32, #tpu.memory_space<vmem>>, vector<16xf32>,
        %get3A_1845 = arith.index_cast %add3A_1823 : i32 to index
        %get3A_1846 = arith.constant 112 : index
        %get3A_1847 = tpu.vector_load %arg9[%get3A_1845, %get3A_1846] {strides = array<i32>} : memref<288x128xf32, #tpu.memory_space<vmem>>, vector<16xf32>,
        %add3A_1848 = arith.addf %mul3A_1812, %mul3A_1813 : vector<16xf32>
        %add3A_1849 = arith.addf %mul3A_1814, %mul3A_1815 : vector<16xf32>
        %add3A_1850 = arith.addf %mul3A_1816, %mul3A_1817 : vector<16xf32>
        %add3A_1851 = arith.addf %mul3A_1818, %mul3A_1819 : vector<16xf32>
        %add3A_1852 = arith.addf %add3A_1848, %add3A_1849 : vector<16xf32>
        %add3A_1853 = arith.addf %add3A_1850, %add3A_1851 : vector<16xf32>
        %add3A_1854 = arith.addf %add3A_1852, %add3A_1853 : vector<16xf32>
        %reduce_sum3A_1855 = arith.constant true
        %reduce_sum3A_1856 = vector.broadcast %reduce_sum3A_1855 : i1 to vector<16xi1>
        %reduce_sum3A_1857 = tpu.scan <sum>, %add3A_1854 masked %reduce_sum3A_1856 : vector<16xf32>, vector<16xi1> -> vector<16xf32>
        %reduce_sum3A_1858 = vector.extract %reduce_sum3A_1857[15] : f32 from vector<16xf32>
        %add3A_1859 = arith.constant 30 : i32
        %add3A_1860 = arith.addi %mul3A_174, %add3A_1859 : i32
        %sub3A_1861 = arith.constant 1 : i32
        %sub3A_1862 = arith.subi %add3A_1860, %sub3A_1861 : i32
        %broadcast_in_dim3A_1863 = vector.broadcast %reduce_sum3A_1804 : f32 to vector<16xf32>
        %swap3A_1864 = arith.index_cast %sub3A_1862 : i32 to index
        %swap3A_1865 = tpu.vector_load %arg11[%swap3A_1864] masked %eq3A_8 {strides = array<i32>} : memref<4736xf32, #tpu.memory_space<vmem>>, vector<16xf32>, vector<16xi1>
        tpu.vector_store %arg11[%swap3A_1864], %broadcast_in_dim3A_1863 masked %eq3A_8 {strides = array<i32>} : memref<4736xf32, #tpu.memory_space<vmem>>, vector<16xf32>, vector<16xi1>
        %mul3A_1866 = arith.mulf %get3A_1826, %get3A_151 : vector<16xf32>
        %mul3A_1867 = arith.mulf %get3A_1829, %get3A_154 : vector<16xf32>
        %mul3A_1868 = arith.mulf %get3A_1832, %get3A_157 : vector<16xf32>
        %mul3A_1869 = arith.mulf %get3A_1835, %get3A_160 : vector<16xf32>
        %mul3A_1870 = arith.mulf %get3A_1838, %get3A_163 : vector<16xf32>
        %mul3A_1871 = arith.mulf %get3A_1841, %get3A_166 : vector<16xf32>
        %mul3A_1872 = arith.mulf %get3A_1844, %get3A_169 : vector<16xf32>
        %mul3A_1873 = arith.mulf %get3A_1847, %get3A_172 : vector<16xf32>
        %mul3A_1874 = arith.constant 36 : i32
        %mul3A_1875 = arith.muli %scan3A_146, %mul3A_1874 : i32
        %add3A_1876 = arith.constant 32 : i32
        %add3A_1877 = arith.addi %mul3A_1875, %add3A_1876 : i32
        %get3A_1878 = arith.index_cast %add3A_1877 : i32 to index
        %get3A_1879 = arith.constant 0 : index
        %get3A_1880 = tpu.vector_load %arg9[%get3A_1878, %get3A_1879] {strides = array<i32>} : memref<288x128xf32, #tpu.memory_space<vmem>>, vector<16xf32>,
        %get3A_1881 = arith.index_cast %add3A_1877 : i32 to index
        %get3A_1882 = arith.constant 16 : index
        %get3A_1883 = tpu.vector_load %arg9[%get3A_1881, %get3A_1882] {strides = array<i32>} : memref<288x128xf32, #tpu.memory_space<vmem>>, vector<16xf32>,
        %get3A_1884 = arith.index_cast %add3A_1877 : i32 to index
        %get3A_1885 = arith.constant 32 : index
        %get3A_1886 = tpu.vector_load %arg9[%get3A_1884, %get3A_1885] {strides = array<i32>} : memref<288x128xf32, #tpu.memory_space<vmem>>, vector<16xf32>,
        %get3A_1887 = arith.index_cast %add3A_1877 : i32 to index
        %get3A_1888 = arith.constant 48 : index
        %get3A_1889 = tpu.vector_load %arg9[%get3A_1887, %get3A_1888] {strides = array<i32>} : memref<288x128xf32, #tpu.memory_space<vmem>>, vector<16xf32>,
        %get3A_1890 = arith.index_cast %add3A_1877 : i32 to index
        %get3A_1891 = arith.constant 64 : index
        %get3A_1892 = tpu.vector_load %arg9[%get3A_1890, %get3A_1891] {strides = array<i32>} : memref<288x128xf32, #tpu.memory_space<vmem>>, vector<16xf32>,
        %get3A_1893 = arith.index_cast %add3A_1877 : i32 to index
        %get3A_1894 = arith.constant 80 : index
        %get3A_1895 = tpu.vector_load %arg9[%get3A_1893, %get3A_1894] {strides = array<i32>} : memref<288x128xf32, #tpu.memory_space<vmem>>, vector<16xf32>,
        %get3A_1896 = arith.index_cast %add3A_1877 : i32 to index
        %get3A_1897 = arith.constant 96 : index
        %get3A_1898 = tpu.vector_load %arg9[%get3A_1896, %get3A_1897] {strides = array<i32>} : memref<288x128xf32, #tpu.memory_space<vmem>>, vector<16xf32>,
        %get3A_1899 = arith.index_cast %add3A_1877 : i32 to index
        %get3A_1900 = arith.constant 112 : index
        %get3A_1901 = tpu.vector_load %arg9[%get3A_1899, %get3A_1900] {strides = array<i32>} : memref<288x128xf32, #tpu.memory_space<vmem>>, vector<16xf32>,
        %add3A_1902 = arith.addf %mul3A_1866, %mul3A_1867 : vector<16xf32>
        %add3A_1903 = arith.addf %mul3A_1868, %mul3A_1869 : vector<16xf32>
        %add3A_1904 = arith.addf %mul3A_1870, %mul3A_1871 : vector<16xf32>
        %add3A_1905 = arith.addf %mul3A_1872, %mul3A_1873 : vector<16xf32>
        %add3A_1906 = arith.addf %add3A_1902, %add3A_1903 : vector<16xf32>
        %add3A_1907 = arith.addf %add3A_1904, %add3A_1905 : vector<16xf32>
        %add3A_1908 = arith.addf %add3A_1906, %add3A_1907 : vector<16xf32>
        %reduce_sum3A_1909 = arith.constant true
        %reduce_sum3A_1910 = vector.broadcast %reduce_sum3A_1909 : i1 to vector<16xi1>
        %reduce_sum3A_1911 = tpu.scan <sum>, %add3A_1908 masked %reduce_sum3A_1910 : vector<16xf32>, vector<16xi1> -> vector<16xf32>
        %reduce_sum3A_1912 = vector.extract %reduce_sum3A_1911[15] : f32 from vector<16xf32>
        %add3A_1913 = arith.constant 31 : i32
        %add3A_1914 = arith.addi %mul3A_174, %add3A_1913 : i32
        %sub3A_1915 = arith.constant 1 : i32
        %sub3A_1916 = arith.subi %add3A_1914, %sub3A_1915 : i32
        %broadcast_in_dim3A_1917 = vector.broadcast %reduce_sum3A_1858 : f32 to vector<16xf32>
        %swap3A_1918 = arith.index_cast %sub3A_1916 : i32 to index
        %swap3A_1919 = tpu.vector_load %arg11[%swap3A_1918] masked %eq3A_8 {strides = array<i32>} : memref<4736xf32, #tpu.memory_space<vmem>>, vector<16xf32>, vector<16xi1>
        tpu.vector_store %arg11[%swap3A_1918], %broadcast_in_dim3A_1917 masked %eq3A_8 {strides = array<i32>} : memref<4736xf32, #tpu.memory_space<vmem>>, vector<16xf32>, vector<16xi1>
        %mul3A_1920 = arith.mulf %get3A_1880, %get3A_151 : vector<16xf32>
        %mul3A_1921 = arith.mulf %get3A_1883, %get3A_154 : vector<16xf32>
        %mul3A_1922 = arith.mulf %get3A_1886, %get3A_157 : vector<16xf32>
        %mul3A_1923 = arith.mulf %get3A_1889, %get3A_160 : vector<16xf32>
        %mul3A_1924 = arith.mulf %get3A_1892, %get3A_163 : vector<16xf32>
        %mul3A_1925 = arith.mulf %get3A_1895, %get3A_166 : vector<16xf32>
        %mul3A_1926 = arith.mulf %get3A_1898, %get3A_169 : vector<16xf32>
        %mul3A_1927 = arith.mulf %get3A_1901, %get3A_172 : vector<16xf32>
        %mul3A_1928 = arith.constant 36 : i32
        %mul3A_1929 = arith.muli %scan3A_146, %mul3A_1928 : i32
        %add3A_1930 = arith.constant 33 : i32
        %add3A_1931 = arith.addi %mul3A_1929, %add3A_1930 : i32
        %get3A_1932 = arith.index_cast %add3A_1931 : i32 to index
        %get3A_1933 = arith.constant 0 : index
        %get3A_1934 = tpu.vector_load %arg9[%get3A_1932, %get3A_1933] {strides = array<i32>} : memref<288x128xf32, #tpu.memory_space<vmem>>, vector<16xf32>,
        %get3A_1935 = arith.index_cast %add3A_1931 : i32 to index
        %get3A_1936 = arith.constant 16 : index
        %get3A_1937 = tpu.vector_load %arg9[%get3A_1935, %get3A_1936] {strides = array<i32>} : memref<288x128xf32, #tpu.memory_space<vmem>>, vector<16xf32>,
        %get3A_1938 = arith.index_cast %add3A_1931 : i32 to index
        %get3A_1939 = arith.constant 32 : index
        %get3A_1940 = tpu.vector_load %arg9[%get3A_1938, %get3A_1939] {strides = array<i32>} : memref<288x128xf32, #tpu.memory_space<vmem>>, vector<16xf32>,
        %get3A_1941 = arith.index_cast %add3A_1931 : i32 to index
        %get3A_1942 = arith.constant 48 : index
        %get3A_1943 = tpu.vector_load %arg9[%get3A_1941, %get3A_1942] {strides = array<i32>} : memref<288x128xf32, #tpu.memory_space<vmem>>, vector<16xf32>,
        %get3A_1944 = arith.index_cast %add3A_1931 : i32 to index
        %get3A_1945 = arith.constant 64 : index
        %get3A_1946 = tpu.vector_load %arg9[%get3A_1944, %get3A_1945] {strides = array<i32>} : memref<288x128xf32, #tpu.memory_space<vmem>>, vector<16xf32>,
        %get3A_1947 = arith.index_cast %add3A_1931 : i32 to index
        %get3A_1948 = arith.constant 80 : index
        %get3A_1949 = tpu.vector_load %arg9[%get3A_1947, %get3A_1948] {strides = array<i32>} : memref<288x128xf32, #tpu.memory_space<vmem>>, vector<16xf32>,
        %get3A_1950 = arith.index_cast %add3A_1931 : i32 to index
        %get3A_1951 = arith.constant 96 : index
        %get3A_1952 = tpu.vector_load %arg9[%get3A_1950, %get3A_1951] {strides = array<i32>} : memref<288x128xf32, #tpu.memory_space<vmem>>, vector<16xf32>,
        %get3A_1953 = arith.index_cast %add3A_1931 : i32 to index
        %get3A_1954 = arith.constant 112 : index
        %get3A_1955 = tpu.vector_load %arg9[%get3A_1953, %get3A_1954] {strides = array<i32>} : memref<288x128xf32, #tpu.memory_space<vmem>>, vector<16xf32>,
        %add3A_1956 = arith.addf %mul3A_1920, %mul3A_1921 : vector<16xf32>
        %add3A_1957 = arith.addf %mul3A_1922, %mul3A_1923 : vector<16xf32>
        %add3A_1958 = arith.addf %mul3A_1924, %mul3A_1925 : vector<16xf32>
        %add3A_1959 = arith.addf %mul3A_1926, %mul3A_1927 : vector<16xf32>
        %add3A_1960 = arith.addf %add3A_1956, %add3A_1957 : vector<16xf32>
        %add3A_1961 = arith.addf %add3A_1958, %add3A_1959 : vector<16xf32>
        %add3A_1962 = arith.addf %add3A_1960, %add3A_1961 : vector<16xf32>
        %reduce_sum3A_1963 = arith.constant true
        %reduce_sum3A_1964 = vector.broadcast %reduce_sum3A_1963 : i1 to vector<16xi1>
        %reduce_sum3A_1965 = tpu.scan <sum>, %add3A_1962 masked %reduce_sum3A_1964 : vector<16xf32>, vector<16xi1> -> vector<16xf32>
        %reduce_sum3A_1966 = vector.extract %reduce_sum3A_1965[15] : f32 from vector<16xf32>
        %add3A_1967 = arith.constant 32 : i32
        %add3A_1968 = arith.addi %mul3A_174, %add3A_1967 : i32
        %sub3A_1969 = arith.constant 1 : i32
        %sub3A_1970 = arith.subi %add3A_1968, %sub3A_1969 : i32
        %broadcast_in_dim3A_1971 = vector.broadcast %reduce_sum3A_1912 : f32 to vector<16xf32>
        %swap3A_1972 = arith.index_cast %sub3A_1970 : i32 to index
        %swap3A_1973 = tpu.vector_load %arg11[%swap3A_1972] masked %eq3A_8 {strides = array<i32>} : memref<4736xf32, #tpu.memory_space<vmem>>, vector<16xf32>, vector<16xi1>
        tpu.vector_store %arg11[%swap3A_1972], %broadcast_in_dim3A_1971 masked %eq3A_8 {strides = array<i32>} : memref<4736xf32, #tpu.memory_space<vmem>>, vector<16xf32>, vector<16xi1>
        %mul3A_1974 = arith.mulf %get3A_1934, %get3A_151 : vector<16xf32>
        %mul3A_1975 = arith.mulf %get3A_1937, %get3A_154 : vector<16xf32>
        %mul3A_1976 = arith.mulf %get3A_1940, %get3A_157 : vector<16xf32>
        %mul3A_1977 = arith.mulf %get3A_1943, %get3A_160 : vector<16xf32>
        %mul3A_1978 = arith.mulf %get3A_1946, %get3A_163 : vector<16xf32>
        %mul3A_1979 = arith.mulf %get3A_1949, %get3A_166 : vector<16xf32>
        %mul3A_1980 = arith.mulf %get3A_1952, %get3A_169 : vector<16xf32>
        %mul3A_1981 = arith.mulf %get3A_1955, %get3A_172 : vector<16xf32>
        %mul3A_1982 = arith.constant 36 : i32
        %mul3A_1983 = arith.muli %scan3A_146, %mul3A_1982 : i32
        %add3A_1984 = arith.constant 34 : i32
        %add3A_1985 = arith.addi %mul3A_1983, %add3A_1984 : i32
        %get3A_1986 = arith.index_cast %add3A_1985 : i32 to index
        %get3A_1987 = arith.constant 0 : index
        %get3A_1988 = tpu.vector_load %arg9[%get3A_1986, %get3A_1987] {strides = array<i32>} : memref<288x128xf32, #tpu.memory_space<vmem>>, vector<16xf32>,
        %get3A_1989 = arith.index_cast %add3A_1985 : i32 to index
        %get3A_1990 = arith.constant 16 : index
        %get3A_1991 = tpu.vector_load %arg9[%get3A_1989, %get3A_1990] {strides = array<i32>} : memref<288x128xf32, #tpu.memory_space<vmem>>, vector<16xf32>,
        %get3A_1992 = arith.index_cast %add3A_1985 : i32 to index
        %get3A_1993 = arith.constant 32 : index
        %get3A_1994 = tpu.vector_load %arg9[%get3A_1992, %get3A_1993] {strides = array<i32>} : memref<288x128xf32, #tpu.memory_space<vmem>>, vector<16xf32>,
        %get3A_1995 = arith.index_cast %add3A_1985 : i32 to index
        %get3A_1996 = arith.constant 48 : index
        %get3A_1997 = tpu.vector_load %arg9[%get3A_1995, %get3A_1996] {strides = array<i32>} : memref<288x128xf32, #tpu.memory_space<vmem>>, vector<16xf32>,
        %get3A_1998 = arith.index_cast %add3A_1985 : i32 to index
        %get3A_1999 = arith.constant 64 : index
        %get3A_2000 = tpu.vector_load %arg9[%get3A_1998, %get3A_1999] {strides = array<i32>} : memref<288x128xf32, #tpu.memory_space<vmem>>, vector<16xf32>,
        %get3A_2001 = arith.index_cast %add3A_1985 : i32 to index
        %get3A_2002 = arith.constant 80 : index
        %get3A_2003 = tpu.vector_load %arg9[%get3A_2001, %get3A_2002] {strides = array<i32>} : memref<288x128xf32, #tpu.memory_space<vmem>>, vector<16xf32>,
        %get3A_2004 = arith.index_cast %add3A_1985 : i32 to index
        %get3A_2005 = arith.constant 96 : index
        %get3A_2006 = tpu.vector_load %arg9[%get3A_2004, %get3A_2005] {strides = array<i32>} : memref<288x128xf32, #tpu.memory_space<vmem>>, vector<16xf32>,
        %get3A_2007 = arith.index_cast %add3A_1985 : i32 to index
        %get3A_2008 = arith.constant 112 : index
        %get3A_2009 = tpu.vector_load %arg9[%get3A_2007, %get3A_2008] {strides = array<i32>} : memref<288x128xf32, #tpu.memory_space<vmem>>, vector<16xf32>,
        %add3A_2010 = arith.addf %mul3A_1974, %mul3A_1975 : vector<16xf32>
        %add3A_2011 = arith.addf %mul3A_1976, %mul3A_1977 : vector<16xf32>
        %add3A_2012 = arith.addf %mul3A_1978, %mul3A_1979 : vector<16xf32>
        %add3A_2013 = arith.addf %mul3A_1980, %mul3A_1981 : vector<16xf32>
        %add3A_2014 = arith.addf %add3A_2010, %add3A_2011 : vector<16xf32>
        %add3A_2015 = arith.addf %add3A_2012, %add3A_2013 : vector<16xf32>
        %add3A_2016 = arith.addf %add3A_2014, %add3A_2015 : vector<16xf32>
        %reduce_sum3A_2017 = arith.constant true
        %reduce_sum3A_2018 = vector.broadcast %reduce_sum3A_2017 : i1 to vector<16xi1>
        %reduce_sum3A_2019 = tpu.scan <sum>, %add3A_2016 masked %reduce_sum3A_2018 : vector<16xf32>, vector<16xi1> -> vector<16xf32>
        %reduce_sum3A_2020 = vector.extract %reduce_sum3A_2019[15] : f32 from vector<16xf32>
        %add3A_2021 = arith.constant 33 : i32
        %add3A_2022 = arith.addi %mul3A_174, %add3A_2021 : i32
        %sub3A_2023 = arith.constant 1 : i32
        %sub3A_2024 = arith.subi %add3A_2022, %sub3A_2023 : i32
        %broadcast_in_dim3A_2025 = vector.broadcast %reduce_sum3A_1966 : f32 to vector<16xf32>
        %swap3A_2026 = arith.index_cast %sub3A_2024 : i32 to index
        %swap3A_2027 = tpu.vector_load %arg11[%swap3A_2026] masked %eq3A_8 {strides = array<i32>} : memref<4736xf32, #tpu.memory_space<vmem>>, vector<16xf32>, vector<16xi1>
        tpu.vector_store %arg11[%swap3A_2026], %broadcast_in_dim3A_2025 masked %eq3A_8 {strides = array<i32>} : memref<4736xf32, #tpu.memory_space<vmem>>, vector<16xf32>, vector<16xi1>
        %mul3A_2028 = arith.mulf %get3A_1988, %get3A_151 : vector<16xf32>
        %mul3A_2029 = arith.mulf %get3A_1991, %get3A_154 : vector<16xf32>
        %mul3A_2030 = arith.mulf %get3A_1994, %get3A_157 : vector<16xf32>
        %mul3A_2031 = arith.mulf %get3A_1997, %get3A_160 : vector<16xf32>
        %mul3A_2032 = arith.mulf %get3A_2000, %get3A_163 : vector<16xf32>
        %mul3A_2033 = arith.mulf %get3A_2003, %get3A_166 : vector<16xf32>
        %mul3A_2034 = arith.mulf %get3A_2006, %get3A_169 : vector<16xf32>
        %mul3A_2035 = arith.mulf %get3A_2009, %get3A_172 : vector<16xf32>
        %mul3A_2036 = arith.constant 36 : i32
        %mul3A_2037 = arith.muli %scan3A_146, %mul3A_2036 : i32
        %add3A_2038 = arith.constant 35 : i32
        %add3A_2039 = arith.addi %mul3A_2037, %add3A_2038 : i32
        %get3A_2040 = arith.index_cast %add3A_2039 : i32 to index
        %get3A_2041 = arith.constant 0 : index
        %get3A_2042 = tpu.vector_load %arg9[%get3A_2040, %get3A_2041] {strides = array<i32>} : memref<288x128xf32, #tpu.memory_space<vmem>>, vector<16xf32>,
        %get3A_2043 = arith.index_cast %add3A_2039 : i32 to index
        %get3A_2044 = arith.constant 16 : index
        %get3A_2045 = tpu.vector_load %arg9[%get3A_2043, %get3A_2044] {strides = array<i32>} : memref<288x128xf32, #tpu.memory_space<vmem>>, vector<16xf32>,
        %get3A_2046 = arith.index_cast %add3A_2039 : i32 to index
        %get3A_2047 = arith.constant 32 : index
        %get3A_2048 = tpu.vector_load %arg9[%get3A_2046, %get3A_2047] {strides = array<i32>} : memref<288x128xf32, #tpu.memory_space<vmem>>, vector<16xf32>,
        %get3A_2049 = arith.index_cast %add3A_2039 : i32 to index
        %get3A_2050 = arith.constant 48 : index
        %get3A_2051 = tpu.vector_load %arg9[%get3A_2049, %get3A_2050] {strides = array<i32>} : memref<288x128xf32, #tpu.memory_space<vmem>>, vector<16xf32>,
        %get3A_2052 = arith.index_cast %add3A_2039 : i32 to index
        %get3A_2053 = arith.constant 64 : index
        %get3A_2054 = tpu.vector_load %arg9[%get3A_2052, %get3A_2053] {strides = array<i32>} : memref<288x128xf32, #tpu.memory_space<vmem>>, vector<16xf32>,
        %get3A_2055 = arith.index_cast %add3A_2039 : i32 to index
        %get3A_2056 = arith.constant 80 : index
        %get3A_2057 = tpu.vector_load %arg9[%get3A_2055, %get3A_2056] {strides = array<i32>} : memref<288x128xf32, #tpu.memory_space<vmem>>, vector<16xf32>,
        %get3A_2058 = arith.index_cast %add3A_2039 : i32 to index
        %get3A_2059 = arith.constant 96 : index
        %get3A_2060 = tpu.vector_load %arg9[%get3A_2058, %get3A_2059] {strides = array<i32>} : memref<288x128xf32, #tpu.memory_space<vmem>>, vector<16xf32>,
        %get3A_2061 = arith.index_cast %add3A_2039 : i32 to index
        %get3A_2062 = arith.constant 112 : index
        %get3A_2063 = tpu.vector_load %arg9[%get3A_2061, %get3A_2062] {strides = array<i32>} : memref<288x128xf32, #tpu.memory_space<vmem>>, vector<16xf32>,
        %add3A_2064 = arith.addf %mul3A_2028, %mul3A_2029 : vector<16xf32>
        %add3A_2065 = arith.addf %mul3A_2030, %mul3A_2031 : vector<16xf32>
        %add3A_2066 = arith.addf %mul3A_2032, %mul3A_2033 : vector<16xf32>
        %add3A_2067 = arith.addf %mul3A_2034, %mul3A_2035 : vector<16xf32>
        %add3A_2068 = arith.addf %add3A_2064, %add3A_2065 : vector<16xf32>
        %add3A_2069 = arith.addf %add3A_2066, %add3A_2067 : vector<16xf32>
        %add3A_2070 = arith.addf %add3A_2068, %add3A_2069 : vector<16xf32>
        %reduce_sum3A_2071 = arith.constant true
        %reduce_sum3A_2072 = vector.broadcast %reduce_sum3A_2071 : i1 to vector<16xi1>
        %reduce_sum3A_2073 = tpu.scan <sum>, %add3A_2070 masked %reduce_sum3A_2072 : vector<16xf32>, vector<16xi1> -> vector<16xf32>
        %reduce_sum3A_2074 = vector.extract %reduce_sum3A_2073[15] : f32 from vector<16xf32>
        %add3A_2075 = arith.constant 34 : i32
        %add3A_2076 = arith.addi %mul3A_174, %add3A_2075 : i32
        %sub3A_2077 = arith.constant 1 : i32
        %sub3A_2078 = arith.subi %add3A_2076, %sub3A_2077 : i32
        %broadcast_in_dim3A_2079 = vector.broadcast %reduce_sum3A_2020 : f32 to vector<16xf32>
        %swap3A_2080 = arith.index_cast %sub3A_2078 : i32 to index
        %swap3A_2081 = tpu.vector_load %arg11[%swap3A_2080] masked %eq3A_8 {strides = array<i32>} : memref<4736xf32, #tpu.memory_space<vmem>>, vector<16xf32>, vector<16xi1>
        tpu.vector_store %arg11[%swap3A_2080], %broadcast_in_dim3A_2079 masked %eq3A_8 {strides = array<i32>} : memref<4736xf32, #tpu.memory_space<vmem>>, vector<16xf32>, vector<16xi1>
        %mul3A_2082 = arith.mulf %get3A_2042, %get3A_151 : vector<16xf32>
        %mul3A_2083 = arith.mulf %get3A_2045, %get3A_154 : vector<16xf32>
        %mul3A_2084 = arith.mulf %get3A_2048, %get3A_157 : vector<16xf32>
        %mul3A_2085 = arith.mulf %get3A_2051, %get3A_160 : vector<16xf32>
        %mul3A_2086 = arith.mulf %get3A_2054, %get3A_163 : vector<16xf32>
        %mul3A_2087 = arith.mulf %get3A_2057, %get3A_166 : vector<16xf32>
        %mul3A_2088 = arith.mulf %get3A_2060, %get3A_169 : vector<16xf32>
        %mul3A_2089 = arith.mulf %get3A_2063, %get3A_172 : vector<16xf32>
        %add3A_2090 = arith.addf %mul3A_2082, %mul3A_2083 : vector<16xf32>
        %add3A_2091 = arith.addf %mul3A_2084, %mul3A_2085 : vector<16xf32>
        %add3A_2092 = arith.addf %mul3A_2086, %mul3A_2087 : vector<16xf32>
        %add3A_2093 = arith.addf %mul3A_2088, %mul3A_2089 : vector<16xf32>
        %add3A_2094 = arith.addf %add3A_2090, %add3A_2091 : vector<16xf32>
        %add3A_2095 = arith.addf %add3A_2092, %add3A_2093 : vector<16xf32>
        %add3A_2096 = arith.addf %add3A_2094, %add3A_2095 : vector<16xf32>
        %reduce_sum3A_2097 = arith.constant true
        %reduce_sum3A_2098 = vector.broadcast %reduce_sum3A_2097 : i1 to vector<16xi1>
        %reduce_sum3A_2099 = tpu.scan <sum>, %add3A_2096 masked %reduce_sum3A_2098 : vector<16xf32>, vector<16xi1> -> vector<16xf32>
        %reduce_sum3A_2100 = vector.extract %reduce_sum3A_2099[15] : f32 from vector<16xf32>
        %add3A_2101 = arith.constant 35 : i32
        %add3A_2102 = arith.addi %mul3A_174, %add3A_2101 : i32
        %sub3A_2103 = arith.constant 1 : i32
        %sub3A_2104 = arith.subi %add3A_2102, %sub3A_2103 : i32
        %broadcast_in_dim3A_2105 = vector.broadcast %reduce_sum3A_2074 : f32 to vector<16xf32>
        %swap3A_2106 = arith.index_cast %sub3A_2104 : i32 to index
        %swap3A_2107 = tpu.vector_load %arg11[%swap3A_2106] masked %eq3A_8 {strides = array<i32>} : memref<4736xf32, #tpu.memory_space<vmem>>, vector<16xf32>, vector<16xi1>
        tpu.vector_store %arg11[%swap3A_2106], %broadcast_in_dim3A_2105 masked %eq3A_8 {strides = array<i32>} : memref<4736xf32, #tpu.memory_space<vmem>>, vector<16xf32>, vector<16xi1>
        %add3A_2108 = arith.constant 36 : i32
        %add3A_2109 = arith.addi %mul3A_174, %add3A_2108 : i32
        %sub3A_2110 = arith.constant 1 : i32
        %sub3A_2111 = arith.subi %add3A_2109, %sub3A_2110 : i32
        %broadcast_in_dim3A_2112 = vector.broadcast %reduce_sum3A_2100 : f32 to vector<16xf32>
        %swap3A_2113 = arith.index_cast %sub3A_2111 : i32 to index
        %swap3A_2114 = tpu.vector_load %arg11[%swap3A_2113] masked %eq3A_8 {strides = array<i32>} : memref<4736xf32, #tpu.memory_space<vmem>>, vector<16xf32>, vector<16xi1>
        tpu.vector_store %arg11[%swap3A_2113], %broadcast_in_dim3A_2112 masked %eq3A_8 {strides = array<i32>} : memref<4736xf32, #tpu.memory_space<vmem>>, vector<16xf32>, vector<16xi1>
      }
      %scan3A_120 = arith.constant 8 : i32
      %add3A_121 = arith.constant 2 : i32
      %add3A_122 = arith.addi %add3A_108, %add3A_121 : i32
      %lt3A = arith.constant 16 : i32
      %lt3A_123 = arith.cmpi slt, %add3A_122, %lt3A : i32
      %convert_element_type3A = arith.extui %lt3A_123 : i1 to i32
      %cond3A = arith.constant 0 : i32
      %cond3A_124 = arith.cmpi ne, %convert_element_type3A, %cond3A : i32
      scf.if %cond3A_124 {
        %add3A_146 = arith.constant 2 : i32
        %add3A_147 = arith.addi %add3A_108, %add3A_146 : i32
        %dma_start3A_148 = arith.constant 0 : i32
        %dma_start3A_149 = arith.constant 0 : i32
        %dma_start3A_150 = arith.constant 0 : i32
        %dma_start3A_151 = tpu.memref_slice %arg9[%dma_start3A_149, %dma_start3A_150] : memref<288x128xf32, #tpu.memory_space<vmem>> -> memref<96x128xf32, #tpu.memory_space<vmem>>
        %dma_start3A_152 = arith.constant 0 : i32
        %dma_start3A_153 = arith.constant 0 : i32
        %dma_start3A_154 = tpu.memref_slice %arg6[%add3A_147, %dma_start3A_152, %dma_start3A_153] : memref<16x3x96xi32, #tpu.memory_space<vmem>> -> memref<1x3x96xi32, #tpu.memory_space<vmem>>
        %dma_start3A_155 = tpu.memref_squeeze %dma_start3A_154 : memref<1x3x96xi32, #tpu.memory_space<vmem>> -> memref<3x96xi32, #tpu.memory_space<vmem>>
        %dma_start3A_156 = arith.constant 0 : i32
        %dma_start3A_157 = tpu.memref_slice %dma_start3A_155[%dma_start3A_148, %dma_start3A_156] : memref<3x96xi32, #tpu.memory_space<vmem>> -> memref<1x96xi32, #tpu.memory_space<vmem>>
        %dma_start3A_158 = tpu.memref_squeeze %dma_start3A_157 : memref<1x96xi32, #tpu.memory_space<vmem>> -> memref<96xi32, #tpu.memory_space<vmem>>
        %dma_start3A_159 = arith.constant 0 : i32
        %dma_start3A_160 = arith.constant 0 : i32
        %dma_start3A_161 = tpu.memref_slice %arg2[%dma_start3A_159, %dma_start3A_160] : memref<100000x128xf32, #tpu.memory_space<hbm>> -> memref<100000x128xf32, #tpu.memory_space<hbm>>
        tpu.enqueue_indirect_dma source(%dma_start3A_161 : memref<100000x128xf32, #tpu.memory_space<hbm>>) target(%dma_start3A_151 : memref<96x128xf32, #tpu.memory_space<vmem>>) offsets(%dma_start3A_158 : memref<96xi32, #tpu.memory_space<vmem>>) semaphore(%arg13 : memref<!tpu.dma_semaphore, #tpu.memory_space<semaphore_mem>>)
        %dma_start3A_162 = arith.constant 1 : i32
        %dma_start3A_163 = arith.constant 96 : i32
        %dma_start3A_164 = arith.constant 0 : i32
        %dma_start3A_165 = tpu.memref_slice %arg9[%dma_start3A_163, %dma_start3A_164] : memref<288x128xf32, #tpu.memory_space<vmem>> -> memref<96x128xf32, #tpu.memory_space<vmem>>
        %dma_start3A_166 = arith.constant 0 : i32
        %dma_start3A_167 = arith.constant 0 : i32
        %dma_start3A_168 = tpu.memref_slice %arg6[%add3A_147, %dma_start3A_166, %dma_start3A_167] : memref<16x3x96xi32, #tpu.memory_space<vmem>> -> memref<1x3x96xi32, #tpu.memory_space<vmem>>
        %dma_start3A_169 = tpu.memref_squeeze %dma_start3A_168 : memref<1x3x96xi32, #tpu.memory_space<vmem>> -> memref<3x96xi32, #tpu.memory_space<vmem>>
        %dma_start3A_170 = arith.constant 0 : i32
        %dma_start3A_171 = tpu.memref_slice %dma_start3A_169[%dma_start3A_162, %dma_start3A_170] : memref<3x96xi32, #tpu.memory_space<vmem>> -> memref<1x96xi32, #tpu.memory_space<vmem>>
        %dma_start3A_172 = tpu.memref_squeeze %dma_start3A_171 : memref<1x96xi32, #tpu.memory_space<vmem>> -> memref<96xi32, #tpu.memory_space<vmem>>
        %dma_start3A_173 = arith.constant 0 : i32
        %dma_start3A_174 = arith.constant 0 : i32
        %dma_start3A_175 = tpu.memref_slice %arg2[%dma_start3A_173, %dma_start3A_174] : memref<100000x128xf32, #tpu.memory_space<hbm>> -> memref<100000x128xf32, #tpu.memory_space<hbm>>
        tpu.enqueue_indirect_dma source(%dma_start3A_175 : memref<100000x128xf32, #tpu.memory_space<hbm>>) target(%dma_start3A_165 : memref<96x128xf32, #tpu.memory_space<vmem>>) offsets(%dma_start3A_172 : memref<96xi32, #tpu.memory_space<vmem>>) semaphore(%arg13 : memref<!tpu.dma_semaphore, #tpu.memory_space<semaphore_mem>>)
        %dma_start3A_176 = arith.constant 2 : i32
        %dma_start3A_177 = arith.constant 192 : i32
        %dma_start3A_178 = arith.constant 0 : i32
        %dma_start3A_179 = tpu.memref_slice %arg9[%dma_start3A_177, %dma_start3A_178] : memref<288x128xf32, #tpu.memory_space<vmem>> -> memref<96x128xf32, #tpu.memory_space<vmem>>
        %dma_start3A_180 = arith.constant 0 : i32
        %dma_start3A_181 = arith.constant 0 : i32
        %dma_start3A_182 = tpu.memref_slice %arg6[%add3A_147, %dma_start3A_180, %dma_start3A_181] : memref<16x3x96xi32, #tpu.memory_space<vmem>> -> memref<1x3x96xi32, #tpu.memory_space<vmem>>
        %dma_start3A_183 = tpu.memref_squeeze %dma_start3A_182 : memref<1x3x96xi32, #tpu.memory_space<vmem>> -> memref<3x96xi32, #tpu.memory_space<vmem>>
        %dma_start3A_184 = arith.constant 0 : i32
        %dma_start3A_185 = tpu.memref_slice %dma_start3A_183[%dma_start3A_176, %dma_start3A_184] : memref<3x96xi32, #tpu.memory_space<vmem>> -> memref<1x96xi32, #tpu.memory_space<vmem>>
        %dma_start3A_186 = tpu.memref_squeeze %dma_start3A_185 : memref<1x96xi32, #tpu.memory_space<vmem>> -> memref<96xi32, #tpu.memory_space<vmem>>
        %dma_start3A_187 = arith.constant 0 : i32
        %dma_start3A_188 = arith.constant 0 : i32
        %dma_start3A_189 = tpu.memref_slice %arg2[%dma_start3A_187, %dma_start3A_188] : memref<100000x128xf32, #tpu.memory_space<hbm>> -> memref<100000x128xf32, #tpu.memory_space<hbm>>
        tpu.enqueue_indirect_dma source(%dma_start3A_189 : memref<100000x128xf32, #tpu.memory_space<hbm>>) target(%dma_start3A_179 : memref<96x128xf32, #tpu.memory_space<vmem>>) offsets(%dma_start3A_186 : memref<96xi32, #tpu.memory_space<vmem>>) semaphore(%arg13 : memref<!tpu.dma_semaphore, #tpu.memory_space<semaphore_mem>>)
      } else {
      }
      %add3A_125 = arith.constant 1 : i32
      %add3A_126 = arith.addi %mul3A_106, %add3A_125 : i32
      %dma_wait3A_127 = arith.constant 0 : i32
      %dma_wait3A_128 = arith.constant 0 : i32
      %dma_wait3A_129 = tpu.memref_slice %arg2[%dma_wait3A_127, %dma_wait3A_128] : memref<100000x128xf32, #tpu.memory_space<hbm>> -> memref<288x128xf32, #tpu.memory_space<hbm>>
      %dma_wait3A_130 = arith.constant 0 : i32
      %dma_wait3A_131 = arith.constant 0 : i32
      %dma_wait3A_132 = tpu.memref_slice %arg2[%dma_wait3A_130, %dma_wait3A_131] : memref<100000x128xf32, #tpu.memory_space<hbm>> -> memref<288x128xf32, #tpu.memory_space<hbm>>
      tpu.wait_dma2 semaphore(%arg14 : memref<!tpu.dma_semaphore, #tpu.memory_space<semaphore_mem>>) src(%dma_wait3A_132 : memref<288x128xf32, #tpu.memory_space<hbm>>) dst(%arg10 : memref<288x128xf32, #tpu.memory_space<vmem>>)
      %scan3A_133 = arith.constant 0 : i32
      %scan3A_134 = arith.constant 0 : i32
      %scan3A_135 = arith.constant 8 : i32
      %scan3A_136 = arith.addi %scan3A_134, %scan3A_135 : i32
      %scan3A_137 = arith.constant 1 : i32
      scf.for %scan3A_146 = %scan3A_134 to %scan3A_136 step %scan3A_137  : i32 {
        %mul3A_147 = arith.constant 8 : i32
        %mul3A_148 = arith.muli %add3A_126, %mul3A_147 : i32
        %add3A_149 = arith.addi %mul3A_148, %scan3A_146 : i32
        %get3A = arith.index_cast %add3A_149 : i32 to index
        %get3A_150 = arith.constant 0 : index
        %get3A_151 = tpu.vector_load %arg8[%get3A, %get3A_150] {strides = array<i32>} : memref<128x128xf32, #tpu.memory_space<vmem>>, vector<16xf32>,
        %get3A_152 = arith.index_cast %add3A_149 : i32 to index
        %get3A_153 = arith.constant 16 : index
        %get3A_154 = tpu.vector_load %arg8[%get3A_152, %get3A_153] {strides = array<i32>} : memref<128x128xf32, #tpu.memory_space<vmem>>, vector<16xf32>,
        %get3A_155 = arith.index_cast %add3A_149 : i32 to index
        %get3A_156 = arith.constant 32 : index
        %get3A_157 = tpu.vector_load %arg8[%get3A_155, %get3A_156] {strides = array<i32>} : memref<128x128xf32, #tpu.memory_space<vmem>>, vector<16xf32>,
        %get3A_158 = arith.index_cast %add3A_149 : i32 to index
        %get3A_159 = arith.constant 48 : index
        %get3A_160 = tpu.vector_load %arg8[%get3A_158, %get3A_159] {strides = array<i32>} : memref<128x128xf32, #tpu.memory_space<vmem>>, vector<16xf32>,
        %get3A_161 = arith.index_cast %add3A_149 : i32 to index
        %get3A_162 = arith.constant 64 : index
        %get3A_163 = tpu.vector_load %arg8[%get3A_161, %get3A_162] {strides = array<i32>} : memref<128x128xf32, #tpu.memory_space<vmem>>, vector<16xf32>,
        %get3A_164 = arith.index_cast %add3A_149 : i32 to index
        %get3A_165 = arith.constant 80 : index
        %get3A_166 = tpu.vector_load %arg8[%get3A_164, %get3A_165] {strides = array<i32>} : memref<128x128xf32, #tpu.memory_space<vmem>>, vector<16xf32>,
        %get3A_167 = arith.index_cast %add3A_149 : i32 to index
        %get3A_168 = arith.constant 96 : index
        %get3A_169 = tpu.vector_load %arg8[%get3A_167, %get3A_168] {strides = array<i32>} : memref<128x128xf32, #tpu.memory_space<vmem>>, vector<16xf32>,
        %get3A_170 = arith.index_cast %add3A_149 : i32 to index
        %get3A_171 = arith.constant 112 : index
        %get3A_172 = tpu.vector_load %arg8[%get3A_170, %get3A_171] {strides = array<i32>} : memref<128x128xf32, #tpu.memory_space<vmem>>, vector<16xf32>,
        %mul3A_173 = arith.constant 36 : i32
        %mul3A_174 = arith.muli %add3A_149, %mul3A_173 : i32
        %mul3A_175 = arith.constant 36 : i32
        %mul3A_176 = arith.muli %scan3A_146, %mul3A_175 : i32
        %add3A_177 = arith.constant 0 : i32
        %add3A_178 = arith.addi %mul3A_176, %add3A_177 : i32
        %get3A_179 = arith.index_cast %add3A_178 : i32 to index
        %get3A_180 = arith.constant 0 : index
        %get3A_181 = tpu.vector_load %arg10[%get3A_179, %get3A_180] {strides = array<i32>} : memref<288x128xf32, #tpu.memory_space<vmem>>, vector<16xf32>,
        %get3A_182 = arith.index_cast %add3A_178 : i32 to index
        %get3A_183 = arith.constant 16 : index
        %get3A_184 = tpu.vector_load %arg10[%get3A_182, %get3A_183] {strides = array<i32>} : memref<288x128xf32, #tpu.memory_space<vmem>>, vector<16xf32>,
        %get3A_185 = arith.index_cast %add3A_178 : i32 to index
        %get3A_186 = arith.constant 32 : index
        %get3A_187 = tpu.vector_load %arg10[%get3A_185, %get3A_186] {strides = array<i32>} : memref<288x128xf32, #tpu.memory_space<vmem>>, vector<16xf32>,
        %get3A_188 = arith.index_cast %add3A_178 : i32 to index
        %get3A_189 = arith.constant 48 : index
        %get3A_190 = tpu.vector_load %arg10[%get3A_188, %get3A_189] {strides = array<i32>} : memref<288x128xf32, #tpu.memory_space<vmem>>, vector<16xf32>,
        %get3A_191 = arith.index_cast %add3A_178 : i32 to index
        %get3A_192 = arith.constant 64 : index
        %get3A_193 = tpu.vector_load %arg10[%get3A_191, %get3A_192] {strides = array<i32>} : memref<288x128xf32, #tpu.memory_space<vmem>>, vector<16xf32>,
        %get3A_194 = arith.index_cast %add3A_178 : i32 to index
        %get3A_195 = arith.constant 80 : index
        %get3A_196 = tpu.vector_load %arg10[%get3A_194, %get3A_195] {strides = array<i32>} : memref<288x128xf32, #tpu.memory_space<vmem>>, vector<16xf32>,
        %get3A_197 = arith.index_cast %add3A_178 : i32 to index
        %get3A_198 = arith.constant 96 : index
        %get3A_199 = tpu.vector_load %arg10[%get3A_197, %get3A_198] {strides = array<i32>} : memref<288x128xf32, #tpu.memory_space<vmem>>, vector<16xf32>,
        %get3A_200 = arith.index_cast %add3A_178 : i32 to index
        %get3A_201 = arith.constant 112 : index
        %get3A_202 = tpu.vector_load %arg10[%get3A_200, %get3A_201] {strides = array<i32>} : memref<288x128xf32, #tpu.memory_space<vmem>>, vector<16xf32>,
        %mul3A_203 = arith.mulf %get3A_181, %get3A_151 : vector<16xf32>
        %mul3A_204 = arith.mulf %get3A_184, %get3A_154 : vector<16xf32>
        %mul3A_205 = arith.mulf %get3A_187, %get3A_157 : vector<16xf32>
        %mul3A_206 = arith.mulf %get3A_190, %get3A_160 : vector<16xf32>
        %mul3A_207 = arith.mulf %get3A_193, %get3A_163 : vector<16xf32>
        %mul3A_208 = arith.mulf %get3A_196, %get3A_166 : vector<16xf32>
        %mul3A_209 = arith.mulf %get3A_199, %get3A_169 : vector<16xf32>
        %mul3A_210 = arith.mulf %get3A_202, %get3A_172 : vector<16xf32>
        %mul3A_211 = arith.constant 36 : i32
        %mul3A_212 = arith.muli %scan3A_146, %mul3A_211 : i32
        %add3A_213 = arith.constant 1 : i32
        %add3A_214 = arith.addi %mul3A_212, %add3A_213 : i32
        %get3A_215 = arith.index_cast %add3A_214 : i32 to index
        %get3A_216 = arith.constant 0 : index
        %get3A_217 = tpu.vector_load %arg10[%get3A_215, %get3A_216] {strides = array<i32>} : memref<288x128xf32, #tpu.memory_space<vmem>>, vector<16xf32>,
        %get3A_218 = arith.index_cast %add3A_214 : i32 to index
        %get3A_219 = arith.constant 16 : index
        %get3A_220 = tpu.vector_load %arg10[%get3A_218, %get3A_219] {strides = array<i32>} : memref<288x128xf32, #tpu.memory_space<vmem>>, vector<16xf32>,
        %get3A_221 = arith.index_cast %add3A_214 : i32 to index
        %get3A_222 = arith.constant 32 : index
        %get3A_223 = tpu.vector_load %arg10[%get3A_221, %get3A_222] {strides = array<i32>} : memref<288x128xf32, #tpu.memory_space<vmem>>, vector<16xf32>,
        %get3A_224 = arith.index_cast %add3A_214 : i32 to index
        %get3A_225 = arith.constant 48 : index
        %get3A_226 = tpu.vector_load %arg10[%get3A_224, %get3A_225] {strides = array<i32>} : memref<288x128xf32, #tpu.memory_space<vmem>>, vector<16xf32>,
        %get3A_227 = arith.index_cast %add3A_214 : i32 to index
        %get3A_228 = arith.constant 64 : index
        %get3A_229 = tpu.vector_load %arg10[%get3A_227, %get3A_228] {strides = array<i32>} : memref<288x128xf32, #tpu.memory_space<vmem>>, vector<16xf32>,
        %get3A_230 = arith.index_cast %add3A_214 : i32 to index
        %get3A_231 = arith.constant 80 : index
        %get3A_232 = tpu.vector_load %arg10[%get3A_230, %get3A_231] {strides = array<i32>} : memref<288x128xf32, #tpu.memory_space<vmem>>, vector<16xf32>,
        %get3A_233 = arith.index_cast %add3A_214 : i32 to index
        %get3A_234 = arith.constant 96 : index
        %get3A_235 = tpu.vector_load %arg10[%get3A_233, %get3A_234] {strides = array<i32>} : memref<288x128xf32, #tpu.memory_space<vmem>>, vector<16xf32>,
        %get3A_236 = arith.index_cast %add3A_214 : i32 to index
        %get3A_237 = arith.constant 112 : index
        %get3A_238 = tpu.vector_load %arg10[%get3A_236, %get3A_237] {strides = array<i32>} : memref<288x128xf32, #tpu.memory_space<vmem>>, vector<16xf32>,
        %add3A_239 = arith.addf %mul3A_203, %mul3A_204 : vector<16xf32>
        %add3A_240 = arith.addf %mul3A_205, %mul3A_206 : vector<16xf32>
        %add3A_241 = arith.addf %mul3A_207, %mul3A_208 : vector<16xf32>
        %add3A_242 = arith.addf %mul3A_209, %mul3A_210 : vector<16xf32>
        %add3A_243 = arith.addf %add3A_239, %add3A_240 : vector<16xf32>
        %add3A_244 = arith.addf %add3A_241, %add3A_242 : vector<16xf32>
        %add3A_245 = arith.addf %add3A_243, %add3A_244 : vector<16xf32>
        %reduce_sum3A = arith.constant true
        %reduce_sum3A_246 = vector.broadcast %reduce_sum3A : i1 to vector<16xi1>
        %reduce_sum3A_247 = tpu.scan <sum>, %add3A_245 masked %reduce_sum3A_246 : vector<16xf32>, vector<16xi1> -> vector<16xf32>
        %reduce_sum3A_248 = vector.extract %reduce_sum3A_247[15] : f32 from vector<16xf32>
        %mul3A_249 = arith.mulf %get3A_217, %get3A_151 : vector<16xf32>
        %mul3A_250 = arith.mulf %get3A_220, %get3A_154 : vector<16xf32>
        %mul3A_251 = arith.mulf %get3A_223, %get3A_157 : vector<16xf32>
        %mul3A_252 = arith.mulf %get3A_226, %get3A_160 : vector<16xf32>
        %mul3A_253 = arith.mulf %get3A_229, %get3A_163 : vector<16xf32>
        %mul3A_254 = arith.mulf %get3A_232, %get3A_166 : vector<16xf32>
        %mul3A_255 = arith.mulf %get3A_235, %get3A_169 : vector<16xf32>
        %mul3A_256 = arith.mulf %get3A_238, %get3A_172 : vector<16xf32>
        %mul3A_257 = arith.constant 36 : i32
        %mul3A_258 = arith.muli %scan3A_146, %mul3A_257 : i32
        %add3A_259 = arith.constant 2 : i32
        %add3A_260 = arith.addi %mul3A_258, %add3A_259 : i32
        %get3A_261 = arith.index_cast %add3A_260 : i32 to index
        %get3A_262 = arith.constant 0 : index
        %get3A_263 = tpu.vector_load %arg10[%get3A_261, %get3A_262] {strides = array<i32>} : memref<288x128xf32, #tpu.memory_space<vmem>>, vector<16xf32>,
        %get3A_264 = arith.index_cast %add3A_260 : i32 to index
        %get3A_265 = arith.constant 16 : index
        %get3A_266 = tpu.vector_load %arg10[%get3A_264, %get3A_265] {strides = array<i32>} : memref<288x128xf32, #tpu.memory_space<vmem>>, vector<16xf32>,
        %get3A_267 = arith.index_cast %add3A_260 : i32 to index
        %get3A_268 = arith.constant 32 : index
        %get3A_269 = tpu.vector_load %arg10[%get3A_267, %get3A_268] {strides = array<i32>} : memref<288x128xf32, #tpu.memory_space<vmem>>, vector<16xf32>,
        %get3A_270 = arith.index_cast %add3A_260 : i32 to index
        %get3A_271 = arith.constant 48 : index
        %get3A_272 = tpu.vector_load %arg10[%get3A_270, %get3A_271] {strides = array<i32>} : memref<288x128xf32, #tpu.memory_space<vmem>>, vector<16xf32>,
        %get3A_273 = arith.index_cast %add3A_260 : i32 to index
        %get3A_274 = arith.constant 64 : index
        %get3A_275 = tpu.vector_load %arg10[%get3A_273, %get3A_274] {strides = array<i32>} : memref<288x128xf32, #tpu.memory_space<vmem>>, vector<16xf32>,
        %get3A_276 = arith.index_cast %add3A_260 : i32 to index
        %get3A_277 = arith.constant 80 : index
        %get3A_278 = tpu.vector_load %arg10[%get3A_276, %get3A_277] {strides = array<i32>} : memref<288x128xf32, #tpu.memory_space<vmem>>, vector<16xf32>,
        %get3A_279 = arith.index_cast %add3A_260 : i32 to index
        %get3A_280 = arith.constant 96 : index
        %get3A_281 = tpu.vector_load %arg10[%get3A_279, %get3A_280] {strides = array<i32>} : memref<288x128xf32, #tpu.memory_space<vmem>>, vector<16xf32>,
        %get3A_282 = arith.index_cast %add3A_260 : i32 to index
        %get3A_283 = arith.constant 112 : index
        %get3A_284 = tpu.vector_load %arg10[%get3A_282, %get3A_283] {strides = array<i32>} : memref<288x128xf32, #tpu.memory_space<vmem>>, vector<16xf32>,
        %add3A_285 = arith.addf %mul3A_249, %mul3A_250 : vector<16xf32>
        %add3A_286 = arith.addf %mul3A_251, %mul3A_252 : vector<16xf32>
        %add3A_287 = arith.addf %mul3A_253, %mul3A_254 : vector<16xf32>
        %add3A_288 = arith.addf %mul3A_255, %mul3A_256 : vector<16xf32>
        %add3A_289 = arith.addf %add3A_285, %add3A_286 : vector<16xf32>
        %add3A_290 = arith.addf %add3A_287, %add3A_288 : vector<16xf32>
        %add3A_291 = arith.addf %add3A_289, %add3A_290 : vector<16xf32>
        %reduce_sum3A_292 = arith.constant true
        %reduce_sum3A_293 = vector.broadcast %reduce_sum3A_292 : i1 to vector<16xi1>
        %reduce_sum3A_294 = tpu.scan <sum>, %add3A_291 masked %reduce_sum3A_293 : vector<16xf32>, vector<16xi1> -> vector<16xf32>
        %reduce_sum3A_295 = vector.extract %reduce_sum3A_294[15] : f32 from vector<16xf32>
        %add3A_296 = arith.constant 1 : i32
        %add3A_297 = arith.addi %mul3A_174, %add3A_296 : i32
        %sub3A = arith.constant 1 : i32
        %sub3A_298 = arith.subi %add3A_297, %sub3A : i32
        %broadcast_in_dim3A = vector.broadcast %reduce_sum3A_248 : f32 to vector<16xf32>
        %swap3A = arith.index_cast %sub3A_298 : i32 to index
        %swap3A_299 = tpu.vector_load %arg11[%swap3A] masked %eq3A_8 {strides = array<i32>} : memref<4736xf32, #tpu.memory_space<vmem>>, vector<16xf32>, vector<16xi1>
        tpu.vector_store %arg11[%swap3A], %broadcast_in_dim3A masked %eq3A_8 {strides = array<i32>} : memref<4736xf32, #tpu.memory_space<vmem>>, vector<16xf32>, vector<16xi1>
        %mul3A_300 = arith.mulf %get3A_263, %get3A_151 : vector<16xf32>
        %mul3A_301 = arith.mulf %get3A_266, %get3A_154 : vector<16xf32>
        %mul3A_302 = arith.mulf %get3A_269, %get3A_157 : vector<16xf32>
        %mul3A_303 = arith.mulf %get3A_272, %get3A_160 : vector<16xf32>
        %mul3A_304 = arith.mulf %get3A_275, %get3A_163 : vector<16xf32>
        %mul3A_305 = arith.mulf %get3A_278, %get3A_166 : vector<16xf32>
        %mul3A_306 = arith.mulf %get3A_281, %get3A_169 : vector<16xf32>
        %mul3A_307 = arith.mulf %get3A_284, %get3A_172 : vector<16xf32>
        %mul3A_308 = arith.constant 36 : i32
        %mul3A_309 = arith.muli %scan3A_146, %mul3A_308 : i32
        %add3A_310 = arith.constant 3 : i32
        %add3A_311 = arith.addi %mul3A_309, %add3A_310 : i32
        %get3A_312 = arith.index_cast %add3A_311 : i32 to index
        %get3A_313 = arith.constant 0 : index
        %get3A_314 = tpu.vector_load %arg10[%get3A_312, %get3A_313] {strides = array<i32>} : memref<288x128xf32, #tpu.memory_space<vmem>>, vector<16xf32>,
        %get3A_315 = arith.index_cast %add3A_311 : i32 to index
        %get3A_316 = arith.constant 16 : index
        %get3A_317 = tpu.vector_load %arg10[%get3A_315, %get3A_316] {strides = array<i32>} : memref<288x128xf32, #tpu.memory_space<vmem>>, vector<16xf32>,
        %get3A_318 = arith.index_cast %add3A_311 : i32 to index
        %get3A_319 = arith.constant 32 : index
        %get3A_320 = tpu.vector_load %arg10[%get3A_318, %get3A_319] {strides = array<i32>} : memref<288x128xf32, #tpu.memory_space<vmem>>, vector<16xf32>,
        %get3A_321 = arith.index_cast %add3A_311 : i32 to index
        %get3A_322 = arith.constant 48 : index
        %get3A_323 = tpu.vector_load %arg10[%get3A_321, %get3A_322] {strides = array<i32>} : memref<288x128xf32, #tpu.memory_space<vmem>>, vector<16xf32>,
        %get3A_324 = arith.index_cast %add3A_311 : i32 to index
        %get3A_325 = arith.constant 64 : index
        %get3A_326 = tpu.vector_load %arg10[%get3A_324, %get3A_325] {strides = array<i32>} : memref<288x128xf32, #tpu.memory_space<vmem>>, vector<16xf32>,
        %get3A_327 = arith.index_cast %add3A_311 : i32 to index
        %get3A_328 = arith.constant 80 : index
        %get3A_329 = tpu.vector_load %arg10[%get3A_327, %get3A_328] {strides = array<i32>} : memref<288x128xf32, #tpu.memory_space<vmem>>, vector<16xf32>,
        %get3A_330 = arith.index_cast %add3A_311 : i32 to index
        %get3A_331 = arith.constant 96 : index
        %get3A_332 = tpu.vector_load %arg10[%get3A_330, %get3A_331] {strides = array<i32>} : memref<288x128xf32, #tpu.memory_space<vmem>>, vector<16xf32>,
        %get3A_333 = arith.index_cast %add3A_311 : i32 to index
        %get3A_334 = arith.constant 112 : index
        %get3A_335 = tpu.vector_load %arg10[%get3A_333, %get3A_334] {strides = array<i32>} : memref<288x128xf32, #tpu.memory_space<vmem>>, vector<16xf32>,
        %add3A_336 = arith.addf %mul3A_300, %mul3A_301 : vector<16xf32>
        %add3A_337 = arith.addf %mul3A_302, %mul3A_303 : vector<16xf32>
        %add3A_338 = arith.addf %mul3A_304, %mul3A_305 : vector<16xf32>
        %add3A_339 = arith.addf %mul3A_306, %mul3A_307 : vector<16xf32>
        %add3A_340 = arith.addf %add3A_336, %add3A_337 : vector<16xf32>
        %add3A_341 = arith.addf %add3A_338, %add3A_339 : vector<16xf32>
        %add3A_342 = arith.addf %add3A_340, %add3A_341 : vector<16xf32>
        %reduce_sum3A_343 = arith.constant true
        %reduce_sum3A_344 = vector.broadcast %reduce_sum3A_343 : i1 to vector<16xi1>
        %reduce_sum3A_345 = tpu.scan <sum>, %add3A_342 masked %reduce_sum3A_344 : vector<16xf32>, vector<16xi1> -> vector<16xf32>
        %reduce_sum3A_346 = vector.extract %reduce_sum3A_345[15] : f32 from vector<16xf32>
        %add3A_347 = arith.constant 2 : i32
        %add3A_348 = arith.addi %mul3A_174, %add3A_347 : i32
        %sub3A_349 = arith.constant 1 : i32
        %sub3A_350 = arith.subi %add3A_348, %sub3A_349 : i32
        %broadcast_in_dim3A_351 = vector.broadcast %reduce_sum3A_295 : f32 to vector<16xf32>
        %swap3A_352 = arith.index_cast %sub3A_350 : i32 to index
        %swap3A_353 = tpu.vector_load %arg11[%swap3A_352] masked %eq3A_8 {strides = array<i32>} : memref<4736xf32, #tpu.memory_space<vmem>>, vector<16xf32>, vector<16xi1>
        tpu.vector_store %arg11[%swap3A_352], %broadcast_in_dim3A_351 masked %eq3A_8 {strides = array<i32>} : memref<4736xf32, #tpu.memory_space<vmem>>, vector<16xf32>, vector<16xi1>
        %mul3A_354 = arith.mulf %get3A_314, %get3A_151 : vector<16xf32>
        %mul3A_355 = arith.mulf %get3A_317, %get3A_154 : vector<16xf32>
        %mul3A_356 = arith.mulf %get3A_320, %get3A_157 : vector<16xf32>
        %mul3A_357 = arith.mulf %get3A_323, %get3A_160 : vector<16xf32>
        %mul3A_358 = arith.mulf %get3A_326, %get3A_163 : vector<16xf32>
        %mul3A_359 = arith.mulf %get3A_329, %get3A_166 : vector<16xf32>
        %mul3A_360 = arith.mulf %get3A_332, %get3A_169 : vector<16xf32>
        %mul3A_361 = arith.mulf %get3A_335, %get3A_172 : vector<16xf32>
        %mul3A_362 = arith.constant 36 : i32
        %mul3A_363 = arith.muli %scan3A_146, %mul3A_362 : i32
        %add3A_364 = arith.constant 4 : i32
        %add3A_365 = arith.addi %mul3A_363, %add3A_364 : i32
        %get3A_366 = arith.index_cast %add3A_365 : i32 to index
        %get3A_367 = arith.constant 0 : index
        %get3A_368 = tpu.vector_load %arg10[%get3A_366, %get3A_367] {strides = array<i32>} : memref<288x128xf32, #tpu.memory_space<vmem>>, vector<16xf32>,
        %get3A_369 = arith.index_cast %add3A_365 : i32 to index
        %get3A_370 = arith.constant 16 : index
        %get3A_371 = tpu.vector_load %arg10[%get3A_369, %get3A_370] {strides = array<i32>} : memref<288x128xf32, #tpu.memory_space<vmem>>, vector<16xf32>,
        %get3A_372 = arith.index_cast %add3A_365 : i32 to index
        %get3A_373 = arith.constant 32 : index
        %get3A_374 = tpu.vector_load %arg10[%get3A_372, %get3A_373] {strides = array<i32>} : memref<288x128xf32, #tpu.memory_space<vmem>>, vector<16xf32>,
        %get3A_375 = arith.index_cast %add3A_365 : i32 to index
        %get3A_376 = arith.constant 48 : index
        %get3A_377 = tpu.vector_load %arg10[%get3A_375, %get3A_376] {strides = array<i32>} : memref<288x128xf32, #tpu.memory_space<vmem>>, vector<16xf32>,
        %get3A_378 = arith.index_cast %add3A_365 : i32 to index
        %get3A_379 = arith.constant 64 : index
        %get3A_380 = tpu.vector_load %arg10[%get3A_378, %get3A_379] {strides = array<i32>} : memref<288x128xf32, #tpu.memory_space<vmem>>, vector<16xf32>,
        %get3A_381 = arith.index_cast %add3A_365 : i32 to index
        %get3A_382 = arith.constant 80 : index
        %get3A_383 = tpu.vector_load %arg10[%get3A_381, %get3A_382] {strides = array<i32>} : memref<288x128xf32, #tpu.memory_space<vmem>>, vector<16xf32>,
        %get3A_384 = arith.index_cast %add3A_365 : i32 to index
        %get3A_385 = arith.constant 96 : index
        %get3A_386 = tpu.vector_load %arg10[%get3A_384, %get3A_385] {strides = array<i32>} : memref<288x128xf32, #tpu.memory_space<vmem>>, vector<16xf32>,
        %get3A_387 = arith.index_cast %add3A_365 : i32 to index
        %get3A_388 = arith.constant 112 : index
        %get3A_389 = tpu.vector_load %arg10[%get3A_387, %get3A_388] {strides = array<i32>} : memref<288x128xf32, #tpu.memory_space<vmem>>, vector<16xf32>,
        %add3A_390 = arith.addf %mul3A_354, %mul3A_355 : vector<16xf32>
        %add3A_391 = arith.addf %mul3A_356, %mul3A_357 : vector<16xf32>
        %add3A_392 = arith.addf %mul3A_358, %mul3A_359 : vector<16xf32>
        %add3A_393 = arith.addf %mul3A_360, %mul3A_361 : vector<16xf32>
        %add3A_394 = arith.addf %add3A_390, %add3A_391 : vector<16xf32>
        %add3A_395 = arith.addf %add3A_392, %add3A_393 : vector<16xf32>
        %add3A_396 = arith.addf %add3A_394, %add3A_395 : vector<16xf32>
        %reduce_sum3A_397 = arith.constant true
        %reduce_sum3A_398 = vector.broadcast %reduce_sum3A_397 : i1 to vector<16xi1>
        %reduce_sum3A_399 = tpu.scan <sum>, %add3A_396 masked %reduce_sum3A_398 : vector<16xf32>, vector<16xi1> -> vector<16xf32>
        %reduce_sum3A_400 = vector.extract %reduce_sum3A_399[15] : f32 from vector<16xf32>
        %add3A_401 = arith.constant 3 : i32
        %add3A_402 = arith.addi %mul3A_174, %add3A_401 : i32
        %sub3A_403 = arith.constant 1 : i32
        %sub3A_404 = arith.subi %add3A_402, %sub3A_403 : i32
        %broadcast_in_dim3A_405 = vector.broadcast %reduce_sum3A_346 : f32 to vector<16xf32>
        %swap3A_406 = arith.index_cast %sub3A_404 : i32 to index
        %swap3A_407 = tpu.vector_load %arg11[%swap3A_406] masked %eq3A_8 {strides = array<i32>} : memref<4736xf32, #tpu.memory_space<vmem>>, vector<16xf32>, vector<16xi1>
        tpu.vector_store %arg11[%swap3A_406], %broadcast_in_dim3A_405 masked %eq3A_8 {strides = array<i32>} : memref<4736xf32, #tpu.memory_space<vmem>>, vector<16xf32>, vector<16xi1>
        %mul3A_408 = arith.mulf %get3A_368, %get3A_151 : vector<16xf32>
        %mul3A_409 = arith.mulf %get3A_371, %get3A_154 : vector<16xf32>
        %mul3A_410 = arith.mulf %get3A_374, %get3A_157 : vector<16xf32>
        %mul3A_411 = arith.mulf %get3A_377, %get3A_160 : vector<16xf32>
        %mul3A_412 = arith.mulf %get3A_380, %get3A_163 : vector<16xf32>
        %mul3A_413 = arith.mulf %get3A_383, %get3A_166 : vector<16xf32>
        %mul3A_414 = arith.mulf %get3A_386, %get3A_169 : vector<16xf32>
        %mul3A_415 = arith.mulf %get3A_389, %get3A_172 : vector<16xf32>
        %mul3A_416 = arith.constant 36 : i32
        %mul3A_417 = arith.muli %scan3A_146, %mul3A_416 : i32
        %add3A_418 = arith.constant 5 : i32
        %add3A_419 = arith.addi %mul3A_417, %add3A_418 : i32
        %get3A_420 = arith.index_cast %add3A_419 : i32 to index
        %get3A_421 = arith.constant 0 : index
        %get3A_422 = tpu.vector_load %arg10[%get3A_420, %get3A_421] {strides = array<i32>} : memref<288x128xf32, #tpu.memory_space<vmem>>, vector<16xf32>,
        %get3A_423 = arith.index_cast %add3A_419 : i32 to index
        %get3A_424 = arith.constant 16 : index
        %get3A_425 = tpu.vector_load %arg10[%get3A_423, %get3A_424] {strides = array<i32>} : memref<288x128xf32, #tpu.memory_space<vmem>>, vector<16xf32>,
        %get3A_426 = arith.index_cast %add3A_419 : i32 to index
        %get3A_427 = arith.constant 32 : index
        %get3A_428 = tpu.vector_load %arg10[%get3A_426, %get3A_427] {strides = array<i32>} : memref<288x128xf32, #tpu.memory_space<vmem>>, vector<16xf32>,
        %get3A_429 = arith.index_cast %add3A_419 : i32 to index
        %get3A_430 = arith.constant 48 : index
        %get3A_431 = tpu.vector_load %arg10[%get3A_429, %get3A_430] {strides = array<i32>} : memref<288x128xf32, #tpu.memory_space<vmem>>, vector<16xf32>,
        %get3A_432 = arith.index_cast %add3A_419 : i32 to index
        %get3A_433 = arith.constant 64 : index
        %get3A_434 = tpu.vector_load %arg10[%get3A_432, %get3A_433] {strides = array<i32>} : memref<288x128xf32, #tpu.memory_space<vmem>>, vector<16xf32>,
        %get3A_435 = arith.index_cast %add3A_419 : i32 to index
        %get3A_436 = arith.constant 80 : index
        %get3A_437 = tpu.vector_load %arg10[%get3A_435, %get3A_436] {strides = array<i32>} : memref<288x128xf32, #tpu.memory_space<vmem>>, vector<16xf32>,
        %get3A_438 = arith.index_cast %add3A_419 : i32 to index
        %get3A_439 = arith.constant 96 : index
        %get3A_440 = tpu.vector_load %arg10[%get3A_438, %get3A_439] {strides = array<i32>} : memref<288x128xf32, #tpu.memory_space<vmem>>, vector<16xf32>,
        %get3A_441 = arith.index_cast %add3A_419 : i32 to index
        %get3A_442 = arith.constant 112 : index
        %get3A_443 = tpu.vector_load %arg10[%get3A_441, %get3A_442] {strides = array<i32>} : memref<288x128xf32, #tpu.memory_space<vmem>>, vector<16xf32>,
        %add3A_444 = arith.addf %mul3A_408, %mul3A_409 : vector<16xf32>
        %add3A_445 = arith.addf %mul3A_410, %mul3A_411 : vector<16xf32>
        %add3A_446 = arith.addf %mul3A_412, %mul3A_413 : vector<16xf32>
        %add3A_447 = arith.addf %mul3A_414, %mul3A_415 : vector<16xf32>
        %add3A_448 = arith.addf %add3A_444, %add3A_445 : vector<16xf32>
        %add3A_449 = arith.addf %add3A_446, %add3A_447 : vector<16xf32>
        %add3A_450 = arith.addf %add3A_448, %add3A_449 : vector<16xf32>
        %reduce_sum3A_451 = arith.constant true
        %reduce_sum3A_452 = vector.broadcast %reduce_sum3A_451 : i1 to vector<16xi1>
        %reduce_sum3A_453 = tpu.scan <sum>, %add3A_450 masked %reduce_sum3A_452 : vector<16xf32>, vector<16xi1> -> vector<16xf32>
        %reduce_sum3A_454 = vector.extract %reduce_sum3A_453[15] : f32 from vector<16xf32>
        %add3A_455 = arith.constant 4 : i32
        %add3A_456 = arith.addi %mul3A_174, %add3A_455 : i32
        %sub3A_457 = arith.constant 1 : i32
        %sub3A_458 = arith.subi %add3A_456, %sub3A_457 : i32
        %broadcast_in_dim3A_459 = vector.broadcast %reduce_sum3A_400 : f32 to vector<16xf32>
        %swap3A_460 = arith.index_cast %sub3A_458 : i32 to index
        %swap3A_461 = tpu.vector_load %arg11[%swap3A_460] masked %eq3A_8 {strides = array<i32>} : memref<4736xf32, #tpu.memory_space<vmem>>, vector<16xf32>, vector<16xi1>
        tpu.vector_store %arg11[%swap3A_460], %broadcast_in_dim3A_459 masked %eq3A_8 {strides = array<i32>} : memref<4736xf32, #tpu.memory_space<vmem>>, vector<16xf32>, vector<16xi1>
        %mul3A_462 = arith.mulf %get3A_422, %get3A_151 : vector<16xf32>
        %mul3A_463 = arith.mulf %get3A_425, %get3A_154 : vector<16xf32>
        %mul3A_464 = arith.mulf %get3A_428, %get3A_157 : vector<16xf32>
        %mul3A_465 = arith.mulf %get3A_431, %get3A_160 : vector<16xf32>
        %mul3A_466 = arith.mulf %get3A_434, %get3A_163 : vector<16xf32>
        %mul3A_467 = arith.mulf %get3A_437, %get3A_166 : vector<16xf32>
        %mul3A_468 = arith.mulf %get3A_440, %get3A_169 : vector<16xf32>
        %mul3A_469 = arith.mulf %get3A_443, %get3A_172 : vector<16xf32>
        %mul3A_470 = arith.constant 36 : i32
        %mul3A_471 = arith.muli %scan3A_146, %mul3A_470 : i32
        %add3A_472 = arith.constant 6 : i32
        %add3A_473 = arith.addi %mul3A_471, %add3A_472 : i32
        %get3A_474 = arith.index_cast %add3A_473 : i32 to index
        %get3A_475 = arith.constant 0 : index
        %get3A_476 = tpu.vector_load %arg10[%get3A_474, %get3A_475] {strides = array<i32>} : memref<288x128xf32, #tpu.memory_space<vmem>>, vector<16xf32>,
        %get3A_477 = arith.index_cast %add3A_473 : i32 to index
        %get3A_478 = arith.constant 16 : index
        %get3A_479 = tpu.vector_load %arg10[%get3A_477, %get3A_478] {strides = array<i32>} : memref<288x128xf32, #tpu.memory_space<vmem>>, vector<16xf32>,
        %get3A_480 = arith.index_cast %add3A_473 : i32 to index
        %get3A_481 = arith.constant 32 : index
        %get3A_482 = tpu.vector_load %arg10[%get3A_480, %get3A_481] {strides = array<i32>} : memref<288x128xf32, #tpu.memory_space<vmem>>, vector<16xf32>,
        %get3A_483 = arith.index_cast %add3A_473 : i32 to index
        %get3A_484 = arith.constant 48 : index
        %get3A_485 = tpu.vector_load %arg10[%get3A_483, %get3A_484] {strides = array<i32>} : memref<288x128xf32, #tpu.memory_space<vmem>>, vector<16xf32>,
        %get3A_486 = arith.index_cast %add3A_473 : i32 to index
        %get3A_487 = arith.constant 64 : index
        %get3A_488 = tpu.vector_load %arg10[%get3A_486, %get3A_487] {strides = array<i32>} : memref<288x128xf32, #tpu.memory_space<vmem>>, vector<16xf32>,
        %get3A_489 = arith.index_cast %add3A_473 : i32 to index
        %get3A_490 = arith.constant 80 : index
        %get3A_491 = tpu.vector_load %arg10[%get3A_489, %get3A_490] {strides = array<i32>} : memref<288x128xf32, #tpu.memory_space<vmem>>, vector<16xf32>,
        %get3A_492 = arith.index_cast %add3A_473 : i32 to index
        %get3A_493 = arith.constant 96 : index
        %get3A_494 = tpu.vector_load %arg10[%get3A_492, %get3A_493] {strides = array<i32>} : memref<288x128xf32, #tpu.memory_space<vmem>>, vector<16xf32>,
        %get3A_495 = arith.index_cast %add3A_473 : i32 to index
        %get3A_496 = arith.constant 112 : index
        %get3A_497 = tpu.vector_load %arg10[%get3A_495, %get3A_496] {strides = array<i32>} : memref<288x128xf32, #tpu.memory_space<vmem>>, vector<16xf32>,
        %add3A_498 = arith.addf %mul3A_462, %mul3A_463 : vector<16xf32>
        %add3A_499 = arith.addf %mul3A_464, %mul3A_465 : vector<16xf32>
        %add3A_500 = arith.addf %mul3A_466, %mul3A_467 : vector<16xf32>
        %add3A_501 = arith.addf %mul3A_468, %mul3A_469 : vector<16xf32>
        %add3A_502 = arith.addf %add3A_498, %add3A_499 : vector<16xf32>
        %add3A_503 = arith.addf %add3A_500, %add3A_501 : vector<16xf32>
        %add3A_504 = arith.addf %add3A_502, %add3A_503 : vector<16xf32>
        %reduce_sum3A_505 = arith.constant true
        %reduce_sum3A_506 = vector.broadcast %reduce_sum3A_505 : i1 to vector<16xi1>
        %reduce_sum3A_507 = tpu.scan <sum>, %add3A_504 masked %reduce_sum3A_506 : vector<16xf32>, vector<16xi1> -> vector<16xf32>
        %reduce_sum3A_508 = vector.extract %reduce_sum3A_507[15] : f32 from vector<16xf32>
        %add3A_509 = arith.constant 5 : i32
        %add3A_510 = arith.addi %mul3A_174, %add3A_509 : i32
        %sub3A_511 = arith.constant 1 : i32
        %sub3A_512 = arith.subi %add3A_510, %sub3A_511 : i32
        %broadcast_in_dim3A_513 = vector.broadcast %reduce_sum3A_454 : f32 to vector<16xf32>
        %swap3A_514 = arith.index_cast %sub3A_512 : i32 to index
        %swap3A_515 = tpu.vector_load %arg11[%swap3A_514] masked %eq3A_8 {strides = array<i32>} : memref<4736xf32, #tpu.memory_space<vmem>>, vector<16xf32>, vector<16xi1>
        tpu.vector_store %arg11[%swap3A_514], %broadcast_in_dim3A_513 masked %eq3A_8 {strides = array<i32>} : memref<4736xf32, #tpu.memory_space<vmem>>, vector<16xf32>, vector<16xi1>
        %mul3A_516 = arith.mulf %get3A_476, %get3A_151 : vector<16xf32>
        %mul3A_517 = arith.mulf %get3A_479, %get3A_154 : vector<16xf32>
        %mul3A_518 = arith.mulf %get3A_482, %get3A_157 : vector<16xf32>
        %mul3A_519 = arith.mulf %get3A_485, %get3A_160 : vector<16xf32>
        %mul3A_520 = arith.mulf %get3A_488, %get3A_163 : vector<16xf32>
        %mul3A_521 = arith.mulf %get3A_491, %get3A_166 : vector<16xf32>
        %mul3A_522 = arith.mulf %get3A_494, %get3A_169 : vector<16xf32>
        %mul3A_523 = arith.mulf %get3A_497, %get3A_172 : vector<16xf32>
        %mul3A_524 = arith.constant 36 : i32
        %mul3A_525 = arith.muli %scan3A_146, %mul3A_524 : i32
        %add3A_526 = arith.constant 7 : i32
        %add3A_527 = arith.addi %mul3A_525, %add3A_526 : i32
        %get3A_528 = arith.index_cast %add3A_527 : i32 to index
        %get3A_529 = arith.constant 0 : index
        %get3A_530 = tpu.vector_load %arg10[%get3A_528, %get3A_529] {strides = array<i32>} : memref<288x128xf32, #tpu.memory_space<vmem>>, vector<16xf32>,
        %get3A_531 = arith.index_cast %add3A_527 : i32 to index
        %get3A_532 = arith.constant 16 : index
        %get3A_533 = tpu.vector_load %arg10[%get3A_531, %get3A_532] {strides = array<i32>} : memref<288x128xf32, #tpu.memory_space<vmem>>, vector<16xf32>,
        %get3A_534 = arith.index_cast %add3A_527 : i32 to index
        %get3A_535 = arith.constant 32 : index
        %get3A_536 = tpu.vector_load %arg10[%get3A_534, %get3A_535] {strides = array<i32>} : memref<288x128xf32, #tpu.memory_space<vmem>>, vector<16xf32>,
        %get3A_537 = arith.index_cast %add3A_527 : i32 to index
        %get3A_538 = arith.constant 48 : index
        %get3A_539 = tpu.vector_load %arg10[%get3A_537, %get3A_538] {strides = array<i32>} : memref<288x128xf32, #tpu.memory_space<vmem>>, vector<16xf32>,
        %get3A_540 = arith.index_cast %add3A_527 : i32 to index
        %get3A_541 = arith.constant 64 : index
        %get3A_542 = tpu.vector_load %arg10[%get3A_540, %get3A_541] {strides = array<i32>} : memref<288x128xf32, #tpu.memory_space<vmem>>, vector<16xf32>,
        %get3A_543 = arith.index_cast %add3A_527 : i32 to index
        %get3A_544 = arith.constant 80 : index
        %get3A_545 = tpu.vector_load %arg10[%get3A_543, %get3A_544] {strides = array<i32>} : memref<288x128xf32, #tpu.memory_space<vmem>>, vector<16xf32>,
        %get3A_546 = arith.index_cast %add3A_527 : i32 to index
        %get3A_547 = arith.constant 96 : index
        %get3A_548 = tpu.vector_load %arg10[%get3A_546, %get3A_547] {strides = array<i32>} : memref<288x128xf32, #tpu.memory_space<vmem>>, vector<16xf32>,
        %get3A_549 = arith.index_cast %add3A_527 : i32 to index
        %get3A_550 = arith.constant 112 : index
        %get3A_551 = tpu.vector_load %arg10[%get3A_549, %get3A_550] {strides = array<i32>} : memref<288x128xf32, #tpu.memory_space<vmem>>, vector<16xf32>,
        %add3A_552 = arith.addf %mul3A_516, %mul3A_517 : vector<16xf32>
        %add3A_553 = arith.addf %mul3A_518, %mul3A_519 : vector<16xf32>
        %add3A_554 = arith.addf %mul3A_520, %mul3A_521 : vector<16xf32>
        %add3A_555 = arith.addf %mul3A_522, %mul3A_523 : vector<16xf32>
        %add3A_556 = arith.addf %add3A_552, %add3A_553 : vector<16xf32>
        %add3A_557 = arith.addf %add3A_554, %add3A_555 : vector<16xf32>
        %add3A_558 = arith.addf %add3A_556, %add3A_557 : vector<16xf32>
        %reduce_sum3A_559 = arith.constant true
        %reduce_sum3A_560 = vector.broadcast %reduce_sum3A_559 : i1 to vector<16xi1>
        %reduce_sum3A_561 = tpu.scan <sum>, %add3A_558 masked %reduce_sum3A_560 : vector<16xf32>, vector<16xi1> -> vector<16xf32>
        %reduce_sum3A_562 = vector.extract %reduce_sum3A_561[15] : f32 from vector<16xf32>
        %add3A_563 = arith.constant 6 : i32
        %add3A_564 = arith.addi %mul3A_174, %add3A_563 : i32
        %sub3A_565 = arith.constant 1 : i32
        %sub3A_566 = arith.subi %add3A_564, %sub3A_565 : i32
        %broadcast_in_dim3A_567 = vector.broadcast %reduce_sum3A_508 : f32 to vector<16xf32>
        %swap3A_568 = arith.index_cast %sub3A_566 : i32 to index
        %swap3A_569 = tpu.vector_load %arg11[%swap3A_568] masked %eq3A_8 {strides = array<i32>} : memref<4736xf32, #tpu.memory_space<vmem>>, vector<16xf32>, vector<16xi1>
        tpu.vector_store %arg11[%swap3A_568], %broadcast_in_dim3A_567 masked %eq3A_8 {strides = array<i32>} : memref<4736xf32, #tpu.memory_space<vmem>>, vector<16xf32>, vector<16xi1>
        %mul3A_570 = arith.mulf %get3A_530, %get3A_151 : vector<16xf32>
        %mul3A_571 = arith.mulf %get3A_533, %get3A_154 : vector<16xf32>
        %mul3A_572 = arith.mulf %get3A_536, %get3A_157 : vector<16xf32>
        %mul3A_573 = arith.mulf %get3A_539, %get3A_160 : vector<16xf32>
        %mul3A_574 = arith.mulf %get3A_542, %get3A_163 : vector<16xf32>
        %mul3A_575 = arith.mulf %get3A_545, %get3A_166 : vector<16xf32>
        %mul3A_576 = arith.mulf %get3A_548, %get3A_169 : vector<16xf32>
        %mul3A_577 = arith.mulf %get3A_551, %get3A_172 : vector<16xf32>
        %mul3A_578 = arith.constant 36 : i32
        %mul3A_579 = arith.muli %scan3A_146, %mul3A_578 : i32
        %add3A_580 = arith.constant 8 : i32
        %add3A_581 = arith.addi %mul3A_579, %add3A_580 : i32
        %get3A_582 = arith.index_cast %add3A_581 : i32 to index
        %get3A_583 = arith.constant 0 : index
        %get3A_584 = tpu.vector_load %arg10[%get3A_582, %get3A_583] {strides = array<i32>} : memref<288x128xf32, #tpu.memory_space<vmem>>, vector<16xf32>,
        %get3A_585 = arith.index_cast %add3A_581 : i32 to index
        %get3A_586 = arith.constant 16 : index
        %get3A_587 = tpu.vector_load %arg10[%get3A_585, %get3A_586] {strides = array<i32>} : memref<288x128xf32, #tpu.memory_space<vmem>>, vector<16xf32>,
        %get3A_588 = arith.index_cast %add3A_581 : i32 to index
        %get3A_589 = arith.constant 32 : index
        %get3A_590 = tpu.vector_load %arg10[%get3A_588, %get3A_589] {strides = array<i32>} : memref<288x128xf32, #tpu.memory_space<vmem>>, vector<16xf32>,
        %get3A_591 = arith.index_cast %add3A_581 : i32 to index
        %get3A_592 = arith.constant 48 : index
        %get3A_593 = tpu.vector_load %arg10[%get3A_591, %get3A_592] {strides = array<i32>} : memref<288x128xf32, #tpu.memory_space<vmem>>, vector<16xf32>,
        %get3A_594 = arith.index_cast %add3A_581 : i32 to index
        %get3A_595 = arith.constant 64 : index
        %get3A_596 = tpu.vector_load %arg10[%get3A_594, %get3A_595] {strides = array<i32>} : memref<288x128xf32, #tpu.memory_space<vmem>>, vector<16xf32>,
        %get3A_597 = arith.index_cast %add3A_581 : i32 to index
        %get3A_598 = arith.constant 80 : index
        %get3A_599 = tpu.vector_load %arg10[%get3A_597, %get3A_598] {strides = array<i32>} : memref<288x128xf32, #tpu.memory_space<vmem>>, vector<16xf32>,
        %get3A_600 = arith.index_cast %add3A_581 : i32 to index
        %get3A_601 = arith.constant 96 : index
        %get3A_602 = tpu.vector_load %arg10[%get3A_600, %get3A_601] {strides = array<i32>} : memref<288x128xf32, #tpu.memory_space<vmem>>, vector<16xf32>,
        %get3A_603 = arith.index_cast %add3A_581 : i32 to index
        %get3A_604 = arith.constant 112 : index
        %get3A_605 = tpu.vector_load %arg10[%get3A_603, %get3A_604] {strides = array<i32>} : memref<288x128xf32, #tpu.memory_space<vmem>>, vector<16xf32>,
        %add3A_606 = arith.addf %mul3A_570, %mul3A_571 : vector<16xf32>
        %add3A_607 = arith.addf %mul3A_572, %mul3A_573 : vector<16xf32>
        %add3A_608 = arith.addf %mul3A_574, %mul3A_575 : vector<16xf32>
        %add3A_609 = arith.addf %mul3A_576, %mul3A_577 : vector<16xf32>
        %add3A_610 = arith.addf %add3A_606, %add3A_607 : vector<16xf32>
        %add3A_611 = arith.addf %add3A_608, %add3A_609 : vector<16xf32>
        %add3A_612 = arith.addf %add3A_610, %add3A_611 : vector<16xf32>
        %reduce_sum3A_613 = arith.constant true
        %reduce_sum3A_614 = vector.broadcast %reduce_sum3A_613 : i1 to vector<16xi1>
        %reduce_sum3A_615 = tpu.scan <sum>, %add3A_612 masked %reduce_sum3A_614 : vector<16xf32>, vector<16xi1> -> vector<16xf32>
        %reduce_sum3A_616 = vector.extract %reduce_sum3A_615[15] : f32 from vector<16xf32>
        %add3A_617 = arith.constant 7 : i32
        %add3A_618 = arith.addi %mul3A_174, %add3A_617 : i32
        %sub3A_619 = arith.constant 1 : i32
        %sub3A_620 = arith.subi %add3A_618, %sub3A_619 : i32
        %broadcast_in_dim3A_621 = vector.broadcast %reduce_sum3A_562 : f32 to vector<16xf32>
        %swap3A_622 = arith.index_cast %sub3A_620 : i32 to index
        %swap3A_623 = tpu.vector_load %arg11[%swap3A_622] masked %eq3A_8 {strides = array<i32>} : memref<4736xf32, #tpu.memory_space<vmem>>, vector<16xf32>, vector<16xi1>
        tpu.vector_store %arg11[%swap3A_622], %broadcast_in_dim3A_621 masked %eq3A_8 {strides = array<i32>} : memref<4736xf32, #tpu.memory_space<vmem>>, vector<16xf32>, vector<16xi1>
        %mul3A_624 = arith.mulf %get3A_584, %get3A_151 : vector<16xf32>
        %mul3A_625 = arith.mulf %get3A_587, %get3A_154 : vector<16xf32>
        %mul3A_626 = arith.mulf %get3A_590, %get3A_157 : vector<16xf32>
        %mul3A_627 = arith.mulf %get3A_593, %get3A_160 : vector<16xf32>
        %mul3A_628 = arith.mulf %get3A_596, %get3A_163 : vector<16xf32>
        %mul3A_629 = arith.mulf %get3A_599, %get3A_166 : vector<16xf32>
        %mul3A_630 = arith.mulf %get3A_602, %get3A_169 : vector<16xf32>
        %mul3A_631 = arith.mulf %get3A_605, %get3A_172 : vector<16xf32>
        %mul3A_632 = arith.constant 36 : i32
        %mul3A_633 = arith.muli %scan3A_146, %mul3A_632 : i32
        %add3A_634 = arith.constant 9 : i32
        %add3A_635 = arith.addi %mul3A_633, %add3A_634 : i32
        %get3A_636 = arith.index_cast %add3A_635 : i32 to index
        %get3A_637 = arith.constant 0 : index
        %get3A_638 = tpu.vector_load %arg10[%get3A_636, %get3A_637] {strides = array<i32>} : memref<288x128xf32, #tpu.memory_space<vmem>>, vector<16xf32>,
        %get3A_639 = arith.index_cast %add3A_635 : i32 to index
        %get3A_640 = arith.constant 16 : index
        %get3A_641 = tpu.vector_load %arg10[%get3A_639, %get3A_640] {strides = array<i32>} : memref<288x128xf32, #tpu.memory_space<vmem>>, vector<16xf32>,
        %get3A_642 = arith.index_cast %add3A_635 : i32 to index
        %get3A_643 = arith.constant 32 : index
        %get3A_644 = tpu.vector_load %arg10[%get3A_642, %get3A_643] {strides = array<i32>} : memref<288x128xf32, #tpu.memory_space<vmem>>, vector<16xf32>,
        %get3A_645 = arith.index_cast %add3A_635 : i32 to index
        %get3A_646 = arith.constant 48 : index
        %get3A_647 = tpu.vector_load %arg10[%get3A_645, %get3A_646] {strides = array<i32>} : memref<288x128xf32, #tpu.memory_space<vmem>>, vector<16xf32>,
        %get3A_648 = arith.index_cast %add3A_635 : i32 to index
        %get3A_649 = arith.constant 64 : index
        %get3A_650 = tpu.vector_load %arg10[%get3A_648, %get3A_649] {strides = array<i32>} : memref<288x128xf32, #tpu.memory_space<vmem>>, vector<16xf32>,
        %get3A_651 = arith.index_cast %add3A_635 : i32 to index
        %get3A_652 = arith.constant 80 : index
        %get3A_653 = tpu.vector_load %arg10[%get3A_651, %get3A_652] {strides = array<i32>} : memref<288x128xf32, #tpu.memory_space<vmem>>, vector<16xf32>,
        %get3A_654 = arith.index_cast %add3A_635 : i32 to index
        %get3A_655 = arith.constant 96 : index
        %get3A_656 = tpu.vector_load %arg10[%get3A_654, %get3A_655] {strides = array<i32>} : memref<288x128xf32, #tpu.memory_space<vmem>>, vector<16xf32>,
        %get3A_657 = arith.index_cast %add3A_635 : i32 to index
        %get3A_658 = arith.constant 112 : index
        %get3A_659 = tpu.vector_load %arg10[%get3A_657, %get3A_658] {strides = array<i32>} : memref<288x128xf32, #tpu.memory_space<vmem>>, vector<16xf32>,
        %add3A_660 = arith.addf %mul3A_624, %mul3A_625 : vector<16xf32>
        %add3A_661 = arith.addf %mul3A_626, %mul3A_627 : vector<16xf32>
        %add3A_662 = arith.addf %mul3A_628, %mul3A_629 : vector<16xf32>
        %add3A_663 = arith.addf %mul3A_630, %mul3A_631 : vector<16xf32>
        %add3A_664 = arith.addf %add3A_660, %add3A_661 : vector<16xf32>
        %add3A_665 = arith.addf %add3A_662, %add3A_663 : vector<16xf32>
        %add3A_666 = arith.addf %add3A_664, %add3A_665 : vector<16xf32>
        %reduce_sum3A_667 = arith.constant true
        %reduce_sum3A_668 = vector.broadcast %reduce_sum3A_667 : i1 to vector<16xi1>
        %reduce_sum3A_669 = tpu.scan <sum>, %add3A_666 masked %reduce_sum3A_668 : vector<16xf32>, vector<16xi1> -> vector<16xf32>
        %reduce_sum3A_670 = vector.extract %reduce_sum3A_669[15] : f32 from vector<16xf32>
        %add3A_671 = arith.constant 8 : i32
        %add3A_672 = arith.addi %mul3A_174, %add3A_671 : i32
        %sub3A_673 = arith.constant 1 : i32
        %sub3A_674 = arith.subi %add3A_672, %sub3A_673 : i32
        %broadcast_in_dim3A_675 = vector.broadcast %reduce_sum3A_616 : f32 to vector<16xf32>
        %swap3A_676 = arith.index_cast %sub3A_674 : i32 to index
        %swap3A_677 = tpu.vector_load %arg11[%swap3A_676] masked %eq3A_8 {strides = array<i32>} : memref<4736xf32, #tpu.memory_space<vmem>>, vector<16xf32>, vector<16xi1>
        tpu.vector_store %arg11[%swap3A_676], %broadcast_in_dim3A_675 masked %eq3A_8 {strides = array<i32>} : memref<4736xf32, #tpu.memory_space<vmem>>, vector<16xf32>, vector<16xi1>
        %mul3A_678 = arith.mulf %get3A_638, %get3A_151 : vector<16xf32>
        %mul3A_679 = arith.mulf %get3A_641, %get3A_154 : vector<16xf32>
        %mul3A_680 = arith.mulf %get3A_644, %get3A_157 : vector<16xf32>
        %mul3A_681 = arith.mulf %get3A_647, %get3A_160 : vector<16xf32>
        %mul3A_682 = arith.mulf %get3A_650, %get3A_163 : vector<16xf32>
        %mul3A_683 = arith.mulf %get3A_653, %get3A_166 : vector<16xf32>
        %mul3A_684 = arith.mulf %get3A_656, %get3A_169 : vector<16xf32>
        %mul3A_685 = arith.mulf %get3A_659, %get3A_172 : vector<16xf32>
        %mul3A_686 = arith.constant 36 : i32
        %mul3A_687 = arith.muli %scan3A_146, %mul3A_686 : i32
        %add3A_688 = arith.constant 10 : i32
        %add3A_689 = arith.addi %mul3A_687, %add3A_688 : i32
        %get3A_690 = arith.index_cast %add3A_689 : i32 to index
        %get3A_691 = arith.constant 0 : index
        %get3A_692 = tpu.vector_load %arg10[%get3A_690, %get3A_691] {strides = array<i32>} : memref<288x128xf32, #tpu.memory_space<vmem>>, vector<16xf32>,
        %get3A_693 = arith.index_cast %add3A_689 : i32 to index
        %get3A_694 = arith.constant 16 : index
        %get3A_695 = tpu.vector_load %arg10[%get3A_693, %get3A_694] {strides = array<i32>} : memref<288x128xf32, #tpu.memory_space<vmem>>, vector<16xf32>,
        %get3A_696 = arith.index_cast %add3A_689 : i32 to index
        %get3A_697 = arith.constant 32 : index
        %get3A_698 = tpu.vector_load %arg10[%get3A_696, %get3A_697] {strides = array<i32>} : memref<288x128xf32, #tpu.memory_space<vmem>>, vector<16xf32>,
        %get3A_699 = arith.index_cast %add3A_689 : i32 to index
        %get3A_700 = arith.constant 48 : index
        %get3A_701 = tpu.vector_load %arg10[%get3A_699, %get3A_700] {strides = array<i32>} : memref<288x128xf32, #tpu.memory_space<vmem>>, vector<16xf32>,
        %get3A_702 = arith.index_cast %add3A_689 : i32 to index
        %get3A_703 = arith.constant 64 : index
        %get3A_704 = tpu.vector_load %arg10[%get3A_702, %get3A_703] {strides = array<i32>} : memref<288x128xf32, #tpu.memory_space<vmem>>, vector<16xf32>,
        %get3A_705 = arith.index_cast %add3A_689 : i32 to index
        %get3A_706 = arith.constant 80 : index
        %get3A_707 = tpu.vector_load %arg10[%get3A_705, %get3A_706] {strides = array<i32>} : memref<288x128xf32, #tpu.memory_space<vmem>>, vector<16xf32>,
        %get3A_708 = arith.index_cast %add3A_689 : i32 to index
        %get3A_709 = arith.constant 96 : index
        %get3A_710 = tpu.vector_load %arg10[%get3A_708, %get3A_709] {strides = array<i32>} : memref<288x128xf32, #tpu.memory_space<vmem>>, vector<16xf32>,
        %get3A_711 = arith.index_cast %add3A_689 : i32 to index
        %get3A_712 = arith.constant 112 : index
        %get3A_713 = tpu.vector_load %arg10[%get3A_711, %get3A_712] {strides = array<i32>} : memref<288x128xf32, #tpu.memory_space<vmem>>, vector<16xf32>,
        %add3A_714 = arith.addf %mul3A_678, %mul3A_679 : vector<16xf32>
        %add3A_715 = arith.addf %mul3A_680, %mul3A_681 : vector<16xf32>
        %add3A_716 = arith.addf %mul3A_682, %mul3A_683 : vector<16xf32>
        %add3A_717 = arith.addf %mul3A_684, %mul3A_685 : vector<16xf32>
        %add3A_718 = arith.addf %add3A_714, %add3A_715 : vector<16xf32>
        %add3A_719 = arith.addf %add3A_716, %add3A_717 : vector<16xf32>
        %add3A_720 = arith.addf %add3A_718, %add3A_719 : vector<16xf32>
        %reduce_sum3A_721 = arith.constant true
        %reduce_sum3A_722 = vector.broadcast %reduce_sum3A_721 : i1 to vector<16xi1>
        %reduce_sum3A_723 = tpu.scan <sum>, %add3A_720 masked %reduce_sum3A_722 : vector<16xf32>, vector<16xi1> -> vector<16xf32>
        %reduce_sum3A_724 = vector.extract %reduce_sum3A_723[15] : f32 from vector<16xf32>
        %add3A_725 = arith.constant 9 : i32
        %add3A_726 = arith.addi %mul3A_174, %add3A_725 : i32
        %sub3A_727 = arith.constant 1 : i32
        %sub3A_728 = arith.subi %add3A_726, %sub3A_727 : i32
        %broadcast_in_dim3A_729 = vector.broadcast %reduce_sum3A_670 : f32 to vector<16xf32>
        %swap3A_730 = arith.index_cast %sub3A_728 : i32 to index
        %swap3A_731 = tpu.vector_load %arg11[%swap3A_730] masked %eq3A_8 {strides = array<i32>} : memref<4736xf32, #tpu.memory_space<vmem>>, vector<16xf32>, vector<16xi1>
        tpu.vector_store %arg11[%swap3A_730], %broadcast_in_dim3A_729 masked %eq3A_8 {strides = array<i32>} : memref<4736xf32, #tpu.memory_space<vmem>>, vector<16xf32>, vector<16xi1>
        %mul3A_732 = arith.mulf %get3A_692, %get3A_151 : vector<16xf32>
        %mul3A_733 = arith.mulf %get3A_695, %get3A_154 : vector<16xf32>
        %mul3A_734 = arith.mulf %get3A_698, %get3A_157 : vector<16xf32>
        %mul3A_735 = arith.mulf %get3A_701, %get3A_160 : vector<16xf32>
        %mul3A_736 = arith.mulf %get3A_704, %get3A_163 : vector<16xf32>
        %mul3A_737 = arith.mulf %get3A_707, %get3A_166 : vector<16xf32>
        %mul3A_738 = arith.mulf %get3A_710, %get3A_169 : vector<16xf32>
        %mul3A_739 = arith.mulf %get3A_713, %get3A_172 : vector<16xf32>
        %mul3A_740 = arith.constant 36 : i32
        %mul3A_741 = arith.muli %scan3A_146, %mul3A_740 : i32
        %add3A_742 = arith.constant 11 : i32
        %add3A_743 = arith.addi %mul3A_741, %add3A_742 : i32
        %get3A_744 = arith.index_cast %add3A_743 : i32 to index
        %get3A_745 = arith.constant 0 : index
        %get3A_746 = tpu.vector_load %arg10[%get3A_744, %get3A_745] {strides = array<i32>} : memref<288x128xf32, #tpu.memory_space<vmem>>, vector<16xf32>,
        %get3A_747 = arith.index_cast %add3A_743 : i32 to index
        %get3A_748 = arith.constant 16 : index
        %get3A_749 = tpu.vector_load %arg10[%get3A_747, %get3A_748] {strides = array<i32>} : memref<288x128xf32, #tpu.memory_space<vmem>>, vector<16xf32>,
        %get3A_750 = arith.index_cast %add3A_743 : i32 to index
        %get3A_751 = arith.constant 32 : index
        %get3A_752 = tpu.vector_load %arg10[%get3A_750, %get3A_751] {strides = array<i32>} : memref<288x128xf32, #tpu.memory_space<vmem>>, vector<16xf32>,
        %get3A_753 = arith.index_cast %add3A_743 : i32 to index
        %get3A_754 = arith.constant 48 : index
        %get3A_755 = tpu.vector_load %arg10[%get3A_753, %get3A_754] {strides = array<i32>} : memref<288x128xf32, #tpu.memory_space<vmem>>, vector<16xf32>,
        %get3A_756 = arith.index_cast %add3A_743 : i32 to index
        %get3A_757 = arith.constant 64 : index
        %get3A_758 = tpu.vector_load %arg10[%get3A_756, %get3A_757] {strides = array<i32>} : memref<288x128xf32, #tpu.memory_space<vmem>>, vector<16xf32>,
        %get3A_759 = arith.index_cast %add3A_743 : i32 to index
        %get3A_760 = arith.constant 80 : index
        %get3A_761 = tpu.vector_load %arg10[%get3A_759, %get3A_760] {strides = array<i32>} : memref<288x128xf32, #tpu.memory_space<vmem>>, vector<16xf32>,
        %get3A_762 = arith.index_cast %add3A_743 : i32 to index
        %get3A_763 = arith.constant 96 : index
        %get3A_764 = tpu.vector_load %arg10[%get3A_762, %get3A_763] {strides = array<i32>} : memref<288x128xf32, #tpu.memory_space<vmem>>, vector<16xf32>,
        %get3A_765 = arith.index_cast %add3A_743 : i32 to index
        %get3A_766 = arith.constant 112 : index
        %get3A_767 = tpu.vector_load %arg10[%get3A_765, %get3A_766] {strides = array<i32>} : memref<288x128xf32, #tpu.memory_space<vmem>>, vector<16xf32>,
        %add3A_768 = arith.addf %mul3A_732, %mul3A_733 : vector<16xf32>
        %add3A_769 = arith.addf %mul3A_734, %mul3A_735 : vector<16xf32>
        %add3A_770 = arith.addf %mul3A_736, %mul3A_737 : vector<16xf32>
        %add3A_771 = arith.addf %mul3A_738, %mul3A_739 : vector<16xf32>
        %add3A_772 = arith.addf %add3A_768, %add3A_769 : vector<16xf32>
        %add3A_773 = arith.addf %add3A_770, %add3A_771 : vector<16xf32>
        %add3A_774 = arith.addf %add3A_772, %add3A_773 : vector<16xf32>
        %reduce_sum3A_775 = arith.constant true
        %reduce_sum3A_776 = vector.broadcast %reduce_sum3A_775 : i1 to vector<16xi1>
        %reduce_sum3A_777 = tpu.scan <sum>, %add3A_774 masked %reduce_sum3A_776 : vector<16xf32>, vector<16xi1> -> vector<16xf32>
        %reduce_sum3A_778 = vector.extract %reduce_sum3A_777[15] : f32 from vector<16xf32>
        %add3A_779 = arith.constant 10 : i32
        %add3A_780 = arith.addi %mul3A_174, %add3A_779 : i32
        %sub3A_781 = arith.constant 1 : i32
        %sub3A_782 = arith.subi %add3A_780, %sub3A_781 : i32
        %broadcast_in_dim3A_783 = vector.broadcast %reduce_sum3A_724 : f32 to vector<16xf32>
        %swap3A_784 = arith.index_cast %sub3A_782 : i32 to index
        %swap3A_785 = tpu.vector_load %arg11[%swap3A_784] masked %eq3A_8 {strides = array<i32>} : memref<4736xf32, #tpu.memory_space<vmem>>, vector<16xf32>, vector<16xi1>
        tpu.vector_store %arg11[%swap3A_784], %broadcast_in_dim3A_783 masked %eq3A_8 {strides = array<i32>} : memref<4736xf32, #tpu.memory_space<vmem>>, vector<16xf32>, vector<16xi1>
        %mul3A_786 = arith.mulf %get3A_746, %get3A_151 : vector<16xf32>
        %mul3A_787 = arith.mulf %get3A_749, %get3A_154 : vector<16xf32>
        %mul3A_788 = arith.mulf %get3A_752, %get3A_157 : vector<16xf32>
        %mul3A_789 = arith.mulf %get3A_755, %get3A_160 : vector<16xf32>
        %mul3A_790 = arith.mulf %get3A_758, %get3A_163 : vector<16xf32>
        %mul3A_791 = arith.mulf %get3A_761, %get3A_166 : vector<16xf32>
        %mul3A_792 = arith.mulf %get3A_764, %get3A_169 : vector<16xf32>
        %mul3A_793 = arith.mulf %get3A_767, %get3A_172 : vector<16xf32>
        %mul3A_794 = arith.constant 36 : i32
        %mul3A_795 = arith.muli %scan3A_146, %mul3A_794 : i32
        %add3A_796 = arith.constant 12 : i32
        %add3A_797 = arith.addi %mul3A_795, %add3A_796 : i32
        %get3A_798 = arith.index_cast %add3A_797 : i32 to index
        %get3A_799 = arith.constant 0 : index
        %get3A_800 = tpu.vector_load %arg10[%get3A_798, %get3A_799] {strides = array<i32>} : memref<288x128xf32, #tpu.memory_space<vmem>>, vector<16xf32>,
        %get3A_801 = arith.index_cast %add3A_797 : i32 to index
        %get3A_802 = arith.constant 16 : index
        %get3A_803 = tpu.vector_load %arg10[%get3A_801, %get3A_802] {strides = array<i32>} : memref<288x128xf32, #tpu.memory_space<vmem>>, vector<16xf32>,
        %get3A_804 = arith.index_cast %add3A_797 : i32 to index
        %get3A_805 = arith.constant 32 : index
        %get3A_806 = tpu.vector_load %arg10[%get3A_804, %get3A_805] {strides = array<i32>} : memref<288x128xf32, #tpu.memory_space<vmem>>, vector<16xf32>,
        %get3A_807 = arith.index_cast %add3A_797 : i32 to index
        %get3A_808 = arith.constant 48 : index
        %get3A_809 = tpu.vector_load %arg10[%get3A_807, %get3A_808] {strides = array<i32>} : memref<288x128xf32, #tpu.memory_space<vmem>>, vector<16xf32>,
        %get3A_810 = arith.index_cast %add3A_797 : i32 to index
        %get3A_811 = arith.constant 64 : index
        %get3A_812 = tpu.vector_load %arg10[%get3A_810, %get3A_811] {strides = array<i32>} : memref<288x128xf32, #tpu.memory_space<vmem>>, vector<16xf32>,
        %get3A_813 = arith.index_cast %add3A_797 : i32 to index
        %get3A_814 = arith.constant 80 : index
        %get3A_815 = tpu.vector_load %arg10[%get3A_813, %get3A_814] {strides = array<i32>} : memref<288x128xf32, #tpu.memory_space<vmem>>, vector<16xf32>,
        %get3A_816 = arith.index_cast %add3A_797 : i32 to index
        %get3A_817 = arith.constant 96 : index
        %get3A_818 = tpu.vector_load %arg10[%get3A_816, %get3A_817] {strides = array<i32>} : memref<288x128xf32, #tpu.memory_space<vmem>>, vector<16xf32>,
        %get3A_819 = arith.index_cast %add3A_797 : i32 to index
        %get3A_820 = arith.constant 112 : index
        %get3A_821 = tpu.vector_load %arg10[%get3A_819, %get3A_820] {strides = array<i32>} : memref<288x128xf32, #tpu.memory_space<vmem>>, vector<16xf32>,
        %add3A_822 = arith.addf %mul3A_786, %mul3A_787 : vector<16xf32>
        %add3A_823 = arith.addf %mul3A_788, %mul3A_789 : vector<16xf32>
        %add3A_824 = arith.addf %mul3A_790, %mul3A_791 : vector<16xf32>
        %add3A_825 = arith.addf %mul3A_792, %mul3A_793 : vector<16xf32>
        %add3A_826 = arith.addf %add3A_822, %add3A_823 : vector<16xf32>
        %add3A_827 = arith.addf %add3A_824, %add3A_825 : vector<16xf32>
        %add3A_828 = arith.addf %add3A_826, %add3A_827 : vector<16xf32>
        %reduce_sum3A_829 = arith.constant true
        %reduce_sum3A_830 = vector.broadcast %reduce_sum3A_829 : i1 to vector<16xi1>
        %reduce_sum3A_831 = tpu.scan <sum>, %add3A_828 masked %reduce_sum3A_830 : vector<16xf32>, vector<16xi1> -> vector<16xf32>
        %reduce_sum3A_832 = vector.extract %reduce_sum3A_831[15] : f32 from vector<16xf32>
        %add3A_833 = arith.constant 11 : i32
        %add3A_834 = arith.addi %mul3A_174, %add3A_833 : i32
        %sub3A_835 = arith.constant 1 : i32
        %sub3A_836 = arith.subi %add3A_834, %sub3A_835 : i32
        %broadcast_in_dim3A_837 = vector.broadcast %reduce_sum3A_778 : f32 to vector<16xf32>
        %swap3A_838 = arith.index_cast %sub3A_836 : i32 to index
        %swap3A_839 = tpu.vector_load %arg11[%swap3A_838] masked %eq3A_8 {strides = array<i32>} : memref<4736xf32, #tpu.memory_space<vmem>>, vector<16xf32>, vector<16xi1>
        tpu.vector_store %arg11[%swap3A_838], %broadcast_in_dim3A_837 masked %eq3A_8 {strides = array<i32>} : memref<4736xf32, #tpu.memory_space<vmem>>, vector<16xf32>, vector<16xi1>
        %mul3A_840 = arith.mulf %get3A_800, %get3A_151 : vector<16xf32>
        %mul3A_841 = arith.mulf %get3A_803, %get3A_154 : vector<16xf32>
        %mul3A_842 = arith.mulf %get3A_806, %get3A_157 : vector<16xf32>
        %mul3A_843 = arith.mulf %get3A_809, %get3A_160 : vector<16xf32>
        %mul3A_844 = arith.mulf %get3A_812, %get3A_163 : vector<16xf32>
        %mul3A_845 = arith.mulf %get3A_815, %get3A_166 : vector<16xf32>
        %mul3A_846 = arith.mulf %get3A_818, %get3A_169 : vector<16xf32>
        %mul3A_847 = arith.mulf %get3A_821, %get3A_172 : vector<16xf32>
        %mul3A_848 = arith.constant 36 : i32
        %mul3A_849 = arith.muli %scan3A_146, %mul3A_848 : i32
        %add3A_850 = arith.constant 13 : i32
        %add3A_851 = arith.addi %mul3A_849, %add3A_850 : i32
        %get3A_852 = arith.index_cast %add3A_851 : i32 to index
        %get3A_853 = arith.constant 0 : index
        %get3A_854 = tpu.vector_load %arg10[%get3A_852, %get3A_853] {strides = array<i32>} : memref<288x128xf32, #tpu.memory_space<vmem>>, vector<16xf32>,
        %get3A_855 = arith.index_cast %add3A_851 : i32 to index
        %get3A_856 = arith.constant 16 : index
        %get3A_857 = tpu.vector_load %arg10[%get3A_855, %get3A_856] {strides = array<i32>} : memref<288x128xf32, #tpu.memory_space<vmem>>, vector<16xf32>,
        %get3A_858 = arith.index_cast %add3A_851 : i32 to index
        %get3A_859 = arith.constant 32 : index
        %get3A_860 = tpu.vector_load %arg10[%get3A_858, %get3A_859] {strides = array<i32>} : memref<288x128xf32, #tpu.memory_space<vmem>>, vector<16xf32>,
        %get3A_861 = arith.index_cast %add3A_851 : i32 to index
        %get3A_862 = arith.constant 48 : index
        %get3A_863 = tpu.vector_load %arg10[%get3A_861, %get3A_862] {strides = array<i32>} : memref<288x128xf32, #tpu.memory_space<vmem>>, vector<16xf32>,
        %get3A_864 = arith.index_cast %add3A_851 : i32 to index
        %get3A_865 = arith.constant 64 : index
        %get3A_866 = tpu.vector_load %arg10[%get3A_864, %get3A_865] {strides = array<i32>} : memref<288x128xf32, #tpu.memory_space<vmem>>, vector<16xf32>,
        %get3A_867 = arith.index_cast %add3A_851 : i32 to index
        %get3A_868 = arith.constant 80 : index
        %get3A_869 = tpu.vector_load %arg10[%get3A_867, %get3A_868] {strides = array<i32>} : memref<288x128xf32, #tpu.memory_space<vmem>>, vector<16xf32>,
        %get3A_870 = arith.index_cast %add3A_851 : i32 to index
        %get3A_871 = arith.constant 96 : index
        %get3A_872 = tpu.vector_load %arg10[%get3A_870, %get3A_871] {strides = array<i32>} : memref<288x128xf32, #tpu.memory_space<vmem>>, vector<16xf32>,
        %get3A_873 = arith.index_cast %add3A_851 : i32 to index
        %get3A_874 = arith.constant 112 : index
        %get3A_875 = tpu.vector_load %arg10[%get3A_873, %get3A_874] {strides = array<i32>} : memref<288x128xf32, #tpu.memory_space<vmem>>, vector<16xf32>,
        %add3A_876 = arith.addf %mul3A_840, %mul3A_841 : vector<16xf32>
        %add3A_877 = arith.addf %mul3A_842, %mul3A_843 : vector<16xf32>
        %add3A_878 = arith.addf %mul3A_844, %mul3A_845 : vector<16xf32>
        %add3A_879 = arith.addf %mul3A_846, %mul3A_847 : vector<16xf32>
        %add3A_880 = arith.addf %add3A_876, %add3A_877 : vector<16xf32>
        %add3A_881 = arith.addf %add3A_878, %add3A_879 : vector<16xf32>
        %add3A_882 = arith.addf %add3A_880, %add3A_881 : vector<16xf32>
        %reduce_sum3A_883 = arith.constant true
        %reduce_sum3A_884 = vector.broadcast %reduce_sum3A_883 : i1 to vector<16xi1>
        %reduce_sum3A_885 = tpu.scan <sum>, %add3A_882 masked %reduce_sum3A_884 : vector<16xf32>, vector<16xi1> -> vector<16xf32>
        %reduce_sum3A_886 = vector.extract %reduce_sum3A_885[15] : f32 from vector<16xf32>
        %add3A_887 = arith.constant 12 : i32
        %add3A_888 = arith.addi %mul3A_174, %add3A_887 : i32
        %sub3A_889 = arith.constant 1 : i32
        %sub3A_890 = arith.subi %add3A_888, %sub3A_889 : i32
        %broadcast_in_dim3A_891 = vector.broadcast %reduce_sum3A_832 : f32 to vector<16xf32>
        %swap3A_892 = arith.index_cast %sub3A_890 : i32 to index
        %swap3A_893 = tpu.vector_load %arg11[%swap3A_892] masked %eq3A_8 {strides = array<i32>} : memref<4736xf32, #tpu.memory_space<vmem>>, vector<16xf32>, vector<16xi1>
        tpu.vector_store %arg11[%swap3A_892], %broadcast_in_dim3A_891 masked %eq3A_8 {strides = array<i32>} : memref<4736xf32, #tpu.memory_space<vmem>>, vector<16xf32>, vector<16xi1>
        %mul3A_894 = arith.mulf %get3A_854, %get3A_151 : vector<16xf32>
        %mul3A_895 = arith.mulf %get3A_857, %get3A_154 : vector<16xf32>
        %mul3A_896 = arith.mulf %get3A_860, %get3A_157 : vector<16xf32>
        %mul3A_897 = arith.mulf %get3A_863, %get3A_160 : vector<16xf32>
        %mul3A_898 = arith.mulf %get3A_866, %get3A_163 : vector<16xf32>
        %mul3A_899 = arith.mulf %get3A_869, %get3A_166 : vector<16xf32>
        %mul3A_900 = arith.mulf %get3A_872, %get3A_169 : vector<16xf32>
        %mul3A_901 = arith.mulf %get3A_875, %get3A_172 : vector<16xf32>
        %mul3A_902 = arith.constant 36 : i32
        %mul3A_903 = arith.muli %scan3A_146, %mul3A_902 : i32
        %add3A_904 = arith.constant 14 : i32
        %add3A_905 = arith.addi %mul3A_903, %add3A_904 : i32
        %get3A_906 = arith.index_cast %add3A_905 : i32 to index
        %get3A_907 = arith.constant 0 : index
        %get3A_908 = tpu.vector_load %arg10[%get3A_906, %get3A_907] {strides = array<i32>} : memref<288x128xf32, #tpu.memory_space<vmem>>, vector<16xf32>,
        %get3A_909 = arith.index_cast %add3A_905 : i32 to index
        %get3A_910 = arith.constant 16 : index
        %get3A_911 = tpu.vector_load %arg10[%get3A_909, %get3A_910] {strides = array<i32>} : memref<288x128xf32, #tpu.memory_space<vmem>>, vector<16xf32>,
        %get3A_912 = arith.index_cast %add3A_905 : i32 to index
        %get3A_913 = arith.constant 32 : index
        %get3A_914 = tpu.vector_load %arg10[%get3A_912, %get3A_913] {strides = array<i32>} : memref<288x128xf32, #tpu.memory_space<vmem>>, vector<16xf32>,
        %get3A_915 = arith.index_cast %add3A_905 : i32 to index
        %get3A_916 = arith.constant 48 : index
        %get3A_917 = tpu.vector_load %arg10[%get3A_915, %get3A_916] {strides = array<i32>} : memref<288x128xf32, #tpu.memory_space<vmem>>, vector<16xf32>,
        %get3A_918 = arith.index_cast %add3A_905 : i32 to index
        %get3A_919 = arith.constant 64 : index
        %get3A_920 = tpu.vector_load %arg10[%get3A_918, %get3A_919] {strides = array<i32>} : memref<288x128xf32, #tpu.memory_space<vmem>>, vector<16xf32>,
        %get3A_921 = arith.index_cast %add3A_905 : i32 to index
        %get3A_922 = arith.constant 80 : index
        %get3A_923 = tpu.vector_load %arg10[%get3A_921, %get3A_922] {strides = array<i32>} : memref<288x128xf32, #tpu.memory_space<vmem>>, vector<16xf32>,
        %get3A_924 = arith.index_cast %add3A_905 : i32 to index
        %get3A_925 = arith.constant 96 : index
        %get3A_926 = tpu.vector_load %arg10[%get3A_924, %get3A_925] {strides = array<i32>} : memref<288x128xf32, #tpu.memory_space<vmem>>, vector<16xf32>,
        %get3A_927 = arith.index_cast %add3A_905 : i32 to index
        %get3A_928 = arith.constant 112 : index
        %get3A_929 = tpu.vector_load %arg10[%get3A_927, %get3A_928] {strides = array<i32>} : memref<288x128xf32, #tpu.memory_space<vmem>>, vector<16xf32>,
        %add3A_930 = arith.addf %mul3A_894, %mul3A_895 : vector<16xf32>
        %add3A_931 = arith.addf %mul3A_896, %mul3A_897 : vector<16xf32>
        %add3A_932 = arith.addf %mul3A_898, %mul3A_899 : vector<16xf32>
        %add3A_933 = arith.addf %mul3A_900, %mul3A_901 : vector<16xf32>
        %add3A_934 = arith.addf %add3A_930, %add3A_931 : vector<16xf32>
        %add3A_935 = arith.addf %add3A_932, %add3A_933 : vector<16xf32>
        %add3A_936 = arith.addf %add3A_934, %add3A_935 : vector<16xf32>
        %reduce_sum3A_937 = arith.constant true
        %reduce_sum3A_938 = vector.broadcast %reduce_sum3A_937 : i1 to vector<16xi1>
        %reduce_sum3A_939 = tpu.scan <sum>, %add3A_936 masked %reduce_sum3A_938 : vector<16xf32>, vector<16xi1> -> vector<16xf32>
        %reduce_sum3A_940 = vector.extract %reduce_sum3A_939[15] : f32 from vector<16xf32>
        %add3A_941 = arith.constant 13 : i32
        %add3A_942 = arith.addi %mul3A_174, %add3A_941 : i32
        %sub3A_943 = arith.constant 1 : i32
        %sub3A_944 = arith.subi %add3A_942, %sub3A_943 : i32
        %broadcast_in_dim3A_945 = vector.broadcast %reduce_sum3A_886 : f32 to vector<16xf32>
        %swap3A_946 = arith.index_cast %sub3A_944 : i32 to index
        %swap3A_947 = tpu.vector_load %arg11[%swap3A_946] masked %eq3A_8 {strides = array<i32>} : memref<4736xf32, #tpu.memory_space<vmem>>, vector<16xf32>, vector<16xi1>
        tpu.vector_store %arg11[%swap3A_946], %broadcast_in_dim3A_945 masked %eq3A_8 {strides = array<i32>} : memref<4736xf32, #tpu.memory_space<vmem>>, vector<16xf32>, vector<16xi1>
        %mul3A_948 = arith.mulf %get3A_908, %get3A_151 : vector<16xf32>
        %mul3A_949 = arith.mulf %get3A_911, %get3A_154 : vector<16xf32>
        %mul3A_950 = arith.mulf %get3A_914, %get3A_157 : vector<16xf32>
        %mul3A_951 = arith.mulf %get3A_917, %get3A_160 : vector<16xf32>
        %mul3A_952 = arith.mulf %get3A_920, %get3A_163 : vector<16xf32>
        %mul3A_953 = arith.mulf %get3A_923, %get3A_166 : vector<16xf32>
        %mul3A_954 = arith.mulf %get3A_926, %get3A_169 : vector<16xf32>
        %mul3A_955 = arith.mulf %get3A_929, %get3A_172 : vector<16xf32>
        %mul3A_956 = arith.constant 36 : i32
        %mul3A_957 = arith.muli %scan3A_146, %mul3A_956 : i32
        %add3A_958 = arith.constant 15 : i32
        %add3A_959 = arith.addi %mul3A_957, %add3A_958 : i32
        %get3A_960 = arith.index_cast %add3A_959 : i32 to index
        %get3A_961 = arith.constant 0 : index
        %get3A_962 = tpu.vector_load %arg10[%get3A_960, %get3A_961] {strides = array<i32>} : memref<288x128xf32, #tpu.memory_space<vmem>>, vector<16xf32>,
        %get3A_963 = arith.index_cast %add3A_959 : i32 to index
        %get3A_964 = arith.constant 16 : index
        %get3A_965 = tpu.vector_load %arg10[%get3A_963, %get3A_964] {strides = array<i32>} : memref<288x128xf32, #tpu.memory_space<vmem>>, vector<16xf32>,
        %get3A_966 = arith.index_cast %add3A_959 : i32 to index
        %get3A_967 = arith.constant 32 : index
        %get3A_968 = tpu.vector_load %arg10[%get3A_966, %get3A_967] {strides = array<i32>} : memref<288x128xf32, #tpu.memory_space<vmem>>, vector<16xf32>,
        %get3A_969 = arith.index_cast %add3A_959 : i32 to index
        %get3A_970 = arith.constant 48 : index
        %get3A_971 = tpu.vector_load %arg10[%get3A_969, %get3A_970] {strides = array<i32>} : memref<288x128xf32, #tpu.memory_space<vmem>>, vector<16xf32>,
        %get3A_972 = arith.index_cast %add3A_959 : i32 to index
        %get3A_973 = arith.constant 64 : index
        %get3A_974 = tpu.vector_load %arg10[%get3A_972, %get3A_973] {strides = array<i32>} : memref<288x128xf32, #tpu.memory_space<vmem>>, vector<16xf32>,
        %get3A_975 = arith.index_cast %add3A_959 : i32 to index
        %get3A_976 = arith.constant 80 : index
        %get3A_977 = tpu.vector_load %arg10[%get3A_975, %get3A_976] {strides = array<i32>} : memref<288x128xf32, #tpu.memory_space<vmem>>, vector<16xf32>,
        %get3A_978 = arith.index_cast %add3A_959 : i32 to index
        %get3A_979 = arith.constant 96 : index
        %get3A_980 = tpu.vector_load %arg10[%get3A_978, %get3A_979] {strides = array<i32>} : memref<288x128xf32, #tpu.memory_space<vmem>>, vector<16xf32>,
        %get3A_981 = arith.index_cast %add3A_959 : i32 to index
        %get3A_982 = arith.constant 112 : index
        %get3A_983 = tpu.vector_load %arg10[%get3A_981, %get3A_982] {strides = array<i32>} : memref<288x128xf32, #tpu.memory_space<vmem>>, vector<16xf32>,
        %add3A_984 = arith.addf %mul3A_948, %mul3A_949 : vector<16xf32>
        %add3A_985 = arith.addf %mul3A_950, %mul3A_951 : vector<16xf32>
        %add3A_986 = arith.addf %mul3A_952, %mul3A_953 : vector<16xf32>
        %add3A_987 = arith.addf %mul3A_954, %mul3A_955 : vector<16xf32>
        %add3A_988 = arith.addf %add3A_984, %add3A_985 : vector<16xf32>
        %add3A_989 = arith.addf %add3A_986, %add3A_987 : vector<16xf32>
        %add3A_990 = arith.addf %add3A_988, %add3A_989 : vector<16xf32>
        %reduce_sum3A_991 = arith.constant true
        %reduce_sum3A_992 = vector.broadcast %reduce_sum3A_991 : i1 to vector<16xi1>
        %reduce_sum3A_993 = tpu.scan <sum>, %add3A_990 masked %reduce_sum3A_992 : vector<16xf32>, vector<16xi1> -> vector<16xf32>
        %reduce_sum3A_994 = vector.extract %reduce_sum3A_993[15] : f32 from vector<16xf32>
        %add3A_995 = arith.constant 14 : i32
        %add3A_996 = arith.addi %mul3A_174, %add3A_995 : i32
        %sub3A_997 = arith.constant 1 : i32
        %sub3A_998 = arith.subi %add3A_996, %sub3A_997 : i32
        %broadcast_in_dim3A_999 = vector.broadcast %reduce_sum3A_940 : f32 to vector<16xf32>
        %swap3A_1000 = arith.index_cast %sub3A_998 : i32 to index
        %swap3A_1001 = tpu.vector_load %arg11[%swap3A_1000] masked %eq3A_8 {strides = array<i32>} : memref<4736xf32, #tpu.memory_space<vmem>>, vector<16xf32>, vector<16xi1>
        tpu.vector_store %arg11[%swap3A_1000], %broadcast_in_dim3A_999 masked %eq3A_8 {strides = array<i32>} : memref<4736xf32, #tpu.memory_space<vmem>>, vector<16xf32>, vector<16xi1>
        %mul3A_1002 = arith.mulf %get3A_962, %get3A_151 : vector<16xf32>
        %mul3A_1003 = arith.mulf %get3A_965, %get3A_154 : vector<16xf32>
        %mul3A_1004 = arith.mulf %get3A_968, %get3A_157 : vector<16xf32>
        %mul3A_1005 = arith.mulf %get3A_971, %get3A_160 : vector<16xf32>
        %mul3A_1006 = arith.mulf %get3A_974, %get3A_163 : vector<16xf32>
        %mul3A_1007 = arith.mulf %get3A_977, %get3A_166 : vector<16xf32>
        %mul3A_1008 = arith.mulf %get3A_980, %get3A_169 : vector<16xf32>
        %mul3A_1009 = arith.mulf %get3A_983, %get3A_172 : vector<16xf32>
        %mul3A_1010 = arith.constant 36 : i32
        %mul3A_1011 = arith.muli %scan3A_146, %mul3A_1010 : i32
        %add3A_1012 = arith.constant 16 : i32
        %add3A_1013 = arith.addi %mul3A_1011, %add3A_1012 : i32
        %get3A_1014 = arith.index_cast %add3A_1013 : i32 to index
        %get3A_1015 = arith.constant 0 : index
        %get3A_1016 = tpu.vector_load %arg10[%get3A_1014, %get3A_1015] {strides = array<i32>} : memref<288x128xf32, #tpu.memory_space<vmem>>, vector<16xf32>,
        %get3A_1017 = arith.index_cast %add3A_1013 : i32 to index
        %get3A_1018 = arith.constant 16 : index
        %get3A_1019 = tpu.vector_load %arg10[%get3A_1017, %get3A_1018] {strides = array<i32>} : memref<288x128xf32, #tpu.memory_space<vmem>>, vector<16xf32>,
        %get3A_1020 = arith.index_cast %add3A_1013 : i32 to index
        %get3A_1021 = arith.constant 32 : index
        %get3A_1022 = tpu.vector_load %arg10[%get3A_1020, %get3A_1021] {strides = array<i32>} : memref<288x128xf32, #tpu.memory_space<vmem>>, vector<16xf32>,
        %get3A_1023 = arith.index_cast %add3A_1013 : i32 to index
        %get3A_1024 = arith.constant 48 : index
        %get3A_1025 = tpu.vector_load %arg10[%get3A_1023, %get3A_1024] {strides = array<i32>} : memref<288x128xf32, #tpu.memory_space<vmem>>, vector<16xf32>,
        %get3A_1026 = arith.index_cast %add3A_1013 : i32 to index
        %get3A_1027 = arith.constant 64 : index
        %get3A_1028 = tpu.vector_load %arg10[%get3A_1026, %get3A_1027] {strides = array<i32>} : memref<288x128xf32, #tpu.memory_space<vmem>>, vector<16xf32>,
        %get3A_1029 = arith.index_cast %add3A_1013 : i32 to index
        %get3A_1030 = arith.constant 80 : index
        %get3A_1031 = tpu.vector_load %arg10[%get3A_1029, %get3A_1030] {strides = array<i32>} : memref<288x128xf32, #tpu.memory_space<vmem>>, vector<16xf32>,
        %get3A_1032 = arith.index_cast %add3A_1013 : i32 to index
        %get3A_1033 = arith.constant 96 : index
        %get3A_1034 = tpu.vector_load %arg10[%get3A_1032, %get3A_1033] {strides = array<i32>} : memref<288x128xf32, #tpu.memory_space<vmem>>, vector<16xf32>,
        %get3A_1035 = arith.index_cast %add3A_1013 : i32 to index
        %get3A_1036 = arith.constant 112 : index
        %get3A_1037 = tpu.vector_load %arg10[%get3A_1035, %get3A_1036] {strides = array<i32>} : memref<288x128xf32, #tpu.memory_space<vmem>>, vector<16xf32>,
        %add3A_1038 = arith.addf %mul3A_1002, %mul3A_1003 : vector<16xf32>
        %add3A_1039 = arith.addf %mul3A_1004, %mul3A_1005 : vector<16xf32>
        %add3A_1040 = arith.addf %mul3A_1006, %mul3A_1007 : vector<16xf32>
        %add3A_1041 = arith.addf %mul3A_1008, %mul3A_1009 : vector<16xf32>
        %add3A_1042 = arith.addf %add3A_1038, %add3A_1039 : vector<16xf32>
        %add3A_1043 = arith.addf %add3A_1040, %add3A_1041 : vector<16xf32>
        %add3A_1044 = arith.addf %add3A_1042, %add3A_1043 : vector<16xf32>
        %reduce_sum3A_1045 = arith.constant true
        %reduce_sum3A_1046 = vector.broadcast %reduce_sum3A_1045 : i1 to vector<16xi1>
        %reduce_sum3A_1047 = tpu.scan <sum>, %add3A_1044 masked %reduce_sum3A_1046 : vector<16xf32>, vector<16xi1> -> vector<16xf32>
        %reduce_sum3A_1048 = vector.extract %reduce_sum3A_1047[15] : f32 from vector<16xf32>
        %add3A_1049 = arith.constant 15 : i32
        %add3A_1050 = arith.addi %mul3A_174, %add3A_1049 : i32
        %sub3A_1051 = arith.constant 1 : i32
        %sub3A_1052 = arith.subi %add3A_1050, %sub3A_1051 : i32
        %broadcast_in_dim3A_1053 = vector.broadcast %reduce_sum3A_994 : f32 to vector<16xf32>
        %swap3A_1054 = arith.index_cast %sub3A_1052 : i32 to index
        %swap3A_1055 = tpu.vector_load %arg11[%swap3A_1054] masked %eq3A_8 {strides = array<i32>} : memref<4736xf32, #tpu.memory_space<vmem>>, vector<16xf32>, vector<16xi1>
        tpu.vector_store %arg11[%swap3A_1054], %broadcast_in_dim3A_1053 masked %eq3A_8 {strides = array<i32>} : memref<4736xf32, #tpu.memory_space<vmem>>, vector<16xf32>, vector<16xi1>
        %mul3A_1056 = arith.mulf %get3A_1016, %get3A_151 : vector<16xf32>
        %mul3A_1057 = arith.mulf %get3A_1019, %get3A_154 : vector<16xf32>
        %mul3A_1058 = arith.mulf %get3A_1022, %get3A_157 : vector<16xf32>
        %mul3A_1059 = arith.mulf %get3A_1025, %get3A_160 : vector<16xf32>
        %mul3A_1060 = arith.mulf %get3A_1028, %get3A_163 : vector<16xf32>
        %mul3A_1061 = arith.mulf %get3A_1031, %get3A_166 : vector<16xf32>
        %mul3A_1062 = arith.mulf %get3A_1034, %get3A_169 : vector<16xf32>
        %mul3A_1063 = arith.mulf %get3A_1037, %get3A_172 : vector<16xf32>
        %mul3A_1064 = arith.constant 36 : i32
        %mul3A_1065 = arith.muli %scan3A_146, %mul3A_1064 : i32
        %add3A_1066 = arith.constant 17 : i32
        %add3A_1067 = arith.addi %mul3A_1065, %add3A_1066 : i32
        %get3A_1068 = arith.index_cast %add3A_1067 : i32 to index
        %get3A_1069 = arith.constant 0 : index
        %get3A_1070 = tpu.vector_load %arg10[%get3A_1068, %get3A_1069] {strides = array<i32>} : memref<288x128xf32, #tpu.memory_space<vmem>>, vector<16xf32>,
        %get3A_1071 = arith.index_cast %add3A_1067 : i32 to index
        %get3A_1072 = arith.constant 16 : index
        %get3A_1073 = tpu.vector_load %arg10[%get3A_1071, %get3A_1072] {strides = array<i32>} : memref<288x128xf32, #tpu.memory_space<vmem>>, vector<16xf32>,
        %get3A_1074 = arith.index_cast %add3A_1067 : i32 to index
        %get3A_1075 = arith.constant 32 : index
        %get3A_1076 = tpu.vector_load %arg10[%get3A_1074, %get3A_1075] {strides = array<i32>} : memref<288x128xf32, #tpu.memory_space<vmem>>, vector<16xf32>,
        %get3A_1077 = arith.index_cast %add3A_1067 : i32 to index
        %get3A_1078 = arith.constant 48 : index
        %get3A_1079 = tpu.vector_load %arg10[%get3A_1077, %get3A_1078] {strides = array<i32>} : memref<288x128xf32, #tpu.memory_space<vmem>>, vector<16xf32>,
        %get3A_1080 = arith.index_cast %add3A_1067 : i32 to index
        %get3A_1081 = arith.constant 64 : index
        %get3A_1082 = tpu.vector_load %arg10[%get3A_1080, %get3A_1081] {strides = array<i32>} : memref<288x128xf32, #tpu.memory_space<vmem>>, vector<16xf32>,
        %get3A_1083 = arith.index_cast %add3A_1067 : i32 to index
        %get3A_1084 = arith.constant 80 : index
        %get3A_1085 = tpu.vector_load %arg10[%get3A_1083, %get3A_1084] {strides = array<i32>} : memref<288x128xf32, #tpu.memory_space<vmem>>, vector<16xf32>,
        %get3A_1086 = arith.index_cast %add3A_1067 : i32 to index
        %get3A_1087 = arith.constant 96 : index
        %get3A_1088 = tpu.vector_load %arg10[%get3A_1086, %get3A_1087] {strides = array<i32>} : memref<288x128xf32, #tpu.memory_space<vmem>>, vector<16xf32>,
        %get3A_1089 = arith.index_cast %add3A_1067 : i32 to index
        %get3A_1090 = arith.constant 112 : index
        %get3A_1091 = tpu.vector_load %arg10[%get3A_1089, %get3A_1090] {strides = array<i32>} : memref<288x128xf32, #tpu.memory_space<vmem>>, vector<16xf32>,
        %add3A_1092 = arith.addf %mul3A_1056, %mul3A_1057 : vector<16xf32>
        %add3A_1093 = arith.addf %mul3A_1058, %mul3A_1059 : vector<16xf32>
        %add3A_1094 = arith.addf %mul3A_1060, %mul3A_1061 : vector<16xf32>
        %add3A_1095 = arith.addf %mul3A_1062, %mul3A_1063 : vector<16xf32>
        %add3A_1096 = arith.addf %add3A_1092, %add3A_1093 : vector<16xf32>
        %add3A_1097 = arith.addf %add3A_1094, %add3A_1095 : vector<16xf32>
        %add3A_1098 = arith.addf %add3A_1096, %add3A_1097 : vector<16xf32>
        %reduce_sum3A_1099 = arith.constant true
        %reduce_sum3A_1100 = vector.broadcast %reduce_sum3A_1099 : i1 to vector<16xi1>
        %reduce_sum3A_1101 = tpu.scan <sum>, %add3A_1098 masked %reduce_sum3A_1100 : vector<16xf32>, vector<16xi1> -> vector<16xf32>
        %reduce_sum3A_1102 = vector.extract %reduce_sum3A_1101[15] : f32 from vector<16xf32>
        %add3A_1103 = arith.constant 16 : i32
        %add3A_1104 = arith.addi %mul3A_174, %add3A_1103 : i32
        %sub3A_1105 = arith.constant 1 : i32
        %sub3A_1106 = arith.subi %add3A_1104, %sub3A_1105 : i32
        %broadcast_in_dim3A_1107 = vector.broadcast %reduce_sum3A_1048 : f32 to vector<16xf32>
        %swap3A_1108 = arith.index_cast %sub3A_1106 : i32 to index
        %swap3A_1109 = tpu.vector_load %arg11[%swap3A_1108] masked %eq3A_8 {strides = array<i32>} : memref<4736xf32, #tpu.memory_space<vmem>>, vector<16xf32>, vector<16xi1>
        tpu.vector_store %arg11[%swap3A_1108], %broadcast_in_dim3A_1107 masked %eq3A_8 {strides = array<i32>} : memref<4736xf32, #tpu.memory_space<vmem>>, vector<16xf32>, vector<16xi1>
        %mul3A_1110 = arith.mulf %get3A_1070, %get3A_151 : vector<16xf32>
        %mul3A_1111 = arith.mulf %get3A_1073, %get3A_154 : vector<16xf32>
        %mul3A_1112 = arith.mulf %get3A_1076, %get3A_157 : vector<16xf32>
        %mul3A_1113 = arith.mulf %get3A_1079, %get3A_160 : vector<16xf32>
        %mul3A_1114 = arith.mulf %get3A_1082, %get3A_163 : vector<16xf32>
        %mul3A_1115 = arith.mulf %get3A_1085, %get3A_166 : vector<16xf32>
        %mul3A_1116 = arith.mulf %get3A_1088, %get3A_169 : vector<16xf32>
        %mul3A_1117 = arith.mulf %get3A_1091, %get3A_172 : vector<16xf32>
        %mul3A_1118 = arith.constant 36 : i32
        %mul3A_1119 = arith.muli %scan3A_146, %mul3A_1118 : i32
        %add3A_1120 = arith.constant 18 : i32
        %add3A_1121 = arith.addi %mul3A_1119, %add3A_1120 : i32
        %get3A_1122 = arith.index_cast %add3A_1121 : i32 to index
        %get3A_1123 = arith.constant 0 : index
        %get3A_1124 = tpu.vector_load %arg10[%get3A_1122, %get3A_1123] {strides = array<i32>} : memref<288x128xf32, #tpu.memory_space<vmem>>, vector<16xf32>,
        %get3A_1125 = arith.index_cast %add3A_1121 : i32 to index
        %get3A_1126 = arith.constant 16 : index
        %get3A_1127 = tpu.vector_load %arg10[%get3A_1125, %get3A_1126] {strides = array<i32>} : memref<288x128xf32, #tpu.memory_space<vmem>>, vector<16xf32>,
        %get3A_1128 = arith.index_cast %add3A_1121 : i32 to index
        %get3A_1129 = arith.constant 32 : index
        %get3A_1130 = tpu.vector_load %arg10[%get3A_1128, %get3A_1129] {strides = array<i32>} : memref<288x128xf32, #tpu.memory_space<vmem>>, vector<16xf32>,
        %get3A_1131 = arith.index_cast %add3A_1121 : i32 to index
        %get3A_1132 = arith.constant 48 : index
        %get3A_1133 = tpu.vector_load %arg10[%get3A_1131, %get3A_1132] {strides = array<i32>} : memref<288x128xf32, #tpu.memory_space<vmem>>, vector<16xf32>,
        %get3A_1134 = arith.index_cast %add3A_1121 : i32 to index
        %get3A_1135 = arith.constant 64 : index
        %get3A_1136 = tpu.vector_load %arg10[%get3A_1134, %get3A_1135] {strides = array<i32>} : memref<288x128xf32, #tpu.memory_space<vmem>>, vector<16xf32>,
        %get3A_1137 = arith.index_cast %add3A_1121 : i32 to index
        %get3A_1138 = arith.constant 80 : index
        %get3A_1139 = tpu.vector_load %arg10[%get3A_1137, %get3A_1138] {strides = array<i32>} : memref<288x128xf32, #tpu.memory_space<vmem>>, vector<16xf32>,
        %get3A_1140 = arith.index_cast %add3A_1121 : i32 to index
        %get3A_1141 = arith.constant 96 : index
        %get3A_1142 = tpu.vector_load %arg10[%get3A_1140, %get3A_1141] {strides = array<i32>} : memref<288x128xf32, #tpu.memory_space<vmem>>, vector<16xf32>,
        %get3A_1143 = arith.index_cast %add3A_1121 : i32 to index
        %get3A_1144 = arith.constant 112 : index
        %get3A_1145 = tpu.vector_load %arg10[%get3A_1143, %get3A_1144] {strides = array<i32>} : memref<288x128xf32, #tpu.memory_space<vmem>>, vector<16xf32>,
        %add3A_1146 = arith.addf %mul3A_1110, %mul3A_1111 : vector<16xf32>
        %add3A_1147 = arith.addf %mul3A_1112, %mul3A_1113 : vector<16xf32>
        %add3A_1148 = arith.addf %mul3A_1114, %mul3A_1115 : vector<16xf32>
        %add3A_1149 = arith.addf %mul3A_1116, %mul3A_1117 : vector<16xf32>
        %add3A_1150 = arith.addf %add3A_1146, %add3A_1147 : vector<16xf32>
        %add3A_1151 = arith.addf %add3A_1148, %add3A_1149 : vector<16xf32>
        %add3A_1152 = arith.addf %add3A_1150, %add3A_1151 : vector<16xf32>
        %reduce_sum3A_1153 = arith.constant true
        %reduce_sum3A_1154 = vector.broadcast %reduce_sum3A_1153 : i1 to vector<16xi1>
        %reduce_sum3A_1155 = tpu.scan <sum>, %add3A_1152 masked %reduce_sum3A_1154 : vector<16xf32>, vector<16xi1> -> vector<16xf32>
        %reduce_sum3A_1156 = vector.extract %reduce_sum3A_1155[15] : f32 from vector<16xf32>
        %add3A_1157 = arith.constant 17 : i32
        %add3A_1158 = arith.addi %mul3A_174, %add3A_1157 : i32
        %sub3A_1159 = arith.constant 1 : i32
        %sub3A_1160 = arith.subi %add3A_1158, %sub3A_1159 : i32
        %broadcast_in_dim3A_1161 = vector.broadcast %reduce_sum3A_1102 : f32 to vector<16xf32>
        %swap3A_1162 = arith.index_cast %sub3A_1160 : i32 to index
        %swap3A_1163 = tpu.vector_load %arg11[%swap3A_1162] masked %eq3A_8 {strides = array<i32>} : memref<4736xf32, #tpu.memory_space<vmem>>, vector<16xf32>, vector<16xi1>
        tpu.vector_store %arg11[%swap3A_1162], %broadcast_in_dim3A_1161 masked %eq3A_8 {strides = array<i32>} : memref<4736xf32, #tpu.memory_space<vmem>>, vector<16xf32>, vector<16xi1>
        %mul3A_1164 = arith.mulf %get3A_1124, %get3A_151 : vector<16xf32>
        %mul3A_1165 = arith.mulf %get3A_1127, %get3A_154 : vector<16xf32>
        %mul3A_1166 = arith.mulf %get3A_1130, %get3A_157 : vector<16xf32>
        %mul3A_1167 = arith.mulf %get3A_1133, %get3A_160 : vector<16xf32>
        %mul3A_1168 = arith.mulf %get3A_1136, %get3A_163 : vector<16xf32>
        %mul3A_1169 = arith.mulf %get3A_1139, %get3A_166 : vector<16xf32>
        %mul3A_1170 = arith.mulf %get3A_1142, %get3A_169 : vector<16xf32>
        %mul3A_1171 = arith.mulf %get3A_1145, %get3A_172 : vector<16xf32>
        %mul3A_1172 = arith.constant 36 : i32
        %mul3A_1173 = arith.muli %scan3A_146, %mul3A_1172 : i32
        %add3A_1174 = arith.constant 19 : i32
        %add3A_1175 = arith.addi %mul3A_1173, %add3A_1174 : i32
        %get3A_1176 = arith.index_cast %add3A_1175 : i32 to index
        %get3A_1177 = arith.constant 0 : index
        %get3A_1178 = tpu.vector_load %arg10[%get3A_1176, %get3A_1177] {strides = array<i32>} : memref<288x128xf32, #tpu.memory_space<vmem>>, vector<16xf32>,
        %get3A_1179 = arith.index_cast %add3A_1175 : i32 to index
        %get3A_1180 = arith.constant 16 : index
        %get3A_1181 = tpu.vector_load %arg10[%get3A_1179, %get3A_1180] {strides = array<i32>} : memref<288x128xf32, #tpu.memory_space<vmem>>, vector<16xf32>,
        %get3A_1182 = arith.index_cast %add3A_1175 : i32 to index
        %get3A_1183 = arith.constant 32 : index
        %get3A_1184 = tpu.vector_load %arg10[%get3A_1182, %get3A_1183] {strides = array<i32>} : memref<288x128xf32, #tpu.memory_space<vmem>>, vector<16xf32>,
        %get3A_1185 = arith.index_cast %add3A_1175 : i32 to index
        %get3A_1186 = arith.constant 48 : index
        %get3A_1187 = tpu.vector_load %arg10[%get3A_1185, %get3A_1186] {strides = array<i32>} : memref<288x128xf32, #tpu.memory_space<vmem>>, vector<16xf32>,
        %get3A_1188 = arith.index_cast %add3A_1175 : i32 to index
        %get3A_1189 = arith.constant 64 : index
        %get3A_1190 = tpu.vector_load %arg10[%get3A_1188, %get3A_1189] {strides = array<i32>} : memref<288x128xf32, #tpu.memory_space<vmem>>, vector<16xf32>,
        %get3A_1191 = arith.index_cast %add3A_1175 : i32 to index
        %get3A_1192 = arith.constant 80 : index
        %get3A_1193 = tpu.vector_load %arg10[%get3A_1191, %get3A_1192] {strides = array<i32>} : memref<288x128xf32, #tpu.memory_space<vmem>>, vector<16xf32>,
        %get3A_1194 = arith.index_cast %add3A_1175 : i32 to index
        %get3A_1195 = arith.constant 96 : index
        %get3A_1196 = tpu.vector_load %arg10[%get3A_1194, %get3A_1195] {strides = array<i32>} : memref<288x128xf32, #tpu.memory_space<vmem>>, vector<16xf32>,
        %get3A_1197 = arith.index_cast %add3A_1175 : i32 to index
        %get3A_1198 = arith.constant 112 : index
        %get3A_1199 = tpu.vector_load %arg10[%get3A_1197, %get3A_1198] {strides = array<i32>} : memref<288x128xf32, #tpu.memory_space<vmem>>, vector<16xf32>,
        %add3A_1200 = arith.addf %mul3A_1164, %mul3A_1165 : vector<16xf32>
        %add3A_1201 = arith.addf %mul3A_1166, %mul3A_1167 : vector<16xf32>
        %add3A_1202 = arith.addf %mul3A_1168, %mul3A_1169 : vector<16xf32>
        %add3A_1203 = arith.addf %mul3A_1170, %mul3A_1171 : vector<16xf32>
        %add3A_1204 = arith.addf %add3A_1200, %add3A_1201 : vector<16xf32>
        %add3A_1205 = arith.addf %add3A_1202, %add3A_1203 : vector<16xf32>
        %add3A_1206 = arith.addf %add3A_1204, %add3A_1205 : vector<16xf32>
        %reduce_sum3A_1207 = arith.constant true
        %reduce_sum3A_1208 = vector.broadcast %reduce_sum3A_1207 : i1 to vector<16xi1>
        %reduce_sum3A_1209 = tpu.scan <sum>, %add3A_1206 masked %reduce_sum3A_1208 : vector<16xf32>, vector<16xi1> -> vector<16xf32>
        %reduce_sum3A_1210 = vector.extract %reduce_sum3A_1209[15] : f32 from vector<16xf32>
        %add3A_1211 = arith.constant 18 : i32
        %add3A_1212 = arith.addi %mul3A_174, %add3A_1211 : i32
        %sub3A_1213 = arith.constant 1 : i32
        %sub3A_1214 = arith.subi %add3A_1212, %sub3A_1213 : i32
        %broadcast_in_dim3A_1215 = vector.broadcast %reduce_sum3A_1156 : f32 to vector<16xf32>
        %swap3A_1216 = arith.index_cast %sub3A_1214 : i32 to index
        %swap3A_1217 = tpu.vector_load %arg11[%swap3A_1216] masked %eq3A_8 {strides = array<i32>} : memref<4736xf32, #tpu.memory_space<vmem>>, vector<16xf32>, vector<16xi1>
        tpu.vector_store %arg11[%swap3A_1216], %broadcast_in_dim3A_1215 masked %eq3A_8 {strides = array<i32>} : memref<4736xf32, #tpu.memory_space<vmem>>, vector<16xf32>, vector<16xi1>
        %mul3A_1218 = arith.mulf %get3A_1178, %get3A_151 : vector<16xf32>
        %mul3A_1219 = arith.mulf %get3A_1181, %get3A_154 : vector<16xf32>
        %mul3A_1220 = arith.mulf %get3A_1184, %get3A_157 : vector<16xf32>
        %mul3A_1221 = arith.mulf %get3A_1187, %get3A_160 : vector<16xf32>
        %mul3A_1222 = arith.mulf %get3A_1190, %get3A_163 : vector<16xf32>
        %mul3A_1223 = arith.mulf %get3A_1193, %get3A_166 : vector<16xf32>
        %mul3A_1224 = arith.mulf %get3A_1196, %get3A_169 : vector<16xf32>
        %mul3A_1225 = arith.mulf %get3A_1199, %get3A_172 : vector<16xf32>
        %mul3A_1226 = arith.constant 36 : i32
        %mul3A_1227 = arith.muli %scan3A_146, %mul3A_1226 : i32
        %add3A_1228 = arith.constant 20 : i32
        %add3A_1229 = arith.addi %mul3A_1227, %add3A_1228 : i32
        %get3A_1230 = arith.index_cast %add3A_1229 : i32 to index
        %get3A_1231 = arith.constant 0 : index
        %get3A_1232 = tpu.vector_load %arg10[%get3A_1230, %get3A_1231] {strides = array<i32>} : memref<288x128xf32, #tpu.memory_space<vmem>>, vector<16xf32>,
        %get3A_1233 = arith.index_cast %add3A_1229 : i32 to index
        %get3A_1234 = arith.constant 16 : index
        %get3A_1235 = tpu.vector_load %arg10[%get3A_1233, %get3A_1234] {strides = array<i32>} : memref<288x128xf32, #tpu.memory_space<vmem>>, vector<16xf32>,
        %get3A_1236 = arith.index_cast %add3A_1229 : i32 to index
        %get3A_1237 = arith.constant 32 : index
        %get3A_1238 = tpu.vector_load %arg10[%get3A_1236, %get3A_1237] {strides = array<i32>} : memref<288x128xf32, #tpu.memory_space<vmem>>, vector<16xf32>,
        %get3A_1239 = arith.index_cast %add3A_1229 : i32 to index
        %get3A_1240 = arith.constant 48 : index
        %get3A_1241 = tpu.vector_load %arg10[%get3A_1239, %get3A_1240] {strides = array<i32>} : memref<288x128xf32, #tpu.memory_space<vmem>>, vector<16xf32>,
        %get3A_1242 = arith.index_cast %add3A_1229 : i32 to index
        %get3A_1243 = arith.constant 64 : index
        %get3A_1244 = tpu.vector_load %arg10[%get3A_1242, %get3A_1243] {strides = array<i32>} : memref<288x128xf32, #tpu.memory_space<vmem>>, vector<16xf32>,
        %get3A_1245 = arith.index_cast %add3A_1229 : i32 to index
        %get3A_1246 = arith.constant 80 : index
        %get3A_1247 = tpu.vector_load %arg10[%get3A_1245, %get3A_1246] {strides = array<i32>} : memref<288x128xf32, #tpu.memory_space<vmem>>, vector<16xf32>,
        %get3A_1248 = arith.index_cast %add3A_1229 : i32 to index
        %get3A_1249 = arith.constant 96 : index
        %get3A_1250 = tpu.vector_load %arg10[%get3A_1248, %get3A_1249] {strides = array<i32>} : memref<288x128xf32, #tpu.memory_space<vmem>>, vector<16xf32>,
        %get3A_1251 = arith.index_cast %add3A_1229 : i32 to index
        %get3A_1252 = arith.constant 112 : index
        %get3A_1253 = tpu.vector_load %arg10[%get3A_1251, %get3A_1252] {strides = array<i32>} : memref<288x128xf32, #tpu.memory_space<vmem>>, vector<16xf32>,
        %add3A_1254 = arith.addf %mul3A_1218, %mul3A_1219 : vector<16xf32>
        %add3A_1255 = arith.addf %mul3A_1220, %mul3A_1221 : vector<16xf32>
        %add3A_1256 = arith.addf %mul3A_1222, %mul3A_1223 : vector<16xf32>
        %add3A_1257 = arith.addf %mul3A_1224, %mul3A_1225 : vector<16xf32>
        %add3A_1258 = arith.addf %add3A_1254, %add3A_1255 : vector<16xf32>
        %add3A_1259 = arith.addf %add3A_1256, %add3A_1257 : vector<16xf32>
        %add3A_1260 = arith.addf %add3A_1258, %add3A_1259 : vector<16xf32>
        %reduce_sum3A_1261 = arith.constant true
        %reduce_sum3A_1262 = vector.broadcast %reduce_sum3A_1261 : i1 to vector<16xi1>
        %reduce_sum3A_1263 = tpu.scan <sum>, %add3A_1260 masked %reduce_sum3A_1262 : vector<16xf32>, vector<16xi1> -> vector<16xf32>
        %reduce_sum3A_1264 = vector.extract %reduce_sum3A_1263[15] : f32 from vector<16xf32>
        %add3A_1265 = arith.constant 19 : i32
        %add3A_1266 = arith.addi %mul3A_174, %add3A_1265 : i32
        %sub3A_1267 = arith.constant 1 : i32
        %sub3A_1268 = arith.subi %add3A_1266, %sub3A_1267 : i32
        %broadcast_in_dim3A_1269 = vector.broadcast %reduce_sum3A_1210 : f32 to vector<16xf32>
        %swap3A_1270 = arith.index_cast %sub3A_1268 : i32 to index
        %swap3A_1271 = tpu.vector_load %arg11[%swap3A_1270] masked %eq3A_8 {strides = array<i32>} : memref<4736xf32, #tpu.memory_space<vmem>>, vector<16xf32>, vector<16xi1>
        tpu.vector_store %arg11[%swap3A_1270], %broadcast_in_dim3A_1269 masked %eq3A_8 {strides = array<i32>} : memref<4736xf32, #tpu.memory_space<vmem>>, vector<16xf32>, vector<16xi1>
        %mul3A_1272 = arith.mulf %get3A_1232, %get3A_151 : vector<16xf32>
        %mul3A_1273 = arith.mulf %get3A_1235, %get3A_154 : vector<16xf32>
        %mul3A_1274 = arith.mulf %get3A_1238, %get3A_157 : vector<16xf32>
        %mul3A_1275 = arith.mulf %get3A_1241, %get3A_160 : vector<16xf32>
        %mul3A_1276 = arith.mulf %get3A_1244, %get3A_163 : vector<16xf32>
        %mul3A_1277 = arith.mulf %get3A_1247, %get3A_166 : vector<16xf32>
        %mul3A_1278 = arith.mulf %get3A_1250, %get3A_169 : vector<16xf32>
        %mul3A_1279 = arith.mulf %get3A_1253, %get3A_172 : vector<16xf32>
        %mul3A_1280 = arith.constant 36 : i32
        %mul3A_1281 = arith.muli %scan3A_146, %mul3A_1280 : i32
        %add3A_1282 = arith.constant 21 : i32
        %add3A_1283 = arith.addi %mul3A_1281, %add3A_1282 : i32
        %get3A_1284 = arith.index_cast %add3A_1283 : i32 to index
        %get3A_1285 = arith.constant 0 : index
        %get3A_1286 = tpu.vector_load %arg10[%get3A_1284, %get3A_1285] {strides = array<i32>} : memref<288x128xf32, #tpu.memory_space<vmem>>, vector<16xf32>,
        %get3A_1287 = arith.index_cast %add3A_1283 : i32 to index
        %get3A_1288 = arith.constant 16 : index
        %get3A_1289 = tpu.vector_load %arg10[%get3A_1287, %get3A_1288] {strides = array<i32>} : memref<288x128xf32, #tpu.memory_space<vmem>>, vector<16xf32>,
        %get3A_1290 = arith.index_cast %add3A_1283 : i32 to index
        %get3A_1291 = arith.constant 32 : index
        %get3A_1292 = tpu.vector_load %arg10[%get3A_1290, %get3A_1291] {strides = array<i32>} : memref<288x128xf32, #tpu.memory_space<vmem>>, vector<16xf32>,
        %get3A_1293 = arith.index_cast %add3A_1283 : i32 to index
        %get3A_1294 = arith.constant 48 : index
        %get3A_1295 = tpu.vector_load %arg10[%get3A_1293, %get3A_1294] {strides = array<i32>} : memref<288x128xf32, #tpu.memory_space<vmem>>, vector<16xf32>,
        %get3A_1296 = arith.index_cast %add3A_1283 : i32 to index
        %get3A_1297 = arith.constant 64 : index
        %get3A_1298 = tpu.vector_load %arg10[%get3A_1296, %get3A_1297] {strides = array<i32>} : memref<288x128xf32, #tpu.memory_space<vmem>>, vector<16xf32>,
        %get3A_1299 = arith.index_cast %add3A_1283 : i32 to index
        %get3A_1300 = arith.constant 80 : index
        %get3A_1301 = tpu.vector_load %arg10[%get3A_1299, %get3A_1300] {strides = array<i32>} : memref<288x128xf32, #tpu.memory_space<vmem>>, vector<16xf32>,
        %get3A_1302 = arith.index_cast %add3A_1283 : i32 to index
        %get3A_1303 = arith.constant 96 : index
        %get3A_1304 = tpu.vector_load %arg10[%get3A_1302, %get3A_1303] {strides = array<i32>} : memref<288x128xf32, #tpu.memory_space<vmem>>, vector<16xf32>,
        %get3A_1305 = arith.index_cast %add3A_1283 : i32 to index
        %get3A_1306 = arith.constant 112 : index
        %get3A_1307 = tpu.vector_load %arg10[%get3A_1305, %get3A_1306] {strides = array<i32>} : memref<288x128xf32, #tpu.memory_space<vmem>>, vector<16xf32>,
        %add3A_1308 = arith.addf %mul3A_1272, %mul3A_1273 : vector<16xf32>
        %add3A_1309 = arith.addf %mul3A_1274, %mul3A_1275 : vector<16xf32>
        %add3A_1310 = arith.addf %mul3A_1276, %mul3A_1277 : vector<16xf32>
        %add3A_1311 = arith.addf %mul3A_1278, %mul3A_1279 : vector<16xf32>
        %add3A_1312 = arith.addf %add3A_1308, %add3A_1309 : vector<16xf32>
        %add3A_1313 = arith.addf %add3A_1310, %add3A_1311 : vector<16xf32>
        %add3A_1314 = arith.addf %add3A_1312, %add3A_1313 : vector<16xf32>
        %reduce_sum3A_1315 = arith.constant true
        %reduce_sum3A_1316 = vector.broadcast %reduce_sum3A_1315 : i1 to vector<16xi1>
        %reduce_sum3A_1317 = tpu.scan <sum>, %add3A_1314 masked %reduce_sum3A_1316 : vector<16xf32>, vector<16xi1> -> vector<16xf32>
        %reduce_sum3A_1318 = vector.extract %reduce_sum3A_1317[15] : f32 from vector<16xf32>
        %add3A_1319 = arith.constant 20 : i32
        %add3A_1320 = arith.addi %mul3A_174, %add3A_1319 : i32
        %sub3A_1321 = arith.constant 1 : i32
        %sub3A_1322 = arith.subi %add3A_1320, %sub3A_1321 : i32
        %broadcast_in_dim3A_1323 = vector.broadcast %reduce_sum3A_1264 : f32 to vector<16xf32>
        %swap3A_1324 = arith.index_cast %sub3A_1322 : i32 to index
        %swap3A_1325 = tpu.vector_load %arg11[%swap3A_1324] masked %eq3A_8 {strides = array<i32>} : memref<4736xf32, #tpu.memory_space<vmem>>, vector<16xf32>, vector<16xi1>
        tpu.vector_store %arg11[%swap3A_1324], %broadcast_in_dim3A_1323 masked %eq3A_8 {strides = array<i32>} : memref<4736xf32, #tpu.memory_space<vmem>>, vector<16xf32>, vector<16xi1>
        %mul3A_1326 = arith.mulf %get3A_1286, %get3A_151 : vector<16xf32>
        %mul3A_1327 = arith.mulf %get3A_1289, %get3A_154 : vector<16xf32>
        %mul3A_1328 = arith.mulf %get3A_1292, %get3A_157 : vector<16xf32>
        %mul3A_1329 = arith.mulf %get3A_1295, %get3A_160 : vector<16xf32>
        %mul3A_1330 = arith.mulf %get3A_1298, %get3A_163 : vector<16xf32>
        %mul3A_1331 = arith.mulf %get3A_1301, %get3A_166 : vector<16xf32>
        %mul3A_1332 = arith.mulf %get3A_1304, %get3A_169 : vector<16xf32>
        %mul3A_1333 = arith.mulf %get3A_1307, %get3A_172 : vector<16xf32>
        %mul3A_1334 = arith.constant 36 : i32
        %mul3A_1335 = arith.muli %scan3A_146, %mul3A_1334 : i32
        %add3A_1336 = arith.constant 22 : i32
        %add3A_1337 = arith.addi %mul3A_1335, %add3A_1336 : i32
        %get3A_1338 = arith.index_cast %add3A_1337 : i32 to index
        %get3A_1339 = arith.constant 0 : index
        %get3A_1340 = tpu.vector_load %arg10[%get3A_1338, %get3A_1339] {strides = array<i32>} : memref<288x128xf32, #tpu.memory_space<vmem>>, vector<16xf32>,
        %get3A_1341 = arith.index_cast %add3A_1337 : i32 to index
        %get3A_1342 = arith.constant 16 : index
        %get3A_1343 = tpu.vector_load %arg10[%get3A_1341, %get3A_1342] {strides = array<i32>} : memref<288x128xf32, #tpu.memory_space<vmem>>, vector<16xf32>,
        %get3A_1344 = arith.index_cast %add3A_1337 : i32 to index
        %get3A_1345 = arith.constant 32 : index
        %get3A_1346 = tpu.vector_load %arg10[%get3A_1344, %get3A_1345] {strides = array<i32>} : memref<288x128xf32, #tpu.memory_space<vmem>>, vector<16xf32>,
        %get3A_1347 = arith.index_cast %add3A_1337 : i32 to index
        %get3A_1348 = arith.constant 48 : index
        %get3A_1349 = tpu.vector_load %arg10[%get3A_1347, %get3A_1348] {strides = array<i32>} : memref<288x128xf32, #tpu.memory_space<vmem>>, vector<16xf32>,
        %get3A_1350 = arith.index_cast %add3A_1337 : i32 to index
        %get3A_1351 = arith.constant 64 : index
        %get3A_1352 = tpu.vector_load %arg10[%get3A_1350, %get3A_1351] {strides = array<i32>} : memref<288x128xf32, #tpu.memory_space<vmem>>, vector<16xf32>,
        %get3A_1353 = arith.index_cast %add3A_1337 : i32 to index
        %get3A_1354 = arith.constant 80 : index
        %get3A_1355 = tpu.vector_load %arg10[%get3A_1353, %get3A_1354] {strides = array<i32>} : memref<288x128xf32, #tpu.memory_space<vmem>>, vector<16xf32>,
        %get3A_1356 = arith.index_cast %add3A_1337 : i32 to index
        %get3A_1357 = arith.constant 96 : index
        %get3A_1358 = tpu.vector_load %arg10[%get3A_1356, %get3A_1357] {strides = array<i32>} : memref<288x128xf32, #tpu.memory_space<vmem>>, vector<16xf32>,
        %get3A_1359 = arith.index_cast %add3A_1337 : i32 to index
        %get3A_1360 = arith.constant 112 : index
        %get3A_1361 = tpu.vector_load %arg10[%get3A_1359, %get3A_1360] {strides = array<i32>} : memref<288x128xf32, #tpu.memory_space<vmem>>, vector<16xf32>,
        %add3A_1362 = arith.addf %mul3A_1326, %mul3A_1327 : vector<16xf32>
        %add3A_1363 = arith.addf %mul3A_1328, %mul3A_1329 : vector<16xf32>
        %add3A_1364 = arith.addf %mul3A_1330, %mul3A_1331 : vector<16xf32>
        %add3A_1365 = arith.addf %mul3A_1332, %mul3A_1333 : vector<16xf32>
        %add3A_1366 = arith.addf %add3A_1362, %add3A_1363 : vector<16xf32>
        %add3A_1367 = arith.addf %add3A_1364, %add3A_1365 : vector<16xf32>
        %add3A_1368 = arith.addf %add3A_1366, %add3A_1367 : vector<16xf32>
        %reduce_sum3A_1369 = arith.constant true
        %reduce_sum3A_1370 = vector.broadcast %reduce_sum3A_1369 : i1 to vector<16xi1>
        %reduce_sum3A_1371 = tpu.scan <sum>, %add3A_1368 masked %reduce_sum3A_1370 : vector<16xf32>, vector<16xi1> -> vector<16xf32>
        %reduce_sum3A_1372 = vector.extract %reduce_sum3A_1371[15] : f32 from vector<16xf32>
        %add3A_1373 = arith.constant 21 : i32
        %add3A_1374 = arith.addi %mul3A_174, %add3A_1373 : i32
        %sub3A_1375 = arith.constant 1 : i32
        %sub3A_1376 = arith.subi %add3A_1374, %sub3A_1375 : i32
        %broadcast_in_dim3A_1377 = vector.broadcast %reduce_sum3A_1318 : f32 to vector<16xf32>
        %swap3A_1378 = arith.index_cast %sub3A_1376 : i32 to index
        %swap3A_1379 = tpu.vector_load %arg11[%swap3A_1378] masked %eq3A_8 {strides = array<i32>} : memref<4736xf32, #tpu.memory_space<vmem>>, vector<16xf32>, vector<16xi1>
        tpu.vector_store %arg11[%swap3A_1378], %broadcast_in_dim3A_1377 masked %eq3A_8 {strides = array<i32>} : memref<4736xf32, #tpu.memory_space<vmem>>, vector<16xf32>, vector<16xi1>
        %mul3A_1380 = arith.mulf %get3A_1340, %get3A_151 : vector<16xf32>
        %mul3A_1381 = arith.mulf %get3A_1343, %get3A_154 : vector<16xf32>
        %mul3A_1382 = arith.mulf %get3A_1346, %get3A_157 : vector<16xf32>
        %mul3A_1383 = arith.mulf %get3A_1349, %get3A_160 : vector<16xf32>
        %mul3A_1384 = arith.mulf %get3A_1352, %get3A_163 : vector<16xf32>
        %mul3A_1385 = arith.mulf %get3A_1355, %get3A_166 : vector<16xf32>
        %mul3A_1386 = arith.mulf %get3A_1358, %get3A_169 : vector<16xf32>
        %mul3A_1387 = arith.mulf %get3A_1361, %get3A_172 : vector<16xf32>
        %mul3A_1388 = arith.constant 36 : i32
        %mul3A_1389 = arith.muli %scan3A_146, %mul3A_1388 : i32
        %add3A_1390 = arith.constant 23 : i32
        %add3A_1391 = arith.addi %mul3A_1389, %add3A_1390 : i32
        %get3A_1392 = arith.index_cast %add3A_1391 : i32 to index
        %get3A_1393 = arith.constant 0 : index
        %get3A_1394 = tpu.vector_load %arg10[%get3A_1392, %get3A_1393] {strides = array<i32>} : memref<288x128xf32, #tpu.memory_space<vmem>>, vector<16xf32>,
        %get3A_1395 = arith.index_cast %add3A_1391 : i32 to index
        %get3A_1396 = arith.constant 16 : index
        %get3A_1397 = tpu.vector_load %arg10[%get3A_1395, %get3A_1396] {strides = array<i32>} : memref<288x128xf32, #tpu.memory_space<vmem>>, vector<16xf32>,
        %get3A_1398 = arith.index_cast %add3A_1391 : i32 to index
        %get3A_1399 = arith.constant 32 : index
        %get3A_1400 = tpu.vector_load %arg10[%get3A_1398, %get3A_1399] {strides = array<i32>} : memref<288x128xf32, #tpu.memory_space<vmem>>, vector<16xf32>,
        %get3A_1401 = arith.index_cast %add3A_1391 : i32 to index
        %get3A_1402 = arith.constant 48 : index
        %get3A_1403 = tpu.vector_load %arg10[%get3A_1401, %get3A_1402] {strides = array<i32>} : memref<288x128xf32, #tpu.memory_space<vmem>>, vector<16xf32>,
        %get3A_1404 = arith.index_cast %add3A_1391 : i32 to index
        %get3A_1405 = arith.constant 64 : index
        %get3A_1406 = tpu.vector_load %arg10[%get3A_1404, %get3A_1405] {strides = array<i32>} : memref<288x128xf32, #tpu.memory_space<vmem>>, vector<16xf32>,
        %get3A_1407 = arith.index_cast %add3A_1391 : i32 to index
        %get3A_1408 = arith.constant 80 : index
        %get3A_1409 = tpu.vector_load %arg10[%get3A_1407, %get3A_1408] {strides = array<i32>} : memref<288x128xf32, #tpu.memory_space<vmem>>, vector<16xf32>,
        %get3A_1410 = arith.index_cast %add3A_1391 : i32 to index
        %get3A_1411 = arith.constant 96 : index
        %get3A_1412 = tpu.vector_load %arg10[%get3A_1410, %get3A_1411] {strides = array<i32>} : memref<288x128xf32, #tpu.memory_space<vmem>>, vector<16xf32>,
        %get3A_1413 = arith.index_cast %add3A_1391 : i32 to index
        %get3A_1414 = arith.constant 112 : index
        %get3A_1415 = tpu.vector_load %arg10[%get3A_1413, %get3A_1414] {strides = array<i32>} : memref<288x128xf32, #tpu.memory_space<vmem>>, vector<16xf32>,
        %add3A_1416 = arith.addf %mul3A_1380, %mul3A_1381 : vector<16xf32>
        %add3A_1417 = arith.addf %mul3A_1382, %mul3A_1383 : vector<16xf32>
        %add3A_1418 = arith.addf %mul3A_1384, %mul3A_1385 : vector<16xf32>
        %add3A_1419 = arith.addf %mul3A_1386, %mul3A_1387 : vector<16xf32>
        %add3A_1420 = arith.addf %add3A_1416, %add3A_1417 : vector<16xf32>
        %add3A_1421 = arith.addf %add3A_1418, %add3A_1419 : vector<16xf32>
        %add3A_1422 = arith.addf %add3A_1420, %add3A_1421 : vector<16xf32>
        %reduce_sum3A_1423 = arith.constant true
        %reduce_sum3A_1424 = vector.broadcast %reduce_sum3A_1423 : i1 to vector<16xi1>
        %reduce_sum3A_1425 = tpu.scan <sum>, %add3A_1422 masked %reduce_sum3A_1424 : vector<16xf32>, vector<16xi1> -> vector<16xf32>
        %reduce_sum3A_1426 = vector.extract %reduce_sum3A_1425[15] : f32 from vector<16xf32>
        %add3A_1427 = arith.constant 22 : i32
        %add3A_1428 = arith.addi %mul3A_174, %add3A_1427 : i32
        %sub3A_1429 = arith.constant 1 : i32
        %sub3A_1430 = arith.subi %add3A_1428, %sub3A_1429 : i32
        %broadcast_in_dim3A_1431 = vector.broadcast %reduce_sum3A_1372 : f32 to vector<16xf32>
        %swap3A_1432 = arith.index_cast %sub3A_1430 : i32 to index
        %swap3A_1433 = tpu.vector_load %arg11[%swap3A_1432] masked %eq3A_8 {strides = array<i32>} : memref<4736xf32, #tpu.memory_space<vmem>>, vector<16xf32>, vector<16xi1>
        tpu.vector_store %arg11[%swap3A_1432], %broadcast_in_dim3A_1431 masked %eq3A_8 {strides = array<i32>} : memref<4736xf32, #tpu.memory_space<vmem>>, vector<16xf32>, vector<16xi1>
        %mul3A_1434 = arith.mulf %get3A_1394, %get3A_151 : vector<16xf32>
        %mul3A_1435 = arith.mulf %get3A_1397, %get3A_154 : vector<16xf32>
        %mul3A_1436 = arith.mulf %get3A_1400, %get3A_157 : vector<16xf32>
        %mul3A_1437 = arith.mulf %get3A_1403, %get3A_160 : vector<16xf32>
        %mul3A_1438 = arith.mulf %get3A_1406, %get3A_163 : vector<16xf32>
        %mul3A_1439 = arith.mulf %get3A_1409, %get3A_166 : vector<16xf32>
        %mul3A_1440 = arith.mulf %get3A_1412, %get3A_169 : vector<16xf32>
        %mul3A_1441 = arith.mulf %get3A_1415, %get3A_172 : vector<16xf32>
        %mul3A_1442 = arith.constant 36 : i32
        %mul3A_1443 = arith.muli %scan3A_146, %mul3A_1442 : i32
        %add3A_1444 = arith.constant 24 : i32
        %add3A_1445 = arith.addi %mul3A_1443, %add3A_1444 : i32
        %get3A_1446 = arith.index_cast %add3A_1445 : i32 to index
        %get3A_1447 = arith.constant 0 : index
        %get3A_1448 = tpu.vector_load %arg10[%get3A_1446, %get3A_1447] {strides = array<i32>} : memref<288x128xf32, #tpu.memory_space<vmem>>, vector<16xf32>,
        %get3A_1449 = arith.index_cast %add3A_1445 : i32 to index
        %get3A_1450 = arith.constant 16 : index
        %get3A_1451 = tpu.vector_load %arg10[%get3A_1449, %get3A_1450] {strides = array<i32>} : memref<288x128xf32, #tpu.memory_space<vmem>>, vector<16xf32>,
        %get3A_1452 = arith.index_cast %add3A_1445 : i32 to index
        %get3A_1453 = arith.constant 32 : index
        %get3A_1454 = tpu.vector_load %arg10[%get3A_1452, %get3A_1453] {strides = array<i32>} : memref<288x128xf32, #tpu.memory_space<vmem>>, vector<16xf32>,
        %get3A_1455 = arith.index_cast %add3A_1445 : i32 to index
        %get3A_1456 = arith.constant 48 : index
        %get3A_1457 = tpu.vector_load %arg10[%get3A_1455, %get3A_1456] {strides = array<i32>} : memref<288x128xf32, #tpu.memory_space<vmem>>, vector<16xf32>,
        %get3A_1458 = arith.index_cast %add3A_1445 : i32 to index
        %get3A_1459 = arith.constant 64 : index
        %get3A_1460 = tpu.vector_load %arg10[%get3A_1458, %get3A_1459] {strides = array<i32>} : memref<288x128xf32, #tpu.memory_space<vmem>>, vector<16xf32>,
        %get3A_1461 = arith.index_cast %add3A_1445 : i32 to index
        %get3A_1462 = arith.constant 80 : index
        %get3A_1463 = tpu.vector_load %arg10[%get3A_1461, %get3A_1462] {strides = array<i32>} : memref<288x128xf32, #tpu.memory_space<vmem>>, vector<16xf32>,
        %get3A_1464 = arith.index_cast %add3A_1445 : i32 to index
        %get3A_1465 = arith.constant 96 : index
        %get3A_1466 = tpu.vector_load %arg10[%get3A_1464, %get3A_1465] {strides = array<i32>} : memref<288x128xf32, #tpu.memory_space<vmem>>, vector<16xf32>,
        %get3A_1467 = arith.index_cast %add3A_1445 : i32 to index
        %get3A_1468 = arith.constant 112 : index
        %get3A_1469 = tpu.vector_load %arg10[%get3A_1467, %get3A_1468] {strides = array<i32>} : memref<288x128xf32, #tpu.memory_space<vmem>>, vector<16xf32>,
        %add3A_1470 = arith.addf %mul3A_1434, %mul3A_1435 : vector<16xf32>
        %add3A_1471 = arith.addf %mul3A_1436, %mul3A_1437 : vector<16xf32>
        %add3A_1472 = arith.addf %mul3A_1438, %mul3A_1439 : vector<16xf32>
        %add3A_1473 = arith.addf %mul3A_1440, %mul3A_1441 : vector<16xf32>
        %add3A_1474 = arith.addf %add3A_1470, %add3A_1471 : vector<16xf32>
        %add3A_1475 = arith.addf %add3A_1472, %add3A_1473 : vector<16xf32>
        %add3A_1476 = arith.addf %add3A_1474, %add3A_1475 : vector<16xf32>
        %reduce_sum3A_1477 = arith.constant true
        %reduce_sum3A_1478 = vector.broadcast %reduce_sum3A_1477 : i1 to vector<16xi1>
        %reduce_sum3A_1479 = tpu.scan <sum>, %add3A_1476 masked %reduce_sum3A_1478 : vector<16xf32>, vector<16xi1> -> vector<16xf32>
        %reduce_sum3A_1480 = vector.extract %reduce_sum3A_1479[15] : f32 from vector<16xf32>
        %add3A_1481 = arith.constant 23 : i32
        %add3A_1482 = arith.addi %mul3A_174, %add3A_1481 : i32
        %sub3A_1483 = arith.constant 1 : i32
        %sub3A_1484 = arith.subi %add3A_1482, %sub3A_1483 : i32
        %broadcast_in_dim3A_1485 = vector.broadcast %reduce_sum3A_1426 : f32 to vector<16xf32>
        %swap3A_1486 = arith.index_cast %sub3A_1484 : i32 to index
        %swap3A_1487 = tpu.vector_load %arg11[%swap3A_1486] masked %eq3A_8 {strides = array<i32>} : memref<4736xf32, #tpu.memory_space<vmem>>, vector<16xf32>, vector<16xi1>
        tpu.vector_store %arg11[%swap3A_1486], %broadcast_in_dim3A_1485 masked %eq3A_8 {strides = array<i32>} : memref<4736xf32, #tpu.memory_space<vmem>>, vector<16xf32>, vector<16xi1>
        %mul3A_1488 = arith.mulf %get3A_1448, %get3A_151 : vector<16xf32>
        %mul3A_1489 = arith.mulf %get3A_1451, %get3A_154 : vector<16xf32>
        %mul3A_1490 = arith.mulf %get3A_1454, %get3A_157 : vector<16xf32>
        %mul3A_1491 = arith.mulf %get3A_1457, %get3A_160 : vector<16xf32>
        %mul3A_1492 = arith.mulf %get3A_1460, %get3A_163 : vector<16xf32>
        %mul3A_1493 = arith.mulf %get3A_1463, %get3A_166 : vector<16xf32>
        %mul3A_1494 = arith.mulf %get3A_1466, %get3A_169 : vector<16xf32>
        %mul3A_1495 = arith.mulf %get3A_1469, %get3A_172 : vector<16xf32>
        %mul3A_1496 = arith.constant 36 : i32
        %mul3A_1497 = arith.muli %scan3A_146, %mul3A_1496 : i32
        %add3A_1498 = arith.constant 25 : i32
        %add3A_1499 = arith.addi %mul3A_1497, %add3A_1498 : i32
        %get3A_1500 = arith.index_cast %add3A_1499 : i32 to index
        %get3A_1501 = arith.constant 0 : index
        %get3A_1502 = tpu.vector_load %arg10[%get3A_1500, %get3A_1501] {strides = array<i32>} : memref<288x128xf32, #tpu.memory_space<vmem>>, vector<16xf32>,
        %get3A_1503 = arith.index_cast %add3A_1499 : i32 to index
        %get3A_1504 = arith.constant 16 : index
        %get3A_1505 = tpu.vector_load %arg10[%get3A_1503, %get3A_1504] {strides = array<i32>} : memref<288x128xf32, #tpu.memory_space<vmem>>, vector<16xf32>,
        %get3A_1506 = arith.index_cast %add3A_1499 : i32 to index
        %get3A_1507 = arith.constant 32 : index
        %get3A_1508 = tpu.vector_load %arg10[%get3A_1506, %get3A_1507] {strides = array<i32>} : memref<288x128xf32, #tpu.memory_space<vmem>>, vector<16xf32>,
        %get3A_1509 = arith.index_cast %add3A_1499 : i32 to index
        %get3A_1510 = arith.constant 48 : index
        %get3A_1511 = tpu.vector_load %arg10[%get3A_1509, %get3A_1510] {strides = array<i32>} : memref<288x128xf32, #tpu.memory_space<vmem>>, vector<16xf32>,
        %get3A_1512 = arith.index_cast %add3A_1499 : i32 to index
        %get3A_1513 = arith.constant 64 : index
        %get3A_1514 = tpu.vector_load %arg10[%get3A_1512, %get3A_1513] {strides = array<i32>} : memref<288x128xf32, #tpu.memory_space<vmem>>, vector<16xf32>,
        %get3A_1515 = arith.index_cast %add3A_1499 : i32 to index
        %get3A_1516 = arith.constant 80 : index
        %get3A_1517 = tpu.vector_load %arg10[%get3A_1515, %get3A_1516] {strides = array<i32>} : memref<288x128xf32, #tpu.memory_space<vmem>>, vector<16xf32>,
        %get3A_1518 = arith.index_cast %add3A_1499 : i32 to index
        %get3A_1519 = arith.constant 96 : index
        %get3A_1520 = tpu.vector_load %arg10[%get3A_1518, %get3A_1519] {strides = array<i32>} : memref<288x128xf32, #tpu.memory_space<vmem>>, vector<16xf32>,
        %get3A_1521 = arith.index_cast %add3A_1499 : i32 to index
        %get3A_1522 = arith.constant 112 : index
        %get3A_1523 = tpu.vector_load %arg10[%get3A_1521, %get3A_1522] {strides = array<i32>} : memref<288x128xf32, #tpu.memory_space<vmem>>, vector<16xf32>,
        %add3A_1524 = arith.addf %mul3A_1488, %mul3A_1489 : vector<16xf32>
        %add3A_1525 = arith.addf %mul3A_1490, %mul3A_1491 : vector<16xf32>
        %add3A_1526 = arith.addf %mul3A_1492, %mul3A_1493 : vector<16xf32>
        %add3A_1527 = arith.addf %mul3A_1494, %mul3A_1495 : vector<16xf32>
        %add3A_1528 = arith.addf %add3A_1524, %add3A_1525 : vector<16xf32>
        %add3A_1529 = arith.addf %add3A_1526, %add3A_1527 : vector<16xf32>
        %add3A_1530 = arith.addf %add3A_1528, %add3A_1529 : vector<16xf32>
        %reduce_sum3A_1531 = arith.constant true
        %reduce_sum3A_1532 = vector.broadcast %reduce_sum3A_1531 : i1 to vector<16xi1>
        %reduce_sum3A_1533 = tpu.scan <sum>, %add3A_1530 masked %reduce_sum3A_1532 : vector<16xf32>, vector<16xi1> -> vector<16xf32>
        %reduce_sum3A_1534 = vector.extract %reduce_sum3A_1533[15] : f32 from vector<16xf32>
        %add3A_1535 = arith.constant 24 : i32
        %add3A_1536 = arith.addi %mul3A_174, %add3A_1535 : i32
        %sub3A_1537 = arith.constant 1 : i32
        %sub3A_1538 = arith.subi %add3A_1536, %sub3A_1537 : i32
        %broadcast_in_dim3A_1539 = vector.broadcast %reduce_sum3A_1480 : f32 to vector<16xf32>
        %swap3A_1540 = arith.index_cast %sub3A_1538 : i32 to index
        %swap3A_1541 = tpu.vector_load %arg11[%swap3A_1540] masked %eq3A_8 {strides = array<i32>} : memref<4736xf32, #tpu.memory_space<vmem>>, vector<16xf32>, vector<16xi1>
        tpu.vector_store %arg11[%swap3A_1540], %broadcast_in_dim3A_1539 masked %eq3A_8 {strides = array<i32>} : memref<4736xf32, #tpu.memory_space<vmem>>, vector<16xf32>, vector<16xi1>
        %mul3A_1542 = arith.mulf %get3A_1502, %get3A_151 : vector<16xf32>
        %mul3A_1543 = arith.mulf %get3A_1505, %get3A_154 : vector<16xf32>
        %mul3A_1544 = arith.mulf %get3A_1508, %get3A_157 : vector<16xf32>
        %mul3A_1545 = arith.mulf %get3A_1511, %get3A_160 : vector<16xf32>
        %mul3A_1546 = arith.mulf %get3A_1514, %get3A_163 : vector<16xf32>
        %mul3A_1547 = arith.mulf %get3A_1517, %get3A_166 : vector<16xf32>
        %mul3A_1548 = arith.mulf %get3A_1520, %get3A_169 : vector<16xf32>
        %mul3A_1549 = arith.mulf %get3A_1523, %get3A_172 : vector<16xf32>
        %mul3A_1550 = arith.constant 36 : i32
        %mul3A_1551 = arith.muli %scan3A_146, %mul3A_1550 : i32
        %add3A_1552 = arith.constant 26 : i32
        %add3A_1553 = arith.addi %mul3A_1551, %add3A_1552 : i32
        %get3A_1554 = arith.index_cast %add3A_1553 : i32 to index
        %get3A_1555 = arith.constant 0 : index
        %get3A_1556 = tpu.vector_load %arg10[%get3A_1554, %get3A_1555] {strides = array<i32>} : memref<288x128xf32, #tpu.memory_space<vmem>>, vector<16xf32>,
        %get3A_1557 = arith.index_cast %add3A_1553 : i32 to index
        %get3A_1558 = arith.constant 16 : index
        %get3A_1559 = tpu.vector_load %arg10[%get3A_1557, %get3A_1558] {strides = array<i32>} : memref<288x128xf32, #tpu.memory_space<vmem>>, vector<16xf32>,
        %get3A_1560 = arith.index_cast %add3A_1553 : i32 to index
        %get3A_1561 = arith.constant 32 : index
        %get3A_1562 = tpu.vector_load %arg10[%get3A_1560, %get3A_1561] {strides = array<i32>} : memref<288x128xf32, #tpu.memory_space<vmem>>, vector<16xf32>,
        %get3A_1563 = arith.index_cast %add3A_1553 : i32 to index
        %get3A_1564 = arith.constant 48 : index
        %get3A_1565 = tpu.vector_load %arg10[%get3A_1563, %get3A_1564] {strides = array<i32>} : memref<288x128xf32, #tpu.memory_space<vmem>>, vector<16xf32>,
        %get3A_1566 = arith.index_cast %add3A_1553 : i32 to index
        %get3A_1567 = arith.constant 64 : index
        %get3A_1568 = tpu.vector_load %arg10[%get3A_1566, %get3A_1567] {strides = array<i32>} : memref<288x128xf32, #tpu.memory_space<vmem>>, vector<16xf32>,
        %get3A_1569 = arith.index_cast %add3A_1553 : i32 to index
        %get3A_1570 = arith.constant 80 : index
        %get3A_1571 = tpu.vector_load %arg10[%get3A_1569, %get3A_1570] {strides = array<i32>} : memref<288x128xf32, #tpu.memory_space<vmem>>, vector<16xf32>,
        %get3A_1572 = arith.index_cast %add3A_1553 : i32 to index
        %get3A_1573 = arith.constant 96 : index
        %get3A_1574 = tpu.vector_load %arg10[%get3A_1572, %get3A_1573] {strides = array<i32>} : memref<288x128xf32, #tpu.memory_space<vmem>>, vector<16xf32>,
        %get3A_1575 = arith.index_cast %add3A_1553 : i32 to index
        %get3A_1576 = arith.constant 112 : index
        %get3A_1577 = tpu.vector_load %arg10[%get3A_1575, %get3A_1576] {strides = array<i32>} : memref<288x128xf32, #tpu.memory_space<vmem>>, vector<16xf32>,
        %add3A_1578 = arith.addf %mul3A_1542, %mul3A_1543 : vector<16xf32>
        %add3A_1579 = arith.addf %mul3A_1544, %mul3A_1545 : vector<16xf32>
        %add3A_1580 = arith.addf %mul3A_1546, %mul3A_1547 : vector<16xf32>
        %add3A_1581 = arith.addf %mul3A_1548, %mul3A_1549 : vector<16xf32>
        %add3A_1582 = arith.addf %add3A_1578, %add3A_1579 : vector<16xf32>
        %add3A_1583 = arith.addf %add3A_1580, %add3A_1581 : vector<16xf32>
        %add3A_1584 = arith.addf %add3A_1582, %add3A_1583 : vector<16xf32>
        %reduce_sum3A_1585 = arith.constant true
        %reduce_sum3A_1586 = vector.broadcast %reduce_sum3A_1585 : i1 to vector<16xi1>
        %reduce_sum3A_1587 = tpu.scan <sum>, %add3A_1584 masked %reduce_sum3A_1586 : vector<16xf32>, vector<16xi1> -> vector<16xf32>
        %reduce_sum3A_1588 = vector.extract %reduce_sum3A_1587[15] : f32 from vector<16xf32>
        %add3A_1589 = arith.constant 25 : i32
        %add3A_1590 = arith.addi %mul3A_174, %add3A_1589 : i32
        %sub3A_1591 = arith.constant 1 : i32
        %sub3A_1592 = arith.subi %add3A_1590, %sub3A_1591 : i32
        %broadcast_in_dim3A_1593 = vector.broadcast %reduce_sum3A_1534 : f32 to vector<16xf32>
        %swap3A_1594 = arith.index_cast %sub3A_1592 : i32 to index
        %swap3A_1595 = tpu.vector_load %arg11[%swap3A_1594] masked %eq3A_8 {strides = array<i32>} : memref<4736xf32, #tpu.memory_space<vmem>>, vector<16xf32>, vector<16xi1>
        tpu.vector_store %arg11[%swap3A_1594], %broadcast_in_dim3A_1593 masked %eq3A_8 {strides = array<i32>} : memref<4736xf32, #tpu.memory_space<vmem>>, vector<16xf32>, vector<16xi1>
        %mul3A_1596 = arith.mulf %get3A_1556, %get3A_151 : vector<16xf32>
        %mul3A_1597 = arith.mulf %get3A_1559, %get3A_154 : vector<16xf32>
        %mul3A_1598 = arith.mulf %get3A_1562, %get3A_157 : vector<16xf32>
        %mul3A_1599 = arith.mulf %get3A_1565, %get3A_160 : vector<16xf32>
        %mul3A_1600 = arith.mulf %get3A_1568, %get3A_163 : vector<16xf32>
        %mul3A_1601 = arith.mulf %get3A_1571, %get3A_166 : vector<16xf32>
        %mul3A_1602 = arith.mulf %get3A_1574, %get3A_169 : vector<16xf32>
        %mul3A_1603 = arith.mulf %get3A_1577, %get3A_172 : vector<16xf32>
        %mul3A_1604 = arith.constant 36 : i32
        %mul3A_1605 = arith.muli %scan3A_146, %mul3A_1604 : i32
        %add3A_1606 = arith.constant 27 : i32
        %add3A_1607 = arith.addi %mul3A_1605, %add3A_1606 : i32
        %get3A_1608 = arith.index_cast %add3A_1607 : i32 to index
        %get3A_1609 = arith.constant 0 : index
        %get3A_1610 = tpu.vector_load %arg10[%get3A_1608, %get3A_1609] {strides = array<i32>} : memref<288x128xf32, #tpu.memory_space<vmem>>, vector<16xf32>,
        %get3A_1611 = arith.index_cast %add3A_1607 : i32 to index
        %get3A_1612 = arith.constant 16 : index
        %get3A_1613 = tpu.vector_load %arg10[%get3A_1611, %get3A_1612] {strides = array<i32>} : memref<288x128xf32, #tpu.memory_space<vmem>>, vector<16xf32>,
        %get3A_1614 = arith.index_cast %add3A_1607 : i32 to index
        %get3A_1615 = arith.constant 32 : index
        %get3A_1616 = tpu.vector_load %arg10[%get3A_1614, %get3A_1615] {strides = array<i32>} : memref<288x128xf32, #tpu.memory_space<vmem>>, vector<16xf32>,
        %get3A_1617 = arith.index_cast %add3A_1607 : i32 to index
        %get3A_1618 = arith.constant 48 : index
        %get3A_1619 = tpu.vector_load %arg10[%get3A_1617, %get3A_1618] {strides = array<i32>} : memref<288x128xf32, #tpu.memory_space<vmem>>, vector<16xf32>,
        %get3A_1620 = arith.index_cast %add3A_1607 : i32 to index
        %get3A_1621 = arith.constant 64 : index
        %get3A_1622 = tpu.vector_load %arg10[%get3A_1620, %get3A_1621] {strides = array<i32>} : memref<288x128xf32, #tpu.memory_space<vmem>>, vector<16xf32>,
        %get3A_1623 = arith.index_cast %add3A_1607 : i32 to index
        %get3A_1624 = arith.constant 80 : index
        %get3A_1625 = tpu.vector_load %arg10[%get3A_1623, %get3A_1624] {strides = array<i32>} : memref<288x128xf32, #tpu.memory_space<vmem>>, vector<16xf32>,
        %get3A_1626 = arith.index_cast %add3A_1607 : i32 to index
        %get3A_1627 = arith.constant 96 : index
        %get3A_1628 = tpu.vector_load %arg10[%get3A_1626, %get3A_1627] {strides = array<i32>} : memref<288x128xf32, #tpu.memory_space<vmem>>, vector<16xf32>,
        %get3A_1629 = arith.index_cast %add3A_1607 : i32 to index
        %get3A_1630 = arith.constant 112 : index
        %get3A_1631 = tpu.vector_load %arg10[%get3A_1629, %get3A_1630] {strides = array<i32>} : memref<288x128xf32, #tpu.memory_space<vmem>>, vector<16xf32>,
        %add3A_1632 = arith.addf %mul3A_1596, %mul3A_1597 : vector<16xf32>
        %add3A_1633 = arith.addf %mul3A_1598, %mul3A_1599 : vector<16xf32>
        %add3A_1634 = arith.addf %mul3A_1600, %mul3A_1601 : vector<16xf32>
        %add3A_1635 = arith.addf %mul3A_1602, %mul3A_1603 : vector<16xf32>
        %add3A_1636 = arith.addf %add3A_1632, %add3A_1633 : vector<16xf32>
        %add3A_1637 = arith.addf %add3A_1634, %add3A_1635 : vector<16xf32>
        %add3A_1638 = arith.addf %add3A_1636, %add3A_1637 : vector<16xf32>
        %reduce_sum3A_1639 = arith.constant true
        %reduce_sum3A_1640 = vector.broadcast %reduce_sum3A_1639 : i1 to vector<16xi1>
        %reduce_sum3A_1641 = tpu.scan <sum>, %add3A_1638 masked %reduce_sum3A_1640 : vector<16xf32>, vector<16xi1> -> vector<16xf32>
        %reduce_sum3A_1642 = vector.extract %reduce_sum3A_1641[15] : f32 from vector<16xf32>
        %add3A_1643 = arith.constant 26 : i32
        %add3A_1644 = arith.addi %mul3A_174, %add3A_1643 : i32
        %sub3A_1645 = arith.constant 1 : i32
        %sub3A_1646 = arith.subi %add3A_1644, %sub3A_1645 : i32
        %broadcast_in_dim3A_1647 = vector.broadcast %reduce_sum3A_1588 : f32 to vector<16xf32>
        %swap3A_1648 = arith.index_cast %sub3A_1646 : i32 to index
        %swap3A_1649 = tpu.vector_load %arg11[%swap3A_1648] masked %eq3A_8 {strides = array<i32>} : memref<4736xf32, #tpu.memory_space<vmem>>, vector<16xf32>, vector<16xi1>
        tpu.vector_store %arg11[%swap3A_1648], %broadcast_in_dim3A_1647 masked %eq3A_8 {strides = array<i32>} : memref<4736xf32, #tpu.memory_space<vmem>>, vector<16xf32>, vector<16xi1>
        %mul3A_1650 = arith.mulf %get3A_1610, %get3A_151 : vector<16xf32>
        %mul3A_1651 = arith.mulf %get3A_1613, %get3A_154 : vector<16xf32>
        %mul3A_1652 = arith.mulf %get3A_1616, %get3A_157 : vector<16xf32>
        %mul3A_1653 = arith.mulf %get3A_1619, %get3A_160 : vector<16xf32>
        %mul3A_1654 = arith.mulf %get3A_1622, %get3A_163 : vector<16xf32>
        %mul3A_1655 = arith.mulf %get3A_1625, %get3A_166 : vector<16xf32>
        %mul3A_1656 = arith.mulf %get3A_1628, %get3A_169 : vector<16xf32>
        %mul3A_1657 = arith.mulf %get3A_1631, %get3A_172 : vector<16xf32>
        %mul3A_1658 = arith.constant 36 : i32
        %mul3A_1659 = arith.muli %scan3A_146, %mul3A_1658 : i32
        %add3A_1660 = arith.constant 28 : i32
        %add3A_1661 = arith.addi %mul3A_1659, %add3A_1660 : i32
        %get3A_1662 = arith.index_cast %add3A_1661 : i32 to index
        %get3A_1663 = arith.constant 0 : index
        %get3A_1664 = tpu.vector_load %arg10[%get3A_1662, %get3A_1663] {strides = array<i32>} : memref<288x128xf32, #tpu.memory_space<vmem>>, vector<16xf32>,
        %get3A_1665 = arith.index_cast %add3A_1661 : i32 to index
        %get3A_1666 = arith.constant 16 : index
        %get3A_1667 = tpu.vector_load %arg10[%get3A_1665, %get3A_1666] {strides = array<i32>} : memref<288x128xf32, #tpu.memory_space<vmem>>, vector<16xf32>,
        %get3A_1668 = arith.index_cast %add3A_1661 : i32 to index
        %get3A_1669 = arith.constant 32 : index
        %get3A_1670 = tpu.vector_load %arg10[%get3A_1668, %get3A_1669] {strides = array<i32>} : memref<288x128xf32, #tpu.memory_space<vmem>>, vector<16xf32>,
        %get3A_1671 = arith.index_cast %add3A_1661 : i32 to index
        %get3A_1672 = arith.constant 48 : index
        %get3A_1673 = tpu.vector_load %arg10[%get3A_1671, %get3A_1672] {strides = array<i32>} : memref<288x128xf32, #tpu.memory_space<vmem>>, vector<16xf32>,
        %get3A_1674 = arith.index_cast %add3A_1661 : i32 to index
        %get3A_1675 = arith.constant 64 : index
        %get3A_1676 = tpu.vector_load %arg10[%get3A_1674, %get3A_1675] {strides = array<i32>} : memref<288x128xf32, #tpu.memory_space<vmem>>, vector<16xf32>,
        %get3A_1677 = arith.index_cast %add3A_1661 : i32 to index
        %get3A_1678 = arith.constant 80 : index
        %get3A_1679 = tpu.vector_load %arg10[%get3A_1677, %get3A_1678] {strides = array<i32>} : memref<288x128xf32, #tpu.memory_space<vmem>>, vector<16xf32>,
        %get3A_1680 = arith.index_cast %add3A_1661 : i32 to index
        %get3A_1681 = arith.constant 96 : index
        %get3A_1682 = tpu.vector_load %arg10[%get3A_1680, %get3A_1681] {strides = array<i32>} : memref<288x128xf32, #tpu.memory_space<vmem>>, vector<16xf32>,
        %get3A_1683 = arith.index_cast %add3A_1661 : i32 to index
        %get3A_1684 = arith.constant 112 : index
        %get3A_1685 = tpu.vector_load %arg10[%get3A_1683, %get3A_1684] {strides = array<i32>} : memref<288x128xf32, #tpu.memory_space<vmem>>, vector<16xf32>,
        %add3A_1686 = arith.addf %mul3A_1650, %mul3A_1651 : vector<16xf32>
        %add3A_1687 = arith.addf %mul3A_1652, %mul3A_1653 : vector<16xf32>
        %add3A_1688 = arith.addf %mul3A_1654, %mul3A_1655 : vector<16xf32>
        %add3A_1689 = arith.addf %mul3A_1656, %mul3A_1657 : vector<16xf32>
        %add3A_1690 = arith.addf %add3A_1686, %add3A_1687 : vector<16xf32>
        %add3A_1691 = arith.addf %add3A_1688, %add3A_1689 : vector<16xf32>
        %add3A_1692 = arith.addf %add3A_1690, %add3A_1691 : vector<16xf32>
        %reduce_sum3A_1693 = arith.constant true
        %reduce_sum3A_1694 = vector.broadcast %reduce_sum3A_1693 : i1 to vector<16xi1>
        %reduce_sum3A_1695 = tpu.scan <sum>, %add3A_1692 masked %reduce_sum3A_1694 : vector<16xf32>, vector<16xi1> -> vector<16xf32>
        %reduce_sum3A_1696 = vector.extract %reduce_sum3A_1695[15] : f32 from vector<16xf32>
        %add3A_1697 = arith.constant 27 : i32
        %add3A_1698 = arith.addi %mul3A_174, %add3A_1697 : i32
        %sub3A_1699 = arith.constant 1 : i32
        %sub3A_1700 = arith.subi %add3A_1698, %sub3A_1699 : i32
        %broadcast_in_dim3A_1701 = vector.broadcast %reduce_sum3A_1642 : f32 to vector<16xf32>
        %swap3A_1702 = arith.index_cast %sub3A_1700 : i32 to index
        %swap3A_1703 = tpu.vector_load %arg11[%swap3A_1702] masked %eq3A_8 {strides = array<i32>} : memref<4736xf32, #tpu.memory_space<vmem>>, vector<16xf32>, vector<16xi1>
        tpu.vector_store %arg11[%swap3A_1702], %broadcast_in_dim3A_1701 masked %eq3A_8 {strides = array<i32>} : memref<4736xf32, #tpu.memory_space<vmem>>, vector<16xf32>, vector<16xi1>
        %mul3A_1704 = arith.mulf %get3A_1664, %get3A_151 : vector<16xf32>
        %mul3A_1705 = arith.mulf %get3A_1667, %get3A_154 : vector<16xf32>
        %mul3A_1706 = arith.mulf %get3A_1670, %get3A_157 : vector<16xf32>
        %mul3A_1707 = arith.mulf %get3A_1673, %get3A_160 : vector<16xf32>
        %mul3A_1708 = arith.mulf %get3A_1676, %get3A_163 : vector<16xf32>
        %mul3A_1709 = arith.mulf %get3A_1679, %get3A_166 : vector<16xf32>
        %mul3A_1710 = arith.mulf %get3A_1682, %get3A_169 : vector<16xf32>
        %mul3A_1711 = arith.mulf %get3A_1685, %get3A_172 : vector<16xf32>
        %mul3A_1712 = arith.constant 36 : i32
        %mul3A_1713 = arith.muli %scan3A_146, %mul3A_1712 : i32
        %add3A_1714 = arith.constant 29 : i32
        %add3A_1715 = arith.addi %mul3A_1713, %add3A_1714 : i32
        %get3A_1716 = arith.index_cast %add3A_1715 : i32 to index
        %get3A_1717 = arith.constant 0 : index
        %get3A_1718 = tpu.vector_load %arg10[%get3A_1716, %get3A_1717] {strides = array<i32>} : memref<288x128xf32, #tpu.memory_space<vmem>>, vector<16xf32>,
        %get3A_1719 = arith.index_cast %add3A_1715 : i32 to index
        %get3A_1720 = arith.constant 16 : index
        %get3A_1721 = tpu.vector_load %arg10[%get3A_1719, %get3A_1720] {strides = array<i32>} : memref<288x128xf32, #tpu.memory_space<vmem>>, vector<16xf32>,
        %get3A_1722 = arith.index_cast %add3A_1715 : i32 to index
        %get3A_1723 = arith.constant 32 : index
        %get3A_1724 = tpu.vector_load %arg10[%get3A_1722, %get3A_1723] {strides = array<i32>} : memref<288x128xf32, #tpu.memory_space<vmem>>, vector<16xf32>,
        %get3A_1725 = arith.index_cast %add3A_1715 : i32 to index
        %get3A_1726 = arith.constant 48 : index
        %get3A_1727 = tpu.vector_load %arg10[%get3A_1725, %get3A_1726] {strides = array<i32>} : memref<288x128xf32, #tpu.memory_space<vmem>>, vector<16xf32>,
        %get3A_1728 = arith.index_cast %add3A_1715 : i32 to index
        %get3A_1729 = arith.constant 64 : index
        %get3A_1730 = tpu.vector_load %arg10[%get3A_1728, %get3A_1729] {strides = array<i32>} : memref<288x128xf32, #tpu.memory_space<vmem>>, vector<16xf32>,
        %get3A_1731 = arith.index_cast %add3A_1715 : i32 to index
        %get3A_1732 = arith.constant 80 : index
        %get3A_1733 = tpu.vector_load %arg10[%get3A_1731, %get3A_1732] {strides = array<i32>} : memref<288x128xf32, #tpu.memory_space<vmem>>, vector<16xf32>,
        %get3A_1734 = arith.index_cast %add3A_1715 : i32 to index
        %get3A_1735 = arith.constant 96 : index
        %get3A_1736 = tpu.vector_load %arg10[%get3A_1734, %get3A_1735] {strides = array<i32>} : memref<288x128xf32, #tpu.memory_space<vmem>>, vector<16xf32>,
        %get3A_1737 = arith.index_cast %add3A_1715 : i32 to index
        %get3A_1738 = arith.constant 112 : index
        %get3A_1739 = tpu.vector_load %arg10[%get3A_1737, %get3A_1738] {strides = array<i32>} : memref<288x128xf32, #tpu.memory_space<vmem>>, vector<16xf32>,
        %add3A_1740 = arith.addf %mul3A_1704, %mul3A_1705 : vector<16xf32>
        %add3A_1741 = arith.addf %mul3A_1706, %mul3A_1707 : vector<16xf32>
        %add3A_1742 = arith.addf %mul3A_1708, %mul3A_1709 : vector<16xf32>
        %add3A_1743 = arith.addf %mul3A_1710, %mul3A_1711 : vector<16xf32>
        %add3A_1744 = arith.addf %add3A_1740, %add3A_1741 : vector<16xf32>
        %add3A_1745 = arith.addf %add3A_1742, %add3A_1743 : vector<16xf32>
        %add3A_1746 = arith.addf %add3A_1744, %add3A_1745 : vector<16xf32>
        %reduce_sum3A_1747 = arith.constant true
        %reduce_sum3A_1748 = vector.broadcast %reduce_sum3A_1747 : i1 to vector<16xi1>
        %reduce_sum3A_1749 = tpu.scan <sum>, %add3A_1746 masked %reduce_sum3A_1748 : vector<16xf32>, vector<16xi1> -> vector<16xf32>
        %reduce_sum3A_1750 = vector.extract %reduce_sum3A_1749[15] : f32 from vector<16xf32>
        %add3A_1751 = arith.constant 28 : i32
        %add3A_1752 = arith.addi %mul3A_174, %add3A_1751 : i32
        %sub3A_1753 = arith.constant 1 : i32
        %sub3A_1754 = arith.subi %add3A_1752, %sub3A_1753 : i32
        %broadcast_in_dim3A_1755 = vector.broadcast %reduce_sum3A_1696 : f32 to vector<16xf32>
        %swap3A_1756 = arith.index_cast %sub3A_1754 : i32 to index
        %swap3A_1757 = tpu.vector_load %arg11[%swap3A_1756] masked %eq3A_8 {strides = array<i32>} : memref<4736xf32, #tpu.memory_space<vmem>>, vector<16xf32>, vector<16xi1>
        tpu.vector_store %arg11[%swap3A_1756], %broadcast_in_dim3A_1755 masked %eq3A_8 {strides = array<i32>} : memref<4736xf32, #tpu.memory_space<vmem>>, vector<16xf32>, vector<16xi1>
        %mul3A_1758 = arith.mulf %get3A_1718, %get3A_151 : vector<16xf32>
        %mul3A_1759 = arith.mulf %get3A_1721, %get3A_154 : vector<16xf32>
        %mul3A_1760 = arith.mulf %get3A_1724, %get3A_157 : vector<16xf32>
        %mul3A_1761 = arith.mulf %get3A_1727, %get3A_160 : vector<16xf32>
        %mul3A_1762 = arith.mulf %get3A_1730, %get3A_163 : vector<16xf32>
        %mul3A_1763 = arith.mulf %get3A_1733, %get3A_166 : vector<16xf32>
        %mul3A_1764 = arith.mulf %get3A_1736, %get3A_169 : vector<16xf32>
        %mul3A_1765 = arith.mulf %get3A_1739, %get3A_172 : vector<16xf32>
        %mul3A_1766 = arith.constant 36 : i32
        %mul3A_1767 = arith.muli %scan3A_146, %mul3A_1766 : i32
        %add3A_1768 = arith.constant 30 : i32
        %add3A_1769 = arith.addi %mul3A_1767, %add3A_1768 : i32
        %get3A_1770 = arith.index_cast %add3A_1769 : i32 to index
        %get3A_1771 = arith.constant 0 : index
        %get3A_1772 = tpu.vector_load %arg10[%get3A_1770, %get3A_1771] {strides = array<i32>} : memref<288x128xf32, #tpu.memory_space<vmem>>, vector<16xf32>,
        %get3A_1773 = arith.index_cast %add3A_1769 : i32 to index
        %get3A_1774 = arith.constant 16 : index
        %get3A_1775 = tpu.vector_load %arg10[%get3A_1773, %get3A_1774] {strides = array<i32>} : memref<288x128xf32, #tpu.memory_space<vmem>>, vector<16xf32>,
        %get3A_1776 = arith.index_cast %add3A_1769 : i32 to index
        %get3A_1777 = arith.constant 32 : index
        %get3A_1778 = tpu.vector_load %arg10[%get3A_1776, %get3A_1777] {strides = array<i32>} : memref<288x128xf32, #tpu.memory_space<vmem>>, vector<16xf32>,
        %get3A_1779 = arith.index_cast %add3A_1769 : i32 to index
        %get3A_1780 = arith.constant 48 : index
        %get3A_1781 = tpu.vector_load %arg10[%get3A_1779, %get3A_1780] {strides = array<i32>} : memref<288x128xf32, #tpu.memory_space<vmem>>, vector<16xf32>,
        %get3A_1782 = arith.index_cast %add3A_1769 : i32 to index
        %get3A_1783 = arith.constant 64 : index
        %get3A_1784 = tpu.vector_load %arg10[%get3A_1782, %get3A_1783] {strides = array<i32>} : memref<288x128xf32, #tpu.memory_space<vmem>>, vector<16xf32>,
        %get3A_1785 = arith.index_cast %add3A_1769 : i32 to index
        %get3A_1786 = arith.constant 80 : index
        %get3A_1787 = tpu.vector_load %arg10[%get3A_1785, %get3A_1786] {strides = array<i32>} : memref<288x128xf32, #tpu.memory_space<vmem>>, vector<16xf32>,
        %get3A_1788 = arith.index_cast %add3A_1769 : i32 to index
        %get3A_1789 = arith.constant 96 : index
        %get3A_1790 = tpu.vector_load %arg10[%get3A_1788, %get3A_1789] {strides = array<i32>} : memref<288x128xf32, #tpu.memory_space<vmem>>, vector<16xf32>,
        %get3A_1791 = arith.index_cast %add3A_1769 : i32 to index
        %get3A_1792 = arith.constant 112 : index
        %get3A_1793 = tpu.vector_load %arg10[%get3A_1791, %get3A_1792] {strides = array<i32>} : memref<288x128xf32, #tpu.memory_space<vmem>>, vector<16xf32>,
        %add3A_1794 = arith.addf %mul3A_1758, %mul3A_1759 : vector<16xf32>
        %add3A_1795 = arith.addf %mul3A_1760, %mul3A_1761 : vector<16xf32>
        %add3A_1796 = arith.addf %mul3A_1762, %mul3A_1763 : vector<16xf32>
        %add3A_1797 = arith.addf %mul3A_1764, %mul3A_1765 : vector<16xf32>
        %add3A_1798 = arith.addf %add3A_1794, %add3A_1795 : vector<16xf32>
        %add3A_1799 = arith.addf %add3A_1796, %add3A_1797 : vector<16xf32>
        %add3A_1800 = arith.addf %add3A_1798, %add3A_1799 : vector<16xf32>
        %reduce_sum3A_1801 = arith.constant true
        %reduce_sum3A_1802 = vector.broadcast %reduce_sum3A_1801 : i1 to vector<16xi1>
        %reduce_sum3A_1803 = tpu.scan <sum>, %add3A_1800 masked %reduce_sum3A_1802 : vector<16xf32>, vector<16xi1> -> vector<16xf32>
        %reduce_sum3A_1804 = vector.extract %reduce_sum3A_1803[15] : f32 from vector<16xf32>
        %add3A_1805 = arith.constant 29 : i32
        %add3A_1806 = arith.addi %mul3A_174, %add3A_1805 : i32
        %sub3A_1807 = arith.constant 1 : i32
        %sub3A_1808 = arith.subi %add3A_1806, %sub3A_1807 : i32
        %broadcast_in_dim3A_1809 = vector.broadcast %reduce_sum3A_1750 : f32 to vector<16xf32>
        %swap3A_1810 = arith.index_cast %sub3A_1808 : i32 to index
        %swap3A_1811 = tpu.vector_load %arg11[%swap3A_1810] masked %eq3A_8 {strides = array<i32>} : memref<4736xf32, #tpu.memory_space<vmem>>, vector<16xf32>, vector<16xi1>
        tpu.vector_store %arg11[%swap3A_1810], %broadcast_in_dim3A_1809 masked %eq3A_8 {strides = array<i32>} : memref<4736xf32, #tpu.memory_space<vmem>>, vector<16xf32>, vector<16xi1>
        %mul3A_1812 = arith.mulf %get3A_1772, %get3A_151 : vector<16xf32>
        %mul3A_1813 = arith.mulf %get3A_1775, %get3A_154 : vector<16xf32>
        %mul3A_1814 = arith.mulf %get3A_1778, %get3A_157 : vector<16xf32>
        %mul3A_1815 = arith.mulf %get3A_1781, %get3A_160 : vector<16xf32>
        %mul3A_1816 = arith.mulf %get3A_1784, %get3A_163 : vector<16xf32>
        %mul3A_1817 = arith.mulf %get3A_1787, %get3A_166 : vector<16xf32>
        %mul3A_1818 = arith.mulf %get3A_1790, %get3A_169 : vector<16xf32>
        %mul3A_1819 = arith.mulf %get3A_1793, %get3A_172 : vector<16xf32>
        %mul3A_1820 = arith.constant 36 : i32
        %mul3A_1821 = arith.muli %scan3A_146, %mul3A_1820 : i32
        %add3A_1822 = arith.constant 31 : i32
        %add3A_1823 = arith.addi %mul3A_1821, %add3A_1822 : i32
        %get3A_1824 = arith.index_cast %add3A_1823 : i32 to index
        %get3A_1825 = arith.constant 0 : index
        %get3A_1826 = tpu.vector_load %arg10[%get3A_1824, %get3A_1825] {strides = array<i32>} : memref<288x128xf32, #tpu.memory_space<vmem>>, vector<16xf32>,
        %get3A_1827 = arith.index_cast %add3A_1823 : i32 to index
        %get3A_1828 = arith.constant 16 : index
        %get3A_1829 = tpu.vector_load %arg10[%get3A_1827, %get3A_1828] {strides = array<i32>} : memref<288x128xf32, #tpu.memory_space<vmem>>, vector<16xf32>,
        %get3A_1830 = arith.index_cast %add3A_1823 : i32 to index
        %get3A_1831 = arith.constant 32 : index
        %get3A_1832 = tpu.vector_load %arg10[%get3A_1830, %get3A_1831] {strides = array<i32>} : memref<288x128xf32, #tpu.memory_space<vmem>>, vector<16xf32>,
        %get3A_1833 = arith.index_cast %add3A_1823 : i32 to index
        %get3A_1834 = arith.constant 48 : index
        %get3A_1835 = tpu.vector_load %arg10[%get3A_1833, %get3A_1834] {strides = array<i32>} : memref<288x128xf32, #tpu.memory_space<vmem>>, vector<16xf32>,
        %get3A_1836 = arith.index_cast %add3A_1823 : i32 to index
        %get3A_1837 = arith.constant 64 : index
        %get3A_1838 = tpu.vector_load %arg10[%get3A_1836, %get3A_1837] {strides = array<i32>} : memref<288x128xf32, #tpu.memory_space<vmem>>, vector<16xf32>,
        %get3A_1839 = arith.index_cast %add3A_1823 : i32 to index
        %get3A_1840 = arith.constant 80 : index
        %get3A_1841 = tpu.vector_load %arg10[%get3A_1839, %get3A_1840] {strides = array<i32>} : memref<288x128xf32, #tpu.memory_space<vmem>>, vector<16xf32>,
        %get3A_1842 = arith.index_cast %add3A_1823 : i32 to index
        %get3A_1843 = arith.constant 96 : index
        %get3A_1844 = tpu.vector_load %arg10[%get3A_1842, %get3A_1843] {strides = array<i32>} : memref<288x128xf32, #tpu.memory_space<vmem>>, vector<16xf32>,
        %get3A_1845 = arith.index_cast %add3A_1823 : i32 to index
        %get3A_1846 = arith.constant 112 : index
        %get3A_1847 = tpu.vector_load %arg10[%get3A_1845, %get3A_1846] {strides = array<i32>} : memref<288x128xf32, #tpu.memory_space<vmem>>, vector<16xf32>,
        %add3A_1848 = arith.addf %mul3A_1812, %mul3A_1813 : vector<16xf32>
        %add3A_1849 = arith.addf %mul3A_1814, %mul3A_1815 : vector<16xf32>
        %add3A_1850 = arith.addf %mul3A_1816, %mul3A_1817 : vector<16xf32>
        %add3A_1851 = arith.addf %mul3A_1818, %mul3A_1819 : vector<16xf32>
        %add3A_1852 = arith.addf %add3A_1848, %add3A_1849 : vector<16xf32>
        %add3A_1853 = arith.addf %add3A_1850, %add3A_1851 : vector<16xf32>
        %add3A_1854 = arith.addf %add3A_1852, %add3A_1853 : vector<16xf32>
        %reduce_sum3A_1855 = arith.constant true
        %reduce_sum3A_1856 = vector.broadcast %reduce_sum3A_1855 : i1 to vector<16xi1>
        %reduce_sum3A_1857 = tpu.scan <sum>, %add3A_1854 masked %reduce_sum3A_1856 : vector<16xf32>, vector<16xi1> -> vector<16xf32>
        %reduce_sum3A_1858 = vector.extract %reduce_sum3A_1857[15] : f32 from vector<16xf32>
        %add3A_1859 = arith.constant 30 : i32
        %add3A_1860 = arith.addi %mul3A_174, %add3A_1859 : i32
        %sub3A_1861 = arith.constant 1 : i32
        %sub3A_1862 = arith.subi %add3A_1860, %sub3A_1861 : i32
        %broadcast_in_dim3A_1863 = vector.broadcast %reduce_sum3A_1804 : f32 to vector<16xf32>
        %swap3A_1864 = arith.index_cast %sub3A_1862 : i32 to index
        %swap3A_1865 = tpu.vector_load %arg11[%swap3A_1864] masked %eq3A_8 {strides = array<i32>} : memref<4736xf32, #tpu.memory_space<vmem>>, vector<16xf32>, vector<16xi1>
        tpu.vector_store %arg11[%swap3A_1864], %broadcast_in_dim3A_1863 masked %eq3A_8 {strides = array<i32>} : memref<4736xf32, #tpu.memory_space<vmem>>, vector<16xf32>, vector<16xi1>
        %mul3A_1866 = arith.mulf %get3A_1826, %get3A_151 : vector<16xf32>
        %mul3A_1867 = arith.mulf %get3A_1829, %get3A_154 : vector<16xf32>
        %mul3A_1868 = arith.mulf %get3A_1832, %get3A_157 : vector<16xf32>
        %mul3A_1869 = arith.mulf %get3A_1835, %get3A_160 : vector<16xf32>
        %mul3A_1870 = arith.mulf %get3A_1838, %get3A_163 : vector<16xf32>
        %mul3A_1871 = arith.mulf %get3A_1841, %get3A_166 : vector<16xf32>
        %mul3A_1872 = arith.mulf %get3A_1844, %get3A_169 : vector<16xf32>
        %mul3A_1873 = arith.mulf %get3A_1847, %get3A_172 : vector<16xf32>
        %mul3A_1874 = arith.constant 36 : i32
        %mul3A_1875 = arith.muli %scan3A_146, %mul3A_1874 : i32
        %add3A_1876 = arith.constant 32 : i32
        %add3A_1877 = arith.addi %mul3A_1875, %add3A_1876 : i32
        %get3A_1878 = arith.index_cast %add3A_1877 : i32 to index
        %get3A_1879 = arith.constant 0 : index
        %get3A_1880 = tpu.vector_load %arg10[%get3A_1878, %get3A_1879] {strides = array<i32>} : memref<288x128xf32, #tpu.memory_space<vmem>>, vector<16xf32>,
        %get3A_1881 = arith.index_cast %add3A_1877 : i32 to index
        %get3A_1882 = arith.constant 16 : index
        %get3A_1883 = tpu.vector_load %arg10[%get3A_1881, %get3A_1882] {strides = array<i32>} : memref<288x128xf32, #tpu.memory_space<vmem>>, vector<16xf32>,
        %get3A_1884 = arith.index_cast %add3A_1877 : i32 to index
        %get3A_1885 = arith.constant 32 : index
        %get3A_1886 = tpu.vector_load %arg10[%get3A_1884, %get3A_1885] {strides = array<i32>} : memref<288x128xf32, #tpu.memory_space<vmem>>, vector<16xf32>,
        %get3A_1887 = arith.index_cast %add3A_1877 : i32 to index
        %get3A_1888 = arith.constant 48 : index
        %get3A_1889 = tpu.vector_load %arg10[%get3A_1887, %get3A_1888] {strides = array<i32>} : memref<288x128xf32, #tpu.memory_space<vmem>>, vector<16xf32>,
        %get3A_1890 = arith.index_cast %add3A_1877 : i32 to index
        %get3A_1891 = arith.constant 64 : index
        %get3A_1892 = tpu.vector_load %arg10[%get3A_1890, %get3A_1891] {strides = array<i32>} : memref<288x128xf32, #tpu.memory_space<vmem>>, vector<16xf32>,
        %get3A_1893 = arith.index_cast %add3A_1877 : i32 to index
        %get3A_1894 = arith.constant 80 : index
        %get3A_1895 = tpu.vector_load %arg10[%get3A_1893, %get3A_1894] {strides = array<i32>} : memref<288x128xf32, #tpu.memory_space<vmem>>, vector<16xf32>,
        %get3A_1896 = arith.index_cast %add3A_1877 : i32 to index
        %get3A_1897 = arith.constant 96 : index
        %get3A_1898 = tpu.vector_load %arg10[%get3A_1896, %get3A_1897] {strides = array<i32>} : memref<288x128xf32, #tpu.memory_space<vmem>>, vector<16xf32>,
        %get3A_1899 = arith.index_cast %add3A_1877 : i32 to index
        %get3A_1900 = arith.constant 112 : index
        %get3A_1901 = tpu.vector_load %arg10[%get3A_1899, %get3A_1900] {strides = array<i32>} : memref<288x128xf32, #tpu.memory_space<vmem>>, vector<16xf32>,
        %add3A_1902 = arith.addf %mul3A_1866, %mul3A_1867 : vector<16xf32>
        %add3A_1903 = arith.addf %mul3A_1868, %mul3A_1869 : vector<16xf32>
        %add3A_1904 = arith.addf %mul3A_1870, %mul3A_1871 : vector<16xf32>
        %add3A_1905 = arith.addf %mul3A_1872, %mul3A_1873 : vector<16xf32>
        %add3A_1906 = arith.addf %add3A_1902, %add3A_1903 : vector<16xf32>
        %add3A_1907 = arith.addf %add3A_1904, %add3A_1905 : vector<16xf32>
        %add3A_1908 = arith.addf %add3A_1906, %add3A_1907 : vector<16xf32>
        %reduce_sum3A_1909 = arith.constant true
        %reduce_sum3A_1910 = vector.broadcast %reduce_sum3A_1909 : i1 to vector<16xi1>
        %reduce_sum3A_1911 = tpu.scan <sum>, %add3A_1908 masked %reduce_sum3A_1910 : vector<16xf32>, vector<16xi1> -> vector<16xf32>
        %reduce_sum3A_1912 = vector.extract %reduce_sum3A_1911[15] : f32 from vector<16xf32>
        %add3A_1913 = arith.constant 31 : i32
        %add3A_1914 = arith.addi %mul3A_174, %add3A_1913 : i32
        %sub3A_1915 = arith.constant 1 : i32
        %sub3A_1916 = arith.subi %add3A_1914, %sub3A_1915 : i32
        %broadcast_in_dim3A_1917 = vector.broadcast %reduce_sum3A_1858 : f32 to vector<16xf32>
        %swap3A_1918 = arith.index_cast %sub3A_1916 : i32 to index
        %swap3A_1919 = tpu.vector_load %arg11[%swap3A_1918] masked %eq3A_8 {strides = array<i32>} : memref<4736xf32, #tpu.memory_space<vmem>>, vector<16xf32>, vector<16xi1>
        tpu.vector_store %arg11[%swap3A_1918], %broadcast_in_dim3A_1917 masked %eq3A_8 {strides = array<i32>} : memref<4736xf32, #tpu.memory_space<vmem>>, vector<16xf32>, vector<16xi1>
        %mul3A_1920 = arith.mulf %get3A_1880, %get3A_151 : vector<16xf32>
        %mul3A_1921 = arith.mulf %get3A_1883, %get3A_154 : vector<16xf32>
        %mul3A_1922 = arith.mulf %get3A_1886, %get3A_157 : vector<16xf32>
        %mul3A_1923 = arith.mulf %get3A_1889, %get3A_160 : vector<16xf32>
        %mul3A_1924 = arith.mulf %get3A_1892, %get3A_163 : vector<16xf32>
        %mul3A_1925 = arith.mulf %get3A_1895, %get3A_166 : vector<16xf32>
        %mul3A_1926 = arith.mulf %get3A_1898, %get3A_169 : vector<16xf32>
        %mul3A_1927 = arith.mulf %get3A_1901, %get3A_172 : vector<16xf32>
        %mul3A_1928 = arith.constant 36 : i32
        %mul3A_1929 = arith.muli %scan3A_146, %mul3A_1928 : i32
        %add3A_1930 = arith.constant 33 : i32
        %add3A_1931 = arith.addi %mul3A_1929, %add3A_1930 : i32
        %get3A_1932 = arith.index_cast %add3A_1931 : i32 to index
        %get3A_1933 = arith.constant 0 : index
        %get3A_1934 = tpu.vector_load %arg10[%get3A_1932, %get3A_1933] {strides = array<i32>} : memref<288x128xf32, #tpu.memory_space<vmem>>, vector<16xf32>,
        %get3A_1935 = arith.index_cast %add3A_1931 : i32 to index
        %get3A_1936 = arith.constant 16 : index
        %get3A_1937 = tpu.vector_load %arg10[%get3A_1935, %get3A_1936] {strides = array<i32>} : memref<288x128xf32, #tpu.memory_space<vmem>>, vector<16xf32>,
        %get3A_1938 = arith.index_cast %add3A_1931 : i32 to index
        %get3A_1939 = arith.constant 32 : index
        %get3A_1940 = tpu.vector_load %arg10[%get3A_1938, %get3A_1939] {strides = array<i32>} : memref<288x128xf32, #tpu.memory_space<vmem>>, vector<16xf32>,
        %get3A_1941 = arith.index_cast %add3A_1931 : i32 to index
        %get3A_1942 = arith.constant 48 : index
        %get3A_1943 = tpu.vector_load %arg10[%get3A_1941, %get3A_1942] {strides = array<i32>} : memref<288x128xf32, #tpu.memory_space<vmem>>, vector<16xf32>,
        %get3A_1944 = arith.index_cast %add3A_1931 : i32 to index
        %get3A_1945 = arith.constant 64 : index
        %get3A_1946 = tpu.vector_load %arg10[%get3A_1944, %get3A_1945] {strides = array<i32>} : memref<288x128xf32, #tpu.memory_space<vmem>>, vector<16xf32>,
        %get3A_1947 = arith.index_cast %add3A_1931 : i32 to index
        %get3A_1948 = arith.constant 80 : index
        %get3A_1949 = tpu.vector_load %arg10[%get3A_1947, %get3A_1948] {strides = array<i32>} : memref<288x128xf32, #tpu.memory_space<vmem>>, vector<16xf32>,
        %get3A_1950 = arith.index_cast %add3A_1931 : i32 to index
        %get3A_1951 = arith.constant 96 : index
        %get3A_1952 = tpu.vector_load %arg10[%get3A_1950, %get3A_1951] {strides = array<i32>} : memref<288x128xf32, #tpu.memory_space<vmem>>, vector<16xf32>,
        %get3A_1953 = arith.index_cast %add3A_1931 : i32 to index
        %get3A_1954 = arith.constant 112 : index
        %get3A_1955 = tpu.vector_load %arg10[%get3A_1953, %get3A_1954] {strides = array<i32>} : memref<288x128xf32, #tpu.memory_space<vmem>>, vector<16xf32>,
        %add3A_1956 = arith.addf %mul3A_1920, %mul3A_1921 : vector<16xf32>
        %add3A_1957 = arith.addf %mul3A_1922, %mul3A_1923 : vector<16xf32>
        %add3A_1958 = arith.addf %mul3A_1924, %mul3A_1925 : vector<16xf32>
        %add3A_1959 = arith.addf %mul3A_1926, %mul3A_1927 : vector<16xf32>
        %add3A_1960 = arith.addf %add3A_1956, %add3A_1957 : vector<16xf32>
        %add3A_1961 = arith.addf %add3A_1958, %add3A_1959 : vector<16xf32>
        %add3A_1962 = arith.addf %add3A_1960, %add3A_1961 : vector<16xf32>
        %reduce_sum3A_1963 = arith.constant true
        %reduce_sum3A_1964 = vector.broadcast %reduce_sum3A_1963 : i1 to vector<16xi1>
        %reduce_sum3A_1965 = tpu.scan <sum>, %add3A_1962 masked %reduce_sum3A_1964 : vector<16xf32>, vector<16xi1> -> vector<16xf32>
        %reduce_sum3A_1966 = vector.extract %reduce_sum3A_1965[15] : f32 from vector<16xf32>
        %add3A_1967 = arith.constant 32 : i32
        %add3A_1968 = arith.addi %mul3A_174, %add3A_1967 : i32
        %sub3A_1969 = arith.constant 1 : i32
        %sub3A_1970 = arith.subi %add3A_1968, %sub3A_1969 : i32
        %broadcast_in_dim3A_1971 = vector.broadcast %reduce_sum3A_1912 : f32 to vector<16xf32>
        %swap3A_1972 = arith.index_cast %sub3A_1970 : i32 to index
        %swap3A_1973 = tpu.vector_load %arg11[%swap3A_1972] masked %eq3A_8 {strides = array<i32>} : memref<4736xf32, #tpu.memory_space<vmem>>, vector<16xf32>, vector<16xi1>
        tpu.vector_store %arg11[%swap3A_1972], %broadcast_in_dim3A_1971 masked %eq3A_8 {strides = array<i32>} : memref<4736xf32, #tpu.memory_space<vmem>>, vector<16xf32>, vector<16xi1>
        %mul3A_1974 = arith.mulf %get3A_1934, %get3A_151 : vector<16xf32>
        %mul3A_1975 = arith.mulf %get3A_1937, %get3A_154 : vector<16xf32>
        %mul3A_1976 = arith.mulf %get3A_1940, %get3A_157 : vector<16xf32>
        %mul3A_1977 = arith.mulf %get3A_1943, %get3A_160 : vector<16xf32>
        %mul3A_1978 = arith.mulf %get3A_1946, %get3A_163 : vector<16xf32>
        %mul3A_1979 = arith.mulf %get3A_1949, %get3A_166 : vector<16xf32>
        %mul3A_1980 = arith.mulf %get3A_1952, %get3A_169 : vector<16xf32>
        %mul3A_1981 = arith.mulf %get3A_1955, %get3A_172 : vector<16xf32>
        %mul3A_1982 = arith.constant 36 : i32
        %mul3A_1983 = arith.muli %scan3A_146, %mul3A_1982 : i32
        %add3A_1984 = arith.constant 34 : i32
        %add3A_1985 = arith.addi %mul3A_1983, %add3A_1984 : i32
        %get3A_1986 = arith.index_cast %add3A_1985 : i32 to index
        %get3A_1987 = arith.constant 0 : index
        %get3A_1988 = tpu.vector_load %arg10[%get3A_1986, %get3A_1987] {strides = array<i32>} : memref<288x128xf32, #tpu.memory_space<vmem>>, vector<16xf32>,
        %get3A_1989 = arith.index_cast %add3A_1985 : i32 to index
        %get3A_1990 = arith.constant 16 : index
        %get3A_1991 = tpu.vector_load %arg10[%get3A_1989, %get3A_1990] {strides = array<i32>} : memref<288x128xf32, #tpu.memory_space<vmem>>, vector<16xf32>,
        %get3A_1992 = arith.index_cast %add3A_1985 : i32 to index
        %get3A_1993 = arith.constant 32 : index
        %get3A_1994 = tpu.vector_load %arg10[%get3A_1992, %get3A_1993] {strides = array<i32>} : memref<288x128xf32, #tpu.memory_space<vmem>>, vector<16xf32>,
        %get3A_1995 = arith.index_cast %add3A_1985 : i32 to index
        %get3A_1996 = arith.constant 48 : index
        %get3A_1997 = tpu.vector_load %arg10[%get3A_1995, %get3A_1996] {strides = array<i32>} : memref<288x128xf32, #tpu.memory_space<vmem>>, vector<16xf32>,
        %get3A_1998 = arith.index_cast %add3A_1985 : i32 to index
        %get3A_1999 = arith.constant 64 : index
        %get3A_2000 = tpu.vector_load %arg10[%get3A_1998, %get3A_1999] {strides = array<i32>} : memref<288x128xf32, #tpu.memory_space<vmem>>, vector<16xf32>,
        %get3A_2001 = arith.index_cast %add3A_1985 : i32 to index
        %get3A_2002 = arith.constant 80 : index
        %get3A_2003 = tpu.vector_load %arg10[%get3A_2001, %get3A_2002] {strides = array<i32>} : memref<288x128xf32, #tpu.memory_space<vmem>>, vector<16xf32>,
        %get3A_2004 = arith.index_cast %add3A_1985 : i32 to index
        %get3A_2005 = arith.constant 96 : index
        %get3A_2006 = tpu.vector_load %arg10[%get3A_2004, %get3A_2005] {strides = array<i32>} : memref<288x128xf32, #tpu.memory_space<vmem>>, vector<16xf32>,
        %get3A_2007 = arith.index_cast %add3A_1985 : i32 to index
        %get3A_2008 = arith.constant 112 : index
        %get3A_2009 = tpu.vector_load %arg10[%get3A_2007, %get3A_2008] {strides = array<i32>} : memref<288x128xf32, #tpu.memory_space<vmem>>, vector<16xf32>,
        %add3A_2010 = arith.addf %mul3A_1974, %mul3A_1975 : vector<16xf32>
        %add3A_2011 = arith.addf %mul3A_1976, %mul3A_1977 : vector<16xf32>
        %add3A_2012 = arith.addf %mul3A_1978, %mul3A_1979 : vector<16xf32>
        %add3A_2013 = arith.addf %mul3A_1980, %mul3A_1981 : vector<16xf32>
        %add3A_2014 = arith.addf %add3A_2010, %add3A_2011 : vector<16xf32>
        %add3A_2015 = arith.addf %add3A_2012, %add3A_2013 : vector<16xf32>
        %add3A_2016 = arith.addf %add3A_2014, %add3A_2015 : vector<16xf32>
        %reduce_sum3A_2017 = arith.constant true
        %reduce_sum3A_2018 = vector.broadcast %reduce_sum3A_2017 : i1 to vector<16xi1>
        %reduce_sum3A_2019 = tpu.scan <sum>, %add3A_2016 masked %reduce_sum3A_2018 : vector<16xf32>, vector<16xi1> -> vector<16xf32>
        %reduce_sum3A_2020 = vector.extract %reduce_sum3A_2019[15] : f32 from vector<16xf32>
        %add3A_2021 = arith.constant 33 : i32
        %add3A_2022 = arith.addi %mul3A_174, %add3A_2021 : i32
        %sub3A_2023 = arith.constant 1 : i32
        %sub3A_2024 = arith.subi %add3A_2022, %sub3A_2023 : i32
        %broadcast_in_dim3A_2025 = vector.broadcast %reduce_sum3A_1966 : f32 to vector<16xf32>
        %swap3A_2026 = arith.index_cast %sub3A_2024 : i32 to index
        %swap3A_2027 = tpu.vector_load %arg11[%swap3A_2026] masked %eq3A_8 {strides = array<i32>} : memref<4736xf32, #tpu.memory_space<vmem>>, vector<16xf32>, vector<16xi1>
        tpu.vector_store %arg11[%swap3A_2026], %broadcast_in_dim3A_2025 masked %eq3A_8 {strides = array<i32>} : memref<4736xf32, #tpu.memory_space<vmem>>, vector<16xf32>, vector<16xi1>
        %mul3A_2028 = arith.mulf %get3A_1988, %get3A_151 : vector<16xf32>
        %mul3A_2029 = arith.mulf %get3A_1991, %get3A_154 : vector<16xf32>
        %mul3A_2030 = arith.mulf %get3A_1994, %get3A_157 : vector<16xf32>
        %mul3A_2031 = arith.mulf %get3A_1997, %get3A_160 : vector<16xf32>
        %mul3A_2032 = arith.mulf %get3A_2000, %get3A_163 : vector<16xf32>
        %mul3A_2033 = arith.mulf %get3A_2003, %get3A_166 : vector<16xf32>
        %mul3A_2034 = arith.mulf %get3A_2006, %get3A_169 : vector<16xf32>
        %mul3A_2035 = arith.mulf %get3A_2009, %get3A_172 : vector<16xf32>
        %mul3A_2036 = arith.constant 36 : i32
        %mul3A_2037 = arith.muli %scan3A_146, %mul3A_2036 : i32
        %add3A_2038 = arith.constant 35 : i32
        %add3A_2039 = arith.addi %mul3A_2037, %add3A_2038 : i32
        %get3A_2040 = arith.index_cast %add3A_2039 : i32 to index
        %get3A_2041 = arith.constant 0 : index
        %get3A_2042 = tpu.vector_load %arg10[%get3A_2040, %get3A_2041] {strides = array<i32>} : memref<288x128xf32, #tpu.memory_space<vmem>>, vector<16xf32>,
        %get3A_2043 = arith.index_cast %add3A_2039 : i32 to index
        %get3A_2044 = arith.constant 16 : index
        %get3A_2045 = tpu.vector_load %arg10[%get3A_2043, %get3A_2044] {strides = array<i32>} : memref<288x128xf32, #tpu.memory_space<vmem>>, vector<16xf32>,
        %get3A_2046 = arith.index_cast %add3A_2039 : i32 to index
        %get3A_2047 = arith.constant 32 : index
        %get3A_2048 = tpu.vector_load %arg10[%get3A_2046, %get3A_2047] {strides = array<i32>} : memref<288x128xf32, #tpu.memory_space<vmem>>, vector<16xf32>,
        %get3A_2049 = arith.index_cast %add3A_2039 : i32 to index
        %get3A_2050 = arith.constant 48 : index
        %get3A_2051 = tpu.vector_load %arg10[%get3A_2049, %get3A_2050] {strides = array<i32>} : memref<288x128xf32, #tpu.memory_space<vmem>>, vector<16xf32>,
        %get3A_2052 = arith.index_cast %add3A_2039 : i32 to index
        %get3A_2053 = arith.constant 64 : index
        %get3A_2054 = tpu.vector_load %arg10[%get3A_2052, %get3A_2053] {strides = array<i32>} : memref<288x128xf32, #tpu.memory_space<vmem>>, vector<16xf32>,
        %get3A_2055 = arith.index_cast %add3A_2039 : i32 to index
        %get3A_2056 = arith.constant 80 : index
        %get3A_2057 = tpu.vector_load %arg10[%get3A_2055, %get3A_2056] {strides = array<i32>} : memref<288x128xf32, #tpu.memory_space<vmem>>, vector<16xf32>,
        %get3A_2058 = arith.index_cast %add3A_2039 : i32 to index
        %get3A_2059 = arith.constant 96 : index
        %get3A_2060 = tpu.vector_load %arg10[%get3A_2058, %get3A_2059] {strides = array<i32>} : memref<288x128xf32, #tpu.memory_space<vmem>>, vector<16xf32>,
        %get3A_2061 = arith.index_cast %add3A_2039 : i32 to index
        %get3A_2062 = arith.constant 112 : index
        %get3A_2063 = tpu.vector_load %arg10[%get3A_2061, %get3A_2062] {strides = array<i32>} : memref<288x128xf32, #tpu.memory_space<vmem>>, vector<16xf32>,
        %add3A_2064 = arith.addf %mul3A_2028, %mul3A_2029 : vector<16xf32>
        %add3A_2065 = arith.addf %mul3A_2030, %mul3A_2031 : vector<16xf32>
        %add3A_2066 = arith.addf %mul3A_2032, %mul3A_2033 : vector<16xf32>
        %add3A_2067 = arith.addf %mul3A_2034, %mul3A_2035 : vector<16xf32>
        %add3A_2068 = arith.addf %add3A_2064, %add3A_2065 : vector<16xf32>
        %add3A_2069 = arith.addf %add3A_2066, %add3A_2067 : vector<16xf32>
        %add3A_2070 = arith.addf %add3A_2068, %add3A_2069 : vector<16xf32>
        %reduce_sum3A_2071 = arith.constant true
        %reduce_sum3A_2072 = vector.broadcast %reduce_sum3A_2071 : i1 to vector<16xi1>
        %reduce_sum3A_2073 = tpu.scan <sum>, %add3A_2070 masked %reduce_sum3A_2072 : vector<16xf32>, vector<16xi1> -> vector<16xf32>
        %reduce_sum3A_2074 = vector.extract %reduce_sum3A_2073[15] : f32 from vector<16xf32>
        %add3A_2075 = arith.constant 34 : i32
        %add3A_2076 = arith.addi %mul3A_174, %add3A_2075 : i32
        %sub3A_2077 = arith.constant 1 : i32
        %sub3A_2078 = arith.subi %add3A_2076, %sub3A_2077 : i32
        %broadcast_in_dim3A_2079 = vector.broadcast %reduce_sum3A_2020 : f32 to vector<16xf32>
        %swap3A_2080 = arith.index_cast %sub3A_2078 : i32 to index
        %swap3A_2081 = tpu.vector_load %arg11[%swap3A_2080] masked %eq3A_8 {strides = array<i32>} : memref<4736xf32, #tpu.memory_space<vmem>>, vector<16xf32>, vector<16xi1>
        tpu.vector_store %arg11[%swap3A_2080], %broadcast_in_dim3A_2079 masked %eq3A_8 {strides = array<i32>} : memref<4736xf32, #tpu.memory_space<vmem>>, vector<16xf32>, vector<16xi1>
        %mul3A_2082 = arith.mulf %get3A_2042, %get3A_151 : vector<16xf32>
        %mul3A_2083 = arith.mulf %get3A_2045, %get3A_154 : vector<16xf32>
        %mul3A_2084 = arith.mulf %get3A_2048, %get3A_157 : vector<16xf32>
        %mul3A_2085 = arith.mulf %get3A_2051, %get3A_160 : vector<16xf32>
        %mul3A_2086 = arith.mulf %get3A_2054, %get3A_163 : vector<16xf32>
        %mul3A_2087 = arith.mulf %get3A_2057, %get3A_166 : vector<16xf32>
        %mul3A_2088 = arith.mulf %get3A_2060, %get3A_169 : vector<16xf32>
        %mul3A_2089 = arith.mulf %get3A_2063, %get3A_172 : vector<16xf32>
        %add3A_2090 = arith.addf %mul3A_2082, %mul3A_2083 : vector<16xf32>
        %add3A_2091 = arith.addf %mul3A_2084, %mul3A_2085 : vector<16xf32>
        %add3A_2092 = arith.addf %mul3A_2086, %mul3A_2087 : vector<16xf32>
        %add3A_2093 = arith.addf %mul3A_2088, %mul3A_2089 : vector<16xf32>
        %add3A_2094 = arith.addf %add3A_2090, %add3A_2091 : vector<16xf32>
        %add3A_2095 = arith.addf %add3A_2092, %add3A_2093 : vector<16xf32>
        %add3A_2096 = arith.addf %add3A_2094, %add3A_2095 : vector<16xf32>
        %reduce_sum3A_2097 = arith.constant true
        %reduce_sum3A_2098 = vector.broadcast %reduce_sum3A_2097 : i1 to vector<16xi1>
        %reduce_sum3A_2099 = tpu.scan <sum>, %add3A_2096 masked %reduce_sum3A_2098 : vector<16xf32>, vector<16xi1> -> vector<16xf32>
        %reduce_sum3A_2100 = vector.extract %reduce_sum3A_2099[15] : f32 from vector<16xf32>
        %add3A_2101 = arith.constant 35 : i32
        %add3A_2102 = arith.addi %mul3A_174, %add3A_2101 : i32
        %sub3A_2103 = arith.constant 1 : i32
        %sub3A_2104 = arith.subi %add3A_2102, %sub3A_2103 : i32
        %broadcast_in_dim3A_2105 = vector.broadcast %reduce_sum3A_2074 : f32 to vector<16xf32>
        %swap3A_2106 = arith.index_cast %sub3A_2104 : i32 to index
        %swap3A_2107 = tpu.vector_load %arg11[%swap3A_2106] masked %eq3A_8 {strides = array<i32>} : memref<4736xf32, #tpu.memory_space<vmem>>, vector<16xf32>, vector<16xi1>
        tpu.vector_store %arg11[%swap3A_2106], %broadcast_in_dim3A_2105 masked %eq3A_8 {strides = array<i32>} : memref<4736xf32, #tpu.memory_space<vmem>>, vector<16xf32>, vector<16xi1>
        %add3A_2108 = arith.constant 36 : i32
        %add3A_2109 = arith.addi %mul3A_174, %add3A_2108 : i32
        %sub3A_2110 = arith.constant 1 : i32
        %sub3A_2111 = arith.subi %add3A_2109, %sub3A_2110 : i32
        %broadcast_in_dim3A_2112 = vector.broadcast %reduce_sum3A_2100 : f32 to vector<16xf32>
        %swap3A_2113 = arith.index_cast %sub3A_2111 : i32 to index
        %swap3A_2114 = tpu.vector_load %arg11[%swap3A_2113] masked %eq3A_8 {strides = array<i32>} : memref<4736xf32, #tpu.memory_space<vmem>>, vector<16xf32>, vector<16xi1>
        tpu.vector_store %arg11[%swap3A_2113], %broadcast_in_dim3A_2112 masked %eq3A_8 {strides = array<i32>} : memref<4736xf32, #tpu.memory_space<vmem>>, vector<16xf32>, vector<16xi1>
      }
      %scan3A_138 = arith.constant 8 : i32
      %add3A_139 = arith.constant 2 : i32
      %add3A_140 = arith.addi %add3A_126, %add3A_139 : i32
      %lt3A_141 = arith.constant 16 : i32
      %lt3A_142 = arith.cmpi slt, %add3A_140, %lt3A_141 : i32
      %convert_element_type3A_143 = arith.extui %lt3A_142 : i1 to i32
      %cond3A_144 = arith.constant 0 : i32
      %cond3A_145 = arith.cmpi ne, %convert_element_type3A_143, %cond3A_144 : i32
      scf.if %cond3A_145 {
        %add3A_146 = arith.constant 2 : i32
        %add3A_147 = arith.addi %add3A_126, %add3A_146 : i32
        %dma_start3A_148 = arith.constant 0 : i32
        %dma_start3A_149 = arith.constant 0 : i32
        %dma_start3A_150 = arith.constant 0 : i32
        %dma_start3A_151 = tpu.memref_slice %arg10[%dma_start3A_149, %dma_start3A_150] : memref<288x128xf32, #tpu.memory_space<vmem>> -> memref<96x128xf32, #tpu.memory_space<vmem>>
        %dma_start3A_152 = arith.constant 0 : i32
        %dma_start3A_153 = arith.constant 0 : i32
        %dma_start3A_154 = tpu.memref_slice %arg6[%add3A_147, %dma_start3A_152, %dma_start3A_153] : memref<16x3x96xi32, #tpu.memory_space<vmem>> -> memref<1x3x96xi32, #tpu.memory_space<vmem>>
        %dma_start3A_155 = tpu.memref_squeeze %dma_start3A_154 : memref<1x3x96xi32, #tpu.memory_space<vmem>> -> memref<3x96xi32, #tpu.memory_space<vmem>>
        %dma_start3A_156 = arith.constant 0 : i32
        %dma_start3A_157 = tpu.memref_slice %dma_start3A_155[%dma_start3A_148, %dma_start3A_156] : memref<3x96xi32, #tpu.memory_space<vmem>> -> memref<1x96xi32, #tpu.memory_space<vmem>>
        %dma_start3A_158 = tpu.memref_squeeze %dma_start3A_157 : memref<1x96xi32, #tpu.memory_space<vmem>> -> memref<96xi32, #tpu.memory_space<vmem>>
        %dma_start3A_159 = arith.constant 0 : i32
        %dma_start3A_160 = arith.constant 0 : i32
        %dma_start3A_161 = tpu.memref_slice %arg2[%dma_start3A_159, %dma_start3A_160] : memref<100000x128xf32, #tpu.memory_space<hbm>> -> memref<100000x128xf32, #tpu.memory_space<hbm>>
        tpu.enqueue_indirect_dma source(%dma_start3A_161 : memref<100000x128xf32, #tpu.memory_space<hbm>>) target(%dma_start3A_151 : memref<96x128xf32, #tpu.memory_space<vmem>>) offsets(%dma_start3A_158 : memref<96xi32, #tpu.memory_space<vmem>>) semaphore(%arg14 : memref<!tpu.dma_semaphore, #tpu.memory_space<semaphore_mem>>)
        %dma_start3A_162 = arith.constant 1 : i32
        %dma_start3A_163 = arith.constant 96 : i32
        %dma_start3A_164 = arith.constant 0 : i32
        %dma_start3A_165 = tpu.memref_slice %arg10[%dma_start3A_163, %dma_start3A_164] : memref<288x128xf32, #tpu.memory_space<vmem>> -> memref<96x128xf32, #tpu.memory_space<vmem>>
        %dma_start3A_166 = arith.constant 0 : i32
        %dma_start3A_167 = arith.constant 0 : i32
        %dma_start3A_168 = tpu.memref_slice %arg6[%add3A_147, %dma_start3A_166, %dma_start3A_167] : memref<16x3x96xi32, #tpu.memory_space<vmem>> -> memref<1x3x96xi32, #tpu.memory_space<vmem>>
        %dma_start3A_169 = tpu.memref_squeeze %dma_start3A_168 : memref<1x3x96xi32, #tpu.memory_space<vmem>> -> memref<3x96xi32, #tpu.memory_space<vmem>>
        %dma_start3A_170 = arith.constant 0 : i32
        %dma_start3A_171 = tpu.memref_slice %dma_start3A_169[%dma_start3A_162, %dma_start3A_170] : memref<3x96xi32, #tpu.memory_space<vmem>> -> memref<1x96xi32, #tpu.memory_space<vmem>>
        %dma_start3A_172 = tpu.memref_squeeze %dma_start3A_171 : memref<1x96xi32, #tpu.memory_space<vmem>> -> memref<96xi32, #tpu.memory_space<vmem>>
        %dma_start3A_173 = arith.constant 0 : i32
        %dma_start3A_174 = arith.constant 0 : i32
        %dma_start3A_175 = tpu.memref_slice %arg2[%dma_start3A_173, %dma_start3A_174] : memref<100000x128xf32, #tpu.memory_space<hbm>> -> memref<100000x128xf32, #tpu.memory_space<hbm>>
        tpu.enqueue_indirect_dma source(%dma_start3A_175 : memref<100000x128xf32, #tpu.memory_space<hbm>>) target(%dma_start3A_165 : memref<96x128xf32, #tpu.memory_space<vmem>>) offsets(%dma_start3A_172 : memref<96xi32, #tpu.memory_space<vmem>>) semaphore(%arg14 : memref<!tpu.dma_semaphore, #tpu.memory_space<semaphore_mem>>)
        %dma_start3A_176 = arith.constant 2 : i32
        %dma_start3A_177 = arith.constant 192 : i32
        %dma_start3A_178 = arith.constant 0 : i32
        %dma_start3A_179 = tpu.memref_slice %arg10[%dma_start3A_177, %dma_start3A_178] : memref<288x128xf32, #tpu.memory_space<vmem>> -> memref<96x128xf32, #tpu.memory_space<vmem>>
        %dma_start3A_180 = arith.constant 0 : i32
        %dma_start3A_181 = arith.constant 0 : i32
        %dma_start3A_182 = tpu.memref_slice %arg6[%add3A_147, %dma_start3A_180, %dma_start3A_181] : memref<16x3x96xi32, #tpu.memory_space<vmem>> -> memref<1x3x96xi32, #tpu.memory_space<vmem>>
        %dma_start3A_183 = tpu.memref_squeeze %dma_start3A_182 : memref<1x3x96xi32, #tpu.memory_space<vmem>> -> memref<3x96xi32, #tpu.memory_space<vmem>>
        %dma_start3A_184 = arith.constant 0 : i32
        %dma_start3A_185 = tpu.memref_slice %dma_start3A_183[%dma_start3A_176, %dma_start3A_184] : memref<3x96xi32, #tpu.memory_space<vmem>> -> memref<1x96xi32, #tpu.memory_space<vmem>>
        %dma_start3A_186 = tpu.memref_squeeze %dma_start3A_185 : memref<1x96xi32, #tpu.memory_space<vmem>> -> memref<96xi32, #tpu.memory_space<vmem>>
        %dma_start3A_187 = arith.constant 0 : i32
        %dma_start3A_188 = arith.constant 0 : i32
        %dma_start3A_189 = tpu.memref_slice %arg2[%dma_start3A_187, %dma_start3A_188] : memref<100000x128xf32, #tpu.memory_space<hbm>> -> memref<100000x128xf32, #tpu.memory_space<hbm>>
        tpu.enqueue_indirect_dma source(%dma_start3A_189 : memref<100000x128xf32, #tpu.memory_space<hbm>>) target(%dma_start3A_179 : memref<96x128xf32, #tpu.memory_space<vmem>>) offsets(%dma_start3A_186 : memref<96xi32, #tpu.memory_space<vmem>>) semaphore(%arg14 : memref<!tpu.dma_semaphore, #tpu.memory_space<semaphore_mem>>)
      } else {
      }
    }
    %scan3A_103 = arith.constant 8 : i32
    "tpu.region"() ({
      %run_scoped3A = tpu.sem_alloc : memref<!tpu.dma_semaphore, #tpu.memory_space<semaphore_mem>>
      %dma_start3A_104 = arith.constant 0 : i32
      %dma_start3A_105 = tpu.memref_slice %arg5[%add3A, %dma_start3A_104] : memref<32x4736xf32, #tpu.memory_space<hbm>> -> memref<1x4736xf32, #tpu.memory_space<hbm>>
      %dma_start3A_106 = tpu.memref_squeeze %dma_start3A_105 : memref<1x4736xf32, #tpu.memory_space<hbm>> -> memref<4736xf32, #tpu.memory_space<hbm>>
      %dma_start3A_107 = arith.constant 0 : i32
      %dma_start3A_108 = tpu.memref_slice %arg5[%add3A, %dma_start3A_107] : memref<32x4736xf32, #tpu.memory_space<hbm>> -> memref<1x4736xf32, #tpu.memory_space<hbm>>
      %dma_start3A_109 = tpu.memref_squeeze %dma_start3A_108 : memref<1x4736xf32, #tpu.memory_space<hbm>> -> memref<4736xf32, #tpu.memory_space<hbm>>
      tpu.enqueue_dma source(%arg11 : memref<4736xf32, #tpu.memory_space<vmem>>) target(%dma_start3A_109 : memref<4736xf32, #tpu.memory_space<hbm>>) target_semaphore(%run_scoped3A : memref<!tpu.dma_semaphore, #tpu.memory_space<semaphore_mem>>)
      %dma_wait3A_110 = arith.constant 0 : i32
      %dma_wait3A_111 = tpu.memref_slice %arg5[%add3A, %dma_wait3A_110] : memref<32x4736xf32, #tpu.memory_space<hbm>> -> memref<1x4736xf32, #tpu.memory_space<hbm>>
      %dma_wait3A_112 = tpu.memref_squeeze %dma_wait3A_111 : memref<1x4736xf32, #tpu.memory_space<hbm>> -> memref<4736xf32, #tpu.memory_space<hbm>>
      %dma_wait3A_113 = arith.constant 0 : i32
      %dma_wait3A_114 = tpu.memref_slice %arg5[%add3A, %dma_wait3A_113] : memref<32x4736xf32, #tpu.memory_space<hbm>> -> memref<1x4736xf32, #tpu.memory_space<hbm>>
      %dma_wait3A_115 = tpu.memref_squeeze %dma_wait3A_114 : memref<1x4736xf32, #tpu.memory_space<hbm>> -> memref<4736xf32, #tpu.memory_space<hbm>>
      tpu.wait_dma2 semaphore(%run_scoped3A : memref<!tpu.dma_semaphore, #tpu.memory_space<semaphore_mem>>) src(%arg11 : memref<4736xf32, #tpu.memory_space<vmem>>) dst(%dma_wait3A_115 : memref<4736xf32, #tpu.memory_space<hbm>>)
      tpu.yield
    }) : () -> ()
    return
  }
}

module attributes {stable_mosaic.version = 14 : i64} {
  func.func @_tc_loss_kernel(%arg0: memref<32x4736xf32, #tpu.memory_space<vmem>>, %arg1: memref<1x1xf32, #tpu.memory_space<smem>>) attributes {dimension_semantics = [], scalar_prefetch = 0 : i64, scratch_operands = 0 : i64, tpu.core_type = #tpu.core_type<tc>} {
    %get3A = arith.constant 0 : index
    %get3A_0 = arith.constant 0 : index
    %get3A_1 = vector.load %arg0[%get3A, %get3A_0] : memref<32x4736xf32, #tpu.memory_space<vmem>>, vector<32x4736xf32>
    %iota3A = tpu.iota {dimensions = array<i32: 1>} : vector<32x4736xi32>
    %lt3A = arith.constant 4608 : i32
    %lt3A_2 = vector.broadcast %lt3A : i32 to vector<32x4736xi32>
    %lt3A_3 = arith.cmpi slt, %iota3A, %lt3A_2 : vector<32x4736xi32>
    %rem3A = arith.constant 36 : i32
    %rem3A_4 = vector.broadcast %rem3A : i32 to vector<32x4736xi32>
    %rem3A_5 = arith.remsi %iota3A, %rem3A_4 : vector<32x4736xi32>
    %lt3A_6 = arith.constant 4 : i32
    %lt3A_7 = vector.broadcast %lt3A_6 : i32 to vector<32x4736xi32>
    %lt3A_8 = arith.cmpi slt, %rem3A_5, %lt3A_7 : vector<32x4736xi32>
    %and3A = arith.andi %lt3A_3, %lt3A_8 : vector<32x4736xi1>
    %ge3A = arith.constant 4 : i32
    %ge3A_9 = vector.broadcast %ge3A : i32 to vector<32x4736xi32>
    %ge3A_10 = arith.cmpi sge, %rem3A_5, %ge3A_9 : vector<32x4736xi32>
    %and3A_11 = arith.andi %lt3A_3, %ge3A_10 : vector<32x4736xi1>
    %neg3A = arith.constant 0.000000e+00 : f32
    %neg3A_12 = vector.broadcast %neg3A : f32 to vector<32x4736xf32>
    %neg3A_13 = arith.subf %neg3A_12, %get3A_1 : vector<32x4736xf32>
    %select_n3A = arith.select %and3A, %get3A_1, %neg3A_13 : vector<32x4736xi1>, vector<32x4736xf32>
    %logistic3A = arith.negf %select_n3A : vector<32x4736xf32>
    %logistic3A_14 = math.exp %logistic3A : vector<32x4736xf32>
    %logistic3A_15 = arith.constant 1.000000e+00 : f32
    %logistic3A_16 = vector.broadcast %logistic3A_15 : f32 to vector<32x4736xf32>
    %logistic3A_17 = arith.addf %logistic3A_16, %logistic3A_14 : vector<32x4736xf32>
    %logistic3A_18 = arith.divf %logistic3A_16, %logistic3A_17 : vector<32x4736xf32>
    %eq3A = arith.constant 0.000000e+00 : f32
    %eq3A_19 = vector.broadcast %eq3A : f32 to vector<32x4736xf32>
    %eq3A_20 = arith.cmpf oeq, %logistic3A_18, %eq3A_19 : vector<32x4736xf32>
    %convert_element_type3A = arith.extui %eq3A_20 : vector<32x4736xi1> to vector<32x4736xi32>
    %convert_element_type3A_21 = arith.sitofp %convert_element_type3A : vector<32x4736xi32> to vector<32x4736xf32>
    %mul3A = arith.constant 9.99999971E-10 : f32
    %mul3A_22 = vector.broadcast %mul3A : f32 to vector<32x4736xf32>
    %mul3A_23 = arith.mulf %mul3A_22, %convert_element_type3A_21 : vector<32x4736xf32>
    %add3A = arith.addf %logistic3A_18, %mul3A_23 : vector<32x4736xf32>
    %select_n3A_24 = arith.select %and3A, %logistic3A_18, %add3A : vector<32x4736xi1>, vector<32x4736xf32>
    %jit3A = arith.constant 1.000000e+00 : f32
    %broadcast_in_dim3A = vector.broadcast %jit3A : f32 to vector<32x4736xf32>
    %select_n3A_25 = arith.select %lt3A_3, %select_n3A_24, %broadcast_in_dim3A : vector<32x4736xi1>, vector<32x4736xf32>
    %log3A = math.log %select_n3A_25 : vector<32x4736xf32>
    %jit3A_26 = arith.constant 0.000000e+00 : f32
    %broadcast_in_dim3A_27 = vector.broadcast %jit3A_26 : f32 to vector<32x4736xf32>
    %select_n3A_28 = arith.select %and3A, %log3A, %broadcast_in_dim3A_27 : vector<32x4736xi1>, vector<32x4736xf32>
    %reduce_sum3A = vector.shape_cast %select_n3A_28 : vector<32x4736xf32> to vector<1x32x4736xf32>
    %reduce_sum3A_29 = arith.constant dense<0.000000e+00> : vector<1xf32>
    %reduce_sum3A_30 = vector.multi_reduction <add>, %reduce_sum3A, %reduce_sum3A_29 [1, 2] : vector<1x32x4736xf32> to vector<1xf32>
    %reduce_sum3A_31 = vector.shape_cast %reduce_sum3A_30 : vector<1xf32> to vector<1x1x1xf32>
    %reduce_sum3A_32 = vector.extract %reduce_sum3A_31[0, 0, 0] : f32 from vector<1x1x1xf32>
    %jit3A_33 = arith.constant 0.000000e+00 : f32
    %broadcast_in_dim3A_34 = vector.broadcast %jit3A_33 : f32 to vector<32x4736xf32>
    %select_n3A_35 = arith.select %and3A_11, %log3A, %broadcast_in_dim3A_34 : vector<32x4736xi1>, vector<32x4736xf32>
    %reduce_sum3A_36 = vector.shape_cast %select_n3A_35 : vector<32x4736xf32> to vector<1x32x4736xf32>
    %reduce_sum3A_37 = arith.constant dense<0.000000e+00> : vector<1xf32>
    %reduce_sum3A_38 = vector.multi_reduction <add>, %reduce_sum3A_36, %reduce_sum3A_37 [1, 2] : vector<1x32x4736xf32> to vector<1xf32>
    %reduce_sum3A_39 = vector.shape_cast %reduce_sum3A_38 : vector<1xf32> to vector<1x1x1xf32>
    %reduce_sum3A_40 = vector.extract %reduce_sum3A_39[0, 0, 0] : f32 from vector<1x1x1xf32>
    %div3A = arith.constant 1.638400e+04 : f32
    %div3A_41 = arith.divf %reduce_sum3A_32, %div3A : f32
    %div3A_42 = arith.constant 1.310720e+05 : f32
    %div3A_43 = arith.divf %reduce_sum3A_40, %div3A_42 : f32
    %add3A_44 = arith.addf %div3A_41, %div3A_43 : f32
    %neg3A_45 = arith.constant 0.000000e+00 : f32
    %neg3A_46 = arith.subf %neg3A_45, %add3A_44 : f32
    %swap3A = arith.constant 0 : index
    %swap3A_47 = arith.constant 0 : index
    %swap3A_48 = memref.load %arg1[%swap3A, %swap3A_47] : memref<1x1xf32, #tpu.memory_space<smem>>
    memref.store %neg3A_46, %arg1[%swap3A, %swap3A_47] : memref<1x1xf32, #tpu.memory_space<smem>>
    return
  }
}

</mosaic_0001>

<sc_bundles>
// kernel: kernel.4.cloned.1.call-start
scs
__scs_entry_jumppad:
0x0: {  	(pc) =	sbr.rel $0x88, $3  }
0x1: {  	(tag) =	ssettag $0x0;
	lr =	simm.s32 $0x1  }
0x2: {  	[smem:$0x3F9E] =	sst lr;
	_ =	strace $0xD0000000  }
0x3: {  	_ = 	snop  }
0x4: {  	_ = 	snop  }
0x5: {  	_ = 	snop  }
0x6: {  	_ = 	snop  }
0x7: {  	_ = 	snop  }
__scs_overlays_trampoline_lowered:
0x8: {  	[smem:$0x3FAD] =	sst s0  }
0x9: {  	[smem:$0x3FAE] =	sst s1  }
0xa: {  	[smem:$0x3FAF] =	sst s2  }
0xb: {  	[smem:$0x3FB0] =	sst s3  }
0xc: {  	[smem:$0x3FB1] =	sst s4  }
0xd: {  	[smem:$0x3FB2] =	sst s5  }
0xe: {  	[smem:$0x3FB3] =	sst s6  }
0xf: {  	[smem:$0x3FB4] =	sst s7  }
0x10: {  	[smem:$0x3FB5] =	sst s8  }
0x11: {  	[smem:$0x3FB6] =	sst s9;
	s0 =	simm.s32 @!p0 $0x0  }
0x12: {  	s1 =	sld [smem:$0x3F9C];
	s0 =	simm.s32 @p0 $0x1  }
0x13: {  	[smem:$0x3FB7] =	sst s0;
	s0 =	simm.s32 @!p1 $0x0  }
0x14: {  	s2 =	sld [smem:$0x3F9B];
	s0 =	simm.s32 @p1 $0x1  }
0x15: {  	[smem:$0x3FB8] =	sst s0;
	s0 =	simm.s32 @!p2 $0x0  }
0x16: {  	s3 =	sld [smem:$0x3FDB];
	s0 =	simm.s32 @p2 $0x1  }
0x17: {  	s4 =	simm.s32 $0x1BF5;
	[smem:$0x3FBA] =	sst s0  }
0x18: {  	s0 =	sld [smem:$0x3F9D];
	_ =	swait.ge [sflag:s4], $0x0  }
0x19: {  	s7 =	sld [smem:$0x3F9E]  }
0x1a: {  	s8 =	sadd.s32 $0xFFFFE003, lr  }
0x1b: {  	s9 =	sadd.s32 $0xFFFFFEF7, lr;
	s5 =	simm.s32 $0xFFFFFFFF;
	p2 =	slt.u32 s8, $0xFFFFF086  }
0x1c: {  	p1 =	slt.u32 s9, $0xF7A;
	s5 =	simm.s32 @!p2 $0x0  }
0x1d: {  	s5 =	simm.s32 @p1 $0x1;
	p0 =	seq.s32 s7, s2  }
0x1e: {  	s7 =	smul.u32 @!p0 $0xF7A, s2;
	p2 =	seq.s32 @!p0 s5, $0x0  }
0x1f: {  	s9 =	smul.u32 $0xF7A, s1;
	s8 =	simm.s32 @!p0 $0x1BF5;
	p2 =	por !p2, p0  }
0x20: {  	[sflag:s8] =	ssyncset.s32 @!p0 $0xFFFFF086;
	s6 =	sadd.s32 @!p0 s3, s7;
	s7 =	simm.s32 @!p0 $0x108  }
0x21: {  	s3 =	sadd.s32 s3, s9;
	s6 =	sadd.s32 @!p0 $0x88, s6;
	s7 =	simm.s32 @p2 $0x1082  }
0x22: {  	[simem:s7], [sflag:s8] =	dma.local @!p0 [hbm:s6], $0xF7A  }
0x23: {  	s9 =	sor.u32 $0xD0000000, s2;
	s6 =	simm.s32 $0x108;
	_ =	swait.ge @!p0 [sflag:s8], $0x0  }
0x24: {  	s3 =	sadd.s32 $0x88, s3;
	s6 =	simm.s32 @!p1 $0x1082;
	[sflag:s4] =	ssyncset.s32 $0xFFFFF086  }
0x25: {  	[simem:s6], [sflag:s4] =	dma.local [hbm:s3], $0xF7A  }
0x26: {  	[smem:$0x3F9E] =	sst s1;
	(tag) =	ssettag s2;
	_ =	strace s9  }
0x27: {  	s1 =	sld [smem:$0x3FAE]  }
0x28: {  	s2 =	sld [smem:$0x3FAF]  }
0x29: {  	s4 =	sld [smem:$0x3FB1]  }
0x2a: {  	p0 =	seq.s32 s5, $0x0;
	s5 =	sld [smem:$0x3FB2]  }
0x2b: {  	s6 =	sld [smem:$0x3FB3]  }
0x2c: {  	s7 =	sld [smem:$0x3FB4]  }
0x2d: {  	s3 =	simm.s32 $0x108;
	s8 =	sld [smem:$0x3FB5]  }
0x2e: {  	s3 =	simm.s32 @!p0 $0x1082;
	s9 =	sld [smem:$0x3FB6]  }
0x2f: {  	lr =	sadd.s32 s0, s3;
	s0 =	sld [smem:$0x3FAD]  }
0x30: {  	s3 =	sld [smem:$0x3FB0]  }
0x31: {  	[smem:$0x3FB9] =	sst s10  }
0x32: {  	s10 =	sld [smem:$0x3FB7];
	_ =	sdelay $0x3  }
0x33: {  	p0 =	seq.s32 s10, $0x1;
	s10 =	sld [smem:$0x3FB9];
	_ =	sdelay $0x3  }
0x34: {  	[smem:$0x3FB9] =	sst s10  }
0x35: {  	s10 =	sld [smem:$0x3FB8];
	_ =	sdelay $0x3  }
0x36: {  	p1 =	seq.s32 s10, $0x1;
	s10 =	sld [smem:$0x3FB9];
	_ =	sdelay $0x3  }
0x37: {  	[smem:$0x3FB9] =	sst s10  }
0x38: {  	s10 =	sld [smem:$0x3FBA]  }
0x39: {  	_ = 	snop;
	(pc) =	sbr.ind lr, $3  }
0x3a: {  	_ = 	snop  }
0x3b: {  	_ = 	snop  }
0x3c: {  	p2 =	seq.s32 s10, $0x1;
	s10 =	sld [smem:$0x3FB9]  }
0x3d: {  	_ =	shalt  }
0x3e: {  	_ =	shalt  }
0x3f: {  	_ =	shalt  }
0x40: {  	_ =	shalt  }
0x41: {  	_ =	shalt  }
0x42: {  	_ =	shalt  }
0x43: {  	_ =	shalt  }
0x44: {  	_ =	shalt  }
0x45: {  	_ =	shalt  }
0x46: {  	_ =	shalt  }
0x47: {  	_ =	shalt  }
0x48: {  	_ =	shalt  }
0x49: {  	_ =	shalt  }
0x4a: {  	_ =	shalt  }
0x4b: {  	_ =	shalt  }
0x4c: {  	_ =	shalt  }
0x4d: {  	_ =	shalt  }
0x4e: {  	_ =	shalt  }
0x4f: {  	_ =	shalt  }
0x50: {  	_ =	shalt  }
0x51: {  	_ =	shalt  }
0x52: {  	_ =	shalt  }
0x53: {  	_ =	shalt  }
0x54: {  	_ =	shalt  }
0x55: {  	_ =	shalt  }
0x56: {  	_ =	shalt  }
0x57: {  	_ =	shalt  }
0x58: {  	_ =	shalt  }
0x59: {  	_ =	shalt  }
0x5a: {  	_ =	shalt  }
0x5b: {  	_ =	shalt  }
0x5c: {  	_ =	shalt  }
0x5d: {  	_ =	shalt  }
0x5e: {  	_ =	shalt  }
0x5f: {  	_ =	shalt  }
0x60: {  	_ =	shalt  }
0x61: {  	_ =	shalt  }
0x62: {  	_ =	shalt  }
0x63: {  	_ =	shalt  }
0x64: {  	_ =	shalt  }
0x65: {  	_ =	shalt  }
0x66: {  	_ =	shalt  }
0x67: {  	_ =	shalt  }
0x68: {  	_ =	shalt  }
0x69: {  	_ =	shalt  }
0x6a: {  	_ =	shalt  }
0x6b: {  	_ =	shalt  }
0x6c: {  	_ =	shalt  }
0x6d: {  	_ =	shalt  }
0x6e: {  	_ =	shalt  }
0x6f: {  	_ =	shalt  }
0x70: {  	_ =	shalt  }
0x71: {  	_ =	shalt  }
0x72: {  	_ =	shalt  }
0x73: {  	_ =	shalt  }
0x74: {  	_ =	shalt  }
0x75: {  	_ =	shalt  }
0x76: {  	_ =	shalt  }
0x77: {  	_ =	shalt  }
0x78: {  	_ =	shalt  }
0x79: {  	_ =	shalt  }
0x7a: {  	_ =	shalt  }
0x7b: {  	_ =	shalt  }
0x7c: {  	_ =	shalt  }
0x7d: {  	_ =	shalt  }
0x7e: {  	_ =	shalt  }
0x7f: {  	_ =	shalt  }
0x80: {  	_ =	shalt  }
0x81: {  	_ =	shalt  }
0x82: {  	_ =	shalt  }
0x83: {  	_ =	shalt  }
0x84: {  	_ =	shalt  }
0x85: {  	_ =	shalt  }
0x86: {  	_ =	shalt  }
0x87: {  	_ =	shalt  }
.Lfunc_end0:
.L_simem_size_0:
called_computation_lowered:
.L_overlay_start_0:
0x88: {  	s2 =	sld [smem:$0x3FD9]  }
0x89: {  	s3 =	sld [smem:$0x3FFE];
	_ =	sdelay $0x1  }
0x8a: {  	s1 =	srdreg.scid  }
0x8b: {  	s0 =	sand.u32 $0x1, s1  }
0x8c: {  	s17 =	sshll.u32 s0, $0xA;
	s2 =	sadd.s32 s3, s2  }
0x8d: {  	s2 =	sadd.s32 s2, s17  }
0x8e: {  	[smem:$0x3FC5] =	sst s2  }
0x8f: {  	_ = 	snop  }
0x90: {  	s2 =	sld [smem:$0x3FC8];
	(tm) =	ssettm $0x1  }
0x91: {  	s18 =	sld [smem:$0x3FFB];
	_ =	sdelay $0x3  }
0x92: {  	_ =	strace s18  }
0x93: {  	s3 =	sld [smem:$0x3FFC];
	_ =	sdelay $0x3  }
0x94: {  	_ =	strace s3  }
0x95: {  	s3 =	sld [smem:$0x3FFD];
	_ =	sdelay $0x3  }
0x96: {  	_ =	strace s3  }
0x97: {  	_ =	strace $0x8FFFFFFF  }
0x98: {  	s19 =	sld [smem:$0x3FDB];
	_ =	sdelay $0x1  }
0x99: {  	s4 =	simm.s32 $_scs_section_size  }
0x9a: {  	s5 =	simm.s32 $_size__tile_overlayer_lowered;
	s6 =	simm.s32 $_tile_overlayer_lowered  }
0x9b: {  	s22 =	simm.s32 $0x1BFF;
	s21 =	sshll.u32 s6, $0x1;
	s3 =	sadd.s32 s4, s19  }
0x9c: {  	s7 =	simm.s32 $0x0;
	s20 =	sshll.u32 s5, $0x1;
	s5 =	sadd.s32 s21, s3  }
0x9d: {  	[timem:s7], [sflag:s22] =	dma.local [hbm:s5], s20  }
0x9e: {  	_ =	swait.ge [sflag:s22], s20  }
0x9f: {  	s4 =	ssub.s32 $0x0, s20;
	[sflag:s22] =	ssyncset.done $0x0  }
0xa0: {  	[sflag:s22] =	ssyncadd.s32 s4;
	_ =	sdelay $0x1  }
0xa1: {  	s23 =	simm.s32 $0x1B8B  }
0xa2: {  	_ =	swait.ge [sflag:s23], $0x1  }
0xa3: {  	[sflag:s23] =	ssyncset.done $0x0  }
0xa4: {  	s25 =	simm.s32 $0x1B8E;
	s24 =	sld [smem:$0x3FFE];
	[sflag:s23] =	ssyncadd.s32 $0xFFFFFFFF  }
0xa5: {  	s26 =	simm.s32 $execute0_lowered;
	[smem:$0x3FD2] =	sst s25  }
0xa6: {  	s5 =	sshll.u32 s26, $0x1;
	_ =	strace $0x80000046;
	[dreg:$0x1] =	wrdreg $0xFFFFFFFF  }
0xa7: {  	s28 =	simm.s32 $_size_execute0_lowered;
	s3 =	sadd.s32 s3, s5;
	[dreg:$0x0] =	wrdreg $0x0  }
0xa8: {  	s5 =	sshll.u32 s28, $0x1;
	[dreg:$0x2] =	wrdreg s3  }
0xa9: {  	[dreg:$0x3] =	wrdreg s5  }
0xaa: {  	[dreg:$0x4] =	wrdreg $0xC0  }
0xab: {  	_ =	task [dreg:s7], $0x5FFFF  }
0xac: {  	[dreg:$0x1] =	wrdreg $0xFFFFFFFF  }
0xad: {  	[dreg:$0x0] =	wrdreg $0x60  }
0xae: {  	[dreg:$0x2] =	wrdreg s2  }
0xaf: {  	[dreg:$0x3] =	wrdreg s24  }
0xb0: {  	[dreg:$0x4] =	wrdreg $0x9  }
0xb1: {  	_ =	task.clear_ibuf [dreg:s7], $0x5FFFF;
	_ =	strace $0x90000046  }
0xb2: {  	s29 =	simm.s32 $0x9;
	_ =	strace $0x80000048  }
0xb3: {  	_ =	swait.ge [sflag:s29], $0x1  }
0xb4: {  	[sflag:s29] =	ssyncadd.s32 $0xFFFFFFFF  }
0xb5: {  	_ =	strace $0x90000048  }
0xb6: {  	_ =	sfence  }
0xb7: {  	s30 =	sld [smem:$0x0];
	_ =	sdelay $0x2  }
0xb8: {  	s31 =	sshll.u32 s1, $0xD;
	s1 =	sshrl.u32 s1, $0x2  }
0xb9: {  	s3 =	sand.u32 $0x4000, s31;
	s1 =	sadd.s32 s1, s30  }
0xba: {  	s0 =	sor.u32 s3, s0;
	s1 =	sshll.u32 s1, $0x11  }
0xbb: {  	s0 =	sor.u32 s1, s0  }
0xbc: {  	s0 =	sadd.s32 $0x8F2B, s0  }
0xbd: {  	[sflag:s0] =	ssyncadd.remote.s32 $0x1  }
0xbe: {  	_ =	sfence.sel $0xFFFF  }
0xbf: {  	[dreg:$0x0] =	wrdreg $0xFFFFFFFF;
	(pc) =	sbr.abs _section_cstart, $3  }
0xc0: {  	[dreg:$0x1] =	wrdreg $0xFFFFFFFF  }
0xc1: {  	_ =	task.clear_ibuf [dreg:s7], $0x2FFFF;
	_ =	strace $0x9FFFFFFF  }
0xc2: {  	(tm) =	ssettm $0x7FFFFFFF  }
0xc3: {  	_ =	shalt  }
tec
execute0_lowered:
.L_overlay_start_1:
0x0: {  	(tag) =	ssettag $0x1  }
0x1: {  	s2 =	rddreg [dreg:$0x0]  }
0x2: {  	s0 =	rddreg [dreg:$0x1]  }
0x3: {  	s1 =	srdreg.scid;
	s5 =	stileid.u32  }
0x4: {  	s3 =	simm.s32 $0x0;
	s31 =	simm.s32 $0x4;
	s28 =	simm.s32 $0x60  }
0x5: {  	s30 =	simm.s32 $0xF080;
	s29 =	simm.s32 $0x12080;
	s1 =	sand.u32 $0x1, s1  }
0x6: {  	s4 =	sshll.u32 s5, $0x1;
	[smem:$0x7FF] =	sst s3;
	s5 =	sshrl.u32 s5, $0x2  }
0x7: {  	s4 =	sor.u32 s1, s4;
	_ =	strace $0x80000047;
	s7 =	smul.u32 $0x9400, s5  }
0x8: {  	s5 =	sshll.u32 s5, $0xA;
	s1 =	ssub.s32 $0x2, s1;
	s6 =	sshll.u32 s4, $0x7  }
0x9: {  	s4 =	sshll.u32 s4, $0xA;
	s21 =	sshrl.u32 s1, $0x1;
	s6 =	sand.u32 $0x380, s6  }
0xa: {  	s4 =	sadd.s32 s4, s0;
	s1 =	ssub.s32 s1, s21;
	s5 =	sor.u32 s5, s6  }
0xb: {  	s6 =	sor.u32 s7, s6;
	s22 =	sadd.s32 $0xA00, s4;
	s23 =	smax.u32 s1, $0x1  }
0xc: {  	s24 =	sadd.s32 $0xA40, s4;
	s25 =	sadd.s32 $0xA80, s4;
	s26 =	sadd.s32 $0xAC0, s4  }
0xd: {  	s11 =	sadd.s32 $0xB00, s4;
	s12 =	sadd.s32 $0xB40, s4;
	s13 =	sadd.s32 $0xB80, s4  }
0xe: {  	s14 =	sadd.s32 $0xBC0, s4;
	s15 =	sadd.s32 $0xC00, s4;
	s16 =	sadd.s32 $0xC40, s4  }
0xf: {  	s17 =	sadd.s32 $0xC80, s4;
	s18 =	sadd.s32 $0xCC0, s4;
	[dreg:$0x3] =	wrdreg s22  }
0x10: {  	s19 =	sadd.s32 $0xD00, s4;
	s20 =	sadd.s32 $0xD40, s4;
	[dreg:$0x6] =	wrdreg s23  }
0x11: {  	s21 =	sadd.s32 $0xD80, s4;
	s1 =	simm.s32 $0x80;
	[dreg:$0x7] =	wrdreg s24  }
0x12: {  	s5 =	sshrl.u32 s5, $0x3;
	s6 =	sshrl.u32 s6, $0x3;
	[dreg:$0x8] =	wrdreg s25  }
.Ltmp0:
0x13: {  	[dreg:$0x9] =	wrdreg s26;
	s22 =	sadd.s32 $0xDC0, s4;
	(pc) =	sbr.rel .LBB2_1-.Ltmp0, $4  }
0x14: {  	s26 =	simm.s32 $0x1;
	s25 =	simm.s32 $0x15080;
	s5 =	sadd.s32 s5, s0  }
0x15: {  	s23 =	simm.s32 $0x2;
	s0 =	sadd.s32 s6, s0;
	s5 =	sadd.s32 $0x800, s5  }
0x16: {  	s24 =	simm.s32 $0x3;
	s0 =	sadd.s32 $0x8A00, s0;
	[dreg:$0x4] =	wrdreg s5  }
0x17: {  	s4 =	simm.s32 $0x0;
	s6 =	simm.s32 $0x400;
	[dreg:$0x5] =	wrdreg s0  }
.LBB2_8:
0x18: {  	s0 =	rddreg [dreg:$0x5];
	s6 =	simm.s32 $0x400;
	s5 =	simm.s32 $0x18080  }
0x19: {  	[hbm4b:s0+s1] =	stream.strided.scatter [tilespmem:s5], [sflag:$0x4], $0x1280, s6, s1, $0x38;
	[tilespmem:$0x19300] =	vst v63  }
0x1a: {  	_ =	swait.ge [sflag:s31], $0x1280  }
0x1b: {  	s4 =	sadd.s32 $0x1, s4;
	s10 =	rddreg [dreg:$0x6]  }
0x1c: {  	p0 =	sne.s32 s4, s10  }
.Ltmp1:
0x1d: {  	_ = 	snop;
	(pc) =	sbr.rel @!p0 .LBB2_9-.Ltmp1, $3  }
0x1e: {  	_ =	sdelay $0x1  }
0x1f: {  	[sflag:s31] =	ssyncset.done $0x0  }
0x20: {  	[sflag:s31] =	ssyncadd.s32 $0xFFFFED80  }
.LBB2_1:
0x21: {  	s0 =	rddreg [dreg:$0x3]  }
0x22: {  	[tilespmem:s3], [sflag:$0x4] =	stream.linear.gather [hbm4b:s0+s3], $0x180, $0x38;
	[tilespmem:$0x19300] =	vst v63  }
0x23: {  	s10 =	rddreg [dreg:$0x7];
	s5 =	simm.s32 $0x200  }
0x24: {  	[tilespmem:s5], [sflag:$0x4] =	stream.linear.gather [hbm4b:s10+s3], $0x180, $0x38;
	[tilespmem:$0x19300] =	vst v63  }
0x25: {  	s7 =	rddreg [dreg:$0x8]  }
0x26: {  	[tilespmem:s6], [sflag:$0x4] =	stream.linear.gather [hbm4b:s7+s3], $0x180, $0x38;
	[tilespmem:$0x19300] =	vst v63  }
0x27: {  	s8 =	rddreg [dreg:$0x9];
	s9 =	simm.s32 $0x600  }
0x28: {  	[tilespmem:s9], [sflag:$0x4] =	stream.linear.gather [hbm4b:s8+s3], $0x180, $0x38;
	[tilespmem:$0x19300] =	vst v63  }
0x29: {  	s10 =	simm.s32 $0x800  }
0x2a: {  	[tilespmem:s10], [sflag:$0x4] =	stream.linear.gather [hbm4b:s11+s3], $0x180, $0x38;
	[tilespmem:$0x19300] =	vst v63  }
0x2b: {  	s6 =	simm.s32 $0xA00  }
0x2c: {  	[tilespmem:s6], [sflag:$0x4] =	stream.linear.gather [hbm4b:s12+s3], $0x180, $0x38;
	[tilespmem:$0x19300] =	vst v63  }
0x2d: {  	s7 =	simm.s32 $0xC00  }
0x2e: {  	[tilespmem:s7], [sflag:$0x4] =	stream.linear.gather [hbm4b:s13+s3], $0x180, $0x38;
	[tilespmem:$0x19300] =	vst v63  }
0x2f: {  	s8 =	simm.s32 $0xE00  }
0x30: {  	[tilespmem:s8], [sflag:$0x4] =	stream.linear.gather [hbm4b:s14+s3], $0x180, $0x38;
	[tilespmem:$0x19300] =	vst v63  }
0x31: {  	s9 =	simm.s32 $0x1000  }
0x32: {  	[tilespmem:s9], [sflag:$0x4] =	stream.linear.gather [hbm4b:s15+s3], $0x180, $0x38;
	[tilespmem:$0x19300] =	vst v63  }
0x33: {  	s10 =	simm.s32 $0x1200  }
0x34: {  	[tilespmem:s10], [sflag:$0x4] =	stream.linear.gather [hbm4b:s16+s3], $0x180, $0x38;
	[tilespmem:$0x19300] =	vst v63  }
0x35: {  	s6 =	simm.s32 $0x1400  }
0x36: {  	[tilespmem:s6], [sflag:$0x4] =	stream.linear.gather [hbm4b:s17+s3], $0x180, $0x38;
	[tilespmem:$0x19300] =	vst v63  }
0x37: {  	s7 =	simm.s32 $0x1600  }
0x38: {  	[tilespmem:s7], [sflag:$0x4] =	stream.linear.gather [hbm4b:s18+s3], $0x180, $0x38;
	[tilespmem:$0x19300] =	vst v63  }
0x39: {  	s8 =	simm.s32 $0x1800  }
0x3a: {  	[tilespmem:s8], [sflag:$0x4] =	stream.linear.gather [hbm4b:s19+s3], $0x180, $0x38;
	[tilespmem:$0x19300] =	vst v63  }
0x3b: {  	s9 =	simm.s32 $0x1A00  }
0x3c: {  	[tilespmem:s9], [sflag:$0x4] =	stream.linear.gather [hbm4b:s20+s3], $0x180, $0x38;
	[tilespmem:$0x19300] =	vst v63  }
0x3d: {  	s10 =	simm.s32 $0x1C00  }
0x3e: {  	[tilespmem:s10], [sflag:$0x4] =	stream.linear.gather [hbm4b:s21+s3], $0x180, $0x38;
	[tilespmem:$0x19300] =	vst v63  }
0x3f: {  	s6 =	simm.s32 $0x1E00  }
0x40: {  	[tilespmem:s6], [sflag:$0x4] =	stream.linear.gather [hbm4b:s22+s3], $0x180, $0x38;
	[tilespmem:$0x19300] =	vst v63  }
0x41: {  	_ =	swait.ge [sflag:s31], $0x1800  }
0x42: {  	[sflag:s31] =	ssyncset.done $0x0  }
0x43: {  	s8 =	simm.s32 $0x2000;
	s7 =	rddreg [dreg:$0x4];
	[sflag:s31] =	ssyncadd.s32 $0xFFFFE800  }
0x44: {  	[tilespmem:s8], [sflag:$0x4] =	stream.linear.gather [hbm4b:s7+s3], $0x80, $0x38;
	[tilespmem:$0x19300] =	vst v63  }
0x45: {  	_ =	swait.ge [sflag:s31], $0x80  }
0x46: {  	[sflag:s31] =	ssyncset.done $0x0  }
0x47: {  	s9 =	simm.s32 $0x2080;
	[sflag:s31] =	ssyncadd.s32 $0xFFFFFF80  }
0x48: {  	[tilespmem:s9], [sflag:$0x1] =	stream.indirect.gather [hbm4b:s2+s1], $0x80, s8, s1, $0xb8;
	[tilespmem:$0x19300] =	vst v63  }
0x49: {  	_ =	swait.ge [sflag:s26], $0x4000  }
0x4a: {  	[sflag:s26] =	ssyncset.done $0x0  }
0x4b: {  	s10 =	simm.s32 $0x6080;
	[sflag:s26] =	ssyncadd.s32 $0xFFFFC000  }
0x4c: {  	[tilespmem:s10], [sflag:$0x2] =	stream.indirect.gather [hbm4b:s2+s28], $0x80, s3, s28, $0xb8;
	[tilespmem:$0x19300] =	vst v63  }
0x4d: {  	s6 =	simm.s32 $0x9080  }
0x4e: {  	[tilespmem:s6], [sflag:$0x2] =	stream.indirect.gather [hbm4b:s2+s28], $0x80, s1, s28, $0xb8;
	[tilespmem:$0x19300] =	vst v63  }
0x4f: {  	s7 =	simm.s32 $0x100;
	s8 =	simm.s32 $0xC080  }
0x50: {  	[tilespmem:s8], [sflag:$0x2] =	stream.indirect.gather [hbm4b:s2+s28], $0x80, s7, s28, $0xb8;
	[tilespmem:$0x19300] =	vst v63  }
0x51: {  	_ = 	snop  }
0x52: {  	[tilespmem:s30], [sflag:$0x3] =	stream.indirect.gather [hbm4b:s2+s28], $0x80, s5, s28, $0xb8;
	[tilespmem:$0x19300] =	vst v63  }
0x53: {  	s9 =	simm.s32 $0x280  }
0x54: {  	[tilespmem:s29], [sflag:$0x3] =	stream.indirect.gather [hbm4b:s2+s28], $0x80, s9, s28, $0xb8;
	[tilespmem:$0x19300] =	vst v63  }
0x55: {  	s10 =	simm.s32 $0x300;
	s5 =	simm.s32 $0x0  }
0x56: {  	[tilespmem:s25], [sflag:$0x3] =	stream.indirect.gather [hbm4b:s2+s28], $0x80, s10, s28, $0xb8;
	[tilespmem:$0x19300] =	vst v63  }
.LBB2_2:
0x57: {  	_ =	swait.ge [sflag:s23], $0x9000  }
0x58: {  	[sflag:s23] =	ssyncset.done $0x0  }
0x59: {  	s0 =	sshll.u32 s5, $0x4;
	s6 =	simm.s32 $0x0;
	[sflag:s23] =	ssyncadd.s32 $0xFFFF7000  }
.LBB2_3:
0x5a: {  	s8 =	sadd.s32 s0, s6  }
0x5b: {  	s7 =	sshll.u32 s8, $0x7  }
0x5c: {  	s7 =	sand.u32 $0x3FFFFF80, s7  }
0x5d: {  	v6 =	vld [tilespmem:s7+$0x2080]  }
0x5e: {  	v7 =	vld [tilespmem:s7+$0x2090]  }
0x5f: {  	v4 =	vld [tilespmem:s7+$0x20A0]  }
0x60: {  	v5 =	vld [tilespmem:s7+$0x20B0]  }
0x61: {  	v0 =	vld [tilespmem:s7+$0x20C0]  }
0x62: {  	s9 =	smul.u32 $0x4800, s6;
	v1 =	vld [tilespmem:s7+$0x20D0]  }
0x63: {  	v2 =	vld [tilespmem:s7+$0x20E0]  }
0x64: {  	s10 =	sshra.s32 s9, $0x2;
	v3 =	vld [tilespmem:s7+$0x20F0]  }
0x65: {  	v8 =	vld [tilespmem:s10+$0x6080]  }
0x66: {  	v9 =	vld [tilespmem:s10+$0x6090]  }
0x67: {  	v10 =	vld [tilespmem:s10+$0x60A0]  }
0x68: {  	v11 =	vld [tilespmem:s10+$0x60B0]  }
0x69: {  	v12 =	vld [tilespmem:s10+$0x60C0]  }
0x6a: {  	v13 =	vld [tilespmem:s10+$0x60D0]  }
0x6b: {  	v14 =	vld [tilespmem:s10+$0x60E0]  }
0x6c: {  	v15 =	vld [tilespmem:s10+$0x60F0]  }
0x6d: {  	v16 =	vld [tilespmem:s10+$0x6100]  }
0x6e: {  	v17 =	vld [tilespmem:s10+$0x6110];
	v8 =	vmul.f32 v8, v6;
	v9 =	vmul.f32 v9, v7  }
0x6f: {  	v18 =	vld [tilespmem:s10+$0x6120];
	v10 =	vmul.f32 v10, v4;
	v11 =	vmul.f32 v11, v5  }
0x70: {  	v19 =	vld [tilespmem:s10+$0x6130];
	v12 =	vmul.f32 v12, v0;
	v13 =	vmul.f32 v13, v1  }
0x71: {  	v20 =	vld [tilespmem:s10+$0x6140];
	v14 =	vmul.f32 v14, v2;
	v15 =	vmul.f32 v15, v3  }
0x72: {  	v43 =	vld [tilespmem:s10+$0x6150];
	v8 =	vadd.f32 v9, v8;
	v42 =	vadd.f32 v11, v10  }
0x73: {  	v46 =	vld [tilespmem:s10+$0x6160];
	v44 =	vadd.f32 v13, v12;
	v45 =	vadd.f32 v15, v14  }
0x74: {  	v47 =	vld [tilespmem:s10+$0x6170]  }
0x75: {  	v51 =	vld [tilespmem:s10+$0x6180];
	v8 =	vadd.f32 v42, v8;
	v48 =	vadd.f32 v45, v44  }
0x76: {  	v54 =	vld [tilespmem:s10+$0x6190];
	v49 =	vmul.f32 v16, v6;
	v50 =	vmul.f32 v17, v7  }
0x77: {  	v56 =	vld [tilespmem:s10+$0x61A0];
	v52 =	vmul.f32 v18, v4;
	v53 =	vmul.f32 v19, v5;
	v8 =	vadd.f32 v48, v8  }
0x78: {  	v57 =	vld [tilespmem:s10+$0x61B0];
	v55 =	vmul.f32 v20, v0;
	v10 =	vmul.f32 v43, v1  }
0x79: {  	v58 =	vld [tilespmem:s10+$0x61C0];
	v13 =	vmul.f32 v46, v2;
	v14 =	vmul.f32 v47, v3;
	(xrf2) =	vadd.scan.msk.f32 $0xffff, v8  }
0x7a: {  	v62 =	vld [tilespmem:s10+$0x61E0];
	v9 =	vadd.f32 v50, v49;
	v59 =	vadd.f32 v53, v52  }
0x7b: {  	v63 =	vld [tilespmem:s10+$0x61F0];
	v61 =	vadd.f32 v14, v13;
	v8 =	vadd.f32 v10, v55  }
0x7c: {  	v60 =	vld [tilespmem:s10+$0x61D0]  }
0x7d: {  	v9 =	vadd.f32 v59, v9;
	v8 =	vadd.f32 v61, v8  }
0x7e: {  	v21 =	vmul.f32 v51, v6;
	v22 =	vmul.f32 v54, v7  }
0x7f: {  	v23 =	vmul.f32 v56, v4;
	v24 =	vmul.f32 v57, v5;
	v8 =	vadd.f32 v8, v9  }
0x80: {  	v13 =	vmul.f32 v62, v2;
	v14 =	vmul.f32 v63, v3  }
0x81: {  	v25 =	vmul.f32 v58, v0;
	v15 =	vmul.f32 v60, v1;
	(xrf2) =	vadd.scan.msk.f32 $0xffff, v8  }
0x82: {  	v27 =	vadd.f32 v24, v23;
	v28 =	vadd.f32 v14, v13  }
0x83: {  	s8 =	smul.u32 $0x90, s8;
	v9 =	vadd.f32 v22, v21;
	v8 =	vadd.f32 v15, v25;
	v26, _, _ =	vpop (xrf2)  }
0x84: {  	v16 =	vbroadcast v26, $0xF  }
0x85: {  	s8 =	sshra.s32 s8, $0x2;
	v9 =	vadd.f32 v27, v9;
	v8 =	vadd.f32 v28, v8  }
0x86: {  	[tilespmem:s8+$0x18080] =	vst.msk $0x1, v16  }
0x87: {  	v8 =	vadd.f32 v8, v9;
	v29 =	vld [tilespmem:s10+$0x6200]  }
0x88: {  	v30 =	vld [tilespmem:s10+$0x6210]  }
0x89: {  	(xrf2) =	vadd.scan.msk.f32 $0xffff, v8;
	v31 =	vld [tilespmem:s10+$0x6220]  }
0x8a: {  	v32 =	vld [tilespmem:s10+$0x6230]  }
0x8b: {  	v33 =	vld [tilespmem:s10+$0x6240];
	v34, _, _ =	vpop (xrf2)  }
0x8c: {  	v35 =	vld [tilespmem:s10+$0x6250];
	v8 =	vbroadcast v34, $0xF  }
0x8d: {  	v36 =	vld [tilespmem:s10+$0x6260]  }
0x8e: {  	v16 =	vld [tilespmem:s10+$0x6270];
	[tilespmem:s8+$0x18081] =	vst.msk $0x1, v8  }
0x8f: {  	v38 =	vld [tilespmem:s10+$0x6280]  }
0x90: {  	v37 =	vmul.f32 v29, v6;
	v10 =	vmul.f32 v30, v7;
	v39 =	vld [tilespmem:s10+$0x6290]  }
0x91: {  	v11 =	vmul.f32 v31, v4;
	v9 =	vmul.f32 v32, v5;
	v40 =	vld [tilespmem:s10+$0x62A0]  }
0x92: {  	v13 =	vmul.f32 v33, v0;
	v14 =	vmul.f32 v35, v1;
	v41 =	vld [tilespmem:s10+$0x62B0]  }
0x93: {  	v15 =	vmul.f32 v36, v2;
	v16 =	vmul.f32 v16, v3;
	v42 =	vld [tilespmem:s10+$0x62C0];
	v43, _, _ =	vpop (xrf2)  }
0x94: {  	v44 =	vld [tilespmem:s10+$0x62D0];
	v8 =	vadd.f32 v10, v37;
	v9 =	vadd.f32 v9, v11;
	v10 =	vbroadcast v43, $0xF  }
0x95: {  	v46 =	vld [tilespmem:s10+$0x62E0];
	v13 =	vadd.f32 v14, v13;
	v45 =	vadd.f32 v16, v15  }
0x96: {  	v47 =	vld [tilespmem:s10+$0x62F0];
	[tilespmem:s8+$0x18082] =	vst.msk $0x1, v10  }
0x97: {  	v8 =	vadd.f32 v9, v8;
	v48 =	vadd.f32 v45, v13;
	v51 =	vld [tilespmem:s10+$0x6300]  }
0x98: {  	v49 =	vmul.f32 v38, v6;
	v50 =	vmul.f32 v39, v7;
	v54 =	vld [tilespmem:s10+$0x6310]  }
0x99: {  	v8 =	vadd.f32 v48, v8;
	v52 =	vmul.f32 v40, v4;
	v53 =	vmul.f32 v41, v5;
	v56 =	vld [tilespmem:s10+$0x6320]  }
0x9a: {  	v55 =	vmul.f32 v42, v0;
	v11 =	vmul.f32 v44, v1;
	v57 =	vld [tilespmem:s10+$0x6330]  }
0x9b: {  	v15 =	vmul.f32 v46, v2;
	v16 =	vmul.f32 v47, v3;
	v58 =	vld [tilespmem:s10+$0x6340];
	(xrf2) =	vadd.scan.msk.f32 $0xffff, v8  }
0x9c: {  	v60 =	vld [tilespmem:s10+$0x6350];
	v9 =	vadd.f32 v50, v49;
	v59 =	vadd.f32 v53, v52  }
0x9d: {  	v62 =	vld [tilespmem:s10+$0x6360];
	v8 =	vadd.f32 v11, v55;
	v61 =	vadd.f32 v16, v15  }
0x9e: {  	v63 =	vld [tilespmem:s10+$0x6370]  }
0x9f: {  	v9 =	vadd.f32 v59, v9;
	v8 =	vadd.f32 v61, v8  }
0xa0: {  	v21 =	vmul.f32 v51, v6;
	v22 =	vmul.f32 v54, v7  }
0xa1: {  	v8 =	vadd.f32 v8, v9;
	v23 =	vmul.f32 v56, v4;
	v24 =	vmul.f32 v57, v5  }
0xa2: {  	v25 =	vmul.f32 v58, v0;
	v13 =	vmul.f32 v60, v1  }
0xa3: {  	v14 =	vmul.f32 v62, v2;
	v15 =	vmul.f32 v63, v3;
	(xrf2) =	vadd.scan.msk.f32 $0xffff, v8  }
0xa4: {  	v9 =	vadd.f32 v22, v21;
	v27 =	vadd.f32 v24, v23  }
0xa5: {  	v8 =	vadd.f32 v13, v25;
	v28 =	vadd.f32 v15, v14;
	v26, _, _ =	vpop (xrf2)  }
0xa6: {  	v16 =	vbroadcast v26, $0xF  }
0xa7: {  	v9 =	vadd.f32 v27, v9;
	v8 =	vadd.f32 v28, v8  }
0xa8: {  	[tilespmem:s8+$0x18083] =	vst.msk $0x1, v16  }
0xa9: {  	v8 =	vadd.f32 v8, v9;
	v29 =	vld [tilespmem:s10+$0x6380]  }
0xaa: {  	v30 =	vld [tilespmem:s10+$0x6390]  }
0xab: {  	(xrf2) =	vadd.scan.msk.f32 $0xffff, v8;
	v31 =	vld [tilespmem:s10+$0x63A0]  }
0xac: {  	v32 =	vld [tilespmem:s10+$0x63B0]  }
0xad: {  	v33 =	vld [tilespmem:s10+$0x63C0];
	v34, _, _ =	vpop (xrf2)  }
0xae: {  	v35 =	vld [tilespmem:s10+$0x63D0];
	v8 =	vbroadcast v34, $0xF  }
0xaf: {  	v36 =	vld [tilespmem:s10+$0x63E0]  }
0xb0: {  	v16 =	vld [tilespmem:s10+$0x63F0];
	[tilespmem:s8+$0x18084] =	vst.msk $0x1, v8  }
0xb1: {  	v38 =	vld [tilespmem:s10+$0x6400]  }
0xb2: {  	v37 =	vmul.f32 v29, v6;
	v10 =	vmul.f32 v30, v7;
	v39 =	vld [tilespmem:s10+$0x6410]  }
0xb3: {  	v11 =	vmul.f32 v31, v4;
	v9 =	vmul.f32 v32, v5;
	v40 =	vld [tilespmem:s10+$0x6420]  }
0xb4: {  	v13 =	vmul.f32 v33, v0;
	v14 =	vmul.f32 v35, v1;
	v41 =	vld [tilespmem:s10+$0x6430]  }
0xb5: {  	v15 =	vmul.f32 v36, v2;
	v16 =	vmul.f32 v16, v3;
	v42 =	vld [tilespmem:s10+$0x6440];
	v43, _, _ =	vpop (xrf2)  }
0xb6: {  	v44 =	vld [tilespmem:s10+$0x6450];
	v8 =	vadd.f32 v10, v37;
	v9 =	vadd.f32 v9, v11;
	v10 =	vbroadcast v43, $0xF  }
0xb7: {  	v46 =	vld [tilespmem:s10+$0x6460];
	v13 =	vadd.f32 v14, v13;
	v45 =	vadd.f32 v16, v15  }
0xb8: {  	v47 =	vld [tilespmem:s10+$0x6470];
	[tilespmem:s8+$0x18085] =	vst.msk $0x1, v10  }
0xb9: {  	v8 =	vadd.f32 v9, v8;
	v48 =	vadd.f32 v45, v13;
	v51 =	vld [tilespmem:s10+$0x6480]  }
0xba: {  	v49 =	vmul.f32 v38, v6;
	v50 =	vmul.f32 v39, v7;
	v54 =	vld [tilespmem:s10+$0x6490]  }
0xbb: {  	v8 =	vadd.f32 v48, v8;
	v52 =	vmul.f32 v40, v4;
	v53 =	vmul.f32 v41, v5;
	v56 =	vld [tilespmem:s10+$0x64A0]  }
0xbc: {  	v55 =	vmul.f32 v42, v0;
	v11 =	vmul.f32 v44, v1;
	v57 =	vld [tilespmem:s10+$0x64B0]  }
0xbd: {  	v15 =	vmul.f32 v46, v2;
	v16 =	vmul.f32 v47, v3;
	v58 =	vld [tilespmem:s10+$0x64C0];
	(xrf2) =	vadd.scan.msk.f32 $0xffff, v8  }
0xbe: {  	v60 =	vld [tilespmem:s10+$0x64D0];
	v9 =	vadd.f32 v50, v49;
	v59 =	vadd.f32 v53, v52  }
0xbf: {  	v62 =	vld [tilespmem:s10+$0x64E0];
	v8 =	vadd.f32 v11, v55;
	v61 =	vadd.f32 v16, v15  }
0xc0: {  	v63 =	vld [tilespmem:s10+$0x64F0]  }
0xc1: {  	v9 =	vadd.f32 v59, v9;
	v8 =	vadd.f32 v61, v8  }
0xc2: {  	v21 =	vmul.f32 v51, v6;
	v22 =	vmul.f32 v54, v7  }
0xc3: {  	v8 =	vadd.f32 v8, v9;
	v23 =	vmul.f32 v56, v4;
	v24 =	vmul.f32 v57, v5  }
0xc4: {  	v25 =	vmul.f32 v58, v0;
	v13 =	vmul.f32 v60, v1  }
0xc5: {  	v14 =	vmul.f32 v62, v2;
	v15 =	vmul.f32 v63, v3;
	(xrf2) =	vadd.scan.msk.f32 $0xffff, v8  }
0xc6: {  	v9 =	vadd.f32 v22, v21;
	v27 =	vadd.f32 v24, v23  }
0xc7: {  	v8 =	vadd.f32 v13, v25;
	v28 =	vadd.f32 v15, v14;
	v26, _, _ =	vpop (xrf2)  }
0xc8: {  	v16 =	vbroadcast v26, $0xF  }
0xc9: {  	v9 =	vadd.f32 v27, v9;
	v8 =	vadd.f32 v28, v8  }
0xca: {  	[tilespmem:s8+$0x18086] =	vst.msk $0x1, v16  }
0xcb: {  	v8 =	vadd.f32 v8, v9;
	v29 =	vld [tilespmem:s10+$0x6500]  }
0xcc: {  	v30 =	vld [tilespmem:s10+$0x6510]  }
0xcd: {  	(xrf2) =	vadd.scan.msk.f32 $0xffff, v8;
	v31 =	vld [tilespmem:s10+$0x6520]  }
0xce: {  	v32 =	vld [tilespmem:s10+$0x6530]  }
0xcf: {  	v33 =	vld [tilespmem:s10+$0x6540];
	v34, _, _ =	vpop (xrf2)  }
0xd0: {  	v35 =	vld [tilespmem:s10+$0x6550];
	v8 =	vbroadcast v34, $0xF  }
0xd1: {  	v36 =	vld [tilespmem:s10+$0x6560]  }
0xd2: {  	v16 =	vld [tilespmem:s10+$0x6570];
	[tilespmem:s8+$0x18087] =	vst.msk $0x1, v8  }
0xd3: {  	v38 =	vld [tilespmem:s10+$0x6580]  }
0xd4: {  	v37 =	vmul.f32 v29, v6;
	v10 =	vmul.f32 v30, v7;
	v39 =	vld [tilespmem:s10+$0x6590]  }
0xd5: {  	v11 =	vmul.f32 v31, v4;
	v9 =	vmul.f32 v32, v5;
	v40 =	vld [tilespmem:s10+$0x65A0]  }
0xd6: {  	v13 =	vmul.f32 v33, v0;
	v14 =	vmul.f32 v35, v1;
	v41 =	vld [tilespmem:s10+$0x65B0]  }
0xd7: {  	v15 =	vmul.f32 v36, v2;
	v16 =	vmul.f32 v16, v3;
	v42 =	vld [tilespmem:s10+$0x65C0];
	v43, _, _ =	vpop (xrf2)  }
0xd8: {  	v44 =	vld [tilespmem:s10+$0x65D0];
	v8 =	vadd.f32 v10, v37;
	v9 =	vadd.f32 v9, v11;
	v10 =	vbroadcast v43, $0xF  }
0xd9: {  	v46 =	vld [tilespmem:s10+$0x65E0];
	v13 =	vadd.f32 v14, v13;
	v45 =	vadd.f32 v16, v15  }
0xda: {  	v47 =	vld [tilespmem:s10+$0x65F0];
	[tilespmem:s8+$0x18088] =	vst.msk $0x1, v10  }
0xdb: {  	v8 =	vadd.f32 v9, v8;
	v48 =	vadd.f32 v45, v13;
	v51 =	vld [tilespmem:s10+$0x6600]  }
0xdc: {  	v49 =	vmul.f32 v38, v6;
	v50 =	vmul.f32 v39, v7;
	v54 =	vld [tilespmem:s10+$0x6610]  }
0xdd: {  	v8 =	vadd.f32 v48, v8;
	v52 =	vmul.f32 v40, v4;
	v53 =	vmul.f32 v41, v5;
	v56 =	vld [tilespmem:s10+$0x6620]  }
0xde: {  	v55 =	vmul.f32 v42, v0;
	v11 =	vmul.f32 v44, v1;
	v57 =	vld [tilespmem:s10+$0x6630]  }
0xdf: {  	v15 =	vmul.f32 v46, v2;
	v16 =	vmul.f32 v47, v3;
	v58 =	vld [tilespmem:s10+$0x6640];
	(xrf2) =	vadd.scan.msk.f32 $0xffff, v8  }
0xe0: {  	v60 =	vld [tilespmem:s10+$0x6650];
	v9 =	vadd.f32 v50, v49;
	v59 =	vadd.f32 v53, v52  }
0xe1: {  	v62 =	vld [tilespmem:s10+$0x6660];
	v8 =	vadd.f32 v11, v55;
	v61 =	vadd.f32 v16, v15  }
0xe2: {  	v63 =	vld [tilespmem:s10+$0x6670]  }
0xe3: {  	v9 =	vadd.f32 v59, v9;
	v8 =	vadd.f32 v61, v8  }
0xe4: {  	v21 =	vmul.f32 v51, v6;
	v22 =	vmul.f32 v54, v7  }
0xe5: {  	v8 =	vadd.f32 v8, v9;
	v23 =	vmul.f32 v56, v4;
	v24 =	vmul.f32 v57, v5  }
0xe6: {  	v25 =	vmul.f32 v58, v0;
	v13 =	vmul.f32 v60, v1  }
0xe7: {  	v14 =	vmul.f32 v62, v2;
	v15 =	vmul.f32 v63, v3;
	(xrf2) =	vadd.scan.msk.f32 $0xffff, v8  }
0xe8: {  	v9 =	vadd.f32 v22, v21;
	v27 =	vadd.f32 v24, v23  }
0xe9: {  	v8 =	vadd.f32 v13, v25;
	v28 =	vadd.f32 v15, v14;
	v26, _, _ =	vpop (xrf2)  }
0xea: {  	v16 =	vbroadcast v26, $0xF  }
0xeb: {  	v9 =	vadd.f32 v27, v9;
	v8 =	vadd.f32 v28, v8  }
0xec: {  	[tilespmem:s8+$0x18089] =	vst.msk $0x1, v16  }
0xed: {  	v8 =	vadd.f32 v8, v9;
	v29 =	vld [tilespmem:s10+$0x6680]  }
0xee: {  	v30 =	vld [tilespmem:s10+$0x6690]  }
0xef: {  	(xrf2) =	vadd.scan.msk.f32 $0xffff, v8;
	v31 =	vld [tilespmem:s10+$0x66A0]  }
0xf0: {  	v32 =	vld [tilespmem:s10+$0x66B0]  }
0xf1: {  	v33 =	vld [tilespmem:s10+$0x66C0];
	v34, _, _ =	vpop (xrf2)  }
0xf2: {  	v35 =	vld [tilespmem:s10+$0x66D0];
	v8 =	vbroadcast v34, $0xF  }
0xf3: {  	v36 =	vld [tilespmem:s10+$0x66E0]  }
0xf4: {  	v16 =	vld [tilespmem:s10+$0x66F0];
	[tilespmem:s8+$0x1808A] =	vst.msk $0x1, v8  }
0xf5: {  	v38 =	vld [tilespmem:s10+$0x6700]  }
0xf6: {  	v37 =	vmul.f32 v29, v6;
	v10 =	vmul.f32 v30, v7;
	v39 =	vld [tilespmem:s10+$0x6710]  }
0xf7: {  	v11 =	vmul.f32 v31, v4;
	v9 =	vmul.f32 v32, v5;
	v40 =	vld [tilespmem:s10+$0x6720]  }
0xf8: {  	v13 =	vmul.f32 v33, v0;
	v14 =	vmul.f32 v35, v1;
	v41 =	vld [tilespmem:s10+$0x6730]  }
0xf9: {  	v15 =	vmul.f32 v36, v2;
	v16 =	vmul.f32 v16, v3;
	v42 =	vld [tilespmem:s10+$0x6740];
	v43, _, _ =	vpop (xrf2)  }
0xfa: {  	v44 =	vld [tilespmem:s10+$0x6750];
	v8 =	vadd.f32 v10, v37;
	v9 =	vadd.f32 v9, v11;
	v10 =	vbroadcast v43, $0xF  }
0xfb: {  	v46 =	vld [tilespmem:s10+$0x6760];
	v13 =	vadd.f32 v14, v13;
	v45 =	vadd.f32 v16, v15  }
0xfc: {  	v47 =	vld [tilespmem:s10+$0x6770];
	[tilespmem:s8+$0x1808B] =	vst.msk $0x1, v10  }
0xfd: {  	v8 =	vadd.f32 v9, v8;
	v48 =	vadd.f32 v45, v13;
	v51 =	vld [tilespmem:s10+$0x6780]  }
0xfe: {  	v49 =	vmul.f32 v38, v6;
	v50 =	vmul.f32 v39, v7;
	v54 =	vld [tilespmem:s10+$0x6790]  }
0xff: {  	v8 =	vadd.f32 v48, v8;
	v52 =	vmul.f32 v40, v4;
	v53 =	vmul.f32 v41, v5;
	v56 =	vld [tilespmem:s10+$0x67A0]  }
0x100: {  	v55 =	vmul.f32 v42, v0;
	v11 =	vmul.f32 v44, v1;
	v57 =	vld [tilespmem:s10+$0x67B0]  }
0x101: {  	v15 =	vmul.f32 v46, v2;
	v16 =	vmul.f32 v47, v3;
	v58 =	vld [tilespmem:s10+$0x67C0];
	(xrf2) =	vadd.scan.msk.f32 $0xffff, v8  }
0x102: {  	v60 =	vld [tilespmem:s10+$0x67D0];
	v9 =	vadd.f32 v50, v49;
	v59 =	vadd.f32 v53, v52  }
0x103: {  	v62 =	vld [tilespmem:s10+$0x67E0];
	v8 =	vadd.f32 v11, v55;
	v61 =	vadd.f32 v16, v15  }
0x104: {  	v63 =	vld [tilespmem:s10+$0x67F0]  }
0x105: {  	v9 =	vadd.f32 v59, v9;
	v8 =	vadd.f32 v61, v8  }
0x106: {  	v21 =	vmul.f32 v51, v6;
	v22 =	vmul.f32 v54, v7  }
0x107: {  	v8 =	vadd.f32 v8, v9;
	v23 =	vmul.f32 v56, v4;
	v24 =	vmul.f32 v57, v5  }
0x108: {  	v25 =	vmul.f32 v58, v0;
	v13 =	vmul.f32 v60, v1  }
0x109: {  	v14 =	vmul.f32 v62, v2;
	v15 =	vmul.f32 v63, v3;
	(xrf2) =	vadd.scan.msk.f32 $0xffff, v8  }
0x10a: {  	v9 =	vadd.f32 v22, v21;
	v27 =	vadd.f32 v24, v23  }
0x10b: {  	v8 =	vadd.f32 v13, v25;
	v28 =	vadd.f32 v15, v14;
	v26, _, _ =	vpop (xrf2)  }
0x10c: {  	v16 =	vbroadcast v26, $0xF  }
0x10d: {  	v9 =	vadd.f32 v27, v9;
	v8 =	vadd.f32 v28, v8  }
0x10e: {  	[tilespmem:s8+$0x1808C] =	vst.msk $0x1, v16  }
0x10f: {  	v8 =	vadd.f32 v8, v9;
	v29 =	vld [tilespmem:s10+$0x6800]  }
0x110: {  	v30 =	vld [tilespmem:s10+$0x6810]  }
0x111: {  	(xrf2) =	vadd.scan.msk.f32 $0xffff, v8;
	v31 =	vld [tilespmem:s10+$0x6820]  }
0x112: {  	v32 =	vld [tilespmem:s10+$0x6830]  }
0x113: {  	v33 =	vld [tilespmem:s10+$0x6840];
	v34, _, _ =	vpop (xrf2)  }
0x114: {  	v35 =	vld [tilespmem:s10+$0x6850];
	v8 =	vbroadcast v34, $0xF  }
0x115: {  	v36 =	vld [tilespmem:s10+$0x6860]  }
0x116: {  	v16 =	vld [tilespmem:s10+$0x6870];
	[tilespmem:s8+$0x1808D] =	vst.msk $0x1, v8  }
0x117: {  	v38 =	vld [tilespmem:s10+$0x6880]  }
0x118: {  	v37 =	vmul.f32 v29, v6;
	v10 =	vmul.f32 v30, v7;
	v39 =	vld [tilespmem:s10+$0x6890]  }
0x119: {  	v11 =	vmul.f32 v31, v4;
	v9 =	vmul.f32 v32, v5;
	v40 =	vld [tilespmem:s10+$0x68A0]  }
0x11a: {  	v13 =	vmul.f32 v33, v0;
	v14 =	vmul.f32 v35, v1;
	v41 =	vld [tilespmem:s10+$0x68B0]  }
0x11b: {  	v15 =	vmul.f32 v36, v2;
	v16 =	vmul.f32 v16, v3;
	v42 =	vld [tilespmem:s10+$0x68C0];
	v43, _, _ =	vpop (xrf2)  }
0x11c: {  	v44 =	vld [tilespmem:s10+$0x68D0];
	v8 =	vadd.f32 v10, v37;
	v9 =	vadd.f32 v9, v11;
	v10 =	vbroadcast v43, $0xF  }
0x11d: {  	v46 =	vld [tilespmem:s10+$0x68E0];
	v13 =	vadd.f32 v14, v13;
	v45 =	vadd.f32 v16, v15  }
0x11e: {  	v47 =	vld [tilespmem:s10+$0x68F0];
	[tilespmem:s8+$0x1808E] =	vst.msk $0x1, v10  }
0x11f: {  	v8 =	vadd.f32 v9, v8;
	v48 =	vadd.f32 v45, v13;
	v51 =	vld [tilespmem:s10+$0x6900]  }
0x120: {  	v49 =	vmul.f32 v38, v6;
	v50 =	vmul.f32 v39, v7;
	v54 =	vld [tilespmem:s10+$0x6910]  }
0x121: {  	v8 =	vadd.f32 v48, v8;
	v52 =	vmul.f32 v40, v4;
	v53 =	vmul.f32 v41, v5;
	v56 =	vld [tilespmem:s10+$0x6920]  }
0x122: {  	v55 =	vmul.f32 v42, v0;
	v11 =	vmul.f32 v44, v1;
	v57 =	vld [tilespmem:s10+$0x6930]  }
0x123: {  	v15 =	vmul.f32 v46, v2;
	v16 =	vmul.f32 v47, v3;
	v58 =	vld [tilespmem:s10+$0x6940];
	(xrf2) =	vadd.scan.msk.f32 $0xffff, v8  }
0x124: {  	v60 =	vld [tilespmem:s10+$0x6950];
	v9 =	vadd.f32 v50, v49;
	v59 =	vadd.f32 v53, v52  }
0x125: {  	v62 =	vld [tilespmem:s10+$0x6960];
	v8 =	vadd.f32 v11, v55;
	v61 =	vadd.f32 v16, v15  }
0x126: {  	v63 =	vld [tilespmem:s10+$0x6970]  }
0x127: {  	v9 =	vadd.f32 v59, v9;
	v8 =	vadd.f32 v61, v8  }
0x128: {  	v21 =	vmul.f32 v51, v6;
	v22 =	vmul.f32 v54, v7  }
0x129: {  	v8 =	vadd.f32 v8, v9;
	v23 =	vmul.f32 v56, v4;
	v24 =	vmul.f32 v57, v5  }
0x12a: {  	v25 =	vmul.f32 v58, v0;
	v13 =	vmul.f32 v60, v1  }
0x12b: {  	v14 =	vmul.f32 v62, v2;
	v15 =	vmul.f32 v63, v3;
	(xrf2) =	vadd.scan.msk.f32 $0xffff, v8  }
0x12c: {  	v9 =	vadd.f32 v22, v21;
	v27 =	vadd.f32 v24, v23  }
0x12d: {  	v8 =	vadd.f32 v13, v25;
	v28 =	vadd.f32 v15, v14;
	v26, _, _ =	vpop (xrf2)  }
0x12e: {  	v16 =	vbroadcast v26, $0xF  }
0x12f: {  	v9 =	vadd.f32 v27, v9;
	v8 =	vadd.f32 v28, v8  }
0x130: {  	[tilespmem:s8+$0x1808F] =	vst.msk $0x1, v16  }
0x131: {  	v8 =	vadd.f32 v8, v9;
	v29 =	vld [tilespmem:s10+$0x6980]  }
0x132: {  	v30 =	vld [tilespmem:s10+$0x6990]  }
0x133: {  	(xrf2) =	vadd.scan.msk.f32 $0xffff, v8;
	v31 =	vld [tilespmem:s10+$0x69A0]  }
0x134: {  	v32 =	vld [tilespmem:s10+$0x69B0]  }
0x135: {  	v33 =	vld [tilespmem:s10+$0x69C0];
	v34, _, _ =	vpop (xrf2)  }
0x136: {  	v35 =	vld [tilespmem:s10+$0x69D0];
	v8 =	vbroadcast v34, $0xF  }
0x137: {  	v36 =	vld [tilespmem:s10+$0x69E0]  }
0x138: {  	v16 =	vld [tilespmem:s10+$0x69F0];
	[tilespmem:s8+$0x18090] =	vst.msk $0x1, v8  }
0x139: {  	v38 =	vld [tilespmem:s10+$0x6A00]  }
0x13a: {  	v37 =	vmul.f32 v29, v6;
	v10 =	vmul.f32 v30, v7;
	v39 =	vld [tilespmem:s10+$0x6A10]  }
0x13b: {  	v11 =	vmul.f32 v31, v4;
	v9 =	vmul.f32 v32, v5;
	v40 =	vld [tilespmem:s10+$0x6A20]  }
0x13c: {  	v13 =	vmul.f32 v33, v0;
	v14 =	vmul.f32 v35, v1;
	v41 =	vld [tilespmem:s10+$0x6A30]  }
0x13d: {  	v15 =	vmul.f32 v36, v2;
	v16 =	vmul.f32 v16, v3;
	v42 =	vld [tilespmem:s10+$0x6A40];
	v43, _, _ =	vpop (xrf2)  }
0x13e: {  	v44 =	vld [tilespmem:s10+$0x6A50];
	v8 =	vadd.f32 v10, v37;
	v9 =	vadd.f32 v9, v11;
	v10 =	vbroadcast v43, $0xF  }
0x13f: {  	v46 =	vld [tilespmem:s10+$0x6A60];
	v13 =	vadd.f32 v14, v13;
	v45 =	vadd.f32 v16, v15  }
0x140: {  	v47 =	vld [tilespmem:s10+$0x6A70];
	[tilespmem:s8+$0x18091] =	vst.msk $0x1, v10  }
0x141: {  	v8 =	vadd.f32 v9, v8;
	v48 =	vadd.f32 v45, v13;
	v51 =	vld [tilespmem:s10+$0x6A80]  }
0x142: {  	v49 =	vmul.f32 v38, v6;
	v50 =	vmul.f32 v39, v7;
	v54 =	vld [tilespmem:s10+$0x6A90]  }
0x143: {  	v8 =	vadd.f32 v48, v8;
	v52 =	vmul.f32 v40, v4;
	v53 =	vmul.f32 v41, v5;
	v56 =	vld [tilespmem:s10+$0x6AA0]  }
0x144: {  	v55 =	vmul.f32 v42, v0;
	v11 =	vmul.f32 v44, v1;
	v57 =	vld [tilespmem:s10+$0x6AB0]  }
0x145: {  	v15 =	vmul.f32 v46, v2;
	v16 =	vmul.f32 v47, v3;
	v58 =	vld [tilespmem:s10+$0x6AC0];
	(xrf2) =	vadd.scan.msk.f32 $0xffff, v8  }
0x146: {  	v60 =	vld [tilespmem:s10+$0x6AD0];
	v9 =	vadd.f32 v50, v49;
	v59 =	vadd.f32 v53, v52  }
0x147: {  	v62 =	vld [tilespmem:s10+$0x6AE0];
	v8 =	vadd.f32 v11, v55;
	v61 =	vadd.f32 v16, v15  }
0x148: {  	v63 =	vld [tilespmem:s10+$0x6AF0]  }
0x149: {  	v9 =	vadd.f32 v59, v9;
	v8 =	vadd.f32 v61, v8  }
0x14a: {  	v21 =	vmul.f32 v51, v6;
	v22 =	vmul.f32 v54, v7  }
0x14b: {  	v8 =	vadd.f32 v8, v9;
	v23 =	vmul.f32 v56, v4;
	v24 =	vmul.f32 v57, v5  }
0x14c: {  	v25 =	vmul.f32 v58, v0;
	v13 =	vmul.f32 v60, v1  }
0x14d: {  	v14 =	vmul.f32 v62, v2;
	v15 =	vmul.f32 v63, v3;
	(xrf2) =	vadd.scan.msk.f32 $0xffff, v8  }
0x14e: {  	v9 =	vadd.f32 v22, v21;
	v27 =	vadd.f32 v24, v23  }
0x14f: {  	v8 =	vadd.f32 v13, v25;
	v28 =	vadd.f32 v15, v14;
	v26, _, _ =	vpop (xrf2)  }
0x150: {  	v16 =	vbroadcast v26, $0xF  }
0x151: {  	v9 =	vadd.f32 v27, v9;
	v8 =	vadd.f32 v28, v8  }
0x152: {  	[tilespmem:s8+$0x18092] =	vst.msk $0x1, v16  }
0x153: {  	v8 =	vadd.f32 v8, v9;
	v29 =	vld [tilespmem:s10+$0x6B00]  }
0x154: {  	v30 =	vld [tilespmem:s10+$0x6B10]  }
0x155: {  	(xrf2) =	vadd.scan.msk.f32 $0xffff, v8;
	v31 =	vld [tilespmem:s10+$0x6B20]  }
0x156: {  	v32 =	vld [tilespmem:s10+$0x6B30]  }
0x157: {  	v33 =	vld [tilespmem:s10+$0x6B40];
	v34, _, _ =	vpop (xrf2)  }
0x158: {  	v35 =	vld [tilespmem:s10+$0x6B50];
	v8 =	vbroadcast v34, $0xF  }
0x159: {  	v36 =	vld [tilespmem:s10+$0x6B60]  }
0x15a: {  	v16 =	vld [tilespmem:s10+$0x6B70];
	[tilespmem:s8+$0x18093] =	vst.msk $0x1, v8  }
0x15b: {  	v38 =	vld [tilespmem:s10+$0x6B80]  }
0x15c: {  	v37 =	vmul.f32 v29, v6;
	v10 =	vmul.f32 v30, v7;
	v39 =	vld [tilespmem:s10+$0x6B90]  }
0x15d: {  	v11 =	vmul.f32 v31, v4;
	v9 =	vmul.f32 v32, v5;
	v40 =	vld [tilespmem:s10+$0x6BA0]  }
0x15e: {  	v13 =	vmul.f32 v33, v0;
	v14 =	vmul.f32 v35, v1;
	v41 =	vld [tilespmem:s10+$0x6BB0]  }
0x15f: {  	v15 =	vmul.f32 v36, v2;
	v16 =	vmul.f32 v16, v3;
	v42 =	vld [tilespmem:s10+$0x6BC0];
	v43, _, _ =	vpop (xrf2)  }
0x160: {  	v44 =	vld [tilespmem:s10+$0x6BD0];
	v8 =	vadd.f32 v10, v37;
	v9 =	vadd.f32 v9, v11;
	v10 =	vbroadcast v43, $0xF  }
0x161: {  	v46 =	vld [tilespmem:s10+$0x6BE0];
	v13 =	vadd.f32 v14, v13;
	v45 =	vadd.f32 v16, v15  }
0x162: {  	v47 =	vld [tilespmem:s10+$0x6BF0];
	[tilespmem:s8+$0x18094] =	vst.msk $0x1, v10  }
0x163: {  	v8 =	vadd.f32 v9, v8;
	v48 =	vadd.f32 v45, v13;
	v51 =	vld [tilespmem:s10+$0x6C00]  }
0x164: {  	v49 =	vmul.f32 v38, v6;
	v50 =	vmul.f32 v39, v7;
	v54 =	vld [tilespmem:s10+$0x6C10]  }
0x165: {  	v8 =	vadd.f32 v48, v8;
	v52 =	vmul.f32 v40, v4;
	v53 =	vmul.f32 v41, v5;
	v56 =	vld [tilespmem:s10+$0x6C20]  }
0x166: {  	v55 =	vmul.f32 v42, v0;
	v11 =	vmul.f32 v44, v1;
	v57 =	vld [tilespmem:s10+$0x6C30]  }
0x167: {  	v15 =	vmul.f32 v46, v2;
	v16 =	vmul.f32 v47, v3;
	v58 =	vld [tilespmem:s10+$0x6C40];
	(xrf2) =	vadd.scan.msk.f32 $0xffff, v8  }
0x168: {  	v60 =	vld [tilespmem:s10+$0x6C50];
	v9 =	vadd.f32 v50, v49;
	v59 =	vadd.f32 v53, v52  }
0x169: {  	v62 =	vld [tilespmem:s10+$0x6C60];
	v8 =	vadd.f32 v11, v55;
	v61 =	vadd.f32 v16, v15  }
0x16a: {  	v63 =	vld [tilespmem:s10+$0x6C70]  }
0x16b: {  	v9 =	vadd.f32 v59, v9;
	v8 =	vadd.f32 v61, v8  }
0x16c: {  	v21 =	vmul.f32 v51, v6;
	v22 =	vmul.f32 v54, v7  }
0x16d: {  	v8 =	vadd.f32 v8, v9;
	v23 =	vmul.f32 v56, v4;
	v24 =	vmul.f32 v57, v5  }
0x16e: {  	v25 =	vmul.f32 v58, v0;
	v13 =	vmul.f32 v60, v1  }
0x16f: {  	v14 =	vmul.f32 v62, v2;
	v15 =	vmul.f32 v63, v3;
	(xrf2) =	vadd.scan.msk.f32 $0xffff, v8  }
0x170: {  	v9 =	vadd.f32 v22, v21;
	v27 =	vadd.f32 v24, v23  }
0x171: {  	v8 =	vadd.f32 v13, v25;
	v28 =	vadd.f32 v15, v14;
	v26, _, _ =	vpop (xrf2)  }
0x172: {  	v16 =	vbroadcast v26, $0xF  }
0x173: {  	v9 =	vadd.f32 v27, v9;
	v8 =	vadd.f32 v28, v8  }
0x174: {  	[tilespmem:s8+$0x18095] =	vst.msk $0x1, v16  }
0x175: {  	v8 =	vadd.f32 v8, v9;
	v29 =	vld [tilespmem:s10+$0x6C80]  }
0x176: {  	v30 =	vld [tilespmem:s10+$0x6C90]  }
0x177: {  	(xrf2) =	vadd.scan.msk.f32 $0xffff, v8;
	v31 =	vld [tilespmem:s10+$0x6CA0]  }
0x178: {  	v32 =	vld [tilespmem:s10+$0x6CB0]  }
0x179: {  	v33 =	vld [tilespmem:s10+$0x6CC0];
	v34, _, _ =	vpop (xrf2)  }
0x17a: {  	v35 =	vld [tilespmem:s10+$0x6CD0];
	v8 =	vbroadcast v34, $0xF  }
0x17b: {  	v36 =	vld [tilespmem:s10+$0x6CE0]  }
0x17c: {  	v16 =	vld [tilespmem:s10+$0x6CF0];
	[tilespmem:s8+$0x18096] =	vst.msk $0x1, v8  }
0x17d: {  	v38 =	vld [tilespmem:s10+$0x6D00]  }
0x17e: {  	v37 =	vmul.f32 v29, v6;
	v10 =	vmul.f32 v30, v7;
	v39 =	vld [tilespmem:s10+$0x6D10]  }
0x17f: {  	v11 =	vmul.f32 v31, v4;
	v9 =	vmul.f32 v32, v5;
	v40 =	vld [tilespmem:s10+$0x6D20]  }
0x180: {  	v13 =	vmul.f32 v33, v0;
	v14 =	vmul.f32 v35, v1;
	v41 =	vld [tilespmem:s10+$0x6D30]  }
0x181: {  	v15 =	vmul.f32 v36, v2;
	v16 =	vmul.f32 v16, v3;
	v42 =	vld [tilespmem:s10+$0x6D40];
	v43, _, _ =	vpop (xrf2)  }
0x182: {  	v44 =	vld [tilespmem:s10+$0x6D50];
	v8 =	vadd.f32 v10, v37;
	v9 =	vadd.f32 v9, v11;
	v10 =	vbroadcast v43, $0xF  }
0x183: {  	v46 =	vld [tilespmem:s10+$0x6D60];
	v13 =	vadd.f32 v14, v13;
	v45 =	vadd.f32 v16, v15  }
0x184: {  	v47 =	vld [tilespmem:s10+$0x6D70];
	[tilespmem:s8+$0x18097] =	vst.msk $0x1, v10  }
0x185: {  	v8 =	vadd.f32 v9, v8;
	v48 =	vadd.f32 v45, v13;
	v51 =	vld [tilespmem:s10+$0x6D80]  }
0x186: {  	v49 =	vmul.f32 v38, v6;
	v50 =	vmul.f32 v39, v7;
	v54 =	vld [tilespmem:s10+$0x6D90]  }
0x187: {  	v8 =	vadd.f32 v48, v8;
	v52 =	vmul.f32 v40, v4;
	v53 =	vmul.f32 v41, v5;
	v56 =	vld [tilespmem:s10+$0x6DA0]  }
0x188: {  	v55 =	vmul.f32 v42, v0;
	v11 =	vmul.f32 v44, v1;
	v57 =	vld [tilespmem:s10+$0x6DB0]  }
0x189: {  	v15 =	vmul.f32 v46, v2;
	v16 =	vmul.f32 v47, v3;
	v58 =	vld [tilespmem:s10+$0x6DC0];
	(xrf2) =	vadd.scan.msk.f32 $0xffff, v8  }
0x18a: {  	v60 =	vld [tilespmem:s10+$0x6DD0];
	v9 =	vadd.f32 v50, v49;
	v59 =	vadd.f32 v53, v52  }
0x18b: {  	v62 =	vld [tilespmem:s10+$0x6DE0];
	v8 =	vadd.f32 v11, v55;
	v61 =	vadd.f32 v16, v15  }
0x18c: {  	v63 =	vld [tilespmem:s10+$0x6DF0]  }
0x18d: {  	v9 =	vadd.f32 v59, v9;
	v8 =	vadd.f32 v61, v8  }
0x18e: {  	v21 =	vmul.f32 v51, v6;
	v22 =	vmul.f32 v54, v7  }
0x18f: {  	v8 =	vadd.f32 v8, v9;
	v23 =	vmul.f32 v56, v4;
	v24 =	vmul.f32 v57, v5  }
0x190: {  	v25 =	vmul.f32 v58, v0;
	v13 =	vmul.f32 v60, v1  }
0x191: {  	v14 =	vmul.f32 v62, v2;
	v15 =	vmul.f32 v63, v3;
	(xrf2) =	vadd.scan.msk.f32 $0xffff, v8  }
0x192: {  	v9 =	vadd.f32 v22, v21;
	v27 =	vadd.f32 v24, v23  }
0x193: {  	v8 =	vadd.f32 v13, v25;
	v28 =	vadd.f32 v15, v14;
	v26, _, _ =	vpop (xrf2)  }
0x194: {  	v16 =	vbroadcast v26, $0xF  }
0x195: {  	v9 =	vadd.f32 v27, v9;
	v8 =	vadd.f32 v28, v8  }
0x196: {  	[tilespmem:s8+$0x18098] =	vst.msk $0x1, v16  }
0x197: {  	v8 =	vadd.f32 v8, v9;
	v29 =	vld [tilespmem:s10+$0x6E00]  }
0x198: {  	v30 =	vld [tilespmem:s10+$0x6E10]  }
0x199: {  	(xrf2) =	vadd.scan.msk.f32 $0xffff, v8;
	v31 =	vld [tilespmem:s10+$0x6E20]  }
0x19a: {  	v32 =	vld [tilespmem:s10+$0x6E30]  }
0x19b: {  	v33 =	vld [tilespmem:s10+$0x6E40];
	v34, _, _ =	vpop (xrf2)  }
0x19c: {  	v35 =	vld [tilespmem:s10+$0x6E50];
	v8 =	vbroadcast v34, $0xF  }
0x19d: {  	v36 =	vld [tilespmem:s10+$0x6E60]  }
0x19e: {  	v16 =	vld [tilespmem:s10+$0x6E70];
	[tilespmem:s8+$0x18099] =	vst.msk $0x1, v8  }
0x19f: {  	v38 =	vld [tilespmem:s10+$0x6E80]  }
0x1a0: {  	v37 =	vmul.f32 v29, v6;
	v10 =	vmul.f32 v30, v7;
	v39 =	vld [tilespmem:s10+$0x6E90]  }
0x1a1: {  	v11 =	vmul.f32 v31, v4;
	v9 =	vmul.f32 v32, v5;
	v40 =	vld [tilespmem:s10+$0x6EA0]  }
0x1a2: {  	v13 =	vmul.f32 v33, v0;
	v14 =	vmul.f32 v35, v1;
	v41 =	vld [tilespmem:s10+$0x6EB0]  }
0x1a3: {  	v15 =	vmul.f32 v36, v2;
	v16 =	vmul.f32 v16, v3;
	v42 =	vld [tilespmem:s10+$0x6EC0];
	v43, _, _ =	vpop (xrf2)  }
0x1a4: {  	v44 =	vld [tilespmem:s10+$0x6ED0];
	v8 =	vadd.f32 v10, v37;
	v9 =	vadd.f32 v9, v11;
	v10 =	vbroadcast v43, $0xF  }
0x1a5: {  	v46 =	vld [tilespmem:s10+$0x6EE0];
	v13 =	vadd.f32 v14, v13;
	v45 =	vadd.f32 v16, v15  }
0x1a6: {  	v47 =	vld [tilespmem:s10+$0x6EF0];
	[tilespmem:s8+$0x1809A] =	vst.msk $0x1, v10  }
0x1a7: {  	v8 =	vadd.f32 v9, v8;
	v48 =	vadd.f32 v45, v13;
	v51 =	vld [tilespmem:s10+$0x6F00]  }
0x1a8: {  	v49 =	vmul.f32 v38, v6;
	v50 =	vmul.f32 v39, v7;
	v54 =	vld [tilespmem:s10+$0x6F10]  }
0x1a9: {  	v8 =	vadd.f32 v48, v8;
	v52 =	vmul.f32 v40, v4;
	v53 =	vmul.f32 v41, v5;
	v56 =	vld [tilespmem:s10+$0x6F20]  }
0x1aa: {  	v55 =	vmul.f32 v42, v0;
	v11 =	vmul.f32 v44, v1;
	v57 =	vld [tilespmem:s10+$0x6F30]  }
0x1ab: {  	v15 =	vmul.f32 v46, v2;
	v16 =	vmul.f32 v47, v3;
	v58 =	vld [tilespmem:s10+$0x6F40];
	(xrf2) =	vadd.scan.msk.f32 $0xffff, v8  }
0x1ac: {  	v60 =	vld [tilespmem:s10+$0x6F50];
	v9 =	vadd.f32 v50, v49;
	v59 =	vadd.f32 v53, v52  }
0x1ad: {  	v62 =	vld [tilespmem:s10+$0x6F60];
	v8 =	vadd.f32 v11, v55;
	v61 =	vadd.f32 v16, v15  }
0x1ae: {  	v63 =	vld [tilespmem:s10+$0x6F70]  }
0x1af: {  	v9 =	vadd.f32 v59, v9;
	v8 =	vadd.f32 v61, v8  }
0x1b0: {  	v21 =	vmul.f32 v51, v6;
	v22 =	vmul.f32 v54, v7  }
0x1b1: {  	v8 =	vadd.f32 v8, v9;
	v23 =	vmul.f32 v56, v4;
	v24 =	vmul.f32 v57, v5  }
0x1b2: {  	v25 =	vmul.f32 v58, v0;
	v13 =	vmul.f32 v60, v1  }
0x1b3: {  	v14 =	vmul.f32 v62, v2;
	v15 =	vmul.f32 v63, v3;
	(xrf2) =	vadd.scan.msk.f32 $0xffff, v8  }
0x1b4: {  	v9 =	vadd.f32 v22, v21;
	v27 =	vadd.f32 v24, v23  }
0x1b5: {  	v8 =	vadd.f32 v13, v25;
	v28 =	vadd.f32 v15, v14;
	v26, _, _ =	vpop (xrf2)  }
0x1b6: {  	v16 =	vbroadcast v26, $0xF  }
0x1b7: {  	v9 =	vadd.f32 v27, v9;
	v8 =	vadd.f32 v28, v8  }
0x1b8: {  	[tilespmem:s8+$0x1809B] =	vst.msk $0x1, v16  }
0x1b9: {  	v8 =	vadd.f32 v8, v9;
	v29 =	vld [tilespmem:s10+$0x6F80]  }
0x1ba: {  	v30 =	vld [tilespmem:s10+$0x6F90]  }
0x1bb: {  	(xrf2) =	vadd.scan.msk.f32 $0xffff, v8;
	v31 =	vld [tilespmem:s10+$0x6FA0]  }
0x1bc: {  	v32 =	vld [tilespmem:s10+$0x6FB0]  }
0x1bd: {  	v33 =	vld [tilespmem:s10+$0x6FC0];
	v34, _, _ =	vpop (xrf2)  }
0x1be: {  	v35 =	vld [tilespmem:s10+$0x6FD0];
	v8 =	vbroadcast v34, $0xF  }
0x1bf: {  	v36 =	vld [tilespmem:s10+$0x6FE0]  }
0x1c0: {  	v16 =	vld [tilespmem:s10+$0x6FF0];
	[tilespmem:s8+$0x1809C] =	vst.msk $0x1, v8  }
0x1c1: {  	v38 =	vld [tilespmem:s10+$0x7000]  }
0x1c2: {  	v37 =	vmul.f32 v29, v6;
	v10 =	vmul.f32 v30, v7;
	v39 =	vld [tilespmem:s10+$0x7010]  }
0x1c3: {  	v11 =	vmul.f32 v31, v4;
	v9 =	vmul.f32 v32, v5;
	v40 =	vld [tilespmem:s10+$0x7020]  }
0x1c4: {  	v13 =	vmul.f32 v33, v0;
	v14 =	vmul.f32 v35, v1;
	v41 =	vld [tilespmem:s10+$0x7030]  }
0x1c5: {  	v15 =	vmul.f32 v36, v2;
	v16 =	vmul.f32 v16, v3;
	v42 =	vld [tilespmem:s10+$0x7040];
	v43, _, _ =	vpop (xrf2)  }
0x1c6: {  	v44 =	vld [tilespmem:s10+$0x7050];
	v8 =	vadd.f32 v10, v37;
	v9 =	vadd.f32 v9, v11;
	v10 =	vbroadcast v43, $0xF  }
0x1c7: {  	v46 =	vld [tilespmem:s10+$0x7060];
	v13 =	vadd.f32 v14, v13;
	v45 =	vadd.f32 v16, v15  }
0x1c8: {  	v47 =	vld [tilespmem:s10+$0x7070];
	[tilespmem:s8+$0x1809D] =	vst.msk $0x1, v10  }
0x1c9: {  	v8 =	vadd.f32 v9, v8;
	v48 =	vadd.f32 v45, v13;
	v51 =	vld [tilespmem:s10+$0x7080]  }
0x1ca: {  	v49 =	vmul.f32 v38, v6;
	v50 =	vmul.f32 v39, v7;
	v54 =	vld [tilespmem:s10+$0x7090]  }
0x1cb: {  	v8 =	vadd.f32 v48, v8;
	v52 =	vmul.f32 v40, v4;
	v53 =	vmul.f32 v41, v5;
	v56 =	vld [tilespmem:s10+$0x70A0]  }
0x1cc: {  	v55 =	vmul.f32 v42, v0;
	v11 =	vmul.f32 v44, v1;
	v57 =	vld [tilespmem:s10+$0x70B0]  }
0x1cd: {  	v15 =	vmul.f32 v46, v2;
	v16 =	vmul.f32 v47, v3;
	v58 =	vld [tilespmem:s10+$0x70C0];
	(xrf2) =	vadd.scan.msk.f32 $0xffff, v8  }
0x1ce: {  	v60 =	vld [tilespmem:s10+$0x70D0];
	v9 =	vadd.f32 v50, v49;
	v59 =	vadd.f32 v53, v52  }
0x1cf: {  	v62 =	vld [tilespmem:s10+$0x70E0];
	v8 =	vadd.f32 v11, v55;
	v61 =	vadd.f32 v16, v15  }
0x1d0: {  	v63 =	vld [tilespmem:s10+$0x70F0]  }
0x1d1: {  	v9 =	vadd.f32 v59, v9;
	v8 =	vadd.f32 v61, v8  }
0x1d2: {  	v21 =	vmul.f32 v51, v6;
	v22 =	vmul.f32 v54, v7  }
0x1d3: {  	v8 =	vadd.f32 v8, v9;
	v23 =	vmul.f32 v56, v4;
	v24 =	vmul.f32 v57, v5  }
0x1d4: {  	v25 =	vmul.f32 v58, v0;
	v13 =	vmul.f32 v60, v1  }
0x1d5: {  	v14 =	vmul.f32 v62, v2;
	v15 =	vmul.f32 v63, v3;
	(xrf2) =	vadd.scan.msk.f32 $0xffff, v8  }
0x1d6: {  	v9 =	vadd.f32 v22, v21;
	v27 =	vadd.f32 v24, v23  }
0x1d7: {  	v8 =	vadd.f32 v13, v25;
	v28 =	vadd.f32 v15, v14;
	v26, _, _ =	vpop (xrf2)  }
0x1d8: {  	v16 =	vbroadcast v26, $0xF  }
0x1d9: {  	v9 =	vadd.f32 v27, v9;
	v8 =	vadd.f32 v28, v8  }
0x1da: {  	[tilespmem:s8+$0x1809E] =	vst.msk $0x1, v16  }
0x1db: {  	v8 =	vadd.f32 v8, v9;
	v29 =	vld [tilespmem:s10+$0x7100]  }
0x1dc: {  	v30 =	vld [tilespmem:s10+$0x7110]  }
0x1dd: {  	(xrf2) =	vadd.scan.msk.f32 $0xffff, v8;
	v31 =	vld [tilespmem:s10+$0x7120]  }
0x1de: {  	v32 =	vld [tilespmem:s10+$0x7130]  }
0x1df: {  	v33 =	vld [tilespmem:s10+$0x7140];
	v34, _, _ =	vpop (xrf2)  }
0x1e0: {  	v35 =	vld [tilespmem:s10+$0x7150];
	v8 =	vbroadcast v34, $0xF  }
0x1e1: {  	v36 =	vld [tilespmem:s10+$0x7160]  }
0x1e2: {  	v16 =	vld [tilespmem:s10+$0x7170];
	[tilespmem:s8+$0x1809F] =	vst.msk $0x1, v8  }
0x1e3: {  	v8 =	vld [tilespmem:s10+$0x7180]  }
0x1e4: {  	v37 =	vld [tilespmem:s10+$0x7190]  }
0x1e5: {  	v38 =	vld [tilespmem:s10+$0x71A0]  }
0x1e6: {  	v39 =	vld [tilespmem:s10+$0x71B0]  }
0x1e7: {  	v40 =	vld [tilespmem:s10+$0x71C0];
	v21, _, _ =	vpop (xrf2)  }
0x1e8: {  	v22 =	vld [tilespmem:s10+$0x71D0];
	v21 =	vbroadcast v21, $0xF  }
0x1e9: {  	v23 =	vld [tilespmem:s10+$0x71E0]  }
0x1ea: {  	v12 =	vmul.f32 v29, v6;
	v10 =	vmul.f32 v30, v7;
	v24 =	vld [tilespmem:s10+$0x71F0];
	[tilespmem:s8+$0x180A0] =	vst.msk $0x1, v21  }
0x1eb: {  	v11 =	vmul.f32 v31, v4;
	v9 =	vmul.f32 v32, v5;
	v21 =	vld [tilespmem:s10+$0x7200]  }
0x1ec: {  	v13 =	vmul.f32 v33, v0;
	v14 =	vmul.f32 v35, v1;
	v25 =	vld [tilespmem:s10+$0x7210]  }
0x1ed: {  	v15 =	vmul.f32 v36, v2;
	v16 =	vmul.f32 v16, v3;
	v26 =	vld [tilespmem:s10+$0x7220]  }
0x1ee: {  	v10 =	vadd.f32 v10, v12;
	v9 =	vadd.f32 v9, v11;
	v41 =	vld [tilespmem:s10+$0x7230]  }
0x1ef: {  	v42 =	vadd.f32 v14, v13;
	v43 =	vadd.f32 v16, v15;
	v44 =	vld [tilespmem:s10+$0x7240]  }
0x1f0: {  	v9 =	vadd.f32 v9, v10;
	v8 =	vmul.f32 v8, v6;
	v45 =	vmul.f32 v37, v7;
	v46 =	vld [tilespmem:s10+$0x7250]  }
0x1f1: {  	v12 =	vadd.f32 v43, v42;
	v47 =	vmul.f32 v38, v4;
	v48 =	vmul.f32 v39, v5;
	v49 =	vld [tilespmem:s10+$0x7260]  }
0x1f2: {  	v50 =	vmul.f32 v40, v0;
	v51 =	vmul.f32 v22, v1;
	v52 =	vld [tilespmem:s10+$0x7270]  }
0x1f3: {  	v9 =	vadd.f32 v12, v9;
	v53 =	vmul.f32 v23, v2;
	v54 =	vmul.f32 v24, v3  }
0x1f4: {  	v8 =	vadd.f32 v45, v8;
	v6 =	vmul.f32 v21, v6;
	v7 =	vmul.f32 v25, v7  }
0x1f5: {  	v55 =	vadd.f32 v48, v47;
	v4 =	vmul.f32 v26, v4;
	v5 =	vmul.f32 v41, v5  }
0x1f6: {  	v56 =	vadd.f32 v51, v50;
	v0 =	vmul.f32 v44, v0;
	v1 =	vmul.f32 v46, v1  }
0x1f7: {  	v12 =	vadd.f32 v54, v53;
	v2 =	vmul.f32 v49, v2;
	v3 =	vmul.f32 v52, v3  }
0x1f8: {  	v6 =	vadd.f32 v7, v6;
	v4 =	vadd.f32 v5, v4  }
0x1f9: {  	v0 =	vadd.f32 v1, v0;
	v57 =	vadd.f32 v3, v2  }
0x1fa: {  	v58 =	vadd.f32 v55, v8;
	v59 =	vadd.f32 v12, v56  }
0x1fb: {  	v4 =	vadd.f32 v4, v6;
	v0 =	vadd.f32 v57, v0  }
0x1fc: {  	v60 =	vadd.f32 v59, v58  }
0x1fd: {  	(xrf2) =	vadd.scan.msk.f32 $0xffff, v9;
	v0 =	vadd.f32 v0, v4  }
0x1fe: {  	(xrf2) =	vadd.scan.msk.f32 $0xffff, v60  }
0x1ff: {  	(xrf2) =	vadd.scan.msk.f32 $0xffff, v0;
	_ =	sdelay $0x7  }
0x200: {  	p0 =	sne.s32 s6, $0x7;
	v61, _, _ =	vpop (xrf2)  }
.Ltmp2:
0x201: {  	v0 =	vbroadcast v61, $0xF;
	v1, _, _ =	vpop (xrf2);
	(pc) =	sbr.rel @p0 .LBB2_3-.Ltmp2, $4  }
0x202: {  	v1 =	vbroadcast v1, $0xF;
	v62, _, _ =	vpop (xrf2)  }
0x203: {  	[tilespmem:s8+$0x180A1] =	vst.msk $0x1, v0;
	v63 =	vbroadcast v62, $0xF  }
0x204: {  	[tilespmem:s8+$0x180A2] =	vst.msk $0x1, v1  }
0x205: {  	s6 =	sadd.s32 $0x1, s6;
	[tilespmem:s8+$0x180A3] =	vst.msk $0x1, v63  }
0x206: {  	s6 =	sshll.u32 s5, $0xC;
	p0 =	seq.s32 s5, $0x7  }
0x207: {  	s7 =	sshrl.u32 @!p0 s6, $0x2  }
0x208: {  	s9 =	simm.s32 @!p0 $0x60;
	s10 =	simm.s32 @!p0 $0x6080;
	s8 =	sadd.s32 @!p0 $0x400, s7  }
0x209: {  	[tilespmem:s10], [sflag:$0x2] =	stream.indirect.gather @!p0 [hbm4b:s2+s9], $0x80, s8, s9, $0xb8;
	[tilespmem:$0x19300] =	vst v63  }
0x20a: {  	s8 =	sadd.s32 @!p0 $0x480, s7;
	s10 =	simm.s32 @!p0 $0x9080  }
0x20b: {  	[tilespmem:s10], [sflag:$0x2] =	stream.indirect.gather @!p0 [hbm4b:s2+s9], $0x80, s8, s9, $0xb8;
	[tilespmem:$0x19300] =	vst v63  }
0x20c: {  	s7 =	sadd.s32 @!p0 $0x500, s7;
	s8 =	simm.s32 @!p0 $0xC080  }
0x20d: {  	[tilespmem:s8], [sflag:$0x2] =	stream.indirect.gather @!p0 [hbm4b:s2+s9], $0x80, s7, s9, $0xb8;
	[tilespmem:$0x19300] =	vst v63  }
0x20e: {  	_ =	swait.ge [sflag:s24], $0x9000  }
0x20f: {  	[sflag:s24] =	ssyncset.done $0x0  }
0x210: {  	s0 =	sor.u32 $0x8, s0;
	s7 =	simm.s32 $0x0;
	[sflag:s24] =	ssyncadd.s32 $0xFFFF7000  }
.LBB2_5:
0x211: {  	s9 =	sadd.s32 s0, s7  }
0x212: {  	s8 =	sshll.u32 s9, $0x7  }
0x213: {  	s8 =	sand.u32 $0x3FFFFF80, s8  }
0x214: {  	v6 =	vld [tilespmem:s8+$0x2080]  }
0x215: {  	v7 =	vld [tilespmem:s8+$0x2090]  }
0x216: {  	v4 =	vld [tilespmem:s8+$0x20A0]  }
0x217: {  	v5 =	vld [tilespmem:s8+$0x20B0]  }
0x218: {  	v0 =	vld [tilespmem:s8+$0x20C0]  }
0x219: {  	s10 =	smul.u32 $0x4800, s7;
	v1 =	vld [tilespmem:s8+$0x20D0]  }
0x21a: {  	v2 =	vld [tilespmem:s8+$0x20E0]  }
0x21b: {  	s10 =	sshra.s32 s10, $0x2;
	v3 =	vld [tilespmem:s8+$0x20F0]  }
0x21c: {  	v8 =	vld [tilespmem:s10+$0xF080]  }
0x21d: {  	v9 =	vld [tilespmem:s10+$0xF090]  }
0x21e: {  	v10 =	vld [tilespmem:s10+$0xF0A0]  }
0x21f: {  	v11 =	vld [tilespmem:s10+$0xF0B0]  }
0x220: {  	v12 =	vld [tilespmem:s10+$0xF0C0]  }
0x221: {  	v13 =	vld [tilespmem:s10+$0xF0D0]  }
0x222: {  	v14 =	vld [tilespmem:s10+$0xF0E0]  }
0x223: {  	v15 =	vld [tilespmem:s10+$0xF0F0]  }
0x224: {  	v16 =	vld [tilespmem:s10+$0xF100]  }
0x225: {  	v17 =	vld [tilespmem:s10+$0xF110];
	v8 =	vmul.f32 v8, v6;
	v9 =	vmul.f32 v9, v7  }
0x226: {  	v18 =	vld [tilespmem:s10+$0xF120];
	v10 =	vmul.f32 v10, v4;
	v11 =	vmul.f32 v11, v5  }
0x227: {  	v19 =	vld [tilespmem:s10+$0xF130];
	v12 =	vmul.f32 v12, v0;
	v13 =	vmul.f32 v13, v1  }
0x228: {  	v20 =	vld [tilespmem:s10+$0xF140];
	v14 =	vmul.f32 v14, v2;
	v15 =	vmul.f32 v15, v3  }
0x229: {  	v43 =	vld [tilespmem:s10+$0xF150];
	v8 =	vadd.f32 v9, v8;
	v42 =	vadd.f32 v11, v10  }
0x22a: {  	v46 =	vld [tilespmem:s10+$0xF160];
	v44 =	vadd.f32 v13, v12;
	v45 =	vadd.f32 v15, v14  }
0x22b: {  	v47 =	vld [tilespmem:s10+$0xF170]  }
0x22c: {  	v51 =	vld [tilespmem:s10+$0xF180];
	v8 =	vadd.f32 v42, v8;
	v48 =	vadd.f32 v45, v44  }
0x22d: {  	v54 =	vld [tilespmem:s10+$0xF190];
	v49 =	vmul.f32 v16, v6;
	v50 =	vmul.f32 v17, v7  }
0x22e: {  	v56 =	vld [tilespmem:s10+$0xF1A0];
	v52 =	vmul.f32 v18, v4;
	v53 =	vmul.f32 v19, v5;
	v8 =	vadd.f32 v48, v8  }
0x22f: {  	v57 =	vld [tilespmem:s10+$0xF1B0];
	v55 =	vmul.f32 v20, v0;
	v10 =	vmul.f32 v43, v1  }
0x230: {  	v58 =	vld [tilespmem:s10+$0xF1C0];
	v13 =	vmul.f32 v46, v2;
	v14 =	vmul.f32 v47, v3;
	(xrf2) =	vadd.scan.msk.f32 $0xffff, v8  }
0x231: {  	v62 =	vld [tilespmem:s10+$0xF1E0];
	v9 =	vadd.f32 v50, v49;
	v59 =	vadd.f32 v53, v52  }
0x232: {  	v63 =	vld [tilespmem:s10+$0xF1F0];
	v61 =	vadd.f32 v14, v13;
	v8 =	vadd.f32 v10, v55  }
0x233: {  	v60 =	vld [tilespmem:s10+$0xF1D0]  }
0x234: {  	v9 =	vadd.f32 v59, v9;
	v8 =	vadd.f32 v61, v8  }
0x235: {  	v21 =	vmul.f32 v51, v6;
	v22 =	vmul.f32 v54, v7  }
0x236: {  	v23 =	vmul.f32 v56, v4;
	v24 =	vmul.f32 v57, v5;
	v8 =	vadd.f32 v8, v9  }
0x237: {  	v13 =	vmul.f32 v62, v2;
	v14 =	vmul.f32 v63, v3  }
0x238: {  	v25 =	vmul.f32 v58, v0;
	v15 =	vmul.f32 v60, v1;
	(xrf2) =	vadd.scan.msk.f32 $0xffff, v8  }
0x239: {  	v27 =	vadd.f32 v24, v23;
	v28 =	vadd.f32 v14, v13  }
0x23a: {  	s9 =	smul.u32 $0x90, s9;
	v9 =	vadd.f32 v22, v21;
	v8 =	vadd.f32 v15, v25;
	v26, _, _ =	vpop (xrf2)  }
0x23b: {  	v16 =	vbroadcast v26, $0xF  }
0x23c: {  	s9 =	sshra.s32 s9, $0x2;
	v9 =	vadd.f32 v27, v9;
	v8 =	vadd.f32 v28, v8  }
0x23d: {  	[tilespmem:s9+$0x18080] =	vst.msk $0x1, v16  }
0x23e: {  	v8 =	vadd.f32 v8, v9;
	v29 =	vld [tilespmem:s10+$0xF200]  }
0x23f: {  	v30 =	vld [tilespmem:s10+$0xF210]  }
0x240: {  	(xrf2) =	vadd.scan.msk.f32 $0xffff, v8;
	v31 =	vld [tilespmem:s10+$0xF220]  }
0x241: {  	v32 =	vld [tilespmem:s10+$0xF230]  }
0x242: {  	v33 =	vld [tilespmem:s10+$0xF240];
	v34, _, _ =	vpop (xrf2)  }
0x243: {  	v35 =	vld [tilespmem:s10+$0xF250];
	v8 =	vbroadcast v34, $0xF  }
0x244: {  	v36 =	vld [tilespmem:s10+$0xF260]  }
0x245: {  	v16 =	vld [tilespmem:s10+$0xF270];
	[tilespmem:s9+$0x18081] =	vst.msk $0x1, v8  }
0x246: {  	v38 =	vld [tilespmem:s10+$0xF280]  }
0x247: {  	v37 =	vmul.f32 v29, v6;
	v10 =	vmul.f32 v30, v7;
	v39 =	vld [tilespmem:s10+$0xF290]  }
0x248: {  	v11 =	vmul.f32 v31, v4;
	v9 =	vmul.f32 v32, v5;
	v40 =	vld [tilespmem:s10+$0xF2A0]  }
0x249: {  	v13 =	vmul.f32 v33, v0;
	v14 =	vmul.f32 v35, v1;
	v41 =	vld [tilespmem:s10+$0xF2B0]  }
0x24a: {  	v15 =	vmul.f32 v36, v2;
	v16 =	vmul.f32 v16, v3;
	v42 =	vld [tilespmem:s10+$0xF2C0];
	v43, _, _ =	vpop (xrf2)  }
0x24b: {  	v44 =	vld [tilespmem:s10+$0xF2D0];
	v8 =	vadd.f32 v10, v37;
	v9 =	vadd.f32 v9, v11;
	v10 =	vbroadcast v43, $0xF  }
0x24c: {  	v46 =	vld [tilespmem:s10+$0xF2E0];
	v13 =	vadd.f32 v14, v13;
	v45 =	vadd.f32 v16, v15  }
0x24d: {  	v47 =	vld [tilespmem:s10+$0xF2F0];
	[tilespmem:s9+$0x18082] =	vst.msk $0x1, v10  }
0x24e: {  	v8 =	vadd.f32 v9, v8;
	v48 =	vadd.f32 v45, v13;
	v51 =	vld [tilespmem:s10+$0xF300]  }
0x24f: {  	v49 =	vmul.f32 v38, v6;
	v50 =	vmul.f32 v39, v7;
	v54 =	vld [tilespmem:s10+$0xF310]  }
0x250: {  	v8 =	vadd.f32 v48, v8;
	v52 =	vmul.f32 v40, v4;
	v53 =	vmul.f32 v41, v5;
	v56 =	vld [tilespmem:s10+$0xF320]  }
0x251: {  	v55 =	vmul.f32 v42, v0;
	v11 =	vmul.f32 v44, v1;
	v57 =	vld [tilespmem:s10+$0xF330]  }
0x252: {  	v15 =	vmul.f32 v46, v2;
	v16 =	vmul.f32 v47, v3;
	v58 =	vld [tilespmem:s10+$0xF340];
	(xrf2) =	vadd.scan.msk.f32 $0xffff, v8  }
0x253: {  	v60 =	vld [tilespmem:s10+$0xF350];
	v9 =	vadd.f32 v50, v49;
	v59 =	vadd.f32 v53, v52  }
0x254: {  	v62 =	vld [tilespmem:s10+$0xF360];
	v8 =	vadd.f32 v11, v55;
	v61 =	vadd.f32 v16, v15  }
0x255: {  	v63 =	vld [tilespmem:s10+$0xF370]  }
0x256: {  	v9 =	vadd.f32 v59, v9;
	v8 =	vadd.f32 v61, v8  }
0x257: {  	v21 =	vmul.f32 v51, v6;
	v22 =	vmul.f32 v54, v7  }
0x258: {  	v8 =	vadd.f32 v8, v9;
	v23 =	vmul.f32 v56, v4;
	v24 =	vmul.f32 v57, v5  }
0x259: {  	v25 =	vmul.f32 v58, v0;
	v13 =	vmul.f32 v60, v1  }
0x25a: {  	v14 =	vmul.f32 v62, v2;
	v15 =	vmul.f32 v63, v3;
	(xrf2) =	vadd.scan.msk.f32 $0xffff, v8  }
0x25b: {  	v9 =	vadd.f32 v22, v21;
	v27 =	vadd.f32 v24, v23  }
0x25c: {  	v8 =	vadd.f32 v13, v25;
	v28 =	vadd.f32 v15, v14;
	v26, _, _ =	vpop (xrf2)  }
0x25d: {  	v16 =	vbroadcast v26, $0xF  }
0x25e: {  	v9 =	vadd.f32 v27, v9;
	v8 =	vadd.f32 v28, v8  }
0x25f: {  	[tilespmem:s9+$0x18083] =	vst.msk $0x1, v16  }
0x260: {  	v8 =	vadd.f32 v8, v9;
	v29 =	vld [tilespmem:s10+$0xF380]  }
0x261: {  	v30 =	vld [tilespmem:s10+$0xF390]  }
0x262: {  	(xrf2) =	vadd.scan.msk.f32 $0xffff, v8;
	v31 =	vld [tilespmem:s10+$0xF3A0]  }
0x263: {  	v32 =	vld [tilespmem:s10+$0xF3B0]  }
0x264: {  	v33 =	vld [tilespmem:s10+$0xF3C0];
	v34, _, _ =	vpop (xrf2)  }
0x265: {  	v35 =	vld [tilespmem:s10+$0xF3D0];
	v8 =	vbroadcast v34, $0xF  }
0x266: {  	v36 =	vld [tilespmem:s10+$0xF3E0]  }
0x267: {  	v16 =	vld [tilespmem:s10+$0xF3F0];
	[tilespmem:s9+$0x18084] =	vst.msk $0x1, v8  }
0x268: {  	v38 =	vld [tilespmem:s10+$0xF400]  }
0x269: {  	v37 =	vmul.f32 v29, v6;
	v10 =	vmul.f32 v30, v7;
	v39 =	vld [tilespmem:s10+$0xF410]  }
0x26a: {  	v11 =	vmul.f32 v31, v4;
	v9 =	vmul.f32 v32, v5;
	v40 =	vld [tilespmem:s10+$0xF420]  }
0x26b: {  	v13 =	vmul.f32 v33, v0;
	v14 =	vmul.f32 v35, v1;
	v41 =	vld [tilespmem:s10+$0xF430]  }
0x26c: {  	v15 =	vmul.f32 v36, v2;
	v16 =	vmul.f32 v16, v3;
	v42 =	vld [tilespmem:s10+$0xF440];
	v43, _, _ =	vpop (xrf2)  }
0x26d: {  	v44 =	vld [tilespmem:s10+$0xF450];
	v8 =	vadd.f32 v10, v37;
	v9 =	vadd.f32 v9, v11;
	v10 =	vbroadcast v43, $0xF  }
0x26e: {  	v46 =	vld [tilespmem:s10+$0xF460];
	v13 =	vadd.f32 v14, v13;
	v45 =	vadd.f32 v16, v15  }
0x26f: {  	v47 =	vld [tilespmem:s10+$0xF470];
	[tilespmem:s9+$0x18085] =	vst.msk $0x1, v10  }
0x270: {  	v8 =	vadd.f32 v9, v8;
	v48 =	vadd.f32 v45, v13;
	v51 =	vld [tilespmem:s10+$0xF480]  }
0x271: {  	v49 =	vmul.f32 v38, v6;
	v50 =	vmul.f32 v39, v7;
	v54 =	vld [tilespmem:s10+$0xF490]  }
0x272: {  	v8 =	vadd.f32 v48, v8;
	v52 =	vmul.f32 v40, v4;
	v53 =	vmul.f32 v41, v5;
	v56 =	vld [tilespmem:s10+$0xF4A0]  }
0x273: {  	v55 =	vmul.f32 v42, v0;
	v11 =	vmul.f32 v44, v1;
	v57 =	vld [tilespmem:s10+$0xF4B0]  }
0x274: {  	v15 =	vmul.f32 v46, v2;
	v16 =	vmul.f32 v47, v3;
	v58 =	vld [tilespmem:s10+$0xF4C0];
	(xrf2) =	vadd.scan.msk.f32 $0xffff, v8  }
0x275: {  	v60 =	vld [tilespmem:s10+$0xF4D0];
	v9 =	vadd.f32 v50, v49;
	v59 =	vadd.f32 v53, v52  }
0x276: {  	v62 =	vld [tilespmem:s10+$0xF4E0];
	v8 =	vadd.f32 v11, v55;
	v61 =	vadd.f32 v16, v15  }
0x277: {  	v63 =	vld [tilespmem:s10+$0xF4F0]  }
0x278: {  	v9 =	vadd.f32 v59, v9;
	v8 =	vadd.f32 v61, v8  }
0x279: {  	v21 =	vmul.f32 v51, v6;
	v22 =	vmul.f32 v54, v7  }
0x27a: {  	v8 =	vadd.f32 v8, v9;
	v23 =	vmul.f32 v56, v4;
	v24 =	vmul.f32 v57, v5  }
0x27b: {  	v25 =	vmul.f32 v58, v0;
	v13 =	vmul.f32 v60, v1  }
0x27c: {  	v14 =	vmul.f32 v62, v2;
	v15 =	vmul.f32 v63, v3;
	(xrf2) =	vadd.scan.msk.f32 $0xffff, v8  }
0x27d: {  	v9 =	vadd.f32 v22, v21;
	v27 =	vadd.f32 v24, v23  }
0x27e: {  	v8 =	vadd.f32 v13, v25;
	v28 =	vadd.f32 v15, v14;
	v26, _, _ =	vpop (xrf2)  }
0x27f: {  	v16 =	vbroadcast v26, $0xF  }
0x280: {  	v9 =	vadd.f32 v27, v9;
	v8 =	vadd.f32 v28, v8  }
0x281: {  	[tilespmem:s9+$0x18086] =	vst.msk $0x1, v16  }
0x282: {  	v8 =	vadd.f32 v8, v9;
	v29 =	vld [tilespmem:s10+$0xF500]  }
0x283: {  	v30 =	vld [tilespmem:s10+$0xF510]  }
0x284: {  	(xrf2) =	vadd.scan.msk.f32 $0xffff, v8;
	v31 =	vld [tilespmem:s10+$0xF520]  }
0x285: {  	v32 =	vld [tilespmem:s10+$0xF530]  }
0x286: {  	v33 =	vld [tilespmem:s10+$0xF540];
	v34, _, _ =	vpop (xrf2)  }
0x287: {  	v35 =	vld [tilespmem:s10+$0xF550];
	v8 =	vbroadcast v34, $0xF  }
0x288: {  	v36 =	vld [tilespmem:s10+$0xF560]  }
0x289: {  	v16 =	vld [tilespmem:s10+$0xF570];
	[tilespmem:s9+$0x18087] =	vst.msk $0x1, v8  }
0x28a: {  	v38 =	vld [tilespmem:s10+$0xF580]  }
0x28b: {  	v37 =	vmul.f32 v29, v6;
	v10 =	vmul.f32 v30, v7;
	v39 =	vld [tilespmem:s10+$0xF590]  }
0x28c: {  	v11 =	vmul.f32 v31, v4;
	v9 =	vmul.f32 v32, v5;
	v40 =	vld [tilespmem:s10+$0xF5A0]  }
0x28d: {  	v13 =	vmul.f32 v33, v0;
	v14 =	vmul.f32 v35, v1;
	v41 =	vld [tilespmem:s10+$0xF5B0]  }
0x28e: {  	v15 =	vmul.f32 v36, v2;
	v16 =	vmul.f32 v16, v3;
	v42 =	vld [tilespmem:s10+$0xF5C0];
	v43, _, _ =	vpop (xrf2)  }
0x28f: {  	v44 =	vld [tilespmem:s10+$0xF5D0];
	v8 =	vadd.f32 v10, v37;
	v9 =	vadd.f32 v9, v11;
	v10 =	vbroadcast v43, $0xF  }
0x290: {  	v46 =	vld [tilespmem:s10+$0xF5E0];
	v13 =	vadd.f32 v14, v13;
	v45 =	vadd.f32 v16, v15  }
0x291: {  	v47 =	vld [tilespmem:s10+$0xF5F0];
	[tilespmem:s9+$0x18088] =	vst.msk $0x1, v10  }
0x292: {  	v8 =	vadd.f32 v9, v8;
	v48 =	vadd.f32 v45, v13;
	v51 =	vld [tilespmem:s10+$0xF600]  }
0x293: {  	v49 =	vmul.f32 v38, v6;
	v50 =	vmul.f32 v39, v7;
	v54 =	vld [tilespmem:s10+$0xF610]  }
0x294: {  	v8 =	vadd.f32 v48, v8;
	v52 =	vmul.f32 v40, v4;
	v53 =	vmul.f32 v41, v5;
	v56 =	vld [tilespmem:s10+$0xF620]  }
0x295: {  	v55 =	vmul.f32 v42, v0;
	v11 =	vmul.f32 v44, v1;
	v57 =	vld [tilespmem:s10+$0xF630]  }
0x296: {  	v15 =	vmul.f32 v46, v2;
	v16 =	vmul.f32 v47, v3;
	v58 =	vld [tilespmem:s10+$0xF640];
	(xrf2) =	vadd.scan.msk.f32 $0xffff, v8  }
0x297: {  	v60 =	vld [tilespmem:s10+$0xF650];
	v9 =	vadd.f32 v50, v49;
	v59 =	vadd.f32 v53, v52  }
0x298: {  	v62 =	vld [tilespmem:s10+$0xF660];
	v8 =	vadd.f32 v11, v55;
	v61 =	vadd.f32 v16, v15  }
0x299: {  	v63 =	vld [tilespmem:s10+$0xF670]  }
0x29a: {  	v9 =	vadd.f32 v59, v9;
	v8 =	vadd.f32 v61, v8  }
0x29b: {  	v21 =	vmul.f32 v51, v6;
	v22 =	vmul.f32 v54, v7  }
0x29c: {  	v8 =	vadd.f32 v8, v9;
	v23 =	vmul.f32 v56, v4;
	v24 =	vmul.f32 v57, v5  }
0x29d: {  	v25 =	vmul.f32 v58, v0;
	v13 =	vmul.f32 v60, v1  }
0x29e: {  	v14 =	vmul.f32 v62, v2;
	v15 =	vmul.f32 v63, v3;
	(xrf2) =	vadd.scan.msk.f32 $0xffff, v8  }
0x29f: {  	v9 =	vadd.f32 v22, v21;
	v27 =	vadd.f32 v24, v23  }
0x2a0: {  	v8 =	vadd.f32 v13, v25;
	v28 =	vadd.f32 v15, v14;
	v26, _, _ =	vpop (xrf2)  }
0x2a1: {  	v16 =	vbroadcast v26, $0xF  }
0x2a2: {  	v9 =	vadd.f32 v27, v9;
	v8 =	vadd.f32 v28, v8  }
0x2a3: {  	[tilespmem:s9+$0x18089] =	vst.msk $0x1, v16  }
0x2a4: {  	v8 =	vadd.f32 v8, v9;
	v29 =	vld [tilespmem:s10+$0xF680]  }
0x2a5: {  	v30 =	vld [tilespmem:s10+$0xF690]  }
0x2a6: {  	(xrf2) =	vadd.scan.msk.f32 $0xffff, v8;
	v31 =	vld [tilespmem:s10+$0xF6A0]  }
0x2a7: {  	v32 =	vld [tilespmem:s10+$0xF6B0]  }
0x2a8: {  	v33 =	vld [tilespmem:s10+$0xF6C0];
	v34, _, _ =	vpop (xrf2)  }
0x2a9: {  	v35 =	vld [tilespmem:s10+$0xF6D0];
	v8 =	vbroadcast v34, $0xF  }
0x2aa: {  	v36 =	vld [tilespmem:s10+$0xF6E0]  }
0x2ab: {  	v16 =	vld [tilespmem:s10+$0xF6F0];
	[tilespmem:s9+$0x1808A] =	vst.msk $0x1, v8  }
0x2ac: {  	v38 =	vld [tilespmem:s10+$0xF700]  }
0x2ad: {  	v37 =	vmul.f32 v29, v6;
	v10 =	vmul.f32 v30, v7;
	v39 =	vld [tilespmem:s10+$0xF710]  }
0x2ae: {  	v11 =	vmul.f32 v31, v4;
	v9 =	vmul.f32 v32, v5;
	v40 =	vld [tilespmem:s10+$0xF720]  }
0x2af: {  	v13 =	vmul.f32 v33, v0;
	v14 =	vmul.f32 v35, v1;
	v41 =	vld [tilespmem:s10+$0xF730]  }
0x2b0: {  	v15 =	vmul.f32 v36, v2;
	v16 =	vmul.f32 v16, v3;
	v42 =	vld [tilespmem:s10+$0xF740];
	v43, _, _ =	vpop (xrf2)  }
0x2b1: {  	v44 =	vld [tilespmem:s10+$0xF750];
	v8 =	vadd.f32 v10, v37;
	v9 =	vadd.f32 v9, v11;
	v10 =	vbroadcast v43, $0xF  }
0x2b2: {  	v46 =	vld [tilespmem:s10+$0xF760];
	v13 =	vadd.f32 v14, v13;
	v45 =	vadd.f32 v16, v15  }
0x2b3: {  	v47 =	vld [tilespmem:s10+$0xF770];
	[tilespmem:s9+$0x1808B] =	vst.msk $0x1, v10  }
0x2b4: {  	v8 =	vadd.f32 v9, v8;
	v48 =	vadd.f32 v45, v13;
	v51 =	vld [tilespmem:s10+$0xF780]  }
0x2b5: {  	v49 =	vmul.f32 v38, v6;
	v50 =	vmul.f32 v39, v7;
	v54 =	vld [tilespmem:s10+$0xF790]  }
0x2b6: {  	v8 =	vadd.f32 v48, v8;
	v52 =	vmul.f32 v40, v4;
	v53 =	vmul.f32 v41, v5;
	v56 =	vld [tilespmem:s10+$0xF7A0]  }
0x2b7: {  	v55 =	vmul.f32 v42, v0;
	v11 =	vmul.f32 v44, v1;
	v57 =	vld [tilespmem:s10+$0xF7B0]  }
0x2b8: {  	v15 =	vmul.f32 v46, v2;
	v16 =	vmul.f32 v47, v3;
	v58 =	vld [tilespmem:s10+$0xF7C0];
	(xrf2) =	vadd.scan.msk.f32 $0xffff, v8  }
0x2b9: {  	v60 =	vld [tilespmem:s10+$0xF7D0];
	v9 =	vadd.f32 v50, v49;
	v59 =	vadd.f32 v53, v52  }
0x2ba: {  	v62 =	vld [tilespmem:s10+$0xF7E0];
	v8 =	vadd.f32 v11, v55;
	v61 =	vadd.f32 v16, v15  }
0x2bb: {  	v63 =	vld [tilespmem:s10+$0xF7F0]  }
0x2bc: {  	v9 =	vadd.f32 v59, v9;
	v8 =	vadd.f32 v61, v8  }
0x2bd: {  	v21 =	vmul.f32 v51, v6;
	v22 =	vmul.f32 v54, v7  }
0x2be: {  	v8 =	vadd.f32 v8, v9;
	v23 =	vmul.f32 v56, v4;
	v24 =	vmul.f32 v57, v5  }
0x2bf: {  	v25 =	vmul.f32 v58, v0;
	v13 =	vmul.f32 v60, v1  }
0x2c0: {  	v14 =	vmul.f32 v62, v2;
	v15 =	vmul.f32 v63, v3;
	(xrf2) =	vadd.scan.msk.f32 $0xffff, v8  }
0x2c1: {  	v9 =	vadd.f32 v22, v21;
	v27 =	vadd.f32 v24, v23  }
0x2c2: {  	v8 =	vadd.f32 v13, v25;
	v28 =	vadd.f32 v15, v14;
	v26, _, _ =	vpop (xrf2)  }
0x2c3: {  	v16 =	vbroadcast v26, $0xF  }
0x2c4: {  	v9 =	vadd.f32 v27, v9;
	v8 =	vadd.f32 v28, v8  }
0x2c5: {  	[tilespmem:s9+$0x1808C] =	vst.msk $0x1, v16  }
0x2c6: {  	v8 =	vadd.f32 v8, v9;
	v29 =	vld [tilespmem:s10+$0xF800]  }
0x2c7: {  	v30 =	vld [tilespmem:s10+$0xF810]  }
0x2c8: {  	(xrf2) =	vadd.scan.msk.f32 $0xffff, v8;
	v31 =	vld [tilespmem:s10+$0xF820]  }
0x2c9: {  	v32 =	vld [tilespmem:s10+$0xF830]  }
0x2ca: {  	v33 =	vld [tilespmem:s10+$0xF840];
	v34, _, _ =	vpop (xrf2)  }
0x2cb: {  	v35 =	vld [tilespmem:s10+$0xF850];
	v8 =	vbroadcast v34, $0xF  }
0x2cc: {  	v36 =	vld [tilespmem:s10+$0xF860]  }
0x2cd: {  	v16 =	vld [tilespmem:s10+$0xF870];
	[tilespmem:s9+$0x1808D] =	vst.msk $0x1, v8  }
0x2ce: {  	v38 =	vld [tilespmem:s10+$0xF880]  }
0x2cf: {  	v37 =	vmul.f32 v29, v6;
	v10 =	vmul.f32 v30, v7;
	v39 =	vld [tilespmem:s10+$0xF890]  }
0x2d0: {  	v11 =	vmul.f32 v31, v4;
	v9 =	vmul.f32 v32, v5;
	v40 =	vld [tilespmem:s10+$0xF8A0]  }
0x2d1: {  	v13 =	vmul.f32 v33, v0;
	v14 =	vmul.f32 v35, v1;
	v41 =	vld [tilespmem:s10+$0xF8B0]  }
0x2d2: {  	v15 =	vmul.f32 v36, v2;
	v16 =	vmul.f32 v16, v3;
	v42 =	vld [tilespmem:s10+$0xF8C0];
	v43, _, _ =	vpop (xrf2)  }
0x2d3: {  	v44 =	vld [tilespmem:s10+$0xF8D0];
	v8 =	vadd.f32 v10, v37;
	v9 =	vadd.f32 v9, v11;
	v10 =	vbroadcast v43, $0xF  }
0x2d4: {  	v46 =	vld [tilespmem:s10+$0xF8E0];
	v13 =	vadd.f32 v14, v13;
	v45 =	vadd.f32 v16, v15  }
0x2d5: {  	v47 =	vld [tilespmem:s10+$0xF8F0];
	[tilespmem:s9+$0x1808E] =	vst.msk $0x1, v10  }
0x2d6: {  	v8 =	vadd.f32 v9, v8;
	v48 =	vadd.f32 v45, v13;
	v51 =	vld [tilespmem:s10+$0xF900]  }
0x2d7: {  	v49 =	vmul.f32 v38, v6;
	v50 =	vmul.f32 v39, v7;
	v54 =	vld [tilespmem:s10+$0xF910]  }
0x2d8: {  	v8 =	vadd.f32 v48, v8;
	v52 =	vmul.f32 v40, v4;
	v53 =	vmul.f32 v41, v5;
	v56 =	vld [tilespmem:s10+$0xF920]  }
0x2d9: {  	v55 =	vmul.f32 v42, v0;
	v11 =	vmul.f32 v44, v1;
	v57 =	vld [tilespmem:s10+$0xF930]  }
0x2da: {  	v15 =	vmul.f32 v46, v2;
	v16 =	vmul.f32 v47, v3;
	v58 =	vld [tilespmem:s10+$0xF940];
	(xrf2) =	vadd.scan.msk.f32 $0xffff, v8  }
0x2db: {  	v60 =	vld [tilespmem:s10+$0xF950];
	v9 =	vadd.f32 v50, v49;
	v59 =	vadd.f32 v53, v52  }
0x2dc: {  	v62 =	vld [tilespmem:s10+$0xF960];
	v8 =	vadd.f32 v11, v55;
	v61 =	vadd.f32 v16, v15  }
0x2dd: {  	v63 =	vld [tilespmem:s10+$0xF970]  }
0x2de: {  	v9 =	vadd.f32 v59, v9;
	v8 =	vadd.f32 v61, v8  }
0x2df: {  	v21 =	vmul.f32 v51, v6;
	v22 =	vmul.f32 v54, v7  }
0x2e0: {  	v8 =	vadd.f32 v8, v9;
	v23 =	vmul.f32 v56, v4;
	v24 =	vmul.f32 v57, v5  }
0x2e1: {  	v25 =	vmul.f32 v58, v0;
	v13 =	vmul.f32 v60, v1  }
0x2e2: {  	v14 =	vmul.f32 v62, v2;
	v15 =	vmul.f32 v63, v3;
	(xrf2) =	vadd.scan.msk.f32 $0xffff, v8  }
0x2e3: {  	v9 =	vadd.f32 v22, v21;
	v27 =	vadd.f32 v24, v23  }
0x2e4: {  	v8 =	vadd.f32 v13, v25;
	v28 =	vadd.f32 v15, v14;
	v26, _, _ =	vpop (xrf2)  }
0x2e5: {  	v16 =	vbroadcast v26, $0xF  }
0x2e6: {  	v9 =	vadd.f32 v27, v9;
	v8 =	vadd.f32 v28, v8  }
0x2e7: {  	[tilespmem:s9+$0x1808F] =	vst.msk $0x1, v16  }
0x2e8: {  	v8 =	vadd.f32 v8, v9;
	v29 =	vld [tilespmem:s10+$0xF980]  }
0x2e9: {  	v30 =	vld [tilespmem:s10+$0xF990]  }
0x2ea: {  	(xrf2) =	vadd.scan.msk.f32 $0xffff, v8;
	v31 =	vld [tilespmem:s10+$0xF9A0]  }
0x2eb: {  	v32 =	vld [tilespmem:s10+$0xF9B0]  }
0x2ec: {  	v33 =	vld [tilespmem:s10+$0xF9C0];
	v34, _, _ =	vpop (xrf2)  }
0x2ed: {  	v35 =	vld [tilespmem:s10+$0xF9D0];
	v8 =	vbroadcast v34, $0xF  }
0x2ee: {  	v36 =	vld [tilespmem:s10+$0xF9E0]  }
0x2ef: {  	v16 =	vld [tilespmem:s10+$0xF9F0];
	[tilespmem:s9+$0x18090] =	vst.msk $0x1, v8  }
0x2f0: {  	v38 =	vld [tilespmem:s10+$0xFA00]  }
0x2f1: {  	v37 =	vmul.f32 v29, v6;
	v10 =	vmul.f32 v30, v7;
	v39 =	vld [tilespmem:s10+$0xFA10]  }
0x2f2: {  	v11 =	vmul.f32 v31, v4;
	v9 =	vmul.f32 v32, v5;
	v40 =	vld [tilespmem:s10+$0xFA20]  }
0x2f3: {  	v13 =	vmul.f32 v33, v0;
	v14 =	vmul.f32 v35, v1;
	v41 =	vld [tilespmem:s10+$0xFA30]  }
0x2f4: {  	v15 =	vmul.f32 v36, v2;
	v16 =	vmul.f32 v16, v3;
	v42 =	vld [tilespmem:s10+$0xFA40];
	v43, _, _ =	vpop (xrf2)  }
0x2f5: {  	v44 =	vld [tilespmem:s10+$0xFA50];
	v8 =	vadd.f32 v10, v37;
	v9 =	vadd.f32 v9, v11;
	v10 =	vbroadcast v43, $0xF  }
0x2f6: {  	v46 =	vld [tilespmem:s10+$0xFA60];
	v13 =	vadd.f32 v14, v13;
	v45 =	vadd.f32 v16, v15  }
0x2f7: {  	v47 =	vld [tilespmem:s10+$0xFA70];
	[tilespmem:s9+$0x18091] =	vst.msk $0x1, v10  }
0x2f8: {  	v8 =	vadd.f32 v9, v8;
	v48 =	vadd.f32 v45, v13;
	v51 =	vld [tilespmem:s10+$0xFA80]  }
0x2f9: {  	v49 =	vmul.f32 v38, v6;
	v50 =	vmul.f32 v39, v7;
	v54 =	vld [tilespmem:s10+$0xFA90]  }
0x2fa: {  	v8 =	vadd.f32 v48, v8;
	v52 =	vmul.f32 v40, v4;
	v53 =	vmul.f32 v41, v5;
	v56 =	vld [tilespmem:s10+$0xFAA0]  }
0x2fb: {  	v55 =	vmul.f32 v42, v0;
	v11 =	vmul.f32 v44, v1;
	v57 =	vld [tilespmem:s10+$0xFAB0]  }
0x2fc: {  	v15 =	vmul.f32 v46, v2;
	v16 =	vmul.f32 v47, v3;
	v58 =	vld [tilespmem:s10+$0xFAC0];
	(xrf2) =	vadd.scan.msk.f32 $0xffff, v8  }
0x2fd: {  	v60 =	vld [tilespmem:s10+$0xFAD0];
	v9 =	vadd.f32 v50, v49;
	v59 =	vadd.f32 v53, v52  }
0x2fe: {  	v62 =	vld [tilespmem:s10+$0xFAE0];
	v8 =	vadd.f32 v11, v55;
	v61 =	vadd.f32 v16, v15  }
0x2ff: {  	v63 =	vld [tilespmem:s10+$0xFAF0]  }
0x300: {  	v9 =	vadd.f32 v59, v9;
	v8 =	vadd.f32 v61, v8  }
0x301: {  	v21 =	vmul.f32 v51, v6;
	v22 =	vmul.f32 v54, v7  }
0x302: {  	v8 =	vadd.f32 v8, v9;
	v23 =	vmul.f32 v56, v4;
	v24 =	vmul.f32 v57, v5  }
0x303: {  	v25 =	vmul.f32 v58, v0;
	v13 =	vmul.f32 v60, v1  }
0x304: {  	v14 =	vmul.f32 v62, v2;
	v15 =	vmul.f32 v63, v3;
	(xrf2) =	vadd.scan.msk.f32 $0xffff, v8  }
0x305: {  	v9 =	vadd.f32 v22, v21;
	v27 =	vadd.f32 v24, v23  }
0x306: {  	v8 =	vadd.f32 v13, v25;
	v28 =	vadd.f32 v15, v14;
	v26, _, _ =	vpop (xrf2)  }
0x307: {  	v16 =	vbroadcast v26, $0xF  }
0x308: {  	v9 =	vadd.f32 v27, v9;
	v8 =	vadd.f32 v28, v8  }
0x309: {  	[tilespmem:s9+$0x18092] =	vst.msk $0x1, v16  }
0x30a: {  	v8 =	vadd.f32 v8, v9;
	v29 =	vld [tilespmem:s10+$0xFB00]  }
0x30b: {  	v30 =	vld [tilespmem:s10+$0xFB10]  }
0x30c: {  	(xrf2) =	vadd.scan.msk.f32 $0xffff, v8;
	v31 =	vld [tilespmem:s10+$0xFB20]  }
0x30d: {  	v32 =	vld [tilespmem:s10+$0xFB30]  }
0x30e: {  	v33 =	vld [tilespmem:s10+$0xFB40];
	v34, _, _ =	vpop (xrf2)  }
0x30f: {  	v35 =	vld [tilespmem:s10+$0xFB50];
	v8 =	vbroadcast v34, $0xF  }
0x310: {  	v36 =	vld [tilespmem:s10+$0xFB60]  }
0x311: {  	v16 =	vld [tilespmem:s10+$0xFB70];
	[tilespmem:s9+$0x18093] =	vst.msk $0x1, v8  }
0x312: {  	v38 =	vld [tilespmem:s10+$0xFB80]  }
0x313: {  	v37 =	vmul.f32 v29, v6;
	v10 =	vmul.f32 v30, v7;
	v39 =	vld [tilespmem:s10+$0xFB90]  }
0x314: {  	v11 =	vmul.f32 v31, v4;
	v9 =	vmul.f32 v32, v5;
	v40 =	vld [tilespmem:s10+$0xFBA0]  }
0x315: {  	v13 =	vmul.f32 v33, v0;
	v14 =	vmul.f32 v35, v1;
	v41 =	vld [tilespmem:s10+$0xFBB0]  }
0x316: {  	v15 =	vmul.f32 v36, v2;
	v16 =	vmul.f32 v16, v3;
	v42 =	vld [tilespmem:s10+$0xFBC0];
	v43, _, _ =	vpop (xrf2)  }
0x317: {  	v44 =	vld [tilespmem:s10+$0xFBD0];
	v8 =	vadd.f32 v10, v37;
	v9 =	vadd.f32 v9, v11;
	v10 =	vbroadcast v43, $0xF  }
0x318: {  	v46 =	vld [tilespmem:s10+$0xFBE0];
	v13 =	vadd.f32 v14, v13;
	v45 =	vadd.f32 v16, v15  }
0x319: {  	v47 =	vld [tilespmem:s10+$0xFBF0];
	[tilespmem:s9+$0x18094] =	vst.msk $0x1, v10  }
0x31a: {  	v8 =	vadd.f32 v9, v8;
	v48 =	vadd.f32 v45, v13;
	v51 =	vld [tilespmem:s10+$0xFC00]  }
0x31b: {  	v49 =	vmul.f32 v38, v6;
	v50 =	vmul.f32 v39, v7;
	v54 =	vld [tilespmem:s10+$0xFC10]  }
0x31c: {  	v8 =	vadd.f32 v48, v8;
	v52 =	vmul.f32 v40, v4;
	v53 =	vmul.f32 v41, v5;
	v56 =	vld [tilespmem:s10+$0xFC20]  }
0x31d: {  	v55 =	vmul.f32 v42, v0;
	v11 =	vmul.f32 v44, v1;
	v57 =	vld [tilespmem:s10+$0xFC30]  }
0x31e: {  	v15 =	vmul.f32 v46, v2;
	v16 =	vmul.f32 v47, v3;
	v58 =	vld [tilespmem:s10+$0xFC40];
	(xrf2) =	vadd.scan.msk.f32 $0xffff, v8  }
0x31f: {  	v60 =	vld [tilespmem:s10+$0xFC50];
	v9 =	vadd.f32 v50, v49;
	v59 =	vadd.f32 v53, v52  }
0x320: {  	v62 =	vld [tilespmem:s10+$0xFC60];
	v8 =	vadd.f32 v11, v55;
	v61 =	vadd.f32 v16, v15  }
0x321: {  	v63 =	vld [tilespmem:s10+$0xFC70]  }
0x322: {  	v9 =	vadd.f32 v59, v9;
	v8 =	vadd.f32 v61, v8  }
0x323: {  	v21 =	vmul.f32 v51, v6;
	v22 =	vmul.f32 v54, v7  }
0x324: {  	v8 =	vadd.f32 v8, v9;
	v23 =	vmul.f32 v56, v4;
	v24 =	vmul.f32 v57, v5  }
0x325: {  	v25 =	vmul.f32 v58, v0;
	v13 =	vmul.f32 v60, v1  }
0x326: {  	v14 =	vmul.f32 v62, v2;
	v15 =	vmul.f32 v63, v3;
	(xrf2) =	vadd.scan.msk.f32 $0xffff, v8  }
0x327: {  	v9 =	vadd.f32 v22, v21;
	v27 =	vadd.f32 v24, v23  }
0x328: {  	v8 =	vadd.f32 v13, v25;
	v28 =	vadd.f32 v15, v14;
	v26, _, _ =	vpop (xrf2)  }
0x329: {  	v16 =	vbroadcast v26, $0xF  }
0x32a: {  	v9 =	vadd.f32 v27, v9;
	v8 =	vadd.f32 v28, v8  }
0x32b: {  	[tilespmem:s9+$0x18095] =	vst.msk $0x1, v16  }
0x32c: {  	v8 =	vadd.f32 v8, v9;
	v29 =	vld [tilespmem:s10+$0xFC80]  }
0x32d: {  	v30 =	vld [tilespmem:s10+$0xFC90]  }
0x32e: {  	(xrf2) =	vadd.scan.msk.f32 $0xffff, v8;
	v31 =	vld [tilespmem:s10+$0xFCA0]  }
0x32f: {  	v32 =	vld [tilespmem:s10+$0xFCB0]  }
0x330: {  	v33 =	vld [tilespmem:s10+$0xFCC0];
	v34, _, _ =	vpop (xrf2)  }
0x331: {  	v35 =	vld [tilespmem:s10+$0xFCD0];
	v8 =	vbroadcast v34, $0xF  }
0x332: {  	v36 =	vld [tilespmem:s10+$0xFCE0]  }
0x333: {  	v16 =	vld [tilespmem:s10+$0xFCF0];
	[tilespmem:s9+$0x18096] =	vst.msk $0x1, v8  }
0x334: {  	v38 =	vld [tilespmem:s10+$0xFD00]  }
0x335: {  	v37 =	vmul.f32 v29, v6;
	v10 =	vmul.f32 v30, v7;
	v39 =	vld [tilespmem:s10+$0xFD10]  }
0x336: {  	v11 =	vmul.f32 v31, v4;
	v9 =	vmul.f32 v32, v5;
	v40 =	vld [tilespmem:s10+$0xFD20]  }
0x337: {  	v13 =	vmul.f32 v33, v0;
	v14 =	vmul.f32 v35, v1;
	v41 =	vld [tilespmem:s10+$0xFD30]  }
0x338: {  	v15 =	vmul.f32 v36, v2;
	v16 =	vmul.f32 v16, v3;
	v42 =	vld [tilespmem:s10+$0xFD40];
	v43, _, _ =	vpop (xrf2)  }
0x339: {  	v44 =	vld [tilespmem:s10+$0xFD50];
	v8 =	vadd.f32 v10, v37;
	v9 =	vadd.f32 v9, v11;
	v10 =	vbroadcast v43, $0xF  }
0x33a: {  	v46 =	vld [tilespmem:s10+$0xFD60];
	v13 =	vadd.f32 v14, v13;
	v45 =	vadd.f32 v16, v15  }
0x33b: {  	v47 =	vld [tilespmem:s10+$0xFD70];
	[tilespmem:s9+$0x18097] =	vst.msk $0x1, v10  }
0x33c: {  	v8 =	vadd.f32 v9, v8;
	v48 =	vadd.f32 v45, v13;
	v51 =	vld [tilespmem:s10+$0xFD80]  }
0x33d: {  	v49 =	vmul.f32 v38, v6;
	v50 =	vmul.f32 v39, v7;
	v54 =	vld [tilespmem:s10+$0xFD90]  }
0x33e: {  	v8 =	vadd.f32 v48, v8;
	v52 =	vmul.f32 v40, v4;
	v53 =	vmul.f32 v41, v5;
	v56 =	vld [tilespmem:s10+$0xFDA0]  }
0x33f: {  	v55 =	vmul.f32 v42, v0;
	v11 =	vmul.f32 v44, v1;
	v57 =	vld [tilespmem:s10+$0xFDB0]  }
0x340: {  	v15 =	vmul.f32 v46, v2;
	v16 =	vmul.f32 v47, v3;
	v58 =	vld [tilespmem:s10+$0xFDC0];
	(xrf2) =	vadd.scan.msk.f32 $0xffff, v8  }
0x341: {  	v60 =	vld [tilespmem:s10+$0xFDD0];
	v9 =	vadd.f32 v50, v49;
	v59 =	vadd.f32 v53, v52  }
0x342: {  	v62 =	vld [tilespmem:s10+$0xFDE0];
	v8 =	vadd.f32 v11, v55;
	v61 =	vadd.f32 v16, v15  }
0x343: {  	v63 =	vld [tilespmem:s10+$0xFDF0]  }
0x344: {  	v9 =	vadd.f32 v59, v9;
	v8 =	vadd.f32 v61, v8  }
0x345: {  	v21 =	vmul.f32 v51, v6;
	v22 =	vmul.f32 v54, v7  }
0x346: {  	v8 =	vadd.f32 v8, v9;
	v23 =	vmul.f32 v56, v4;
	v24 =	vmul.f32 v57, v5  }
0x347: {  	v25 =	vmul.f32 v58, v0;
	v13 =	vmul.f32 v60, v1  }
0x348: {  	v14 =	vmul.f32 v62, v2;
	v15 =	vmul.f32 v63, v3;
	(xrf2) =	vadd.scan.msk.f32 $0xffff, v8  }
0x349: {  	v9 =	vadd.f32 v22, v21;
	v27 =	vadd.f32 v24, v23  }
0x34a: {  	v8 =	vadd.f32 v13, v25;
	v28 =	vadd.f32 v15, v14;
	v26, _, _ =	vpop (xrf2)  }
0x34b: {  	v16 =	vbroadcast v26, $0xF  }
0x34c: {  	v9 =	vadd.f32 v27, v9;
	v8 =	vadd.f32 v28, v8  }
0x34d: {  	[tilespmem:s9+$0x18098] =	vst.msk $0x1, v16  }
0x34e: {  	v8 =	vadd.f32 v8, v9;
	v29 =	vld [tilespmem:s10+$0xFE00]  }
0x34f: {  	v30 =	vld [tilespmem:s10+$0xFE10]  }
0x350: {  	(xrf2) =	vadd.scan.msk.f32 $0xffff, v8;
	v31 =	vld [tilespmem:s10+$0xFE20]  }
0x351: {  	v32 =	vld [tilespmem:s10+$0xFE30]  }
0x352: {  	v33 =	vld [tilespmem:s10+$0xFE40];
	v34, _, _ =	vpop (xrf2)  }
0x353: {  	v35 =	vld [tilespmem:s10+$0xFE50];
	v8 =	vbroadcast v34, $0xF  }
0x354: {  	v36 =	vld [tilespmem:s10+$0xFE60]  }
0x355: {  	v16 =	vld [tilespmem:s10+$0xFE70];
	[tilespmem:s9+$0x18099] =	vst.msk $0x1, v8  }
0x356: {  	v38 =	vld [tilespmem:s10+$0xFE80]  }
0x357: {  	v37 =	vmul.f32 v29, v6;
	v10 =	vmul.f32 v30, v7;
	v39 =	vld [tilespmem:s10+$0xFE90]  }
0x358: {  	v11 =	vmul.f32 v31, v4;
	v9 =	vmul.f32 v32, v5;
	v40 =	vld [tilespmem:s10+$0xFEA0]  }
0x359: {  	v13 =	vmul.f32 v33, v0;
	v14 =	vmul.f32 v35, v1;
	v41 =	vld [tilespmem:s10+$0xFEB0]  }
0x35a: {  	v15 =	vmul.f32 v36, v2;
	v16 =	vmul.f32 v16, v3;
	v42 =	vld [tilespmem:s10+$0xFEC0];
	v43, _, _ =	vpop (xrf2)  }
0x35b: {  	v44 =	vld [tilespmem:s10+$0xFED0];
	v8 =	vadd.f32 v10, v37;
	v9 =	vadd.f32 v9, v11;
	v10 =	vbroadcast v43, $0xF  }
0x35c: {  	v46 =	vld [tilespmem:s10+$0xFEE0];
	v13 =	vadd.f32 v14, v13;
	v45 =	vadd.f32 v16, v15  }
0x35d: {  	v47 =	vld [tilespmem:s10+$0xFEF0];
	[tilespmem:s9+$0x1809A] =	vst.msk $0x1, v10  }
0x35e: {  	v8 =	vadd.f32 v9, v8;
	v48 =	vadd.f32 v45, v13;
	v51 =	vld [tilespmem:s10+$0xFF00]  }
0x35f: {  	v49 =	vmul.f32 v38, v6;
	v50 =	vmul.f32 v39, v7;
	v54 =	vld [tilespmem:s10+$0xFF10]  }
0x360: {  	v8 =	vadd.f32 v48, v8;
	v52 =	vmul.f32 v40, v4;
	v53 =	vmul.f32 v41, v5;
	v56 =	vld [tilespmem:s10+$0xFF20]  }
0x361: {  	v55 =	vmul.f32 v42, v0;
	v11 =	vmul.f32 v44, v1;
	v57 =	vld [tilespmem:s10+$0xFF30]  }
0x362: {  	v15 =	vmul.f32 v46, v2;
	v16 =	vmul.f32 v47, v3;
	v58 =	vld [tilespmem:s10+$0xFF40];
	(xrf2) =	vadd.scan.msk.f32 $0xffff, v8  }
0x363: {  	v60 =	vld [tilespmem:s10+$0xFF50];
	v9 =	vadd.f32 v50, v49;
	v59 =	vadd.f32 v53, v52  }
0x364: {  	v62 =	vld [tilespmem:s10+$0xFF60];
	v8 =	vadd.f32 v11, v55;
	v61 =	vadd.f32 v16, v15  }
0x365: {  	v63 =	vld [tilespmem:s10+$0xFF70]  }
0x366: {  	v9 =	vadd.f32 v59, v9;
	v8 =	vadd.f32 v61, v8  }
0x367: {  	v21 =	vmul.f32 v51, v6;
	v22 =	vmul.f32 v54, v7  }
0x368: {  	v8 =	vadd.f32 v8, v9;
	v23 =	vmul.f32 v56, v4;
	v24 =	vmul.f32 v57, v5  }
0x369: {  	v25 =	vmul.f32 v58, v0;
	v13 =	vmul.f32 v60, v1  }
0x36a: {  	v14 =	vmul.f32 v62, v2;
	v15 =	vmul.f32 v63, v3;
	(xrf2) =	vadd.scan.msk.f32 $0xffff, v8  }
0x36b: {  	v9 =	vadd.f32 v22, v21;
	v27 =	vadd.f32 v24, v23  }
0x36c: {  	v8 =	vadd.f32 v13, v25;
	v28 =	vadd.f32 v15, v14;
	v26, _, _ =	vpop (xrf2)  }
0x36d: {  	v16 =	vbroadcast v26, $0xF  }
0x36e: {  	v9 =	vadd.f32 v27, v9;
	v8 =	vadd.f32 v28, v8  }
0x36f: {  	[tilespmem:s9+$0x1809B] =	vst.msk $0x1, v16  }
0x370: {  	v8 =	vadd.f32 v8, v9;
	v29 =	vld [tilespmem:s10+$0xFF80]  }
0x371: {  	v30 =	vld [tilespmem:s10+$0xFF90]  }
0x372: {  	(xrf2) =	vadd.scan.msk.f32 $0xffff, v8;
	v31 =	vld [tilespmem:s10+$0xFFA0]  }
0x373: {  	v32 =	vld [tilespmem:s10+$0xFFB0]  }
0x374: {  	v33 =	vld [tilespmem:s10+$0xFFC0];
	v34, _, _ =	vpop (xrf2)  }
0x375: {  	v35 =	vld [tilespmem:s10+$0xFFD0];
	v8 =	vbroadcast v34, $0xF  }
0x376: {  	v36 =	vld [tilespmem:s10+$0xFFE0]  }
0x377: {  	v16 =	vld [tilespmem:s10+$0xFFF0];
	[tilespmem:s9+$0x1809C] =	vst.msk $0x1, v8  }
0x378: {  	v38 =	vld [tilespmem:s10+$0x10000]  }
0x379: {  	v37 =	vmul.f32 v29, v6;
	v10 =	vmul.f32 v30, v7;
	v39 =	vld [tilespmem:s10+$0x10010]  }
0x37a: {  	v11 =	vmul.f32 v31, v4;
	v9 =	vmul.f32 v32, v5;
	v40 =	vld [tilespmem:s10+$0x10020]  }
0x37b: {  	v13 =	vmul.f32 v33, v0;
	v14 =	vmul.f32 v35, v1;
	v41 =	vld [tilespmem:s10+$0x10030]  }
0x37c: {  	v15 =	vmul.f32 v36, v2;
	v16 =	vmul.f32 v16, v3;
	v42 =	vld [tilespmem:s10+$0x10040];
	v43, _, _ =	vpop (xrf2)  }
0x37d: {  	v44 =	vld [tilespmem:s10+$0x10050];
	v8 =	vadd.f32 v10, v37;
	v9 =	vadd.f32 v9, v11;
	v10 =	vbroadcast v43, $0xF  }
0x37e: {  	v46 =	vld [tilespmem:s10+$0x10060];
	v13 =	vadd.f32 v14, v13;
	v45 =	vadd.f32 v16, v15  }
0x37f: {  	v47 =	vld [tilespmem:s10+$0x10070];
	[tilespmem:s9+$0x1809D] =	vst.msk $0x1, v10  }
0x380: {  	v8 =	vadd.f32 v9, v8;
	v48 =	vadd.f32 v45, v13;
	v51 =	vld [tilespmem:s10+$0x10080]  }
0x381: {  	v49 =	vmul.f32 v38, v6;
	v50 =	vmul.f32 v39, v7;
	v54 =	vld [tilespmem:s10+$0x10090]  }
0x382: {  	v8 =	vadd.f32 v48, v8;
	v52 =	vmul.f32 v40, v4;
	v53 =	vmul.f32 v41, v5;
	v56 =	vld [tilespmem:s10+$0x100A0]  }
0x383: {  	v55 =	vmul.f32 v42, v0;
	v11 =	vmul.f32 v44, v1;
	v57 =	vld [tilespmem:s10+$0x100B0]  }
0x384: {  	v15 =	vmul.f32 v46, v2;
	v16 =	vmul.f32 v47, v3;
	v58 =	vld [tilespmem:s10+$0x100C0];
	(xrf2) =	vadd.scan.msk.f32 $0xffff, v8  }
0x385: {  	v60 =	vld [tilespmem:s10+$0x100D0];
	v9 =	vadd.f32 v50, v49;
	v59 =	vadd.f32 v53, v52  }
0x386: {  	v62 =	vld [tilespmem:s10+$0x100E0];
	v8 =	vadd.f32 v11, v55;
	v61 =	vadd.f32 v16, v15  }
0x387: {  	v63 =	vld [tilespmem:s10+$0x100F0]  }
0x388: {  	v9 =	vadd.f32 v59, v9;
	v8 =	vadd.f32 v61, v8  }
0x389: {  	v21 =	vmul.f32 v51, v6;
	v22 =	vmul.f32 v54, v7  }
0x38a: {  	v8 =	vadd.f32 v8, v9;
	v23 =	vmul.f32 v56, v4;
	v24 =	vmul.f32 v57, v5  }
0x38b: {  	v25 =	vmul.f32 v58, v0;
	v13 =	vmul.f32 v60, v1  }
0x38c: {  	v14 =	vmul.f32 v62, v2;
	v15 =	vmul.f32 v63, v3;
	(xrf2) =	vadd.scan.msk.f32 $0xffff, v8  }
0x38d: {  	v9 =	vadd.f32 v22, v21;
	v27 =	vadd.f32 v24, v23  }
0x38e: {  	v8 =	vadd.f32 v13, v25;
	v28 =	vadd.f32 v15, v14;
	v26, _, _ =	vpop (xrf2)  }
0x38f: {  	v16 =	vbroadcast v26, $0xF  }
0x390: {  	v9 =	vadd.f32 v27, v9;
	v8 =	vadd.f32 v28, v8  }
0x391: {  	[tilespmem:s9+$0x1809E] =	vst.msk $0x1, v16  }
0x392: {  	v8 =	vadd.f32 v8, v9;
	v29 =	vld [tilespmem:s10+$0x10100]  }
0x393: {  	v30 =	vld [tilespmem:s10+$0x10110]  }
0x394: {  	(xrf2) =	vadd.scan.msk.f32 $0xffff, v8;
	v31 =	vld [tilespmem:s10+$0x10120]  }
0x395: {  	v32 =	vld [tilespmem:s10+$0x10130]  }
0x396: {  	v33 =	vld [tilespmem:s10+$0x10140];
	v34, _, _ =	vpop (xrf2)  }
0x397: {  	v35 =	vld [tilespmem:s10+$0x10150];
	v8 =	vbroadcast v34, $0xF  }
0x398: {  	v36 =	vld [tilespmem:s10+$0x10160]  }
0x399: {  	v16 =	vld [tilespmem:s10+$0x10170];
	[tilespmem:s9+$0x1809F] =	vst.msk $0x1, v8  }
0x39a: {  	v8 =	vld [tilespmem:s10+$0x10180]  }
0x39b: {  	v37 =	vld [tilespmem:s10+$0x10190]  }
0x39c: {  	v38 =	vld [tilespmem:s10+$0x101A0]  }
0x39d: {  	v39 =	vld [tilespmem:s10+$0x101B0]  }
0x39e: {  	v40 =	vld [tilespmem:s10+$0x101C0];
	v21, _, _ =	vpop (xrf2)  }
0x39f: {  	v22 =	vld [tilespmem:s10+$0x101D0];
	v21 =	vbroadcast v21, $0xF  }
0x3a0: {  	v23 =	vld [tilespmem:s10+$0x101E0]  }
0x3a1: {  	v12 =	vmul.f32 v29, v6;
	v10 =	vmul.f32 v30, v7;
	v24 =	vld [tilespmem:s10+$0x101F0];
	[tilespmem:s9+$0x180A0] =	vst.msk $0x1, v21  }
0x3a2: {  	v11 =	vmul.f32 v31, v4;
	v9 =	vmul.f32 v32, v5;
	v21 =	vld [tilespmem:s10+$0x10200]  }
0x3a3: {  	v13 =	vmul.f32 v33, v0;
	v14 =	vmul.f32 v35, v1;
	v25 =	vld [tilespmem:s10+$0x10210]  }
0x3a4: {  	v15 =	vmul.f32 v36, v2;
	v16 =	vmul.f32 v16, v3;
	v26 =	vld [tilespmem:s10+$0x10220]  }
0x3a5: {  	v10 =	vadd.f32 v10, v12;
	v9 =	vadd.f32 v9, v11;
	v41 =	vld [tilespmem:s10+$0x10230]  }
0x3a6: {  	v42 =	vadd.f32 v14, v13;
	v43 =	vadd.f32 v16, v15;
	v44 =	vld [tilespmem:s10+$0x10240]  }
0x3a7: {  	v9 =	vadd.f32 v9, v10;
	v8 =	vmul.f32 v8, v6;
	v45 =	vmul.f32 v37, v7;
	v46 =	vld [tilespmem:s10+$0x10250]  }
0x3a8: {  	v12 =	vadd.f32 v43, v42;
	v47 =	vmul.f32 v38, v4;
	v48 =	vmul.f32 v39, v5;
	v49 =	vld [tilespmem:s10+$0x10260]  }
0x3a9: {  	v50 =	vmul.f32 v40, v0;
	v51 =	vmul.f32 v22, v1;
	v52 =	vld [tilespmem:s10+$0x10270]  }
0x3aa: {  	v9 =	vadd.f32 v12, v9;
	v53 =	vmul.f32 v23, v2;
	v54 =	vmul.f32 v24, v3  }
0x3ab: {  	v8 =	vadd.f32 v45, v8;
	v6 =	vmul.f32 v21, v6;
	v7 =	vmul.f32 v25, v7  }
0x3ac: {  	v55 =	vadd.f32 v48, v47;
	v4 =	vmul.f32 v26, v4;
	v5 =	vmul.f32 v41, v5  }
0x3ad: {  	v56 =	vadd.f32 v51, v50;
	v0 =	vmul.f32 v44, v0;
	v1 =	vmul.f32 v46, v1  }
0x3ae: {  	v12 =	vadd.f32 v54, v53;
	v2 =	vmul.f32 v49, v2;
	v3 =	vmul.f32 v52, v3  }
0x3af: {  	v6 =	vadd.f32 v7, v6;
	v4 =	vadd.f32 v5, v4  }
0x3b0: {  	v0 =	vadd.f32 v1, v0;
	v57 =	vadd.f32 v3, v2  }
0x3b1: {  	v58 =	vadd.f32 v55, v8;
	v59 =	vadd.f32 v12, v56  }
0x3b2: {  	v4 =	vadd.f32 v4, v6;
	v0 =	vadd.f32 v57, v0  }
0x3b3: {  	v60 =	vadd.f32 v59, v58  }
0x3b4: {  	(xrf2) =	vadd.scan.msk.f32 $0xffff, v9;
	v0 =	vadd.f32 v0, v4  }
0x3b5: {  	(xrf2) =	vadd.scan.msk.f32 $0xffff, v60  }
0x3b6: {  	(xrf2) =	vadd.scan.msk.f32 $0xffff, v0;
	_ =	sdelay $0x7  }
0x3b7: {  	p1 =	sne.s32 s7, $0x7;
	v61, _, _ =	vpop (xrf2)  }
.Ltmp3:
0x3b8: {  	v0 =	vbroadcast v61, $0xF;
	v1, _, _ =	vpop (xrf2);
	(pc) =	sbr.rel @p1 .LBB2_5-.Ltmp3, $4  }
0x3b9: {  	v1 =	vbroadcast v1, $0xF;
	v62, _, _ =	vpop (xrf2)  }
0x3ba: {  	[tilespmem:s9+$0x180A1] =	vst.msk $0x1, v0;
	v63 =	vbroadcast v62, $0xF  }
0x3bb: {  	[tilespmem:s9+$0x180A2] =	vst.msk $0x1, v1  }
0x3bc: {  	s7 =	sadd.s32 $0x1, s7;
	[tilespmem:s9+$0x180A3] =	vst.msk $0x1, v63  }
.Ltmp4:
0x3bd: {  	(pc) =	sbr.rel @p0 .LBB2_8-.Ltmp4, $1  }
0x3be: {  	_ =	sdelay $0x3  }
0x3bf: {  	s0 =	sshrl.u32 s6, $0x2  }
0x3c0: {  	s6 =	sadd.s32 $0x600, s0  }
0x3c1: {  	[tilespmem:s30], [sflag:$0x3] =	stream.indirect.gather [hbm4b:s2+s28], $0x80, s6, s28, $0xb8;
	[tilespmem:$0x19300] =	vst v63  }
.Ltmp5:
0x3c2: {  	_ = 	snop;
	(pc) =	sbr.rel .LBB2_2-.Ltmp5, $4  }
0x3c3: {  	s10 =	sadd.s32 $0x680, s0  }
0x3c4: {  	[tilespmem:s29], [sflag:$0x3] =	stream.indirect.gather [hbm4b:s2+s28], $0x80, s10, s28, $0xb8;
	[tilespmem:$0x19300] =	vst v63  }
0x3c5: {  	s5 =	sadd.s32 $0x1, s5;
	s0 =	sadd.s32 $0x700, s0  }
0x3c6: {  	[tilespmem:s25], [sflag:$0x3] =	stream.indirect.gather [hbm4b:s2+s28], $0x80, s0, s28, $0xb8;
	[tilespmem:$0x19300] =	vst v63  }
.LBB2_9:
0x3c7: {  	_ =	sfence.sel $0x180000  }
0x3c8: {  	[bflag:$0x0] =	sbarrier.arrive $0xFFFF  }
0x3c9: {  	_ =	strace $0x90000047  }
0x3ca: {  	s0 =	stileid.u32;
	[bflag:$0x2] =	sbarrier.arrive $0xFFFF  }
0x3cb: {  	p0 =	sne.s32 s0, $0x0;
	s0 =	rddreg [dreg:$0x2]  }
0x3cc: {  	s0 =	sadd.s32 @!p0 $0x100000, s0  }
0x3cd: {  	[sflag:s0] =	ssyncadd.tile.s32 @!p0 $0x1;
	_ =	shalt  }
.Lfunc_end2:
_tile_overlayer_lowered:
.L_overlay_start_2:
0x3ce: {  	(tag) =	ssettag $0x2  }
0x3cf: {  	s0 =	rddreg [dreg:$0x0];
	s2 =	stileid.u32  }
0x3d0: {  	s1 =	rddreg [dreg:$0x1];
	p0 =	sne.s32 s2, $0x0  }
0x3d1: {  	s3 =	rddreg [dreg:$0x2];
	[bflag:$0x3] =	sbarrier.arrive $0xFFFF;
	s2 =	simm.s32 @!p0 $0x1C04  }
0x3d2: {  	[timem:s3], [sflag:s2] =	dma.local @!p0 [hbm:s0], s1  }
0x3d3: {  	s0 =	simm.s32 @!p0 $0x4  }
0x3d4: {  	_ =	swait.ge @!p0 [sflag:s0], s1  }
0x3d5: {  	s1 =	ssub.s32 @!p0 $0x0, s1;
	[sflag:s0] =	ssyncset.done @!p0 $0x0  }
0x3d6: {  	[sflag:s0] =	ssyncadd.s32 @!p0 s1  }
0x3d7: {  	[bflag:$0x3] =	sbarrier.arrive $0xFFFF  }
0x3d8: {  	_ =	shalt  }

</sc_bundles>
